<compile_context>
chip_gen: v7x
topology: tpu7x:2x2x1
jax: 0.10.2.dev20260603
libtpu: 0.0.44.dev20260713+nightly
codegen_flags: <defaults>
</compile_context>

<pallas_src>
import functools

import jax
import jax.numpy as jnp
from jax import lax
from jax.experimental import pallas as pl
from jax.experimental.pallas import tpu as pltpu
from jax.experimental.pallas import tpu_sc as plsc

B = 1024
N = 64
D = 128
TOTAL = B * N
NC, NS, L = 2, 16, 16
NW = NC * NS
PER_W = TOTAL // NW
C = 128
NCH = PER_W // C
DEPTH = 2


def _compute_chunk(h_rows, r_rows, t_rows, part_v, out_v, c, lane_iota):
    def group_body(g, _):
        def row_body(rr, _):
            i = g * L + rr
            acc = (h_rows[i, pl.ds(0, L)]
                   * r_rows[i, pl.ds(0, L)]
                   * t_rows[i, pl.ds(0, L)])
            for j in range(1, D // L):
                acc = acc + (h_rows[i, pl.ds(j * L, L)]
                             * r_rows[i, pl.ds(j * L, L)]
                             * t_rows[i, pl.ds(j * L, L)])
            plsc.store_scatter(part_v, [lane_iota * L + rr], acc)
            return 0

        lax.fori_loop(0, L, row_body, 0)

        tot = part_v[pl.ds(0, L)]
        for k in range(1, L):
            tot = tot + part_v[pl.ds(k * L, L)]
        out_v[pl.ds(c * C + g * L, L)] = tot
        return 0

    lax.fori_loop(0, C // L, group_body, 0)


def _sc_body(h_hbm, r_hbm, t_hbm, e_hbm, rel_hbm, out_hbm,
             hi_all, ri_all, ti_all, bufs, part_v, out_v,
             sem_idx, sems):
    wid = lax.axis_index("s") * NC + lax.axis_index("c")
    base = wid * PER_W
    lane_iota = lax.iota(jnp.int32, L)

    cps = [pltpu.async_copy(h_hbm.at[pl.ds(base, C)], hi_all.at[pl.ds(0, C)],
                            sem_idx),
           pltpu.async_copy(r_hbm.at[pl.ds(base, C)], ri_all.at[pl.ds(0, C)],
                            sem_idx),
           pltpu.async_copy(t_hbm.at[pl.ds(base, C)], ti_all.at[pl.ds(0, C)],
                            sem_idx)]
    for cp in cps:
        cp.wait()

    def fire(c):
        sl = pl.ds(c * C, C)
        h_rows, r_rows, t_rows = bufs[c % DEPTH]
        sem = sems[c % DEPTH]
        return [
            pltpu.async_copy(e_hbm.at[hi_all.at[sl]], h_rows, sem),
            pltpu.async_copy(rel_hbm.at[ri_all.at[sl]], r_rows, sem),
            pltpu.async_copy(e_hbm.at[ti_all.at[sl]], t_rows, sem),
        ]

    pending = {0: fire(0)}
    rest = PER_W - C
    cps = [pltpu.async_copy(h_hbm.at[pl.ds(base + C, rest)],
                            hi_all.at[pl.ds(C, rest)], sem_idx),
           pltpu.async_copy(r_hbm.at[pl.ds(base + C, rest)],
                            ri_all.at[pl.ds(C, rest)], sem_idx),
           pltpu.async_copy(t_hbm.at[pl.ds(base + C, rest)],
                            ti_all.at[pl.ds(C, rest)], sem_idx)]
    for cp in cps:
        cp.wait()
    for c in range(1, DEPTH - 1):
        pending[c] = fire(c)
    for c in range(NCH):
        if c + DEPTH - 1 < NCH:
            pending[c + DEPTH - 1] = fire(c + DEPTH - 1)
        for cp in pending.pop(c):
            cp.wait()
        h_rows, r_rows, t_rows = bufs[c % DEPTH]
        _compute_chunk(h_rows, r_rows, t_rows, part_v, out_v, c, lane_iota)

    pltpu.sync_copy(out_v, out_hbm.at[pl.ds(base, PER_W)])


@functools.partial(
    pl.kernel,
    out_type=jax.ShapeDtypeStruct((TOTAL,), jnp.float32),
    mesh=plsc.VectorSubcoreMesh(core_axis_name="c", subcore_axis_name="s"),
    compiler_params=pltpu.CompilerParams(needs_layout_passes=False),
    scratch_types=[
        pltpu.VMEM((PER_W,), jnp.int32),
        pltpu.VMEM((PER_W,), jnp.int32),
        pltpu.VMEM((PER_W,), jnp.int32),
    ] + [pltpu.VMEM((C, D), jnp.float32) for _ in range(3 * DEPTH)] + [
        pltpu.VMEM((L * L,), jnp.float32),
        pltpu.VMEM((PER_W,), jnp.float32),
    ] + [pltpu.SemaphoreType.DMA for _ in range(DEPTH + 1)],
)
def _distmult_sc(h_hbm, r_hbm, t_hbm, e_hbm, rel_hbm, out_hbm,
                 hi_all, ri_all, ti_all, *rest):
    rowbufs = rest[:3 * DEPTH]
    part_v = rest[3 * DEPTH]
    out_v = rest[3 * DEPTH + 1]
    sem_idx = rest[3 * DEPTH + 2]
    sems = rest[3 * DEPTH + 3:]
    bufs = [tuple(rowbufs[3 * d:3 * d + 3]) for d in range(DEPTH)]
    _sc_body(h_hbm, r_hbm, t_hbm, e_hbm, rel_hbm, out_hbm,
             hi_all, ri_all, ti_all, bufs, part_v, out_v,
             sem_idx, list(sems))


def kernel(data, e_table, r_table):
    h_idx = data[:, :, 0].reshape(TOTAL).astype(jnp.int32)
    r_idx = data[:, :, 1].reshape(TOTAL).astype(jnp.int32)
    t_idx = data[:, :, 2].reshape(TOTAL).astype(jnp.int32)
    out = _distmult_sc(h_idx, r_idx, t_idx, e_table, r_table)
    return out.reshape(B, N)

# --- scband reference (transcript-rebuilt; emitter-appended) ---
"""Pipeline reference for scband-drug-treatment-pu-34737695490504 (READ-ONLY COPY).

The authoritative reference and input builder live on the scoring server;
editing this copy changes nothing except your own understanding.
"""

import jax, jax.numpy as jnp
import numpy as np
import math

NUM_ENTITIES = 100000
NUM_RELATIONS = 100000
EMB_DIM = 128
B = 1024
N = 64

def _xavier_uniform(key, shape):
    fan_in, fan_out = shape[0], shape[1]
    bound = math.sqrt(6.0 / (fan_in + fan_out))
    return jax.random.uniform(key, shape, dtype=jnp.float32, minval=-bound, maxval=bound)

def setup_inputs(seed: int = 0) -> dict:
    key = jax.random.key(seed)
    k_data, k_e, k_r = jax.random.split(key, 3)
    data = jax.random.randint(k_data, (B, N, 3), 0, NUM_ENTITIES, dtype=jnp.int64) if jax.config.jax_enable_x64 else jax.random.randint(k_data, (B, N, 3), 0, NUM_ENTITIES).astype(jnp.int32)
    e_table = _xavier_uniform(k_e, (NUM_ENTITIES, EMB_DIM))
    r_table = _xavier_uniform(k_r, (NUM_RELATIONS, EMB_DIM))
    return {"data": data, "e_table": e_table, "r_table": r_table}

def reference(data, e_table, r_table):
    # Faithful translation of DrugTreatmentPU._forward_kg with base_model='DistMult'
    h_emb = jnp.take(e_table, data[:, :, 0], axis=0)   # [B, N, D]
    r_emb = jnp.take(r_table, data[:, :, 1], axis=0)   # [B, N, D]
    t_emb = jnp.take(e_table, data[:, :, 2], axis=0)   # [B, N, D]
    # _DistMult: elementwise triple product, sum over embedding dim
    return (h_emb * r_emb * t_emb).sum(axis=-1)        # [B, N]

if __name__ == "__main__":
    import jax
    _d = setup_inputs()
    print(jax.jit(kernel)(*tuple(_d.values())))

</pallas_src>

<mosaic_0001>
#map = affine_map<(d0, d1) -> (0)>
#map1 = affine_map<(d0, d1) -> (0, 0)>
module attributes {stable_mosaic.version = 14 : i64} {
  func.func @_distmult_sc(%arg0: i32, %arg1: i32, %arg2: memref<65536xi32, #tpu.memory_space<hbm>>, %arg3: memref<65536xi32, #tpu.memory_space<hbm>>, %arg4: memref<65536xi32, #tpu.memory_space<hbm>>, %arg5: memref<100000x128xf32, #tpu.memory_space<hbm>>, %arg6: memref<100000x128xf32, #tpu.memory_space<hbm>>, %arg7: memref<65536xf32, #tpu.memory_space<hbm>>, %arg8: memref<2048xi32, #tpu.memory_space<vmem>>, %arg9: memref<2048xi32, #tpu.memory_space<vmem>>, %arg10: memref<2048xi32, #tpu.memory_space<vmem>>, %arg11: memref<128x128xf32, #tpu.memory_space<vmem>>, %arg12: memref<128x128xf32, #tpu.memory_space<vmem>>, %arg13: memref<128x128xf32, #tpu.memory_space<vmem>>, %arg14: memref<128x128xf32, #tpu.memory_space<vmem>>, %arg15: memref<128x128xf32, #tpu.memory_space<vmem>>, %arg16: memref<128x128xf32, #tpu.memory_space<vmem>>, %arg17: memref<256xf32, #tpu.memory_space<vmem>>, %arg18: memref<2048xf32, #tpu.memory_space<vmem>>, %arg19: memref<!tpu.dma_semaphore, #tpu.memory_space<semaphore_mem>>, %arg20: memref<!tpu.dma_semaphore, #tpu.memory_space<semaphore_mem>>, %arg21: memref<!tpu.dma_semaphore, #tpu.memory_space<semaphore_mem>>) attributes {dimension_semantics = [#tpu.dimension_semantics<core_parallel>, #tpu.dimension_semantics<subcore_parallel>], iteration_bounds = array<i64: 2, 16>, scalar_prefetch = 0 : i64, scratch_operands = 14 : i64, tpu.core_type = #tpu.core_type<sc_vector_subcore>, window_params = [{transform_indices = #map}, {transform_indices = #map}, {transform_indices = #map}, {transform_indices = #map1}, {transform_indices = #map1}, {transform_indices = #map}]} {
    %mul3A = arith.constant 2 : i32
    %mul3A_0 = arith.muli %arg1, %mul3A : i32
    %add3A = arith.addi %mul3A_0, %arg0 : i32
    %mul3A_1 = arith.constant 2048 : i32
    %mul3A_2 = arith.muli %add3A, %mul3A_1 : i32
    %iota3A = tpu.iota {dimensions = array<i32: 0>} : vector<16xi32>
    %dma_start3A = arith.constant 0 : i32
    %dma_start3A_3 = tpu.memref_slice %arg8[%dma_start3A] : memref<2048xi32, #tpu.memory_space<vmem>> -> memref<128xi32, #tpu.memory_space<vmem>>
    %dma_start3A_4 = tpu.memref_slice %arg2[%mul3A_2] : memref<65536xi32, #tpu.memory_space<hbm>> -> memref<128xi32, #tpu.memory_space<hbm>>
    %dma_start3A_5 = arith.constant 0 : i32
    %dma_start3A_6 = tpu.memref_slice %arg8[%dma_start3A_5] : memref<2048xi32, #tpu.memory_space<vmem>> -> memref<128xi32, #tpu.memory_space<vmem>>
    %dma_start3A_7 = tpu.memref_slice %arg2[%mul3A_2] : memref<65536xi32, #tpu.memory_space<hbm>> -> memref<128xi32, #tpu.memory_space<hbm>>
    tpu.enqueue_dma source(%dma_start3A_7 : memref<128xi32, #tpu.memory_space<hbm>>) target(%dma_start3A_6 : memref<128xi32, #tpu.memory_space<vmem>>) target_semaphore(%arg19 : memref<!tpu.dma_semaphore, #tpu.memory_space<semaphore_mem>>)
    %dma_start3A_8 = arith.constant 0 : i32
    %dma_start3A_9 = tpu.memref_slice %arg9[%dma_start3A_8] : memref<2048xi32, #tpu.memory_space<vmem>> -> memref<128xi32, #tpu.memory_space<vmem>>
    %dma_start3A_10 = tpu.memref_slice %arg3[%mul3A_2] : memref<65536xi32, #tpu.memory_space<hbm>> -> memref<128xi32, #tpu.memory_space<hbm>>
    %dma_start3A_11 = arith.constant 0 : i32
    %dma_start3A_12 = tpu.memref_slice %arg9[%dma_start3A_11] : memref<2048xi32, #tpu.memory_space<vmem>> -> memref<128xi32, #tpu.memory_space<vmem>>
    %dma_start3A_13 = tpu.memref_slice %arg3[%mul3A_2] : memref<65536xi32, #tpu.memory_space<hbm>> -> memref<128xi32, #tpu.memory_space<hbm>>
    tpu.enqueue_dma source(%dma_start3A_13 : memref<128xi32, #tpu.memory_space<hbm>>) target(%dma_start3A_12 : memref<128xi32, #tpu.memory_space<vmem>>) target_semaphore(%arg19 : memref<!tpu.dma_semaphore, #tpu.memory_space<semaphore_mem>>)
    %dma_start3A_14 = arith.constant 0 : i32
    %dma_start3A_15 = tpu.memref_slice %arg10[%dma_start3A_14] : memref<2048xi32, #tpu.memory_space<vmem>> -> memref<128xi32, #tpu.memory_space<vmem>>
    %dma_start3A_16 = tpu.memref_slice %arg4[%mul3A_2] : memref<65536xi32, #tpu.memory_space<hbm>> -> memref<128xi32, #tpu.memory_space<hbm>>
    %dma_start3A_17 = arith.constant 0 : i32
    %dma_start3A_18 = tpu.memref_slice %arg10[%dma_start3A_17] : memref<2048xi32, #tpu.memory_space<vmem>> -> memref<128xi32, #tpu.memory_space<vmem>>
    %dma_start3A_19 = tpu.memref_slice %arg4[%mul3A_2] : memref<65536xi32, #tpu.memory_space<hbm>> -> memref<128xi32, #tpu.memory_space<hbm>>
    tpu.enqueue_dma source(%dma_start3A_19 : memref<128xi32, #tpu.memory_space<hbm>>) target(%dma_start3A_18 : memref<128xi32, #tpu.memory_space<vmem>>) target_semaphore(%arg19 : memref<!tpu.dma_semaphore, #tpu.memory_space<semaphore_mem>>)
    %dma_wait3A = arith.constant 0 : i32
    %dma_wait3A_20 = tpu.memref_slice %arg8[%dma_wait3A] : memref<2048xi32, #tpu.memory_space<vmem>> -> memref<128xi32, #tpu.memory_space<vmem>>
    %dma_wait3A_21 = tpu.memref_slice %arg2[%mul3A_2] : memref<65536xi32, #tpu.memory_space<hbm>> -> memref<128xi32, #tpu.memory_space<hbm>>
    %dma_wait3A_22 = arith.constant 0 : i32
    %dma_wait3A_23 = tpu.memref_slice %arg8[%dma_wait3A_22] : memref<2048xi32, #tpu.memory_space<vmem>> -> memref<128xi32, #tpu.memory_space<vmem>>
    %dma_wait3A_24 = tpu.memref_slice %arg2[%mul3A_2] : memref<65536xi32, #tpu.memory_space<hbm>> -> memref<128xi32, #tpu.memory_space<hbm>>
    tpu.wait_dma2 semaphore(%arg19 : memref<!tpu.dma_semaphore, #tpu.memory_space<semaphore_mem>>) src(%dma_wait3A_24 : memref<128xi32, #tpu.memory_space<hbm>>) dst(%dma_wait3A_23 : memref<128xi32, #tpu.memory_space<vmem>>)
    %dma_wait3A_25 = arith.constant 0 : i32
    %dma_wait3A_26 = tpu.memref_slice %arg9[%dma_wait3A_25] : memref<2048xi32, #tpu.memory_space<vmem>> -> memref<128xi32, #tpu.memory_space<vmem>>
    %dma_wait3A_27 = tpu.memref_slice %arg3[%mul3A_2] : memref<65536xi32, #tpu.memory_space<hbm>> -> memref<128xi32, #tpu.memory_space<hbm>>
    %dma_wait3A_28 = arith.constant 0 : i32
    %dma_wait3A_29 = tpu.memref_slice %arg9[%dma_wait3A_28] : memref<2048xi32, #tpu.memory_space<vmem>> -> memref<128xi32, #tpu.memory_space<vmem>>
    %dma_wait3A_30 = tpu.memref_slice %arg3[%mul3A_2] : memref<65536xi32, #tpu.memory_space<hbm>> -> memref<128xi32, #tpu.memory_space<hbm>>
    tpu.wait_dma2 semaphore(%arg19 : memref<!tpu.dma_semaphore, #tpu.memory_space<semaphore_mem>>) src(%dma_wait3A_30 : memref<128xi32, #tpu.memory_space<hbm>>) dst(%dma_wait3A_29 : memref<128xi32, #tpu.memory_space<vmem>>)
    %dma_wait3A_31 = arith.constant 0 : i32
    %dma_wait3A_32 = tpu.memref_slice %arg10[%dma_wait3A_31] : memref<2048xi32, #tpu.memory_space<vmem>> -> memref<128xi32, #tpu.memory_space<vmem>>
    %dma_wait3A_33 = tpu.memref_slice %arg4[%mul3A_2] : memref<65536xi32, #tpu.memory_space<hbm>> -> memref<128xi32, #tpu.memory_space<hbm>>
    %dma_wait3A_34 = arith.constant 0 : i32
    %dma_wait3A_35 = tpu.memref_slice %arg10[%dma_wait3A_34] : memref<2048xi32, #tpu.memory_space<vmem>> -> memref<128xi32, #tpu.memory_space<vmem>>
    %dma_wait3A_36 = tpu.memref_slice %arg4[%mul3A_2] : memref<65536xi32, #tpu.memory_space<hbm>> -> memref<128xi32, #tpu.memory_space<hbm>>
    tpu.wait_dma2 semaphore(%arg19 : memref<!tpu.dma_semaphore, #tpu.memory_space<semaphore_mem>>) src(%dma_wait3A_36 : memref<128xi32, #tpu.memory_space<hbm>>) dst(%dma_wait3A_35 : memref<128xi32, #tpu.memory_space<vmem>>)
    %dma_start3A_37 = arith.constant 0 : i32
    %dma_start3A_38 = tpu.memref_slice %arg8[%dma_start3A_37] : memref<2048xi32, #tpu.memory_space<vmem>> -> memref<128xi32, #tpu.memory_space<vmem>>
    %dma_start3A_39 = arith.constant 0 : i32
    %dma_start3A_40 = arith.constant 0 : i32
    %dma_start3A_41 = tpu.memref_slice %arg5[%dma_start3A_39, %dma_start3A_40] : memref<100000x128xf32, #tpu.memory_space<hbm>> -> memref<100000x128xf32, #tpu.memory_space<hbm>>
    tpu.enqueue_indirect_dma source(%dma_start3A_41 : memref<100000x128xf32, #tpu.memory_space<hbm>>) target(%arg11 : memref<128x128xf32, #tpu.memory_space<vmem>>) offsets(%dma_start3A_38 : memref<128xi32, #tpu.memory_space<vmem>>) semaphore(%arg20 : memref<!tpu.dma_semaphore, #tpu.memory_space<semaphore_mem>>)
    %dma_start3A_42 = arith.constant 0 : i32
    %dma_start3A_43 = tpu.memref_slice %arg9[%dma_start3A_42] : memref<2048xi32, #tpu.memory_space<vmem>> -> memref<128xi32, #tpu.memory_space<vmem>>
    %dma_start3A_44 = arith.constant 0 : i32
    %dma_start3A_45 = arith.constant 0 : i32
    %dma_start3A_46 = tpu.memref_slice %arg6[%dma_start3A_44, %dma_start3A_45] : memref<100000x128xf32, #tpu.memory_space<hbm>> -> memref<100000x128xf32, #tpu.memory_space<hbm>>
    tpu.enqueue_indirect_dma source(%dma_start3A_46 : memref<100000x128xf32, #tpu.memory_space<hbm>>) target(%arg12 : memref<128x128xf32, #tpu.memory_space<vmem>>) offsets(%dma_start3A_43 : memref<128xi32, #tpu.memory_space<vmem>>) semaphore(%arg20 : memref<!tpu.dma_semaphore, #tpu.memory_space<semaphore_mem>>)
    %dma_start3A_47 = arith.constant 0 : i32
    %dma_start3A_48 = tpu.memref_slice %arg10[%dma_start3A_47] : memref<2048xi32, #tpu.memory_space<vmem>> -> memref<128xi32, #tpu.memory_space<vmem>>
    %dma_start3A_49 = arith.constant 0 : i32
    %dma_start3A_50 = arith.constant 0 : i32
    %dma_start3A_51 = tpu.memref_slice %arg5[%dma_start3A_49, %dma_start3A_50] : memref<100000x128xf32, #tpu.memory_space<hbm>> -> memref<100000x128xf32, #tpu.memory_space<hbm>>
    tpu.enqueue_indirect_dma source(%dma_start3A_51 : memref<100000x128xf32, #tpu.memory_space<hbm>>) target(%arg13 : memref<128x128xf32, #tpu.memory_space<vmem>>) offsets(%dma_start3A_48 : memref<128xi32, #tpu.memory_space<vmem>>) semaphore(%arg20 : memref<!tpu.dma_semaphore, #tpu.memory_space<semaphore_mem>>)
    %add3A_52 = arith.constant 128 : i32
    %add3A_53 = arith.addi %mul3A_2, %add3A_52 : i32
    %dma_start3A_54 = arith.constant 128 : i32
    %dma_start3A_55 = tpu.memref_slice %arg8[%dma_start3A_54] : memref<2048xi32, #tpu.memory_space<vmem>> -> memref<1920xi32, #tpu.memory_space<vmem>>
    %dma_start3A_56 = tpu.memref_slice %arg2[%add3A_53] : memref<65536xi32, #tpu.memory_space<hbm>> -> memref<1920xi32, #tpu.memory_space<hbm>>
    %dma_start3A_57 = arith.constant 128 : i32
    %dma_start3A_58 = tpu.memref_slice %arg8[%dma_start3A_57] : memref<2048xi32, #tpu.memory_space<vmem>> -> memref<1920xi32, #tpu.memory_space<vmem>>
    %dma_start3A_59 = tpu.memref_slice %arg2[%add3A_53] : memref<65536xi32, #tpu.memory_space<hbm>> -> memref<1920xi32, #tpu.memory_space<hbm>>
    tpu.enqueue_dma source(%dma_start3A_59 : memref<1920xi32, #tpu.memory_space<hbm>>) target(%dma_start3A_58 : memref<1920xi32, #tpu.memory_space<vmem>>) target_semaphore(%arg19 : memref<!tpu.dma_semaphore, #tpu.memory_space<semaphore_mem>>)
    %add3A_60 = arith.constant 128 : i32
    %add3A_61 = arith.addi %mul3A_2, %add3A_60 : i32
    %dma_start3A_62 = arith.constant 128 : i32
    %dma_start3A_63 = tpu.memref_slice %arg9[%dma_start3A_62] : memref<2048xi32, #tpu.memory_space<vmem>> -> memref<1920xi32, #tpu.memory_space<vmem>>
    %dma_start3A_64 = tpu.memref_slice %arg3[%add3A_61] : memref<65536xi32, #tpu.memory_space<hbm>> -> memref<1920xi32, #tpu.memory_space<hbm>>
    %dma_start3A_65 = arith.constant 128 : i32
    %dma_start3A_66 = tpu.memref_slice %arg9[%dma_start3A_65] : memref<2048xi32, #tpu.memory_space<vmem>> -> memref<1920xi32, #tpu.memory_space<vmem>>
    %dma_start3A_67 = tpu.memref_slice %arg3[%add3A_61] : memref<65536xi32, #tpu.memory_space<hbm>> -> memref<1920xi32, #tpu.memory_space<hbm>>
    tpu.enqueue_dma source(%dma_start3A_67 : memref<1920xi32, #tpu.memory_space<hbm>>) target(%dma_start3A_66 : memref<1920xi32, #tpu.memory_space<vmem>>) target_semaphore(%arg19 : memref<!tpu.dma_semaphore, #tpu.memory_space<semaphore_mem>>)
    %add3A_68 = arith.constant 128 : i32
    %add3A_69 = arith.addi %mul3A_2, %add3A_68 : i32
    %dma_start3A_70 = arith.constant 128 : i32
    %dma_start3A_71 = tpu.memref_slice %arg10[%dma_start3A_70] : memref<2048xi32, #tpu.memory_space<vmem>> -> memref<1920xi32, #tpu.memory_space<vmem>>
    %dma_start3A_72 = tpu.memref_slice %arg4[%add3A_69] : memref<65536xi32, #tpu.memory_space<hbm>> -> memref<1920xi32, #tpu.memory_space<hbm>>
    %dma_start3A_73 = arith.constant 128 : i32
    %dma_start3A_74 = tpu.memref_slice %arg10[%dma_start3A_73] : memref<2048xi32, #tpu.memory_space<vmem>> -> memref<1920xi32, #tpu.memory_space<vmem>>
    %dma_start3A_75 = tpu.memref_slice %arg4[%add3A_69] : memref<65536xi32, #tpu.memory_space<hbm>> -> memref<1920xi32, #tpu.memory_space<hbm>>
    tpu.enqueue_dma source(%dma_start3A_75 : memref<1920xi32, #tpu.memory_space<hbm>>) target(%dma_start3A_74 : memref<1920xi32, #tpu.memory_space<vmem>>) target_semaphore(%arg19 : memref<!tpu.dma_semaphore, #tpu.memory_space<semaphore_mem>>)
    %dma_wait3A_76 = arith.constant 128 : i32
    %dma_wait3A_77 = tpu.memref_slice %arg8[%dma_wait3A_76] : memref<2048xi32, #tpu.memory_space<vmem>> -> memref<1920xi32, #tpu.memory_space<vmem>>
    %dma_wait3A_78 = tpu.memref_slice %arg2[%add3A_53] : memref<65536xi32, #tpu.memory_space<hbm>> -> memref<1920xi32, #tpu.memory_space<hbm>>
    %dma_wait3A_79 = arith.constant 128 : i32
    %dma_wait3A_80 = tpu.memref_slice %arg8[%dma_wait3A_79] : memref<2048xi32, #tpu.memory_space<vmem>> -> memref<1920xi32, #tpu.memory_space<vmem>>
    %dma_wait3A_81 = tpu.memref_slice %arg2[%add3A_53] : memref<65536xi32, #tpu.memory_space<hbm>> -> memref<1920xi32, #tpu.memory_space<hbm>>
    tpu.wait_dma2 semaphore(%arg19 : memref<!tpu.dma_semaphore, #tpu.memory_space<semaphore_mem>>) src(%dma_wait3A_81 : memref<1920xi32, #tpu.memory_space<hbm>>) dst(%dma_wait3A_80 : memref<1920xi32, #tpu.memory_space<vmem>>)
    %dma_wait3A_82 = arith.constant 128 : i32
    %dma_wait3A_83 = tpu.memref_slice %arg9[%dma_wait3A_82] : memref<2048xi32, #tpu.memory_space<vmem>> -> memref<1920xi32, #tpu.memory_space<vmem>>
    %dma_wait3A_84 = tpu.memref_slice %arg3[%add3A_61] : memref<65536xi32, #tpu.memory_space<hbm>> -> memref<1920xi32, #tpu.memory_space<hbm>>
    %dma_wait3A_85 = arith.constant 128 : i32
    %dma_wait3A_86 = tpu.memref_slice %arg9[%dma_wait3A_85] : memref<2048xi32, #tpu.memory_space<vmem>> -> memref<1920xi32, #tpu.memory_space<vmem>>
    %dma_wait3A_87 = tpu.memref_slice %arg3[%add3A_61] : memref<65536xi32, #tpu.memory_space<hbm>> -> memref<1920xi32, #tpu.memory_space<hbm>>
    tpu.wait_dma2 semaphore(%arg19 : memref<!tpu.dma_semaphore, #tpu.memory_space<semaphore_mem>>) src(%dma_wait3A_87 : memref<1920xi32, #tpu.memory_space<hbm>>) dst(%dma_wait3A_86 : memref<1920xi32, #tpu.memory_space<vmem>>)
    %dma_wait3A_88 = arith.constant 128 : i32
    %dma_wait3A_89 = tpu.memref_slice %arg10[%dma_wait3A_88] : memref<2048xi32, #tpu.memory_space<vmem>> -> memref<1920xi32, #tpu.memory_space<vmem>>
    %dma_wait3A_90 = tpu.memref_slice %arg4[%add3A_69] : memref<65536xi32, #tpu.memory_space<hbm>> -> memref<1920xi32, #tpu.memory_space<hbm>>
    %dma_wait3A_91 = arith.constant 128 : i32
    %dma_wait3A_92 = tpu.memref_slice %arg10[%dma_wait3A_91] : memref<2048xi32, #tpu.memory_space<vmem>> -> memref<1920xi32, #tpu.memory_space<vmem>>
    %dma_wait3A_93 = tpu.memref_slice %arg4[%add3A_69] : memref<65536xi32, #tpu.memory_space<hbm>> -> memref<1920xi32, #tpu.memory_space<hbm>>
    tpu.wait_dma2 semaphore(%arg19 : memref<!tpu.dma_semaphore, #tpu.memory_space<semaphore_mem>>) src(%dma_wait3A_93 : memref<1920xi32, #tpu.memory_space<hbm>>) dst(%dma_wait3A_92 : memref<1920xi32, #tpu.memory_space<vmem>>)
    %dma_start3A_94 = arith.constant 128 : i32
    %dma_start3A_95 = tpu.memref_slice %arg8[%dma_start3A_94] : memref<2048xi32, #tpu.memory_space<vmem>> -> memref<128xi32, #tpu.memory_space<vmem>>
    %dma_start3A_96 = arith.constant 0 : i32
    %dma_start3A_97 = arith.constant 0 : i32
    %dma_start3A_98 = tpu.memref_slice %arg5[%dma_start3A_96, %dma_start3A_97] : memref<100000x128xf32, #tpu.memory_space<hbm>> -> memref<100000x128xf32, #tpu.memory_space<hbm>>
    tpu.enqueue_indirect_dma source(%dma_start3A_98 : memref<100000x128xf32, #tpu.memory_space<hbm>>) target(%arg14 : memref<128x128xf32, #tpu.memory_space<vmem>>) offsets(%dma_start3A_95 : memref<128xi32, #tpu.memory_space<vmem>>) semaphore(%arg21 : memref<!tpu.dma_semaphore, #tpu.memory_space<semaphore_mem>>)
    %dma_start3A_99 = arith.constant 128 : i32
    %dma_start3A_100 = tpu.memref_slice %arg9[%dma_start3A_99] : memref<2048xi32, #tpu.memory_space<vmem>> -> memref<128xi32, #tpu.memory_space<vmem>>
    %dma_start3A_101 = arith.constant 0 : i32
    %dma_start3A_102 = arith.constant 0 : i32
    %dma_start3A_103 = tpu.memref_slice %arg6[%dma_start3A_101, %dma_start3A_102] : memref<100000x128xf32, #tpu.memory_space<hbm>> -> memref<100000x128xf32, #tpu.memory_space<hbm>>
    tpu.enqueue_indirect_dma source(%dma_start3A_103 : memref<100000x128xf32, #tpu.memory_space<hbm>>) target(%arg15 : memref<128x128xf32, #tpu.memory_space<vmem>>) offsets(%dma_start3A_100 : memref<128xi32, #tpu.memory_space<vmem>>) semaphore(%arg21 : memref<!tpu.dma_semaphore, #tpu.memory_space<semaphore_mem>>)
    %dma_start3A_104 = arith.constant 128 : i32
    %dma_start3A_105 = tpu.memref_slice %arg10[%dma_start3A_104] : memref<2048xi32, #tpu.memory_space<vmem>> -> memref<128xi32, #tpu.memory_space<vmem>>
    %dma_start3A_106 = arith.constant 0 : i32
    %dma_start3A_107 = arith.constant 0 : i32
    %dma_start3A_108 = tpu.memref_slice %arg5[%dma_start3A_106, %dma_start3A_107] : memref<100000x128xf32, #tpu.memory_space<hbm>> -> memref<100000x128xf32, #tpu.memory_space<hbm>>
    tpu.enqueue_indirect_dma source(%dma_start3A_108 : memref<100000x128xf32, #tpu.memory_space<hbm>>) target(%arg16 : memref<128x128xf32, #tpu.memory_space<vmem>>) offsets(%dma_start3A_105 : memref<128xi32, #tpu.memory_space<vmem>>) semaphore(%arg21 : memref<!tpu.dma_semaphore, #tpu.memory_space<semaphore_mem>>)
    %dma_wait3A_109 = arith.constant 0 : i32
    %dma_wait3A_110 = tpu.memref_slice %arg8[%dma_wait3A_109] : memref<2048xi32, #tpu.memory_space<vmem>> -> memref<128xi32, #tpu.memory_space<vmem>>
    %dma_wait3A_111 = arith.constant 0 : i32
    %dma_wait3A_112 = arith.constant 0 : i32
    %dma_wait3A_113 = tpu.memref_slice %arg5[%dma_wait3A_111, %dma_wait3A_112] : memref<100000x128xf32, #tpu.memory_space<hbm>> -> memref<100000x128xf32, #tpu.memory_space<hbm>>
    tpu.wait_indirect_dma semaphore(%arg20 : memref<!tpu.dma_semaphore, #tpu.memory_space<semaphore_mem>>) src(%dma_wait3A_113 : memref<100000x128xf32, #tpu.memory_space<hbm>>) dst(%arg11 : memref<128x128xf32, #tpu.memory_space<vmem>>)
    %dma_wait3A_114 = arith.constant 0 : i32
    %dma_wait3A_115 = tpu.memref_slice %arg9[%dma_wait3A_114] : memref<2048xi32, #tpu.memory_space<vmem>> -> memref<128xi32, #tpu.memory_space<vmem>>
    %dma_wait3A_116 = arith.constant 0 : i32
    %dma_wait3A_117 = arith.constant 0 : i32
    %dma_wait3A_118 = tpu.memref_slice %arg6[%dma_wait3A_116, %dma_wait3A_117] : memref<100000x128xf32, #tpu.memory_space<hbm>> -> memref<100000x128xf32, #tpu.memory_space<hbm>>
    tpu.wait_indirect_dma semaphore(%arg20 : memref<!tpu.dma_semaphore, #tpu.memory_space<semaphore_mem>>) src(%dma_wait3A_118 : memref<100000x128xf32, #tpu.memory_space<hbm>>) dst(%arg12 : memref<128x128xf32, #tpu.memory_space<vmem>>)
    %dma_wait3A_119 = arith.constant 0 : i32
    %dma_wait3A_120 = tpu.memref_slice %arg10[%dma_wait3A_119] : memref<2048xi32, #tpu.memory_space<vmem>> -> memref<128xi32, #tpu.memory_space<vmem>>
    %dma_wait3A_121 = arith.constant 0 : i32
    %dma_wait3A_122 = arith.constant 0 : i32
    %dma_wait3A_123 = tpu.memref_slice %arg5[%dma_wait3A_121, %dma_wait3A_122] : memref<100000x128xf32, #tpu.memory_space<hbm>> -> memref<100000x128xf32, #tpu.memory_space<hbm>>
    tpu.wait_indirect_dma semaphore(%arg20 : memref<!tpu.dma_semaphore, #tpu.memory_space<semaphore_mem>>) src(%dma_wait3A_123 : memref<100000x128xf32, #tpu.memory_space<hbm>>) dst(%arg13 : memref<128x128xf32, #tpu.memory_space<vmem>>)
    %scan3A = arith.constant 0 : i32
    %scan3A_124 = arith.constant 0 : i32
    %scan3A_125 = arith.constant 8 : i32
    %scan3A_126 = arith.addi %scan3A_124, %scan3A_125 : i32
    %scan3A_127 = arith.constant 1 : i32
    %scan3A_128 = scf.for %scan3A_670 = %scan3A_124 to %scan3A_126 step %scan3A_127 iter_args(%scan3A_671 = %scan3A) -> (i32)  : i32 {
      %scan3A_672 = arith.constant 0 : i32
      %scan3A_673 = arith.constant 0 : i32
      %scan3A_674 = arith.constant 16 : i32
      %scan3A_675 = arith.addi %scan3A_673, %scan3A_674 : i32
      %scan3A_676 = arith.constant 1 : i32
      %scan3A_677 = scf.for %scan3A_731 = %scan3A_673 to %scan3A_675 step %scan3A_676 iter_args(%scan3A_732 = %scan3A_672) -> (i32)  : i32 {
        %mul3A_733 = arith.constant 16 : i32
        %mul3A_734 = arith.muli %scan3A_670, %mul3A_733 : i32
        %add3A_735 = arith.addi %mul3A_734, %scan3A_731 : i32
        %get3A_736 = arith.index_cast %add3A_735 : i32 to index
        %get3A_737 = arith.constant 0 : index
        %get3A_738 = tpu.vector_load %arg11[%get3A_736, %get3A_737] {strides = array<i32>} : memref<128x128xf32, #tpu.memory_space<vmem>>, vector<16xf32>,
        %get3A_739 = arith.index_cast %add3A_735 : i32 to index
        %get3A_740 = arith.constant 0 : index
        %get3A_741 = tpu.vector_load %arg12[%get3A_739, %get3A_740] {strides = array<i32>} : memref<128x128xf32, #tpu.memory_space<vmem>>, vector<16xf32>,
        %mul3A_742 = arith.mulf %get3A_738, %get3A_741 : vector<16xf32>
        %get3A_743 = arith.index_cast %add3A_735 : i32 to index
        %get3A_744 = arith.constant 0 : index
        %get3A_745 = tpu.vector_load %arg13[%get3A_743, %get3A_744] {strides = array<i32>} : memref<128x128xf32, #tpu.memory_space<vmem>>, vector<16xf32>,
        %mul3A_746 = arith.mulf %mul3A_742, %get3A_745 : vector<16xf32>
        %get3A_747 = arith.index_cast %add3A_735 : i32 to index
        %get3A_748 = arith.constant 16 : index
        %get3A_749 = tpu.vector_load %arg11[%get3A_747, %get3A_748] {strides = array<i32>} : memref<128x128xf32, #tpu.memory_space<vmem>>, vector<16xf32>,
        %get3A_750 = arith.index_cast %add3A_735 : i32 to index
        %get3A_751 = arith.constant 16 : index
        %get3A_752 = tpu.vector_load %arg12[%get3A_750, %get3A_751] {strides = array<i32>} : memref<128x128xf32, #tpu.memory_space<vmem>>, vector<16xf32>,
        %mul3A_753 = arith.mulf %get3A_749, %get3A_752 : vector<16xf32>
        %get3A_754 = arith.index_cast %add3A_735 : i32 to index
        %get3A_755 = arith.constant 16 : index
        %get3A_756 = tpu.vector_load %arg13[%get3A_754, %get3A_755] {strides = array<i32>} : memref<128x128xf32, #tpu.memory_space<vmem>>, vector<16xf32>,
        %mul3A_757 = arith.mulf %mul3A_753, %get3A_756 : vector<16xf32>
        %add3A_758 = arith.addf %mul3A_746, %mul3A_757 : vector<16xf32>
        %get3A_759 = arith.index_cast %add3A_735 : i32 to index
        %get3A_760 = arith.constant 32 : index
        %get3A_761 = tpu.vector_load %arg11[%get3A_759, %get3A_760] {strides = array<i32>} : memref<128x128xf32, #tpu.memory_space<vmem>>, vector<16xf32>,
        %get3A_762 = arith.index_cast %add3A_735 : i32 to index
        %get3A_763 = arith.constant 32 : index
        %get3A_764 = tpu.vector_load %arg12[%get3A_762, %get3A_763] {strides = array<i32>} : memref<128x128xf32, #tpu.memory_space<vmem>>, vector<16xf32>,
        %mul3A_765 = arith.mulf %get3A_761, %get3A_764 : vector<16xf32>
        %get3A_766 = arith.index_cast %add3A_735 : i32 to index
        %get3A_767 = arith.constant 32 : index
        %get3A_768 = tpu.vector_load %arg13[%get3A_766, %get3A_767] {strides = array<i32>} : memref<128x128xf32, #tpu.memory_space<vmem>>, vector<16xf32>,
        %mul3A_769 = arith.mulf %mul3A_765, %get3A_768 : vector<16xf32>
        %add3A_770 = arith.addf %add3A_758, %mul3A_769 : vector<16xf32>
        %get3A_771 = arith.index_cast %add3A_735 : i32 to index
        %get3A_772 = arith.constant 48 : index
        %get3A_773 = tpu.vector_load %arg11[%get3A_771, %get3A_772] {strides = array<i32>} : memref<128x128xf32, #tpu.memory_space<vmem>>, vector<16xf32>,
        %get3A_774 = arith.index_cast %add3A_735 : i32 to index
        %get3A_775 = arith.constant 48 : index
        %get3A_776 = tpu.vector_load %arg12[%get3A_774, %get3A_775] {strides = array<i32>} : memref<128x128xf32, #tpu.memory_space<vmem>>, vector<16xf32>,
        %mul3A_777 = arith.mulf %get3A_773, %get3A_776 : vector<16xf32>
        %get3A_778 = arith.index_cast %add3A_735 : i32 to index
        %get3A_779 = arith.constant 48 : index
        %get3A_780 = tpu.vector_load %arg13[%get3A_778, %get3A_779] {strides = array<i32>} : memref<128x128xf32, #tpu.memory_space<vmem>>, vector<16xf32>,
        %mul3A_781 = arith.mulf %mul3A_777, %get3A_780 : vector<16xf32>
        %add3A_782 = arith.addf %add3A_770, %mul3A_781 : vector<16xf32>
        %get3A_783 = arith.index_cast %add3A_735 : i32 to index
        %get3A_784 = arith.constant 64 : index
        %get3A_785 = tpu.vector_load %arg11[%get3A_783, %get3A_784] {strides = array<i32>} : memref<128x128xf32, #tpu.memory_space<vmem>>, vector<16xf32>,
        %get3A_786 = arith.index_cast %add3A_735 : i32 to index
        %get3A_787 = arith.constant 64 : index
        %get3A_788 = tpu.vector_load %arg12[%get3A_786, %get3A_787] {strides = array<i32>} : memref<128x128xf32, #tpu.memory_space<vmem>>, vector<16xf32>,
        %mul3A_789 = arith.mulf %get3A_785, %get3A_788 : vector<16xf32>
        %get3A_790 = arith.index_cast %add3A_735 : i32 to index
        %get3A_791 = arith.constant 64 : index
        %get3A_792 = tpu.vector_load %arg13[%get3A_790, %get3A_791] {strides = array<i32>} : memref<128x128xf32, #tpu.memory_space<vmem>>, vector<16xf32>,
        %mul3A_793 = arith.mulf %mul3A_789, %get3A_792 : vector<16xf32>
        %add3A_794 = arith.addf %add3A_782, %mul3A_793 : vector<16xf32>
        %get3A_795 = arith.index_cast %add3A_735 : i32 to index
        %get3A_796 = arith.constant 80 : index
        %get3A_797 = tpu.vector_load %arg11[%get3A_795, %get3A_796] {strides = array<i32>} : memref<128x128xf32, #tpu.memory_space<vmem>>, vector<16xf32>,
        %get3A_798 = arith.index_cast %add3A_735 : i32 to index
        %get3A_799 = arith.constant 80 : index
        %get3A_800 = tpu.vector_load %arg12[%get3A_798, %get3A_799] {strides = array<i32>} : memref<128x128xf32, #tpu.memory_space<vmem>>, vector<16xf32>,
        %mul3A_801 = arith.mulf %get3A_797, %get3A_800 : vector<16xf32>
        %get3A_802 = arith.index_cast %add3A_735 : i32 to index
        %get3A_803 = arith.constant 80 : index
        %get3A_804 = tpu.vector_load %arg13[%get3A_802, %get3A_803] {strides = array<i32>} : memref<128x128xf32, #tpu.memory_space<vmem>>, vector<16xf32>,
        %mul3A_805 = arith.mulf %mul3A_801, %get3A_804 : vector<16xf32>
        %add3A_806 = arith.addf %add3A_794, %mul3A_805 : vector<16xf32>
        %get3A_807 = arith.index_cast %add3A_735 : i32 to index
        %get3A_808 = arith.constant 96 : index
        %get3A_809 = tpu.vector_load %arg11[%get3A_807, %get3A_808] {strides = array<i32>} : memref<128x128xf32, #tpu.memory_space<vmem>>, vector<16xf32>,
        %get3A_810 = arith.index_cast %add3A_735 : i32 to index
        %get3A_811 = arith.constant 96 : index
        %get3A_812 = tpu.vector_load %arg12[%get3A_810, %get3A_811] {strides = array<i32>} : memref<128x128xf32, #tpu.memory_space<vmem>>, vector<16xf32>,
        %mul3A_813 = arith.mulf %get3A_809, %get3A_812 : vector<16xf32>
        %get3A_814 = arith.index_cast %add3A_735 : i32 to index
        %get3A_815 = arith.constant 96 : index
        %get3A_816 = tpu.vector_load %arg13[%get3A_814, %get3A_815] {strides = array<i32>} : memref<128x128xf32, #tpu.memory_space<vmem>>, vector<16xf32>,
        %mul3A_817 = arith.mulf %mul3A_813, %get3A_816 : vector<16xf32>
        %add3A_818 = arith.addf %add3A_806, %mul3A_817 : vector<16xf32>
        %get3A_819 = arith.index_cast %add3A_735 : i32 to index
        %get3A_820 = arith.constant 112 : index
        %get3A_821 = tpu.vector_load %arg11[%get3A_819, %get3A_820] {strides = array<i32>} : memref<128x128xf32, #tpu.memory_space<vmem>>, vector<16xf32>,
        %get3A_822 = arith.index_cast %add3A_735 : i32 to index
        %get3A_823 = arith.constant 112 : index
        %get3A_824 = tpu.vector_load %arg12[%get3A_822, %get3A_823] {strides = array<i32>} : memref<128x128xf32, #tpu.memory_space<vmem>>, vector<16xf32>,
        %mul3A_825 = arith.mulf %get3A_821, %get3A_824 : vector<16xf32>
        %get3A_826 = arith.index_cast %add3A_735 : i32 to index
        %get3A_827 = arith.constant 112 : index
        %get3A_828 = tpu.vector_load %arg13[%get3A_826, %get3A_827] {strides = array<i32>} : memref<128x128xf32, #tpu.memory_space<vmem>>, vector<16xf32>,
        %mul3A_829 = arith.mulf %mul3A_825, %get3A_828 : vector<16xf32>
        %add3A_830 = arith.addf %add3A_818, %mul3A_829 : vector<16xf32>
        %mul3A_831 = arith.constant 16 : i32
        %mul3A_832 = vector.broadcast %mul3A_831 : i32 to vector<16xi32>
        %mul3A_833 = arith.muli %iota3A, %mul3A_832 : vector<16xi32>
        %add3A_834 = vector.broadcast %scan3A_731 : i32 to vector<16xi32>
        %add3A_835 = arith.addi %mul3A_833, %add3A_834 : vector<16xi32>
        tpu.vector_store_idx %arg17[%add3A_835], %add3A_830 : memref<256xf32, #tpu.memory_space<vmem>>[vector<16xi32>], vector<16xf32>,
        %scan3A_836 = arith.constant 0 : i32
        scf.yield %scan3A_836 : i32
      }
      %scan3A_678 = arith.constant 16 : i32
      %get3A = arith.constant 0 : index
      %get3A_679 = tpu.vector_load %arg17[%get3A] {strides = array<i32>} : memref<256xf32, #tpu.memory_space<vmem>>, vector<16xf32>,
      %get3A_680 = arith.constant 16 : index
      %get3A_681 = tpu.vector_load %arg17[%get3A_680] {strides = array<i32>} : memref<256xf32, #tpu.memory_space<vmem>>, vector<16xf32>,
      %add3A_682 = arith.addf %get3A_679, %get3A_681 : vector<16xf32>
      %get3A_683 = arith.constant 32 : index
      %get3A_684 = tpu.vector_load %arg17[%get3A_683] {strides = array<i32>} : memref<256xf32, #tpu.memory_space<vmem>>, vector<16xf32>,
      %add3A_685 = arith.addf %add3A_682, %get3A_684 : vector<16xf32>
      %get3A_686 = arith.constant 48 : index
      %get3A_687 = tpu.vector_load %arg17[%get3A_686] {strides = array<i32>} : memref<256xf32, #tpu.memory_space<vmem>>, vector<16xf32>,
      %add3A_688 = arith.addf %add3A_685, %get3A_687 : vector<16xf32>
      %get3A_689 = arith.constant 64 : index
      %get3A_690 = tpu.vector_load %arg17[%get3A_689] {strides = array<i32>} : memref<256xf32, #tpu.memory_space<vmem>>, vector<16xf32>,
      %add3A_691 = arith.addf %add3A_688, %get3A_690 : vector<16xf32>
      %get3A_692 = arith.constant 80 : index
      %get3A_693 = tpu.vector_load %arg17[%get3A_692] {strides = array<i32>} : memref<256xf32, #tpu.memory_space<vmem>>, vector<16xf32>,
      %add3A_694 = arith.addf %add3A_691, %get3A_693 : vector<16xf32>
      %get3A_695 = arith.constant 96 : index
      %get3A_696 = tpu.vector_load %arg17[%get3A_695] {strides = array<i32>} : memref<256xf32, #tpu.memory_space<vmem>>, vector<16xf32>,
      %add3A_697 = arith.addf %add3A_694, %get3A_696 : vector<16xf32>
      %get3A_698 = arith.constant 112 : index
      %get3A_699 = tpu.vector_load %arg17[%get3A_698] {strides = array<i32>} : memref<256xf32, #tpu.memory_space<vmem>>, vector<16xf32>,
      %add3A_700 = arith.addf %add3A_697, %get3A_699 : vector<16xf32>
      %get3A_701 = arith.constant 128 : index
      %get3A_702 = tpu.vector_load %arg17[%get3A_701] {strides = array<i32>} : memref<256xf32, #tpu.memory_space<vmem>>, vector<16xf32>,
      %add3A_703 = arith.addf %add3A_700, %get3A_702 : vector<16xf32>
      %get3A_704 = arith.constant 144 : index
      %get3A_705 = tpu.vector_load %arg17[%get3A_704] {strides = array<i32>} : memref<256xf32, #tpu.memory_space<vmem>>, vector<16xf32>,
      %add3A_706 = arith.addf %add3A_703, %get3A_705 : vector<16xf32>
      %get3A_707 = arith.constant 160 : index
      %get3A_708 = tpu.vector_load %arg17[%get3A_707] {strides = array<i32>} : memref<256xf32, #tpu.memory_space<vmem>>, vector<16xf32>,
      %add3A_709 = arith.addf %add3A_706, %get3A_708 : vector<16xf32>
      %get3A_710 = arith.constant 176 : index
      %get3A_711 = tpu.vector_load %arg17[%get3A_710] {strides = array<i32>} : memref<256xf32, #tpu.memory_space<vmem>>, vector<16xf32>,
      %add3A_712 = arith.addf %add3A_709, %get3A_711 : vector<16xf32>
      %get3A_713 = arith.constant 192 : index
      %get3A_714 = tpu.vector_load %arg17[%get3A_713] {strides = array<i32>} : memref<256xf32, #tpu.memory_space<vmem>>, vector<16xf32>,
      %add3A_715 = arith.addf %add3A_712, %get3A_714 : vector<16xf32>
      %get3A_716 = arith.constant 208 : index
      %get3A_717 = tpu.vector_load %arg17[%get3A_716] {strides = array<i32>} : memref<256xf32, #tpu.memory_space<vmem>>, vector<16xf32>,
      %add3A_718 = arith.addf %add3A_715, %get3A_717 : vector<16xf32>
      %get3A_719 = arith.constant 224 : index
      %get3A_720 = tpu.vector_load %arg17[%get3A_719] {strides = array<i32>} : memref<256xf32, #tpu.memory_space<vmem>>, vector<16xf32>,
      %add3A_721 = arith.addf %add3A_718, %get3A_720 : vector<16xf32>
      %get3A_722 = arith.constant 240 : index
      %get3A_723 = tpu.vector_load %arg17[%get3A_722] {strides = array<i32>} : memref<256xf32, #tpu.memory_space<vmem>>, vector<16xf32>,
      %add3A_724 = arith.addf %add3A_721, %get3A_723 : vector<16xf32>
      %mul3A_725 = arith.constant 16 : i32
      %mul3A_726 = arith.muli %scan3A_670, %mul3A_725 : i32
      %add3A_727 = arith.constant 0 : i32
      %add3A_728 = arith.addi %add3A_727, %mul3A_726 : i32
      %swap3A = arith.index_cast %add3A_728 : i32 to index
      %swap3A_729 = tpu.vector_load %arg18[%swap3A] {strides = array<i32>} : memref<2048xf32, #tpu.memory_space<vmem>>, vector<16xf32>,
      tpu.vector_store %arg18[%swap3A], %add3A_724 {strides = array<i32>} : memref<2048xf32, #tpu.memory_space<vmem>>, vector<16xf32>,
      %scan3A_730 = arith.constant 0 : i32
      scf.yield %scan3A_730 : i32
    }
    %scan3A_129 = arith.constant 8 : i32
    %dma_start3A_130 = arith.constant 256 : i32
    %dma_start3A_131 = tpu.memref_slice %arg8[%dma_start3A_130] : memref<2048xi32, #tpu.memory_space<vmem>> -> memref<128xi32, #tpu.memory_space<vmem>>
    %dma_start3A_132 = arith.constant 0 : i32
    %dma_start3A_133 = arith.constant 0 : i32
    %dma_start3A_134 = tpu.memref_slice %arg5[%dma_start3A_132, %dma_start3A_133] : memref<100000x128xf32, #tpu.memory_space<hbm>> -> memref<100000x128xf32, #tpu.memory_space<hbm>>
    tpu.enqueue_indirect_dma source(%dma_start3A_134 : memref<100000x128xf32, #tpu.memory_space<hbm>>) target(%arg11 : memref<128x128xf32, #tpu.memory_space<vmem>>) offsets(%dma_start3A_131 : memref<128xi32, #tpu.memory_space<vmem>>) semaphore(%arg20 : memref<!tpu.dma_semaphore, #tpu.memory_space<semaphore_mem>>)
    %dma_start3A_135 = arith.constant 256 : i32
    %dma_start3A_136 = tpu.memref_slice %arg9[%dma_start3A_135] : memref<2048xi32, #tpu.memory_space<vmem>> -> memref<128xi32, #tpu.memory_space<vmem>>
    %dma_start3A_137 = arith.constant 0 : i32
    %dma_start3A_138 = arith.constant 0 : i32
    %dma_start3A_139 = tpu.memref_slice %arg6[%dma_start3A_137, %dma_start3A_138] : memref<100000x128xf32, #tpu.memory_space<hbm>> -> memref<100000x128xf32, #tpu.memory_space<hbm>>
    tpu.enqueue_indirect_dma source(%dma_start3A_139 : memref<100000x128xf32, #tpu.memory_space<hbm>>) target(%arg12 : memref<128x128xf32, #tpu.memory_space<vmem>>) offsets(%dma_start3A_136 : memref<128xi32, #tpu.memory_space<vmem>>) semaphore(%arg20 : memref<!tpu.dma_semaphore, #tpu.memory_space<semaphore_mem>>)
    %dma_start3A_140 = arith.constant 256 : i32
    %dma_start3A_141 = tpu.memref_slice %arg10[%dma_start3A_140] : memref<2048xi32, #tpu.memory_space<vmem>> -> memref<128xi32, #tpu.memory_space<vmem>>
    %dma_start3A_142 = arith.constant 0 : i32
    %dma_start3A_143 = arith.constant 0 : i32
    %dma_start3A_144 = tpu.memref_slice %arg5[%dma_start3A_142, %dma_start3A_143] : memref<100000x128xf32, #tpu.memory_space<hbm>> -> memref<100000x128xf32, #tpu.memory_space<hbm>>
    tpu.enqueue_indirect_dma source(%dma_start3A_144 : memref<100000x128xf32, #tpu.memory_space<hbm>>) target(%arg13 : memref<128x128xf32, #tpu.memory_space<vmem>>) offsets(%dma_start3A_141 : memref<128xi32, #tpu.memory_space<vmem>>) semaphore(%arg20 : memref<!tpu.dma_semaphore, #tpu.memory_space<semaphore_mem>>)
    %dma_wait3A_145 = arith.constant 128 : i32
    %dma_wait3A_146 = tpu.memref_slice %arg8[%dma_wait3A_145] : memref<2048xi32, #tpu.memory_space<vmem>> -> memref<128xi32, #tpu.memory_space<vmem>>
    %dma_wait3A_147 = arith.constant 0 : i32
    %dma_wait3A_148 = arith.constant 0 : i32
    %dma_wait3A_149 = tpu.memref_slice %arg5[%dma_wait3A_147, %dma_wait3A_148] : memref<100000x128xf32, #tpu.memory_space<hbm>> -> memref<100000x128xf32, #tpu.memory_space<hbm>>
    tpu.wait_indirect_dma semaphore(%arg21 : memref<!tpu.dma_semaphore, #tpu.memory_space<semaphore_mem>>) src(%dma_wait3A_149 : memref<100000x128xf32, #tpu.memory_space<hbm>>) dst(%arg14 : memref<128x128xf32, #tpu.memory_space<vmem>>)
    %dma_wait3A_150 = arith.constant 128 : i32
    %dma_wait3A_151 = tpu.memref_slice %arg9[%dma_wait3A_150] : memref<2048xi32, #tpu.memory_space<vmem>> -> memref<128xi32, #tpu.memory_space<vmem>>
    %dma_wait3A_152 = arith.constant 0 : i32
    %dma_wait3A_153 = arith.constant 0 : i32
    %dma_wait3A_154 = tpu.memref_slice %arg6[%dma_wait3A_152, %dma_wait3A_153] : memref<100000x128xf32, #tpu.memory_space<hbm>> -> memref<100000x128xf32, #tpu.memory_space<hbm>>
    tpu.wait_indirect_dma semaphore(%arg21 : memref<!tpu.dma_semaphore, #tpu.memory_space<semaphore_mem>>) src(%dma_wait3A_154 : memref<100000x128xf32, #tpu.memory_space<hbm>>) dst(%arg15 : memref<128x128xf32, #tpu.memory_space<vmem>>)
    %dma_wait3A_155 = arith.constant 128 : i32
    %dma_wait3A_156 = tpu.memref_slice %arg10[%dma_wait3A_155] : memref<2048xi32, #tpu.memory_space<vmem>> -> memref<128xi32, #tpu.memory_space<vmem>>
    %dma_wait3A_157 = arith.constant 0 : i32
    %dma_wait3A_158 = arith.constant 0 : i32
    %dma_wait3A_159 = tpu.memref_slice %arg5[%dma_wait3A_157, %dma_wait3A_158] : memref<100000x128xf32, #tpu.memory_space<hbm>> -> memref<100000x128xf32, #tpu.memory_space<hbm>>
    tpu.wait_indirect_dma semaphore(%arg21 : memref<!tpu.dma_semaphore, #tpu.memory_space<semaphore_mem>>) src(%dma_wait3A_159 : memref<100000x128xf32, #tpu.memory_space<hbm>>) dst(%arg16 : memref<128x128xf32, #tpu.memory_space<vmem>>)
    %scan3A_160 = arith.constant 0 : i32
    %scan3A_161 = arith.constant 0 : i32
    %scan3A_162 = arith.constant 8 : i32
    %scan3A_163 = arith.addi %scan3A_161, %scan3A_162 : i32
    %scan3A_164 = arith.constant 1 : i32
    %scan3A_165 = scf.for %scan3A_670 = %scan3A_161 to %scan3A_163 step %scan3A_164 iter_args(%scan3A_671 = %scan3A_160) -> (i32)  : i32 {
      %scan3A_672 = arith.constant 0 : i32
      %scan3A_673 = arith.constant 0 : i32
      %scan3A_674 = arith.constant 16 : i32
      %scan3A_675 = arith.addi %scan3A_673, %scan3A_674 : i32
      %scan3A_676 = arith.constant 1 : i32
      %scan3A_677 = scf.for %scan3A_731 = %scan3A_673 to %scan3A_675 step %scan3A_676 iter_args(%scan3A_732 = %scan3A_672) -> (i32)  : i32 {
        %mul3A_733 = arith.constant 16 : i32
        %mul3A_734 = arith.muli %scan3A_670, %mul3A_733 : i32
        %add3A_735 = arith.addi %mul3A_734, %scan3A_731 : i32
        %get3A_736 = arith.index_cast %add3A_735 : i32 to index
        %get3A_737 = arith.constant 0 : index
        %get3A_738 = tpu.vector_load %arg14[%get3A_736, %get3A_737] {strides = array<i32>} : memref<128x128xf32, #tpu.memory_space<vmem>>, vector<16xf32>,
        %get3A_739 = arith.index_cast %add3A_735 : i32 to index
        %get3A_740 = arith.constant 0 : index
        %get3A_741 = tpu.vector_load %arg15[%get3A_739, %get3A_740] {strides = array<i32>} : memref<128x128xf32, #tpu.memory_space<vmem>>, vector<16xf32>,
        %mul3A_742 = arith.mulf %get3A_738, %get3A_741 : vector<16xf32>
        %get3A_743 = arith.index_cast %add3A_735 : i32 to index
        %get3A_744 = arith.constant 0 : index
        %get3A_745 = tpu.vector_load %arg16[%get3A_743, %get3A_744] {strides = array<i32>} : memref<128x128xf32, #tpu.memory_space<vmem>>, vector<16xf32>,
        %mul3A_746 = arith.mulf %mul3A_742, %get3A_745 : vector<16xf32>
        %get3A_747 = arith.index_cast %add3A_735 : i32 to index
        %get3A_748 = arith.constant 16 : index
        %get3A_749 = tpu.vector_load %arg14[%get3A_747, %get3A_748] {strides = array<i32>} : memref<128x128xf32, #tpu.memory_space<vmem>>, vector<16xf32>,
        %get3A_750 = arith.index_cast %add3A_735 : i32 to index
        %get3A_751 = arith.constant 16 : index
        %get3A_752 = tpu.vector_load %arg15[%get3A_750, %get3A_751] {strides = array<i32>} : memref<128x128xf32, #tpu.memory_space<vmem>>, vector<16xf32>,
        %mul3A_753 = arith.mulf %get3A_749, %get3A_752 : vector<16xf32>
        %get3A_754 = arith.index_cast %add3A_735 : i32 to index
        %get3A_755 = arith.constant 16 : index
        %get3A_756 = tpu.vector_load %arg16[%get3A_754, %get3A_755] {strides = array<i32>} : memref<128x128xf32, #tpu.memory_space<vmem>>, vector<16xf32>,
        %mul3A_757 = arith.mulf %mul3A_753, %get3A_756 : vector<16xf32>
        %add3A_758 = arith.addf %mul3A_746, %mul3A_757 : vector<16xf32>
        %get3A_759 = arith.index_cast %add3A_735 : i32 to index
        %get3A_760 = arith.constant 32 : index
        %get3A_761 = tpu.vector_load %arg14[%get3A_759, %get3A_760] {strides = array<i32>} : memref<128x128xf32, #tpu.memory_space<vmem>>, vector<16xf32>,
        %get3A_762 = arith.index_cast %add3A_735 : i32 to index
        %get3A_763 = arith.constant 32 : index
        %get3A_764 = tpu.vector_load %arg15[%get3A_762, %get3A_763] {strides = array<i32>} : memref<128x128xf32, #tpu.memory_space<vmem>>, vector<16xf32>,
        %mul3A_765 = arith.mulf %get3A_761, %get3A_764 : vector<16xf32>
        %get3A_766 = arith.index_cast %add3A_735 : i32 to index
        %get3A_767 = arith.constant 32 : index
        %get3A_768 = tpu.vector_load %arg16[%get3A_766, %get3A_767] {strides = array<i32>} : memref<128x128xf32, #tpu.memory_space<vmem>>, vector<16xf32>,
        %mul3A_769 = arith.mulf %mul3A_765, %get3A_768 : vector<16xf32>
        %add3A_770 = arith.addf %add3A_758, %mul3A_769 : vector<16xf32>
        %get3A_771 = arith.index_cast %add3A_735 : i32 to index
        %get3A_772 = arith.constant 48 : index
        %get3A_773 = tpu.vector_load %arg14[%get3A_771, %get3A_772] {strides = array<i32>} : memref<128x128xf32, #tpu.memory_space<vmem>>, vector<16xf32>,
        %get3A_774 = arith.index_cast %add3A_735 : i32 to index
        %get3A_775 = arith.constant 48 : index
        %get3A_776 = tpu.vector_load %arg15[%get3A_774, %get3A_775] {strides = array<i32>} : memref<128x128xf32, #tpu.memory_space<vmem>>, vector<16xf32>,
        %mul3A_777 = arith.mulf %get3A_773, %get3A_776 : vector<16xf32>
        %get3A_778 = arith.index_cast %add3A_735 : i32 to index
        %get3A_779 = arith.constant 48 : index
        %get3A_780 = tpu.vector_load %arg16[%get3A_778, %get3A_779] {strides = array<i32>} : memref<128x128xf32, #tpu.memory_space<vmem>>, vector<16xf32>,
        %mul3A_781 = arith.mulf %mul3A_777, %get3A_780 : vector<16xf32>
        %add3A_782 = arith.addf %add3A_770, %mul3A_781 : vector<16xf32>
        %get3A_783 = arith.index_cast %add3A_735 : i32 to index
        %get3A_784 = arith.constant 64 : index
        %get3A_785 = tpu.vector_load %arg14[%get3A_783, %get3A_784] {strides = array<i32>} : memref<128x128xf32, #tpu.memory_space<vmem>>, vector<16xf32>,
        %get3A_786 = arith.index_cast %add3A_735 : i32 to index
        %get3A_787 = arith.constant 64 : index
        %get3A_788 = tpu.vector_load %arg15[%get3A_786, %get3A_787] {strides = array<i32>} : memref<128x128xf32, #tpu.memory_space<vmem>>, vector<16xf32>,
        %mul3A_789 = arith.mulf %get3A_785, %get3A_788 : vector<16xf32>
        %get3A_790 = arith.index_cast %add3A_735 : i32 to index
        %get3A_791 = arith.constant 64 : index
        %get3A_792 = tpu.vector_load %arg16[%get3A_790, %get3A_791] {strides = array<i32>} : memref<128x128xf32, #tpu.memory_space<vmem>>, vector<16xf32>,
        %mul3A_793 = arith.mulf %mul3A_789, %get3A_792 : vector<16xf32>
        %add3A_794 = arith.addf %add3A_782, %mul3A_793 : vector<16xf32>
        %get3A_795 = arith.index_cast %add3A_735 : i32 to index
        %get3A_796 = arith.constant 80 : index
        %get3A_797 = tpu.vector_load %arg14[%get3A_795, %get3A_796] {strides = array<i32>} : memref<128x128xf32, #tpu.memory_space<vmem>>, vector<16xf32>,
        %get3A_798 = arith.index_cast %add3A_735 : i32 to index
        %get3A_799 = arith.constant 80 : index
        %get3A_800 = tpu.vector_load %arg15[%get3A_798, %get3A_799] {strides = array<i32>} : memref<128x128xf32, #tpu.memory_space<vmem>>, vector<16xf32>,
        %mul3A_801 = arith.mulf %get3A_797, %get3A_800 : vector<16xf32>
        %get3A_802 = arith.index_cast %add3A_735 : i32 to index
        %get3A_803 = arith.constant 80 : index
        %get3A_804 = tpu.vector_load %arg16[%get3A_802, %get3A_803] {strides = array<i32>} : memref<128x128xf32, #tpu.memory_space<vmem>>, vector<16xf32>,
        %mul3A_805 = arith.mulf %mul3A_801, %get3A_804 : vector<16xf32>
        %add3A_806 = arith.addf %add3A_794, %mul3A_805 : vector<16xf32>
        %get3A_807 = arith.index_cast %add3A_735 : i32 to index
        %get3A_808 = arith.constant 96 : index
        %get3A_809 = tpu.vector_load %arg14[%get3A_807, %get3A_808] {strides = array<i32>} : memref<128x128xf32, #tpu.memory_space<vmem>>, vector<16xf32>,
        %get3A_810 = arith.index_cast %add3A_735 : i32 to index
        %get3A_811 = arith.constant 96 : index
        %get3A_812 = tpu.vector_load %arg15[%get3A_810, %get3A_811] {strides = array<i32>} : memref<128x128xf32, #tpu.memory_space<vmem>>, vector<16xf32>,
        %mul3A_813 = arith.mulf %get3A_809, %get3A_812 : vector<16xf32>
        %get3A_814 = arith.index_cast %add3A_735 : i32 to index
        %get3A_815 = arith.constant 96 : index
        %get3A_816 = tpu.vector_load %arg16[%get3A_814, %get3A_815] {strides = array<i32>} : memref<128x128xf32, #tpu.memory_space<vmem>>, vector<16xf32>,
        %mul3A_817 = arith.mulf %mul3A_813, %get3A_816 : vector<16xf32>
        %add3A_818 = arith.addf %add3A_806, %mul3A_817 : vector<16xf32>
        %get3A_819 = arith.index_cast %add3A_735 : i32 to index
        %get3A_820 = arith.constant 112 : index
        %get3A_821 = tpu.vector_load %arg14[%get3A_819, %get3A_820] {strides = array<i32>} : memref<128x128xf32, #tpu.memory_space<vmem>>, vector<16xf32>,
        %get3A_822 = arith.index_cast %add3A_735 : i32 to index
        %get3A_823 = arith.constant 112 : index
        %get3A_824 = tpu.vector_load %arg15[%get3A_822, %get3A_823] {strides = array<i32>} : memref<128x128xf32, #tpu.memory_space<vmem>>, vector<16xf32>,
        %mul3A_825 = arith.mulf %get3A_821, %get3A_824 : vector<16xf32>
        %get3A_826 = arith.index_cast %add3A_735 : i32 to index
        %get3A_827 = arith.constant 112 : index
        %get3A_828 = tpu.vector_load %arg16[%get3A_826, %get3A_827] {strides = array<i32>} : memref<128x128xf32, #tpu.memory_space<vmem>>, vector<16xf32>,
        %mul3A_829 = arith.mulf %mul3A_825, %get3A_828 : vector<16xf32>
        %add3A_830 = arith.addf %add3A_818, %mul3A_829 : vector<16xf32>
        %mul3A_831 = arith.constant 16 : i32
        %mul3A_832 = vector.broadcast %mul3A_831 : i32 to vector<16xi32>
        %mul3A_833 = arith.muli %iota3A, %mul3A_832 : vector<16xi32>
        %add3A_834 = vector.broadcast %scan3A_731 : i32 to vector<16xi32>
        %add3A_835 = arith.addi %mul3A_833, %add3A_834 : vector<16xi32>
        tpu.vector_store_idx %arg17[%add3A_835], %add3A_830 : memref<256xf32, #tpu.memory_space<vmem>>[vector<16xi32>], vector<16xf32>,
        %scan3A_836 = arith.constant 0 : i32
        scf.yield %scan3A_836 : i32
      }
      %scan3A_678 = arith.constant 16 : i32
      %get3A = arith.constant 0 : index
      %get3A_679 = tpu.vector_load %arg17[%get3A] {strides = array<i32>} : memref<256xf32, #tpu.memory_space<vmem>>, vector<16xf32>,
      %get3A_680 = arith.constant 16 : index
      %get3A_681 = tpu.vector_load %arg17[%get3A_680] {strides = array<i32>} : memref<256xf32, #tpu.memory_space<vmem>>, vector<16xf32>,
      %add3A_682 = arith.addf %get3A_679, %get3A_681 : vector<16xf32>
      %get3A_683 = arith.constant 32 : index
      %get3A_684 = tpu.vector_load %arg17[%get3A_683] {strides = array<i32>} : memref<256xf32, #tpu.memory_space<vmem>>, vector<16xf32>,
      %add3A_685 = arith.addf %add3A_682, %get3A_684 : vector<16xf32>
      %get3A_686 = arith.constant 48 : index
      %get3A_687 = tpu.vector_load %arg17[%get3A_686] {strides = array<i32>} : memref<256xf32, #tpu.memory_space<vmem>>, vector<16xf32>,
      %add3A_688 = arith.addf %add3A_685, %get3A_687 : vector<16xf32>
      %get3A_689 = arith.constant 64 : index
      %get3A_690 = tpu.vector_load %arg17[%get3A_689] {strides = array<i32>} : memref<256xf32, #tpu.memory_space<vmem>>, vector<16xf32>,
      %add3A_691 = arith.addf %add3A_688, %get3A_690 : vector<16xf32>
      %get3A_692 = arith.constant 80 : index
      %get3A_693 = tpu.vector_load %arg17[%get3A_692] {strides = array<i32>} : memref<256xf32, #tpu.memory_space<vmem>>, vector<16xf32>,
      %add3A_694 = arith.addf %add3A_691, %get3A_693 : vector<16xf32>
      %get3A_695 = arith.constant 96 : index
      %get3A_696 = tpu.vector_load %arg17[%get3A_695] {strides = array<i32>} : memref<256xf32, #tpu.memory_space<vmem>>, vector<16xf32>,
      %add3A_697 = arith.addf %add3A_694, %get3A_696 : vector<16xf32>
      %get3A_698 = arith.constant 112 : index
      %get3A_699 = tpu.vector_load %arg17[%get3A_698] {strides = array<i32>} : memref<256xf32, #tpu.memory_space<vmem>>, vector<16xf32>,
      %add3A_700 = arith.addf %add3A_697, %get3A_699 : vector<16xf32>
      %get3A_701 = arith.constant 128 : index
      %get3A_702 = tpu.vector_load %arg17[%get3A_701] {strides = array<i32>} : memref<256xf32, #tpu.memory_space<vmem>>, vector<16xf32>,
      %add3A_703 = arith.addf %add3A_700, %get3A_702 : vector<16xf32>
      %get3A_704 = arith.constant 144 : index
      %get3A_705 = tpu.vector_load %arg17[%get3A_704] {strides = array<i32>} : memref<256xf32, #tpu.memory_space<vmem>>, vector<16xf32>,
      %add3A_706 = arith.addf %add3A_703, %get3A_705 : vector<16xf32>
      %get3A_707 = arith.constant 160 : index
      %get3A_708 = tpu.vector_load %arg17[%get3A_707] {strides = array<i32>} : memref<256xf32, #tpu.memory_space<vmem>>, vector<16xf32>,
      %add3A_709 = arith.addf %add3A_706, %get3A_708 : vector<16xf32>
      %get3A_710 = arith.constant 176 : index
      %get3A_711 = tpu.vector_load %arg17[%get3A_710] {strides = array<i32>} : memref<256xf32, #tpu.memory_space<vmem>>, vector<16xf32>,
      %add3A_712 = arith.addf %add3A_709, %get3A_711 : vector<16xf32>
      %get3A_713 = arith.constant 192 : index
      %get3A_714 = tpu.vector_load %arg17[%get3A_713] {strides = array<i32>} : memref<256xf32, #tpu.memory_space<vmem>>, vector<16xf32>,
      %add3A_715 = arith.addf %add3A_712, %get3A_714 : vector<16xf32>
      %get3A_716 = arith.constant 208 : index
      %get3A_717 = tpu.vector_load %arg17[%get3A_716] {strides = array<i32>} : memref<256xf32, #tpu.memory_space<vmem>>, vector<16xf32>,
      %add3A_718 = arith.addf %add3A_715, %get3A_717 : vector<16xf32>
      %get3A_719 = arith.constant 224 : index
      %get3A_720 = tpu.vector_load %arg17[%get3A_719] {strides = array<i32>} : memref<256xf32, #tpu.memory_space<vmem>>, vector<16xf32>,
      %add3A_721 = arith.addf %add3A_718, %get3A_720 : vector<16xf32>
      %get3A_722 = arith.constant 240 : index
      %get3A_723 = tpu.vector_load %arg17[%get3A_722] {strides = array<i32>} : memref<256xf32, #tpu.memory_space<vmem>>, vector<16xf32>,
      %add3A_724 = arith.addf %add3A_721, %get3A_723 : vector<16xf32>
      %mul3A_725 = arith.constant 16 : i32
      %mul3A_726 = arith.muli %scan3A_670, %mul3A_725 : i32
      %add3A_727 = arith.constant 128 : i32
      %add3A_728 = arith.addi %add3A_727, %mul3A_726 : i32
      %swap3A = arith.index_cast %add3A_728 : i32 to index
      %swap3A_729 = tpu.vector_load %arg18[%swap3A] {strides = array<i32>} : memref<2048xf32, #tpu.memory_space<vmem>>, vector<16xf32>,
      tpu.vector_store %arg18[%swap3A], %add3A_724 {strides = array<i32>} : memref<2048xf32, #tpu.memory_space<vmem>>, vector<16xf32>,
      %scan3A_730 = arith.constant 0 : i32
      scf.yield %scan3A_730 : i32
    }
    %scan3A_166 = arith.constant 8 : i32
    %dma_start3A_167 = arith.constant 384 : i32
    %dma_start3A_168 = tpu.memref_slice %arg8[%dma_start3A_167] : memref<2048xi32, #tpu.memory_space<vmem>> -> memref<128xi32, #tpu.memory_space<vmem>>
    %dma_start3A_169 = arith.constant 0 : i32
    %dma_start3A_170 = arith.constant 0 : i32
    %dma_start3A_171 = tpu.memref_slice %arg5[%dma_start3A_169, %dma_start3A_170] : memref<100000x128xf32, #tpu.memory_space<hbm>> -> memref<100000x128xf32, #tpu.memory_space<hbm>>
    tpu.enqueue_indirect_dma source(%dma_start3A_171 : memref<100000x128xf32, #tpu.memory_space<hbm>>) target(%arg14 : memref<128x128xf32, #tpu.memory_space<vmem>>) offsets(%dma_start3A_168 : memref<128xi32, #tpu.memory_space<vmem>>) semaphore(%arg21 : memref<!tpu.dma_semaphore, #tpu.memory_space<semaphore_mem>>)
    %dma_start3A_172 = arith.constant 384 : i32
    %dma_start3A_173 = tpu.memref_slice %arg9[%dma_start3A_172] : memref<2048xi32, #tpu.memory_space<vmem>> -> memref<128xi32, #tpu.memory_space<vmem>>
    %dma_start3A_174 = arith.constant 0 : i32
    %dma_start3A_175 = arith.constant 0 : i32
    %dma_start3A_176 = tpu.memref_slice %arg6[%dma_start3A_174, %dma_start3A_175] : memref<100000x128xf32, #tpu.memory_space<hbm>> -> memref<100000x128xf32, #tpu.memory_space<hbm>>
    tpu.enqueue_indirect_dma source(%dma_start3A_176 : memref<100000x128xf32, #tpu.memory_space<hbm>>) target(%arg15 : memref<128x128xf32, #tpu.memory_space<vmem>>) offsets(%dma_start3A_173 : memref<128xi32, #tpu.memory_space<vmem>>) semaphore(%arg21 : memref<!tpu.dma_semaphore, #tpu.memory_space<semaphore_mem>>)
    %dma_start3A_177 = arith.constant 384 : i32
    %dma_start3A_178 = tpu.memref_slice %arg10[%dma_start3A_177] : memref<2048xi32, #tpu.memory_space<vmem>> -> memref<128xi32, #tpu.memory_space<vmem>>
    %dma_start3A_179 = arith.constant 0 : i32
    %dma_start3A_180 = arith.constant 0 : i32
    %dma_start3A_181 = tpu.memref_slice %arg5[%dma_start3A_179, %dma_start3A_180] : memref<100000x128xf32, #tpu.memory_space<hbm>> -> memref<100000x128xf32, #tpu.memory_space<hbm>>
    tpu.enqueue_indirect_dma source(%dma_start3A_181 : memref<100000x128xf32, #tpu.memory_space<hbm>>) target(%arg16 : memref<128x128xf32, #tpu.memory_space<vmem>>) offsets(%dma_start3A_178 : memref<128xi32, #tpu.memory_space<vmem>>) semaphore(%arg21 : memref<!tpu.dma_semaphore, #tpu.memory_space<semaphore_mem>>)
    %dma_wait3A_182 = arith.constant 256 : i32
    %dma_wait3A_183 = tpu.memref_slice %arg8[%dma_wait3A_182] : memref<2048xi32, #tpu.memory_space<vmem>> -> memref<128xi32, #tpu.memory_space<vmem>>
    %dma_wait3A_184 = arith.constant 0 : i32
    %dma_wait3A_185 = arith.constant 0 : i32
    %dma_wait3A_186 = tpu.memref_slice %arg5[%dma_wait3A_184, %dma_wait3A_185] : memref<100000x128xf32, #tpu.memory_space<hbm>> -> memref<100000x128xf32, #tpu.memory_space<hbm>>
    tpu.wait_indirect_dma semaphore(%arg20 : memref<!tpu.dma_semaphore, #tpu.memory_space<semaphore_mem>>) src(%dma_wait3A_186 : memref<100000x128xf32, #tpu.memory_space<hbm>>) dst(%arg11 : memref<128x128xf32, #tpu.memory_space<vmem>>)
    %dma_wait3A_187 = arith.constant 256 : i32
    %dma_wait3A_188 = tpu.memref_slice %arg9[%dma_wait3A_187] : memref<2048xi32, #tpu.memory_space<vmem>> -> memref<128xi32, #tpu.memory_space<vmem>>
    %dma_wait3A_189 = arith.constant 0 : i32
    %dma_wait3A_190 = arith.constant 0 : i32
    %dma_wait3A_191 = tpu.memref_slice %arg6[%dma_wait3A_189, %dma_wait3A_190] : memref<100000x128xf32, #tpu.memory_space<hbm>> -> memref<100000x128xf32, #tpu.memory_space<hbm>>
    tpu.wait_indirect_dma semaphore(%arg20 : memref<!tpu.dma_semaphore, #tpu.memory_space<semaphore_mem>>) src(%dma_wait3A_191 : memref<100000x128xf32, #tpu.memory_space<hbm>>) dst(%arg12 : memref<128x128xf32, #tpu.memory_space<vmem>>)
    %dma_wait3A_192 = arith.constant 256 : i32
    %dma_wait3A_193 = tpu.memref_slice %arg10[%dma_wait3A_192] : memref<2048xi32, #tpu.memory_space<vmem>> -> memref<128xi32, #tpu.memory_space<vmem>>
    %dma_wait3A_194 = arith.constant 0 : i32
    %dma_wait3A_195 = arith.constant 0 : i32
    %dma_wait3A_196 = tpu.memref_slice %arg5[%dma_wait3A_194, %dma_wait3A_195] : memref<100000x128xf32, #tpu.memory_space<hbm>> -> memref<100000x128xf32, #tpu.memory_space<hbm>>
    tpu.wait_indirect_dma semaphore(%arg20 : memref<!tpu.dma_semaphore, #tpu.memory_space<semaphore_mem>>) src(%dma_wait3A_196 : memref<100000x128xf32, #tpu.memory_space<hbm>>) dst(%arg13 : memref<128x128xf32, #tpu.memory_space<vmem>>)
    %scan3A_197 = arith.constant 0 : i32
    %scan3A_198 = arith.constant 0 : i32
    %scan3A_199 = arith.constant 8 : i32
    %scan3A_200 = arith.addi %scan3A_198, %scan3A_199 : i32
    %scan3A_201 = arith.constant 1 : i32
    %scan3A_202 = scf.for %scan3A_670 = %scan3A_198 to %scan3A_200 step %scan3A_201 iter_args(%scan3A_671 = %scan3A_197) -> (i32)  : i32 {
      %scan3A_672 = arith.constant 0 : i32
      %scan3A_673 = arith.constant 0 : i32
      %scan3A_674 = arith.constant 16 : i32
      %scan3A_675 = arith.addi %scan3A_673, %scan3A_674 : i32
      %scan3A_676 = arith.constant 1 : i32
      %scan3A_677 = scf.for %scan3A_731 = %scan3A_673 to %scan3A_675 step %scan3A_676 iter_args(%scan3A_732 = %scan3A_672) -> (i32)  : i32 {
        %mul3A_733 = arith.constant 16 : i32
        %mul3A_734 = arith.muli %scan3A_670, %mul3A_733 : i32
        %add3A_735 = arith.addi %mul3A_734, %scan3A_731 : i32
        %get3A_736 = arith.index_cast %add3A_735 : i32 to index
        %get3A_737 = arith.constant 0 : index
        %get3A_738 = tpu.vector_load %arg11[%get3A_736, %get3A_737] {strides = array<i32>} : memref<128x128xf32, #tpu.memory_space<vmem>>, vector<16xf32>,
        %get3A_739 = arith.index_cast %add3A_735 : i32 to index
        %get3A_740 = arith.constant 0 : index
        %get3A_741 = tpu.vector_load %arg12[%get3A_739, %get3A_740] {strides = array<i32>} : memref<128x128xf32, #tpu.memory_space<vmem>>, vector<16xf32>,
        %mul3A_742 = arith.mulf %get3A_738, %get3A_741 : vector<16xf32>
        %get3A_743 = arith.index_cast %add3A_735 : i32 to index
        %get3A_744 = arith.constant 0 : index
        %get3A_745 = tpu.vector_load %arg13[%get3A_743, %get3A_744] {strides = array<i32>} : memref<128x128xf32, #tpu.memory_space<vmem>>, vector<16xf32>,
        %mul3A_746 = arith.mulf %mul3A_742, %get3A_745 : vector<16xf32>
        %get3A_747 = arith.index_cast %add3A_735 : i32 to index
        %get3A_748 = arith.constant 16 : index
        %get3A_749 = tpu.vector_load %arg11[%get3A_747, %get3A_748] {strides = array<i32>} : memref<128x128xf32, #tpu.memory_space<vmem>>, vector<16xf32>,
        %get3A_750 = arith.index_cast %add3A_735 : i32 to index
        %get3A_751 = arith.constant 16 : index
        %get3A_752 = tpu.vector_load %arg12[%get3A_750, %get3A_751] {strides = array<i32>} : memref<128x128xf32, #tpu.memory_space<vmem>>, vector<16xf32>,
        %mul3A_753 = arith.mulf %get3A_749, %get3A_752 : vector<16xf32>
        %get3A_754 = arith.index_cast %add3A_735 : i32 to index
        %get3A_755 = arith.constant 16 : index
        %get3A_756 = tpu.vector_load %arg13[%get3A_754, %get3A_755] {strides = array<i32>} : memref<128x128xf32, #tpu.memory_space<vmem>>, vector<16xf32>,
        %mul3A_757 = arith.mulf %mul3A_753, %get3A_756 : vector<16xf32>
        %add3A_758 = arith.addf %mul3A_746, %mul3A_757 : vector<16xf32>
        %get3A_759 = arith.index_cast %add3A_735 : i32 to index
        %get3A_760 = arith.constant 32 : index
        %get3A_761 = tpu.vector_load %arg11[%get3A_759, %get3A_760] {strides = array<i32>} : memref<128x128xf32, #tpu.memory_space<vmem>>, vector<16xf32>,
        %get3A_762 = arith.index_cast %add3A_735 : i32 to index
        %get3A_763 = arith.constant 32 : index
        %get3A_764 = tpu.vector_load %arg12[%get3A_762, %get3A_763] {strides = array<i32>} : memref<128x128xf32, #tpu.memory_space<vmem>>, vector<16xf32>,
        %mul3A_765 = arith.mulf %get3A_761, %get3A_764 : vector<16xf32>
        %get3A_766 = arith.index_cast %add3A_735 : i32 to index
        %get3A_767 = arith.constant 32 : index
        %get3A_768 = tpu.vector_load %arg13[%get3A_766, %get3A_767] {strides = array<i32>} : memref<128x128xf32, #tpu.memory_space<vmem>>, vector<16xf32>,
        %mul3A_769 = arith.mulf %mul3A_765, %get3A_768 : vector<16xf32>
        %add3A_770 = arith.addf %add3A_758, %mul3A_769 : vector<16xf32>
        %get3A_771 = arith.index_cast %add3A_735 : i32 to index
        %get3A_772 = arith.constant 48 : index
        %get3A_773 = tpu.vector_load %arg11[%get3A_771, %get3A_772] {strides = array<i32>} : memref<128x128xf32, #tpu.memory_space<vmem>>, vector<16xf32>,
        %get3A_774 = arith.index_cast %add3A_735 : i32 to index
        %get3A_775 = arith.constant 48 : index
        %get3A_776 = tpu.vector_load %arg12[%get3A_774, %get3A_775] {strides = array<i32>} : memref<128x128xf32, #tpu.memory_space<vmem>>, vector<16xf32>,
        %mul3A_777 = arith.mulf %get3A_773, %get3A_776 : vector<16xf32>
        %get3A_778 = arith.index_cast %add3A_735 : i32 to index
        %get3A_779 = arith.constant 48 : index
        %get3A_780 = tpu.vector_load %arg13[%get3A_778, %get3A_779] {strides = array<i32>} : memref<128x128xf32, #tpu.memory_space<vmem>>, vector<16xf32>,
        %mul3A_781 = arith.mulf %mul3A_777, %get3A_780 : vector<16xf32>
        %add3A_782 = arith.addf %add3A_770, %mul3A_781 : vector<16xf32>
        %get3A_783 = arith.index_cast %add3A_735 : i32 to index
        %get3A_784 = arith.constant 64 : index
        %get3A_785 = tpu.vector_load %arg11[%get3A_783, %get3A_784] {strides = array<i32>} : memref<128x128xf32, #tpu.memory_space<vmem>>, vector<16xf32>,
        %get3A_786 = arith.index_cast %add3A_735 : i32 to index
        %get3A_787 = arith.constant 64 : index
        %get3A_788 = tpu.vector_load %arg12[%get3A_786, %get3A_787] {strides = array<i32>} : memref<128x128xf32, #tpu.memory_space<vmem>>, vector<16xf32>,
        %mul3A_789 = arith.mulf %get3A_785, %get3A_788 : vector<16xf32>
        %get3A_790 = arith.index_cast %add3A_735 : i32 to index
        %get3A_791 = arith.constant 64 : index
        %get3A_792 = tpu.vector_load %arg13[%get3A_790, %get3A_791] {strides = array<i32>} : memref<128x128xf32, #tpu.memory_space<vmem>>, vector<16xf32>,
        %mul3A_793 = arith.mulf %mul3A_789, %get3A_792 : vector<16xf32>
        %add3A_794 = arith.addf %add3A_782, %mul3A_793 : vector<16xf32>
        %get3A_795 = arith.index_cast %add3A_735 : i32 to index
        %get3A_796 = arith.constant 80 : index
        %get3A_797 = tpu.vector_load %arg11[%get3A_795, %get3A_796] {strides = array<i32>} : memref<128x128xf32, #tpu.memory_space<vmem>>, vector<16xf32>,
        %get3A_798 = arith.index_cast %add3A_735 : i32 to index
        %get3A_799 = arith.constant 80 : index
        %get3A_800 = tpu.vector_load %arg12[%get3A_798, %get3A_799] {strides = array<i32>} : memref<128x128xf32, #tpu.memory_space<vmem>>, vector<16xf32>,
        %mul3A_801 = arith.mulf %get3A_797, %get3A_800 : vector<16xf32>
        %get3A_802 = arith.index_cast %add3A_735 : i32 to index
        %get3A_803 = arith.constant 80 : index
        %get3A_804 = tpu.vector_load %arg13[%get3A_802, %get3A_803] {strides = array<i32>} : memref<128x128xf32, #tpu.memory_space<vmem>>, vector<16xf32>,
        %mul3A_805 = arith.mulf %mul3A_801, %get3A_804 : vector<16xf32>
        %add3A_806 = arith.addf %add3A_794, %mul3A_805 : vector<16xf32>
        %get3A_807 = arith.index_cast %add3A_735 : i32 to index
        %get3A_808 = arith.constant 96 : index
        %get3A_809 = tpu.vector_load %arg11[%get3A_807, %get3A_808] {strides = array<i32>} : memref<128x128xf32, #tpu.memory_space<vmem>>, vector<16xf32>,
        %get3A_810 = arith.index_cast %add3A_735 : i32 to index
        %get3A_811 = arith.constant 96 : index
        %get3A_812 = tpu.vector_load %arg12[%get3A_810, %get3A_811] {strides = array<i32>} : memref<128x128xf32, #tpu.memory_space<vmem>>, vector<16xf32>,
        %mul3A_813 = arith.mulf %get3A_809, %get3A_812 : vector<16xf32>
        %get3A_814 = arith.index_cast %add3A_735 : i32 to index
        %get3A_815 = arith.constant 96 : index
        %get3A_816 = tpu.vector_load %arg13[%get3A_814, %get3A_815] {strides = array<i32>} : memref<128x128xf32, #tpu.memory_space<vmem>>, vector<16xf32>,
        %mul3A_817 = arith.mulf %mul3A_813, %get3A_816 : vector<16xf32>
        %add3A_818 = arith.addf %add3A_806, %mul3A_817 : vector<16xf32>
        %get3A_819 = arith.index_cast %add3A_735 : i32 to index
        %get3A_820 = arith.constant 112 : index
        %get3A_821 = tpu.vector_load %arg11[%get3A_819, %get3A_820] {strides = array<i32>} : memref<128x128xf32, #tpu.memory_space<vmem>>, vector<16xf32>,
        %get3A_822 = arith.index_cast %add3A_735 : i32 to index
        %get3A_823 = arith.constant 112 : index
        %get3A_824 = tpu.vector_load %arg12[%get3A_822, %get3A_823] {strides = array<i32>} : memref<128x128xf32, #tpu.memory_space<vmem>>, vector<16xf32>,
        %mul3A_825 = arith.mulf %get3A_821, %get3A_824 : vector<16xf32>
        %get3A_826 = arith.index_cast %add3A_735 : i32 to index
        %get3A_827 = arith.constant 112 : index
        %get3A_828 = tpu.vector_load %arg13[%get3A_826, %get3A_827] {strides = array<i32>} : memref<128x128xf32, #tpu.memory_space<vmem>>, vector<16xf32>,
        %mul3A_829 = arith.mulf %mul3A_825, %get3A_828 : vector<16xf32>
        %add3A_830 = arith.addf %add3A_818, %mul3A_829 : vector<16xf32>
        %mul3A_831 = arith.constant 16 : i32
        %mul3A_832 = vector.broadcast %mul3A_831 : i32 to vector<16xi32>
        %mul3A_833 = arith.muli %iota3A, %mul3A_832 : vector<16xi32>
        %add3A_834 = vector.broadcast %scan3A_731 : i32 to vector<16xi32>
        %add3A_835 = arith.addi %mul3A_833, %add3A_834 : vector<16xi32>
        tpu.vector_store_idx %arg17[%add3A_835], %add3A_830 : memref<256xf32, #tpu.memory_space<vmem>>[vector<16xi32>], vector<16xf32>,
        %scan3A_836 = arith.constant 0 : i32
        scf.yield %scan3A_836 : i32
      }
      %scan3A_678 = arith.constant 16 : i32
      %get3A = arith.constant 0 : index
      %get3A_679 = tpu.vector_load %arg17[%get3A] {strides = array<i32>} : memref<256xf32, #tpu.memory_space<vmem>>, vector<16xf32>,
      %get3A_680 = arith.constant 16 : index
      %get3A_681 = tpu.vector_load %arg17[%get3A_680] {strides = array<i32>} : memref<256xf32, #tpu.memory_space<vmem>>, vector<16xf32>,
      %add3A_682 = arith.addf %get3A_679, %get3A_681 : vector<16xf32>
      %get3A_683 = arith.constant 32 : index
      %get3A_684 = tpu.vector_load %arg17[%get3A_683] {strides = array<i32>} : memref<256xf32, #tpu.memory_space<vmem>>, vector<16xf32>,
      %add3A_685 = arith.addf %add3A_682, %get3A_684 : vector<16xf32>
      %get3A_686 = arith.constant 48 : index
      %get3A_687 = tpu.vector_load %arg17[%get3A_686] {strides = array<i32>} : memref<256xf32, #tpu.memory_space<vmem>>, vector<16xf32>,
      %add3A_688 = arith.addf %add3A_685, %get3A_687 : vector<16xf32>
      %get3A_689 = arith.constant 64 : index
      %get3A_690 = tpu.vector_load %arg17[%get3A_689] {strides = array<i32>} : memref<256xf32, #tpu.memory_space<vmem>>, vector<16xf32>,
      %add3A_691 = arith.addf %add3A_688, %get3A_690 : vector<16xf32>
      %get3A_692 = arith.constant 80 : index
      %get3A_693 = tpu.vector_load %arg17[%get3A_692] {strides = array<i32>} : memref<256xf32, #tpu.memory_space<vmem>>, vector<16xf32>,
      %add3A_694 = arith.addf %add3A_691, %get3A_693 : vector<16xf32>
      %get3A_695 = arith.constant 96 : index
      %get3A_696 = tpu.vector_load %arg17[%get3A_695] {strides = array<i32>} : memref<256xf32, #tpu.memory_space<vmem>>, vector<16xf32>,
      %add3A_697 = arith.addf %add3A_694, %get3A_696 : vector<16xf32>
      %get3A_698 = arith.constant 112 : index
      %get3A_699 = tpu.vector_load %arg17[%get3A_698] {strides = array<i32>} : memref<256xf32, #tpu.memory_space<vmem>>, vector<16xf32>,
      %add3A_700 = arith.addf %add3A_697, %get3A_699 : vector<16xf32>
      %get3A_701 = arith.constant 128 : index
      %get3A_702 = tpu.vector_load %arg17[%get3A_701] {strides = array<i32>} : memref<256xf32, #tpu.memory_space<vmem>>, vector<16xf32>,
      %add3A_703 = arith.addf %add3A_700, %get3A_702 : vector<16xf32>
      %get3A_704 = arith.constant 144 : index
      %get3A_705 = tpu.vector_load %arg17[%get3A_704] {strides = array<i32>} : memref<256xf32, #tpu.memory_space<vmem>>, vector<16xf32>,
      %add3A_706 = arith.addf %add3A_703, %get3A_705 : vector<16xf32>
      %get3A_707 = arith.constant 160 : index
      %get3A_708 = tpu.vector_load %arg17[%get3A_707] {strides = array<i32>} : memref<256xf32, #tpu.memory_space<vmem>>, vector<16xf32>,
      %add3A_709 = arith.addf %add3A_706, %get3A_708 : vector<16xf32>
      %get3A_710 = arith.constant 176 : index
      %get3A_711 = tpu.vector_load %arg17[%get3A_710] {strides = array<i32>} : memref<256xf32, #tpu.memory_space<vmem>>, vector<16xf32>,
      %add3A_712 = arith.addf %add3A_709, %get3A_711 : vector<16xf32>
      %get3A_713 = arith.constant 192 : index
      %get3A_714 = tpu.vector_load %arg17[%get3A_713] {strides = array<i32>} : memref<256xf32, #tpu.memory_space<vmem>>, vector<16xf32>,
      %add3A_715 = arith.addf %add3A_712, %get3A_714 : vector<16xf32>
      %get3A_716 = arith.constant 208 : index
      %get3A_717 = tpu.vector_load %arg17[%get3A_716] {strides = array<i32>} : memref<256xf32, #tpu.memory_space<vmem>>, vector<16xf32>,
      %add3A_718 = arith.addf %add3A_715, %get3A_717 : vector<16xf32>
      %get3A_719 = arith.constant 224 : index
      %get3A_720 = tpu.vector_load %arg17[%get3A_719] {strides = array<i32>} : memref<256xf32, #tpu.memory_space<vmem>>, vector<16xf32>,
      %add3A_721 = arith.addf %add3A_718, %get3A_720 : vector<16xf32>
      %get3A_722 = arith.constant 240 : index
      %get3A_723 = tpu.vector_load %arg17[%get3A_722] {strides = array<i32>} : memref<256xf32, #tpu.memory_space<vmem>>, vector<16xf32>,
      %add3A_724 = arith.addf %add3A_721, %get3A_723 : vector<16xf32>
      %mul3A_725 = arith.constant 16 : i32
      %mul3A_726 = arith.muli %scan3A_670, %mul3A_725 : i32
      %add3A_727 = arith.constant 256 : i32
      %add3A_728 = arith.addi %add3A_727, %mul3A_726 : i32
      %swap3A = arith.index_cast %add3A_728 : i32 to index
      %swap3A_729 = tpu.vector_load %arg18[%swap3A] {strides = array<i32>} : memref<2048xf32, #tpu.memory_space<vmem>>, vector<16xf32>,
      tpu.vector_store %arg18[%swap3A], %add3A_724 {strides = array<i32>} : memref<2048xf32, #tpu.memory_space<vmem>>, vector<16xf32>,
      %scan3A_730 = arith.constant 0 : i32
      scf.yield %scan3A_730 : i32
    }
    %scan3A_203 = arith.constant 8 : i32
    %dma_start3A_204 = arith.constant 512 : i32
    %dma_start3A_205 = tpu.memref_slice %arg8[%dma_start3A_204] : memref<2048xi32, #tpu.memory_space<vmem>> -> memref<128xi32, #tpu.memory_space<vmem>>
    %dma_start3A_206 = arith.constant 0 : i32
    %dma_start3A_207 = arith.constant 0 : i32
    %dma_start3A_208 = tpu.memref_slice %arg5[%dma_start3A_206, %dma_start3A_207] : memref<100000x128xf32, #tpu.memory_space<hbm>> -> memref<100000x128xf32, #tpu.memory_space<hbm>>
    tpu.enqueue_indirect_dma source(%dma_start3A_208 : memref<100000x128xf32, #tpu.memory_space<hbm>>) target(%arg11 : memref<128x128xf32, #tpu.memory_space<vmem>>) offsets(%dma_start3A_205 : memref<128xi32, #tpu.memory_space<vmem>>) semaphore(%arg20 : memref<!tpu.dma_semaphore, #tpu.memory_space<semaphore_mem>>)
    %dma_start3A_209 = arith.constant 512 : i32
    %dma_start3A_210 = tpu.memref_slice %arg9[%dma_start3A_209] : memref<2048xi32, #tpu.memory_space<vmem>> -> memref<128xi32, #tpu.memory_space<vmem>>
    %dma_start3A_211 = arith.constant 0 : i32
    %dma_start3A_212 = arith.constant 0 : i32
    %dma_start3A_213 = tpu.memref_slice %arg6[%dma_start3A_211, %dma_start3A_212] : memref<100000x128xf32, #tpu.memory_space<hbm>> -> memref<100000x128xf32, #tpu.memory_space<hbm>>
    tpu.enqueue_indirect_dma source(%dma_start3A_213 : memref<100000x128xf32, #tpu.memory_space<hbm>>) target(%arg12 : memref<128x128xf32, #tpu.memory_space<vmem>>) offsets(%dma_start3A_210 : memref<128xi32, #tpu.memory_space<vmem>>) semaphore(%arg20 : memref<!tpu.dma_semaphore, #tpu.memory_space<semaphore_mem>>)
    %dma_start3A_214 = arith.constant 512 : i32
    %dma_start3A_215 = tpu.memref_slice %arg10[%dma_start3A_214] : memref<2048xi32, #tpu.memory_space<vmem>> -> memref<128xi32, #tpu.memory_space<vmem>>
    %dma_start3A_216 = arith.constant 0 : i32
    %dma_start3A_217 = arith.constant 0 : i32
    %dma_start3A_218 = tpu.memref_slice %arg5[%dma_start3A_216, %dma_start3A_217] : memref<100000x128xf32, #tpu.memory_space<hbm>> -> memref<100000x128xf32, #tpu.memory_space<hbm>>
    tpu.enqueue_indirect_dma source(%dma_start3A_218 : memref<100000x128xf32, #tpu.memory_space<hbm>>) target(%arg13 : memref<128x128xf32, #tpu.memory_space<vmem>>) offsets(%dma_start3A_215 : memref<128xi32, #tpu.memory_space<vmem>>) semaphore(%arg20 : memref<!tpu.dma_semaphore, #tpu.memory_space<semaphore_mem>>)
    %dma_wait3A_219 = arith.constant 384 : i32
    %dma_wait3A_220 = tpu.memref_slice %arg8[%dma_wait3A_219] : memref<2048xi32, #tpu.memory_space<vmem>> -> memref<128xi32, #tpu.memory_space<vmem>>
    %dma_wait3A_221 = arith.constant 0 : i32
    %dma_wait3A_222 = arith.constant 0 : i32
    %dma_wait3A_223 = tpu.memref_slice %arg5[%dma_wait3A_221, %dma_wait3A_222] : memref<100000x128xf32, #tpu.memory_space<hbm>> -> memref<100000x128xf32, #tpu.memory_space<hbm>>
    tpu.wait_indirect_dma semaphore(%arg21 : memref<!tpu.dma_semaphore, #tpu.memory_space<semaphore_mem>>) src(%dma_wait3A_223 : memref<100000x128xf32, #tpu.memory_space<hbm>>) dst(%arg14 : memref<128x128xf32, #tpu.memory_space<vmem>>)
    %dma_wait3A_224 = arith.constant 384 : i32
    %dma_wait3A_225 = tpu.memref_slice %arg9[%dma_wait3A_224] : memref<2048xi32, #tpu.memory_space<vmem>> -> memref<128xi32, #tpu.memory_space<vmem>>
    %dma_wait3A_226 = arith.constant 0 : i32
    %dma_wait3A_227 = arith.constant 0 : i32
    %dma_wait3A_228 = tpu.memref_slice %arg6[%dma_wait3A_226, %dma_wait3A_227] : memref<100000x128xf32, #tpu.memory_space<hbm>> -> memref<100000x128xf32, #tpu.memory_space<hbm>>
    tpu.wait_indirect_dma semaphore(%arg21 : memref<!tpu.dma_semaphore, #tpu.memory_space<semaphore_mem>>) src(%dma_wait3A_228 : memref<100000x128xf32, #tpu.memory_space<hbm>>) dst(%arg15 : memref<128x128xf32, #tpu.memory_space<vmem>>)
    %dma_wait3A_229 = arith.constant 384 : i32
    %dma_wait3A_230 = tpu.memref_slice %arg10[%dma_wait3A_229] : memref<2048xi32, #tpu.memory_space<vmem>> -> memref<128xi32, #tpu.memory_space<vmem>>
    %dma_wait3A_231 = arith.constant 0 : i32
    %dma_wait3A_232 = arith.constant 0 : i32
    %dma_wait3A_233 = tpu.memref_slice %arg5[%dma_wait3A_231, %dma_wait3A_232] : memref<100000x128xf32, #tpu.memory_space<hbm>> -> memref<100000x128xf32, #tpu.memory_space<hbm>>
    tpu.wait_indirect_dma semaphore(%arg21 : memref<!tpu.dma_semaphore, #tpu.memory_space<semaphore_mem>>) src(%dma_wait3A_233 : memref<100000x128xf32, #tpu.memory_space<hbm>>) dst(%arg16 : memref<128x128xf32, #tpu.memory_space<vmem>>)
    %scan3A_234 = arith.constant 0 : i32
    %scan3A_235 = arith.constant 0 : i32
    %scan3A_236 = arith.constant 8 : i32
    %scan3A_237 = arith.addi %scan3A_235, %scan3A_236 : i32
    %scan3A_238 = arith.constant 1 : i32
    %scan3A_239 = scf.for %scan3A_670 = %scan3A_235 to %scan3A_237 step %scan3A_238 iter_args(%scan3A_671 = %scan3A_234) -> (i32)  : i32 {
      %scan3A_672 = arith.constant 0 : i32
      %scan3A_673 = arith.constant 0 : i32
      %scan3A_674 = arith.constant 16 : i32
      %scan3A_675 = arith.addi %scan3A_673, %scan3A_674 : i32
      %scan3A_676 = arith.constant 1 : i32
      %scan3A_677 = scf.for %scan3A_731 = %scan3A_673 to %scan3A_675 step %scan3A_676 iter_args(%scan3A_732 = %scan3A_672) -> (i32)  : i32 {
        %mul3A_733 = arith.constant 16 : i32
        %mul3A_734 = arith.muli %scan3A_670, %mul3A_733 : i32
        %add3A_735 = arith.addi %mul3A_734, %scan3A_731 : i32
        %get3A_736 = arith.index_cast %add3A_735 : i32 to index
        %get3A_737 = arith.constant 0 : index
        %get3A_738 = tpu.vector_load %arg14[%get3A_736, %get3A_737] {strides = array<i32>} : memref<128x128xf32, #tpu.memory_space<vmem>>, vector<16xf32>,
        %get3A_739 = arith.index_cast %add3A_735 : i32 to index
        %get3A_740 = arith.constant 0 : index
        %get3A_741 = tpu.vector_load %arg15[%get3A_739, %get3A_740] {strides = array<i32>} : memref<128x128xf32, #tpu.memory_space<vmem>>, vector<16xf32>,
        %mul3A_742 = arith.mulf %get3A_738, %get3A_741 : vector<16xf32>
        %get3A_743 = arith.index_cast %add3A_735 : i32 to index
        %get3A_744 = arith.constant 0 : index
        %get3A_745 = tpu.vector_load %arg16[%get3A_743, %get3A_744] {strides = array<i32>} : memref<128x128xf32, #tpu.memory_space<vmem>>, vector<16xf32>,
        %mul3A_746 = arith.mulf %mul3A_742, %get3A_745 : vector<16xf32>
        %get3A_747 = arith.index_cast %add3A_735 : i32 to index
        %get3A_748 = arith.constant 16 : index
        %get3A_749 = tpu.vector_load %arg14[%get3A_747, %get3A_748] {strides = array<i32>} : memref<128x128xf32, #tpu.memory_space<vmem>>, vector<16xf32>,
        %get3A_750 = arith.index_cast %add3A_735 : i32 to index
        %get3A_751 = arith.constant 16 : index
        %get3A_752 = tpu.vector_load %arg15[%get3A_750, %get3A_751] {strides = array<i32>} : memref<128x128xf32, #tpu.memory_space<vmem>>, vector<16xf32>,
        %mul3A_753 = arith.mulf %get3A_749, %get3A_752 : vector<16xf32>
        %get3A_754 = arith.index_cast %add3A_735 : i32 to index
        %get3A_755 = arith.constant 16 : index
        %get3A_756 = tpu.vector_load %arg16[%get3A_754, %get3A_755] {strides = array<i32>} : memref<128x128xf32, #tpu.memory_space<vmem>>, vector<16xf32>,
        %mul3A_757 = arith.mulf %mul3A_753, %get3A_756 : vector<16xf32>
        %add3A_758 = arith.addf %mul3A_746, %mul3A_757 : vector<16xf32>
        %get3A_759 = arith.index_cast %add3A_735 : i32 to index
        %get3A_760 = arith.constant 32 : index
        %get3A_761 = tpu.vector_load %arg14[%get3A_759, %get3A_760] {strides = array<i32>} : memref<128x128xf32, #tpu.memory_space<vmem>>, vector<16xf32>,
        %get3A_762 = arith.index_cast %add3A_735 : i32 to index
        %get3A_763 = arith.constant 32 : index
        %get3A_764 = tpu.vector_load %arg15[%get3A_762, %get3A_763] {strides = array<i32>} : memref<128x128xf32, #tpu.memory_space<vmem>>, vector<16xf32>,
        %mul3A_765 = arith.mulf %get3A_761, %get3A_764 : vector<16xf32>
        %get3A_766 = arith.index_cast %add3A_735 : i32 to index
        %get3A_767 = arith.constant 32 : index
        %get3A_768 = tpu.vector_load %arg16[%get3A_766, %get3A_767] {strides = array<i32>} : memref<128x128xf32, #tpu.memory_space<vmem>>, vector<16xf32>,
        %mul3A_769 = arith.mulf %mul3A_765, %get3A_768 : vector<16xf32>
        %add3A_770 = arith.addf %add3A_758, %mul3A_769 : vector<16xf32>
        %get3A_771 = arith.index_cast %add3A_735 : i32 to index
        %get3A_772 = arith.constant 48 : index
        %get3A_773 = tpu.vector_load %arg14[%get3A_771, %get3A_772] {strides = array<i32>} : memref<128x128xf32, #tpu.memory_space<vmem>>, vector<16xf32>,
        %get3A_774 = arith.index_cast %add3A_735 : i32 to index
        %get3A_775 = arith.constant 48 : index
        %get3A_776 = tpu.vector_load %arg15[%get3A_774, %get3A_775] {strides = array<i32>} : memref<128x128xf32, #tpu.memory_space<vmem>>, vector<16xf32>,
        %mul3A_777 = arith.mulf %get3A_773, %get3A_776 : vector<16xf32>
        %get3A_778 = arith.index_cast %add3A_735 : i32 to index
        %get3A_779 = arith.constant 48 : index
        %get3A_780 = tpu.vector_load %arg16[%get3A_778, %get3A_779] {strides = array<i32>} : memref<128x128xf32, #tpu.memory_space<vmem>>, vector<16xf32>,
        %mul3A_781 = arith.mulf %mul3A_777, %get3A_780 : vector<16xf32>
        %add3A_782 = arith.addf %add3A_770, %mul3A_781 : vector<16xf32>
        %get3A_783 = arith.index_cast %add3A_735 : i32 to index
        %get3A_784 = arith.constant 64 : index
        %get3A_785 = tpu.vector_load %arg14[%get3A_783, %get3A_784] {strides = array<i32>} : memref<128x128xf32, #tpu.memory_space<vmem>>, vector<16xf32>,
        %get3A_786 = arith.index_cast %add3A_735 : i32 to index
        %get3A_787 = arith.constant 64 : index
        %get3A_788 = tpu.vector_load %arg15[%get3A_786, %get3A_787] {strides = array<i32>} : memref<128x128xf32, #tpu.memory_space<vmem>>, vector<16xf32>,
        %mul3A_789 = arith.mulf %get3A_785, %get3A_788 : vector<16xf32>
        %get3A_790 = arith.index_cast %add3A_735 : i32 to index
        %get3A_791 = arith.constant 64 : index
        %get3A_792 = tpu.vector_load %arg16[%get3A_790, %get3A_791] {strides = array<i32>} : memref<128x128xf32, #tpu.memory_space<vmem>>, vector<16xf32>,
        %mul3A_793 = arith.mulf %mul3A_789, %get3A_792 : vector<16xf32>
        %add3A_794 = arith.addf %add3A_782, %mul3A_793 : vector<16xf32>
        %get3A_795 = arith.index_cast %add3A_735 : i32 to index
        %get3A_796 = arith.constant 80 : index
        %get3A_797 = tpu.vector_load %arg14[%get3A_795, %get3A_796] {strides = array<i32>} : memref<128x128xf32, #tpu.memory_space<vmem>>, vector<16xf32>,
        %get3A_798 = arith.index_cast %add3A_735 : i32 to index
        %get3A_799 = arith.constant 80 : index
        %get3A_800 = tpu.vector_load %arg15[%get3A_798, %get3A_799] {strides = array<i32>} : memref<128x128xf32, #tpu.memory_space<vmem>>, vector<16xf32>,
        %mul3A_801 = arith.mulf %get3A_797, %get3A_800 : vector<16xf32>
        %get3A_802 = arith.index_cast %add3A_735 : i32 to index
        %get3A_803 = arith.constant 80 : index
        %get3A_804 = tpu.vector_load %arg16[%get3A_802, %get3A_803] {strides = array<i32>} : memref<128x128xf32, #tpu.memory_space<vmem>>, vector<16xf32>,
        %mul3A_805 = arith.mulf %mul3A_801, %get3A_804 : vector<16xf32>
        %add3A_806 = arith.addf %add3A_794, %mul3A_805 : vector<16xf32>
        %get3A_807 = arith.index_cast %add3A_735 : i32 to index
        %get3A_808 = arith.constant 96 : index
        %get3A_809 = tpu.vector_load %arg14[%get3A_807, %get3A_808] {strides = array<i32>} : memref<128x128xf32, #tpu.memory_space<vmem>>, vector<16xf32>,
        %get3A_810 = arith.index_cast %add3A_735 : i32 to index
        %get3A_811 = arith.constant 96 : index
        %get3A_812 = tpu.vector_load %arg15[%get3A_810, %get3A_811] {strides = array<i32>} : memref<128x128xf32, #tpu.memory_space<vmem>>, vector<16xf32>,
        %mul3A_813 = arith.mulf %get3A_809, %get3A_812 : vector<16xf32>
        %get3A_814 = arith.index_cast %add3A_735 : i32 to index
        %get3A_815 = arith.constant 96 : index
        %get3A_816 = tpu.vector_load %arg16[%get3A_814, %get3A_815] {strides = array<i32>} : memref<128x128xf32, #tpu.memory_space<vmem>>, vector<16xf32>,
        %mul3A_817 = arith.mulf %mul3A_813, %get3A_816 : vector<16xf32>
        %add3A_818 = arith.addf %add3A_806, %mul3A_817 : vector<16xf32>
        %get3A_819 = arith.index_cast %add3A_735 : i32 to index
        %get3A_820 = arith.constant 112 : index
        %get3A_821 = tpu.vector_load %arg14[%get3A_819, %get3A_820] {strides = array<i32>} : memref<128x128xf32, #tpu.memory_space<vmem>>, vector<16xf32>,
        %get3A_822 = arith.index_cast %add3A_735 : i32 to index
        %get3A_823 = arith.constant 112 : index
        %get3A_824 = tpu.vector_load %arg15[%get3A_822, %get3A_823] {strides = array<i32>} : memref<128x128xf32, #tpu.memory_space<vmem>>, vector<16xf32>,
        %mul3A_825 = arith.mulf %get3A_821, %get3A_824 : vector<16xf32>
        %get3A_826 = arith.index_cast %add3A_735 : i32 to index
        %get3A_827 = arith.constant 112 : index
        %get3A_828 = tpu.vector_load %arg16[%get3A_826, %get3A_827] {strides = array<i32>} : memref<128x128xf32, #tpu.memory_space<vmem>>, vector<16xf32>,
        %mul3A_829 = arith.mulf %mul3A_825, %get3A_828 : vector<16xf32>
        %add3A_830 = arith.addf %add3A_818, %mul3A_829 : vector<16xf32>
        %mul3A_831 = arith.constant 16 : i32
        %mul3A_832 = vector.broadcast %mul3A_831 : i32 to vector<16xi32>
        %mul3A_833 = arith.muli %iota3A, %mul3A_832 : vector<16xi32>
        %add3A_834 = vector.broadcast %scan3A_731 : i32 to vector<16xi32>
        %add3A_835 = arith.addi %mul3A_833, %add3A_834 : vector<16xi32>
        tpu.vector_store_idx %arg17[%add3A_835], %add3A_830 : memref<256xf32, #tpu.memory_space<vmem>>[vector<16xi32>], vector<16xf32>,
        %scan3A_836 = arith.constant 0 : i32
        scf.yield %scan3A_836 : i32
      }
      %scan3A_678 = arith.constant 16 : i32
      %get3A = arith.constant 0 : index
      %get3A_679 = tpu.vector_load %arg17[%get3A] {strides = array<i32>} : memref<256xf32, #tpu.memory_space<vmem>>, vector<16xf32>,
      %get3A_680 = arith.constant 16 : index
      %get3A_681 = tpu.vector_load %arg17[%get3A_680] {strides = array<i32>} : memref<256xf32, #tpu.memory_space<vmem>>, vector<16xf32>,
      %add3A_682 = arith.addf %get3A_679, %get3A_681 : vector<16xf32>
      %get3A_683 = arith.constant 32 : index
      %get3A_684 = tpu.vector_load %arg17[%get3A_683] {strides = array<i32>} : memref<256xf32, #tpu.memory_space<vmem>>, vector<16xf32>,
      %add3A_685 = arith.addf %add3A_682, %get3A_684 : vector<16xf32>
      %get3A_686 = arith.constant 48 : index
      %get3A_687 = tpu.vector_load %arg17[%get3A_686] {strides = array<i32>} : memref<256xf32, #tpu.memory_space<vmem>>, vector<16xf32>,
      %add3A_688 = arith.addf %add3A_685, %get3A_687 : vector<16xf32>
      %get3A_689 = arith.constant 64 : index
      %get3A_690 = tpu.vector_load %arg17[%get3A_689] {strides = array<i32>} : memref<256xf32, #tpu.memory_space<vmem>>, vector<16xf32>,
      %add3A_691 = arith.addf %add3A_688, %get3A_690 : vector<16xf32>
      %get3A_692 = arith.constant 80 : index
      %get3A_693 = tpu.vector_load %arg17[%get3A_692] {strides = array<i32>} : memref<256xf32, #tpu.memory_space<vmem>>, vector<16xf32>,
      %add3A_694 = arith.addf %add3A_691, %get3A_693 : vector<16xf32>
      %get3A_695 = arith.constant 96 : index
      %get3A_696 = tpu.vector_load %arg17[%get3A_695] {strides = array<i32>} : memref<256xf32, #tpu.memory_space<vmem>>, vector<16xf32>,
      %add3A_697 = arith.addf %add3A_694, %get3A_696 : vector<16xf32>
      %get3A_698 = arith.constant 112 : index
      %get3A_699 = tpu.vector_load %arg17[%get3A_698] {strides = array<i32>} : memref<256xf32, #tpu.memory_space<vmem>>, vector<16xf32>,
      %add3A_700 = arith.addf %add3A_697, %get3A_699 : vector<16xf32>
      %get3A_701 = arith.constant 128 : index
      %get3A_702 = tpu.vector_load %arg17[%get3A_701] {strides = array<i32>} : memref<256xf32, #tpu.memory_space<vmem>>, vector<16xf32>,
      %add3A_703 = arith.addf %add3A_700, %get3A_702 : vector<16xf32>
      %get3A_704 = arith.constant 144 : index
      %get3A_705 = tpu.vector_load %arg17[%get3A_704] {strides = array<i32>} : memref<256xf32, #tpu.memory_space<vmem>>, vector<16xf32>,
      %add3A_706 = arith.addf %add3A_703, %get3A_705 : vector<16xf32>
      %get3A_707 = arith.constant 160 : index
      %get3A_708 = tpu.vector_load %arg17[%get3A_707] {strides = array<i32>} : memref<256xf32, #tpu.memory_space<vmem>>, vector<16xf32>,
      %add3A_709 = arith.addf %add3A_706, %get3A_708 : vector<16xf32>
      %get3A_710 = arith.constant 176 : index
      %get3A_711 = tpu.vector_load %arg17[%get3A_710] {strides = array<i32>} : memref<256xf32, #tpu.memory_space<vmem>>, vector<16xf32>,
      %add3A_712 = arith.addf %add3A_709, %get3A_711 : vector<16xf32>
      %get3A_713 = arith.constant 192 : index
      %get3A_714 = tpu.vector_load %arg17[%get3A_713] {strides = array<i32>} : memref<256xf32, #tpu.memory_space<vmem>>, vector<16xf32>,
      %add3A_715 = arith.addf %add3A_712, %get3A_714 : vector<16xf32>
      %get3A_716 = arith.constant 208 : index
      %get3A_717 = tpu.vector_load %arg17[%get3A_716] {strides = array<i32>} : memref<256xf32, #tpu.memory_space<vmem>>, vector<16xf32>,
      %add3A_718 = arith.addf %add3A_715, %get3A_717 : vector<16xf32>
      %get3A_719 = arith.constant 224 : index
      %get3A_720 = tpu.vector_load %arg17[%get3A_719] {strides = array<i32>} : memref<256xf32, #tpu.memory_space<vmem>>, vector<16xf32>,
      %add3A_721 = arith.addf %add3A_718, %get3A_720 : vector<16xf32>
      %get3A_722 = arith.constant 240 : index
      %get3A_723 = tpu.vector_load %arg17[%get3A_722] {strides = array<i32>} : memref<256xf32, #tpu.memory_space<vmem>>, vector<16xf32>,
      %add3A_724 = arith.addf %add3A_721, %get3A_723 : vector<16xf32>
      %mul3A_725 = arith.constant 16 : i32
      %mul3A_726 = arith.muli %scan3A_670, %mul3A_725 : i32
      %add3A_727 = arith.constant 384 : i32
      %add3A_728 = arith.addi %add3A_727, %mul3A_726 : i32
      %swap3A = arith.index_cast %add3A_728 : i32 to index
      %swap3A_729 = tpu.vector_load %arg18[%swap3A] {strides = array<i32>} : memref<2048xf32, #tpu.memory_space<vmem>>, vector<16xf32>,
      tpu.vector_store %arg18[%swap3A], %add3A_724 {strides = array<i32>} : memref<2048xf32, #tpu.memory_space<vmem>>, vector<16xf32>,
      %scan3A_730 = arith.constant 0 : i32
      scf.yield %scan3A_730 : i32
    }
    %scan3A_240 = arith.constant 8 : i32
    %dma_start3A_241 = arith.constant 640 : i32
    %dma_start3A_242 = tpu.memref_slice %arg8[%dma_start3A_241] : memref<2048xi32, #tpu.memory_space<vmem>> -> memref<128xi32, #tpu.memory_space<vmem>>
    %dma_start3A_243 = arith.constant 0 : i32
    %dma_start3A_244 = arith.constant 0 : i32
    %dma_start3A_245 = tpu.memref_slice %arg5[%dma_start3A_243, %dma_start3A_244] : memref<100000x128xf32, #tpu.memory_space<hbm>> -> memref<100000x128xf32, #tpu.memory_space<hbm>>
    tpu.enqueue_indirect_dma source(%dma_start3A_245 : memref<100000x128xf32, #tpu.memory_space<hbm>>) target(%arg14 : memref<128x128xf32, #tpu.memory_space<vmem>>) offsets(%dma_start3A_242 : memref<128xi32, #tpu.memory_space<vmem>>) semaphore(%arg21 : memref<!tpu.dma_semaphore, #tpu.memory_space<semaphore_mem>>)
    %dma_start3A_246 = arith.constant 640 : i32
    %dma_start3A_247 = tpu.memref_slice %arg9[%dma_start3A_246] : memref<2048xi32, #tpu.memory_space<vmem>> -> memref<128xi32, #tpu.memory_space<vmem>>
    %dma_start3A_248 = arith.constant 0 : i32
    %dma_start3A_249 = arith.constant 0 : i32
    %dma_start3A_250 = tpu.memref_slice %arg6[%dma_start3A_248, %dma_start3A_249] : memref<100000x128xf32, #tpu.memory_space<hbm>> -> memref<100000x128xf32, #tpu.memory_space<hbm>>
    tpu.enqueue_indirect_dma source(%dma_start3A_250 : memref<100000x128xf32, #tpu.memory_space<hbm>>) target(%arg15 : memref<128x128xf32, #tpu.memory_space<vmem>>) offsets(%dma_start3A_247 : memref<128xi32, #tpu.memory_space<vmem>>) semaphore(%arg21 : memref<!tpu.dma_semaphore, #tpu.memory_space<semaphore_mem>>)
    %dma_start3A_251 = arith.constant 640 : i32
    %dma_start3A_252 = tpu.memref_slice %arg10[%dma_start3A_251] : memref<2048xi32, #tpu.memory_space<vmem>> -> memref<128xi32, #tpu.memory_space<vmem>>
    %dma_start3A_253 = arith.constant 0 : i32
    %dma_start3A_254 = arith.constant 0 : i32
    %dma_start3A_255 = tpu.memref_slice %arg5[%dma_start3A_253, %dma_start3A_254] : memref<100000x128xf32, #tpu.memory_space<hbm>> -> memref<100000x128xf32, #tpu.memory_space<hbm>>
    tpu.enqueue_indirect_dma source(%dma_start3A_255 : memref<100000x128xf32, #tpu.memory_space<hbm>>) target(%arg16 : memref<128x128xf32, #tpu.memory_space<vmem>>) offsets(%dma_start3A_252 : memref<128xi32, #tpu.memory_space<vmem>>) semaphore(%arg21 : memref<!tpu.dma_semaphore, #tpu.memory_space<semaphore_mem>>)
    %dma_wait3A_256 = arith.constant 512 : i32
    %dma_wait3A_257 = tpu.memref_slice %arg8[%dma_wait3A_256] : memref<2048xi32, #tpu.memory_space<vmem>> -> memref<128xi32, #tpu.memory_space<vmem>>
    %dma_wait3A_258 = arith.constant 0 : i32
    %dma_wait3A_259 = arith.constant 0 : i32
    %dma_wait3A_260 = tpu.memref_slice %arg5[%dma_wait3A_258, %dma_wait3A_259] : memref<100000x128xf32, #tpu.memory_space<hbm>> -> memref<100000x128xf32, #tpu.memory_space<hbm>>
    tpu.wait_indirect_dma semaphore(%arg20 : memref<!tpu.dma_semaphore, #tpu.memory_space<semaphore_mem>>) src(%dma_wait3A_260 : memref<100000x128xf32, #tpu.memory_space<hbm>>) dst(%arg11 : memref<128x128xf32, #tpu.memory_space<vmem>>)
    %dma_wait3A_261 = arith.constant 512 : i32
    %dma_wait3A_262 = tpu.memref_slice %arg9[%dma_wait3A_261] : memref<2048xi32, #tpu.memory_space<vmem>> -> memref<128xi32, #tpu.memory_space<vmem>>
    %dma_wait3A_263 = arith.constant 0 : i32
    %dma_wait3A_264 = arith.constant 0 : i32
    %dma_wait3A_265 = tpu.memref_slice %arg6[%dma_wait3A_263, %dma_wait3A_264] : memref<100000x128xf32, #tpu.memory_space<hbm>> -> memref<100000x128xf32, #tpu.memory_space<hbm>>
    tpu.wait_indirect_dma semaphore(%arg20 : memref<!tpu.dma_semaphore, #tpu.memory_space<semaphore_mem>>) src(%dma_wait3A_265 : memref<100000x128xf32, #tpu.memory_space<hbm>>) dst(%arg12 : memref<128x128xf32, #tpu.memory_space<vmem>>)
    %dma_wait3A_266 = arith.constant 512 : i32
    %dma_wait3A_267 = tpu.memref_slice %arg10[%dma_wait3A_266] : memref<2048xi32, #tpu.memory_space<vmem>> -> memref<128xi32, #tpu.memory_space<vmem>>
    %dma_wait3A_268 = arith.constant 0 : i32
    %dma_wait3A_269 = arith.constant 0 : i32
    %dma_wait3A_270 = tpu.memref_slice %arg5[%dma_wait3A_268, %dma_wait3A_269] : memref<100000x128xf32, #tpu.memory_space<hbm>> -> memref<100000x128xf32, #tpu.memory_space<hbm>>
    tpu.wait_indirect_dma semaphore(%arg20 : memref<!tpu.dma_semaphore, #tpu.memory_space<semaphore_mem>>) src(%dma_wait3A_270 : memref<100000x128xf32, #tpu.memory_space<hbm>>) dst(%arg13 : memref<128x128xf32, #tpu.memory_space<vmem>>)
    %scan3A_271 = arith.constant 0 : i32
    %scan3A_272 = arith.constant 0 : i32
    %scan3A_273 = arith.constant 8 : i32
    %scan3A_274 = arith.addi %scan3A_272, %scan3A_273 : i32
    %scan3A_275 = arith.constant 1 : i32
    %scan3A_276 = scf.for %scan3A_670 = %scan3A_272 to %scan3A_274 step %scan3A_275 iter_args(%scan3A_671 = %scan3A_271) -> (i32)  : i32 {
      %scan3A_672 = arith.constant 0 : i32
      %scan3A_673 = arith.constant 0 : i32
      %scan3A_674 = arith.constant 16 : i32
      %scan3A_675 = arith.addi %scan3A_673, %scan3A_674 : i32
      %scan3A_676 = arith.constant 1 : i32
      %scan3A_677 = scf.for %scan3A_731 = %scan3A_673 to %scan3A_675 step %scan3A_676 iter_args(%scan3A_732 = %scan3A_672) -> (i32)  : i32 {
        %mul3A_733 = arith.constant 16 : i32
        %mul3A_734 = arith.muli %scan3A_670, %mul3A_733 : i32
        %add3A_735 = arith.addi %mul3A_734, %scan3A_731 : i32
        %get3A_736 = arith.index_cast %add3A_735 : i32 to index
        %get3A_737 = arith.constant 0 : index
        %get3A_738 = tpu.vector_load %arg11[%get3A_736, %get3A_737] {strides = array<i32>} : memref<128x128xf32, #tpu.memory_space<vmem>>, vector<16xf32>,
        %get3A_739 = arith.index_cast %add3A_735 : i32 to index
        %get3A_740 = arith.constant 0 : index
        %get3A_741 = tpu.vector_load %arg12[%get3A_739, %get3A_740] {strides = array<i32>} : memref<128x128xf32, #tpu.memory_space<vmem>>, vector<16xf32>,
        %mul3A_742 = arith.mulf %get3A_738, %get3A_741 : vector<16xf32>
        %get3A_743 = arith.index_cast %add3A_735 : i32 to index
        %get3A_744 = arith.constant 0 : index
        %get3A_745 = tpu.vector_load %arg13[%get3A_743, %get3A_744] {strides = array<i32>} : memref<128x128xf32, #tpu.memory_space<vmem>>, vector<16xf32>,
        %mul3A_746 = arith.mulf %mul3A_742, %get3A_745 : vector<16xf32>
        %get3A_747 = arith.index_cast %add3A_735 : i32 to index
        %get3A_748 = arith.constant 16 : index
        %get3A_749 = tpu.vector_load %arg11[%get3A_747, %get3A_748] {strides = array<i32>} : memref<128x128xf32, #tpu.memory_space<vmem>>, vector<16xf32>,
        %get3A_750 = arith.index_cast %add3A_735 : i32 to index
        %get3A_751 = arith.constant 16 : index
        %get3A_752 = tpu.vector_load %arg12[%get3A_750, %get3A_751] {strides = array<i32>} : memref<128x128xf32, #tpu.memory_space<vmem>>, vector<16xf32>,
        %mul3A_753 = arith.mulf %get3A_749, %get3A_752 : vector<16xf32>
        %get3A_754 = arith.index_cast %add3A_735 : i32 to index
        %get3A_755 = arith.constant 16 : index
        %get3A_756 = tpu.vector_load %arg13[%get3A_754, %get3A_755] {strides = array<i32>} : memref<128x128xf32, #tpu.memory_space<vmem>>, vector<16xf32>,
        %mul3A_757 = arith.mulf %mul3A_753, %get3A_756 : vector<16xf32>
        %add3A_758 = arith.addf %mul3A_746, %mul3A_757 : vector<16xf32>
        %get3A_759 = arith.index_cast %add3A_735 : i32 to index
        %get3A_760 = arith.constant 32 : index
        %get3A_761 = tpu.vector_load %arg11[%get3A_759, %get3A_760] {strides = array<i32>} : memref<128x128xf32, #tpu.memory_space<vmem>>, vector<16xf32>,
        %get3A_762 = arith.index_cast %add3A_735 : i32 to index
        %get3A_763 = arith.constant 32 : index
        %get3A_764 = tpu.vector_load %arg12[%get3A_762, %get3A_763] {strides = array<i32>} : memref<128x128xf32, #tpu.memory_space<vmem>>, vector<16xf32>,
        %mul3A_765 = arith.mulf %get3A_761, %get3A_764 : vector<16xf32>
        %get3A_766 = arith.index_cast %add3A_735 : i32 to index
        %get3A_767 = arith.constant 32 : index
        %get3A_768 = tpu.vector_load %arg13[%get3A_766, %get3A_767] {strides = array<i32>} : memref<128x128xf32, #tpu.memory_space<vmem>>, vector<16xf32>,
        %mul3A_769 = arith.mulf %mul3A_765, %get3A_768 : vector<16xf32>
        %add3A_770 = arith.addf %add3A_758, %mul3A_769 : vector<16xf32>
        %get3A_771 = arith.index_cast %add3A_735 : i32 to index
        %get3A_772 = arith.constant 48 : index
        %get3A_773 = tpu.vector_load %arg11[%get3A_771, %get3A_772] {strides = array<i32>} : memref<128x128xf32, #tpu.memory_space<vmem>>, vector<16xf32>,
        %get3A_774 = arith.index_cast %add3A_735 : i32 to index
        %get3A_775 = arith.constant 48 : index
        %get3A_776 = tpu.vector_load %arg12[%get3A_774, %get3A_775] {strides = array<i32>} : memref<128x128xf32, #tpu.memory_space<vmem>>, vector<16xf32>,
        %mul3A_777 = arith.mulf %get3A_773, %get3A_776 : vector<16xf32>
        %get3A_778 = arith.index_cast %add3A_735 : i32 to index
        %get3A_779 = arith.constant 48 : index
        %get3A_780 = tpu.vector_load %arg13[%get3A_778, %get3A_779] {strides = array<i32>} : memref<128x128xf32, #tpu.memory_space<vmem>>, vector<16xf32>,
        %mul3A_781 = arith.mulf %mul3A_777, %get3A_780 : vector<16xf32>
        %add3A_782 = arith.addf %add3A_770, %mul3A_781 : vector<16xf32>
        %get3A_783 = arith.index_cast %add3A_735 : i32 to index
        %get3A_784 = arith.constant 64 : index
        %get3A_785 = tpu.vector_load %arg11[%get3A_783, %get3A_784] {strides = array<i32>} : memref<128x128xf32, #tpu.memory_space<vmem>>, vector<16xf32>,
        %get3A_786 = arith.index_cast %add3A_735 : i32 to index
        %get3A_787 = arith.constant 64 : index
        %get3A_788 = tpu.vector_load %arg12[%get3A_786, %get3A_787] {strides = array<i32>} : memref<128x128xf32, #tpu.memory_space<vmem>>, vector<16xf32>,
        %mul3A_789 = arith.mulf %get3A_785, %get3A_788 : vector<16xf32>
        %get3A_790 = arith.index_cast %add3A_735 : i32 to index
        %get3A_791 = arith.constant 64 : index
        %get3A_792 = tpu.vector_load %arg13[%get3A_790, %get3A_791] {strides = array<i32>} : memref<128x128xf32, #tpu.memory_space<vmem>>, vector<16xf32>,
        %mul3A_793 = arith.mulf %mul3A_789, %get3A_792 : vector<16xf32>
        %add3A_794 = arith.addf %add3A_782, %mul3A_793 : vector<16xf32>
        %get3A_795 = arith.index_cast %add3A_735 : i32 to index
        %get3A_796 = arith.constant 80 : index
        %get3A_797 = tpu.vector_load %arg11[%get3A_795, %get3A_796] {strides = array<i32>} : memref<128x128xf32, #tpu.memory_space<vmem>>, vector<16xf32>,
        %get3A_798 = arith.index_cast %add3A_735 : i32 to index
        %get3A_799 = arith.constant 80 : index
        %get3A_800 = tpu.vector_load %arg12[%get3A_798, %get3A_799] {strides = array<i32>} : memref<128x128xf32, #tpu.memory_space<vmem>>, vector<16xf32>,
        %mul3A_801 = arith.mulf %get3A_797, %get3A_800 : vector<16xf32>
        %get3A_802 = arith.index_cast %add3A_735 : i32 to index
        %get3A_803 = arith.constant 80 : index
        %get3A_804 = tpu.vector_load %arg13[%get3A_802, %get3A_803] {strides = array<i32>} : memref<128x128xf32, #tpu.memory_space<vmem>>, vector<16xf32>,
        %mul3A_805 = arith.mulf %mul3A_801, %get3A_804 : vector<16xf32>
        %add3A_806 = arith.addf %add3A_794, %mul3A_805 : vector<16xf32>
        %get3A_807 = arith.index_cast %add3A_735 : i32 to index
        %get3A_808 = arith.constant 96 : index
        %get3A_809 = tpu.vector_load %arg11[%get3A_807, %get3A_808] {strides = array<i32>} : memref<128x128xf32, #tpu.memory_space<vmem>>, vector<16xf32>,
        %get3A_810 = arith.index_cast %add3A_735 : i32 to index
        %get3A_811 = arith.constant 96 : index
        %get3A_812 = tpu.vector_load %arg12[%get3A_810, %get3A_811] {strides = array<i32>} : memref<128x128xf32, #tpu.memory_space<vmem>>, vector<16xf32>,
        %mul3A_813 = arith.mulf %get3A_809, %get3A_812 : vector<16xf32>
        %get3A_814 = arith.index_cast %add3A_735 : i32 to index
        %get3A_815 = arith.constant 96 : index
        %get3A_816 = tpu.vector_load %arg13[%get3A_814, %get3A_815] {strides = array<i32>} : memref<128x128xf32, #tpu.memory_space<vmem>>, vector<16xf32>,
        %mul3A_817 = arith.mulf %mul3A_813, %get3A_816 : vector<16xf32>
        %add3A_818 = arith.addf %add3A_806, %mul3A_817 : vector<16xf32>
        %get3A_819 = arith.index_cast %add3A_735 : i32 to index
        %get3A_820 = arith.constant 112 : index
        %get3A_821 = tpu.vector_load %arg11[%get3A_819, %get3A_820] {strides = array<i32>} : memref<128x128xf32, #tpu.memory_space<vmem>>, vector<16xf32>,
        %get3A_822 = arith.index_cast %add3A_735 : i32 to index
        %get3A_823 = arith.constant 112 : index
        %get3A_824 = tpu.vector_load %arg12[%get3A_822, %get3A_823] {strides = array<i32>} : memref<128x128xf32, #tpu.memory_space<vmem>>, vector<16xf32>,
        %mul3A_825 = arith.mulf %get3A_821, %get3A_824 : vector<16xf32>
        %get3A_826 = arith.index_cast %add3A_735 : i32 to index
        %get3A_827 = arith.constant 112 : index
        %get3A_828 = tpu.vector_load %arg13[%get3A_826, %get3A_827] {strides = array<i32>} : memref<128x128xf32, #tpu.memory_space<vmem>>, vector<16xf32>,
        %mul3A_829 = arith.mulf %mul3A_825, %get3A_828 : vector<16xf32>
        %add3A_830 = arith.addf %add3A_818, %mul3A_829 : vector<16xf32>
        %mul3A_831 = arith.constant 16 : i32
        %mul3A_832 = vector.broadcast %mul3A_831 : i32 to vector<16xi32>
        %mul3A_833 = arith.muli %iota3A, %mul3A_832 : vector<16xi32>
        %add3A_834 = vector.broadcast %scan3A_731 : i32 to vector<16xi32>
        %add3A_835 = arith.addi %mul3A_833, %add3A_834 : vector<16xi32>
        tpu.vector_store_idx %arg17[%add3A_835], %add3A_830 : memref<256xf32, #tpu.memory_space<vmem>>[vector<16xi32>], vector<16xf32>,
        %scan3A_836 = arith.constant 0 : i32
        scf.yield %scan3A_836 : i32
      }
      %scan3A_678 = arith.constant 16 : i32
      %get3A = arith.constant 0 : index
      %get3A_679 = tpu.vector_load %arg17[%get3A] {strides = array<i32>} : memref<256xf32, #tpu.memory_space<vmem>>, vector<16xf32>,
      %get3A_680 = arith.constant 16 : index
      %get3A_681 = tpu.vector_load %arg17[%get3A_680] {strides = array<i32>} : memref<256xf32, #tpu.memory_space<vmem>>, vector<16xf32>,
      %add3A_682 = arith.addf %get3A_679, %get3A_681 : vector<16xf32>
      %get3A_683 = arith.constant 32 : index
      %get3A_684 = tpu.vector_load %arg17[%get3A_683] {strides = array<i32>} : memref<256xf32, #tpu.memory_space<vmem>>, vector<16xf32>,
      %add3A_685 = arith.addf %add3A_682, %get3A_684 : vector<16xf32>
      %get3A_686 = arith.constant 48 : index
      %get3A_687 = tpu.vector_load %arg17[%get3A_686] {strides = array<i32>} : memref<256xf32, #tpu.memory_space<vmem>>, vector<16xf32>,
      %add3A_688 = arith.addf %add3A_685, %get3A_687 : vector<16xf32>
      %get3A_689 = arith.constant 64 : index
      %get3A_690 = tpu.vector_load %arg17[%get3A_689] {strides = array<i32>} : memref<256xf32, #tpu.memory_space<vmem>>, vector<16xf32>,
      %add3A_691 = arith.addf %add3A_688, %get3A_690 : vector<16xf32>
      %get3A_692 = arith.constant 80 : index
      %get3A_693 = tpu.vector_load %arg17[%get3A_692] {strides = array<i32>} : memref<256xf32, #tpu.memory_space<vmem>>, vector<16xf32>,
      %add3A_694 = arith.addf %add3A_691, %get3A_693 : vector<16xf32>
      %get3A_695 = arith.constant 96 : index
      %get3A_696 = tpu.vector_load %arg17[%get3A_695] {strides = array<i32>} : memref<256xf32, #tpu.memory_space<vmem>>, vector<16xf32>,
      %add3A_697 = arith.addf %add3A_694, %get3A_696 : vector<16xf32>
      %get3A_698 = arith.constant 112 : index
      %get3A_699 = tpu.vector_load %arg17[%get3A_698] {strides = array<i32>} : memref<256xf32, #tpu.memory_space<vmem>>, vector<16xf32>,
      %add3A_700 = arith.addf %add3A_697, %get3A_699 : vector<16xf32>
      %get3A_701 = arith.constant 128 : index
      %get3A_702 = tpu.vector_load %arg17[%get3A_701] {strides = array<i32>} : memref<256xf32, #tpu.memory_space<vmem>>, vector<16xf32>,
      %add3A_703 = arith.addf %add3A_700, %get3A_702 : vector<16xf32>
      %get3A_704 = arith.constant 144 : index
      %get3A_705 = tpu.vector_load %arg17[%get3A_704] {strides = array<i32>} : memref<256xf32, #tpu.memory_space<vmem>>, vector<16xf32>,
      %add3A_706 = arith.addf %add3A_703, %get3A_705 : vector<16xf32>
      %get3A_707 = arith.constant 160 : index
      %get3A_708 = tpu.vector_load %arg17[%get3A_707] {strides = array<i32>} : memref<256xf32, #tpu.memory_space<vmem>>, vector<16xf32>,
      %add3A_709 = arith.addf %add3A_706, %get3A_708 : vector<16xf32>
      %get3A_710 = arith.constant 176 : index
      %get3A_711 = tpu.vector_load %arg17[%get3A_710] {strides = array<i32>} : memref<256xf32, #tpu.memory_space<vmem>>, vector<16xf32>,
      %add3A_712 = arith.addf %add3A_709, %get3A_711 : vector<16xf32>
      %get3A_713 = arith.constant 192 : index
      %get3A_714 = tpu.vector_load %arg17[%get3A_713] {strides = array<i32>} : memref<256xf32, #tpu.memory_space<vmem>>, vector<16xf32>,
      %add3A_715 = arith.addf %add3A_712, %get3A_714 : vector<16xf32>
      %get3A_716 = arith.constant 208 : index
      %get3A_717 = tpu.vector_load %arg17[%get3A_716] {strides = array<i32>} : memref<256xf32, #tpu.memory_space<vmem>>, vector<16xf32>,
      %add3A_718 = arith.addf %add3A_715, %get3A_717 : vector<16xf32>
      %get3A_719 = arith.constant 224 : index
      %get3A_720 = tpu.vector_load %arg17[%get3A_719] {strides = array<i32>} : memref<256xf32, #tpu.memory_space<vmem>>, vector<16xf32>,
      %add3A_721 = arith.addf %add3A_718, %get3A_720 : vector<16xf32>
      %get3A_722 = arith.constant 240 : index
      %get3A_723 = tpu.vector_load %arg17[%get3A_722] {strides = array<i32>} : memref<256xf32, #tpu.memory_space<vmem>>, vector<16xf32>,
      %add3A_724 = arith.addf %add3A_721, %get3A_723 : vector<16xf32>
      %mul3A_725 = arith.constant 16 : i32
      %mul3A_726 = arith.muli %scan3A_670, %mul3A_725 : i32
      %add3A_727 = arith.constant 512 : i32
      %add3A_728 = arith.addi %add3A_727, %mul3A_726 : i32
      %swap3A = arith.index_cast %add3A_728 : i32 to index
      %swap3A_729 = tpu.vector_load %arg18[%swap3A] {strides = array<i32>} : memref<2048xf32, #tpu.memory_space<vmem>>, vector<16xf32>,
      tpu.vector_store %arg18[%swap3A], %add3A_724 {strides = array<i32>} : memref<2048xf32, #tpu.memory_space<vmem>>, vector<16xf32>,
      %scan3A_730 = arith.constant 0 : i32
      scf.yield %scan3A_730 : i32
    }
    %scan3A_277 = arith.constant 8 : i32
    %dma_start3A_278 = arith.constant 768 : i32
    %dma_start3A_279 = tpu.memref_slice %arg8[%dma_start3A_278] : memref<2048xi32, #tpu.memory_space<vmem>> -> memref<128xi32, #tpu.memory_space<vmem>>
    %dma_start3A_280 = arith.constant 0 : i32
    %dma_start3A_281 = arith.constant 0 : i32
    %dma_start3A_282 = tpu.memref_slice %arg5[%dma_start3A_280, %dma_start3A_281] : memref<100000x128xf32, #tpu.memory_space<hbm>> -> memref<100000x128xf32, #tpu.memory_space<hbm>>
    tpu.enqueue_indirect_dma source(%dma_start3A_282 : memref<100000x128xf32, #tpu.memory_space<hbm>>) target(%arg11 : memref<128x128xf32, #tpu.memory_space<vmem>>) offsets(%dma_start3A_279 : memref<128xi32, #tpu.memory_space<vmem>>) semaphore(%arg20 : memref<!tpu.dma_semaphore, #tpu.memory_space<semaphore_mem>>)
    %dma_start3A_283 = arith.constant 768 : i32
    %dma_start3A_284 = tpu.memref_slice %arg9[%dma_start3A_283] : memref<2048xi32, #tpu.memory_space<vmem>> -> memref<128xi32, #tpu.memory_space<vmem>>
    %dma_start3A_285 = arith.constant 0 : i32
    %dma_start3A_286 = arith.constant 0 : i32
    %dma_start3A_287 = tpu.memref_slice %arg6[%dma_start3A_285, %dma_start3A_286] : memref<100000x128xf32, #tpu.memory_space<hbm>> -> memref<100000x128xf32, #tpu.memory_space<hbm>>
    tpu.enqueue_indirect_dma source(%dma_start3A_287 : memref<100000x128xf32, #tpu.memory_space<hbm>>) target(%arg12 : memref<128x128xf32, #tpu.memory_space<vmem>>) offsets(%dma_start3A_284 : memref<128xi32, #tpu.memory_space<vmem>>) semaphore(%arg20 : memref<!tpu.dma_semaphore, #tpu.memory_space<semaphore_mem>>)
    %dma_start3A_288 = arith.constant 768 : i32
    %dma_start3A_289 = tpu.memref_slice %arg10[%dma_start3A_288] : memref<2048xi32, #tpu.memory_space<vmem>> -> memref<128xi32, #tpu.memory_space<vmem>>
    %dma_start3A_290 = arith.constant 0 : i32
    %dma_start3A_291 = arith.constant 0 : i32
    %dma_start3A_292 = tpu.memref_slice %arg5[%dma_start3A_290, %dma_start3A_291] : memref<100000x128xf32, #tpu.memory_space<hbm>> -> memref<100000x128xf32, #tpu.memory_space<hbm>>
    tpu.enqueue_indirect_dma source(%dma_start3A_292 : memref<100000x128xf32, #tpu.memory_space<hbm>>) target(%arg13 : memref<128x128xf32, #tpu.memory_space<vmem>>) offsets(%dma_start3A_289 : memref<128xi32, #tpu.memory_space<vmem>>) semaphore(%arg20 : memref<!tpu.dma_semaphore, #tpu.memory_space<semaphore_mem>>)
    %dma_wait3A_293 = arith.constant 640 : i32
    %dma_wait3A_294 = tpu.memref_slice %arg8[%dma_wait3A_293] : memref<2048xi32, #tpu.memory_space<vmem>> -> memref<128xi32, #tpu.memory_space<vmem>>
    %dma_wait3A_295 = arith.constant 0 : i32
    %dma_wait3A_296 = arith.constant 0 : i32
    %dma_wait3A_297 = tpu.memref_slice %arg5[%dma_wait3A_295, %dma_wait3A_296] : memref<100000x128xf32, #tpu.memory_space<hbm>> -> memref<100000x128xf32, #tpu.memory_space<hbm>>
    tpu.wait_indirect_dma semaphore(%arg21 : memref<!tpu.dma_semaphore, #tpu.memory_space<semaphore_mem>>) src(%dma_wait3A_297 : memref<100000x128xf32, #tpu.memory_space<hbm>>) dst(%arg14 : memref<128x128xf32, #tpu.memory_space<vmem>>)
    %dma_wait3A_298 = arith.constant 640 : i32
    %dma_wait3A_299 = tpu.memref_slice %arg9[%dma_wait3A_298] : memref<2048xi32, #tpu.memory_space<vmem>> -> memref<128xi32, #tpu.memory_space<vmem>>
    %dma_wait3A_300 = arith.constant 0 : i32
    %dma_wait3A_301 = arith.constant 0 : i32
    %dma_wait3A_302 = tpu.memref_slice %arg6[%dma_wait3A_300, %dma_wait3A_301] : memref<100000x128xf32, #tpu.memory_space<hbm>> -> memref<100000x128xf32, #tpu.memory_space<hbm>>
    tpu.wait_indirect_dma semaphore(%arg21 : memref<!tpu.dma_semaphore, #tpu.memory_space<semaphore_mem>>) src(%dma_wait3A_302 : memref<100000x128xf32, #tpu.memory_space<hbm>>) dst(%arg15 : memref<128x128xf32, #tpu.memory_space<vmem>>)
    %dma_wait3A_303 = arith.constant 640 : i32
    %dma_wait3A_304 = tpu.memref_slice %arg10[%dma_wait3A_303] : memref<2048xi32, #tpu.memory_space<vmem>> -> memref<128xi32, #tpu.memory_space<vmem>>
    %dma_wait3A_305 = arith.constant 0 : i32
    %dma_wait3A_306 = arith.constant 0 : i32
    %dma_wait3A_307 = tpu.memref_slice %arg5[%dma_wait3A_305, %dma_wait3A_306] : memref<100000x128xf32, #tpu.memory_space<hbm>> -> memref<100000x128xf32, #tpu.memory_space<hbm>>
    tpu.wait_indirect_dma semaphore(%arg21 : memref<!tpu.dma_semaphore, #tpu.memory_space<semaphore_mem>>) src(%dma_wait3A_307 : memref<100000x128xf32, #tpu.memory_space<hbm>>) dst(%arg16 : memref<128x128xf32, #tpu.memory_space<vmem>>)
    %scan3A_308 = arith.constant 0 : i32
    %scan3A_309 = arith.constant 0 : i32
    %scan3A_310 = arith.constant 8 : i32
    %scan3A_311 = arith.addi %scan3A_309, %scan3A_310 : i32
    %scan3A_312 = arith.constant 1 : i32
    %scan3A_313 = scf.for %scan3A_670 = %scan3A_309 to %scan3A_311 step %scan3A_312 iter_args(%scan3A_671 = %scan3A_308) -> (i32)  : i32 {
      %scan3A_672 = arith.constant 0 : i32
      %scan3A_673 = arith.constant 0 : i32
      %scan3A_674 = arith.constant 16 : i32
      %scan3A_675 = arith.addi %scan3A_673, %scan3A_674 : i32
      %scan3A_676 = arith.constant 1 : i32
      %scan3A_677 = scf.for %scan3A_731 = %scan3A_673 to %scan3A_675 step %scan3A_676 iter_args(%scan3A_732 = %scan3A_672) -> (i32)  : i32 {
        %mul3A_733 = arith.constant 16 : i32
        %mul3A_734 = arith.muli %scan3A_670, %mul3A_733 : i32
        %add3A_735 = arith.addi %mul3A_734, %scan3A_731 : i32
        %get3A_736 = arith.index_cast %add3A_735 : i32 to index
        %get3A_737 = arith.constant 0 : index
        %get3A_738 = tpu.vector_load %arg14[%get3A_736, %get3A_737] {strides = array<i32>} : memref<128x128xf32, #tpu.memory_space<vmem>>, vector<16xf32>,
        %get3A_739 = arith.index_cast %add3A_735 : i32 to index
        %get3A_740 = arith.constant 0 : index
        %get3A_741 = tpu.vector_load %arg15[%get3A_739, %get3A_740] {strides = array<i32>} : memref<128x128xf32, #tpu.memory_space<vmem>>, vector<16xf32>,
        %mul3A_742 = arith.mulf %get3A_738, %get3A_741 : vector<16xf32>
        %get3A_743 = arith.index_cast %add3A_735 : i32 to index
        %get3A_744 = arith.constant 0 : index
        %get3A_745 = tpu.vector_load %arg16[%get3A_743, %get3A_744] {strides = array<i32>} : memref<128x128xf32, #tpu.memory_space<vmem>>, vector<16xf32>,
        %mul3A_746 = arith.mulf %mul3A_742, %get3A_745 : vector<16xf32>
        %get3A_747 = arith.index_cast %add3A_735 : i32 to index
        %get3A_748 = arith.constant 16 : index
        %get3A_749 = tpu.vector_load %arg14[%get3A_747, %get3A_748] {strides = array<i32>} : memref<128x128xf32, #tpu.memory_space<vmem>>, vector<16xf32>,
        %get3A_750 = arith.index_cast %add3A_735 : i32 to index
        %get3A_751 = arith.constant 16 : index
        %get3A_752 = tpu.vector_load %arg15[%get3A_750, %get3A_751] {strides = array<i32>} : memref<128x128xf32, #tpu.memory_space<vmem>>, vector<16xf32>,
        %mul3A_753 = arith.mulf %get3A_749, %get3A_752 : vector<16xf32>
        %get3A_754 = arith.index_cast %add3A_735 : i32 to index
        %get3A_755 = arith.constant 16 : index
        %get3A_756 = tpu.vector_load %arg16[%get3A_754, %get3A_755] {strides = array<i32>} : memref<128x128xf32, #tpu.memory_space<vmem>>, vector<16xf32>,
        %mul3A_757 = arith.mulf %mul3A_753, %get3A_756 : vector<16xf32>
        %add3A_758 = arith.addf %mul3A_746, %mul3A_757 : vector<16xf32>
        %get3A_759 = arith.index_cast %add3A_735 : i32 to index
        %get3A_760 = arith.constant 32 : index
        %get3A_761 = tpu.vector_load %arg14[%get3A_759, %get3A_760] {strides = array<i32>} : memref<128x128xf32, #tpu.memory_space<vmem>>, vector<16xf32>,
        %get3A_762 = arith.index_cast %add3A_735 : i32 to index
        %get3A_763 = arith.constant 32 : index
        %get3A_764 = tpu.vector_load %arg15[%get3A_762, %get3A_763] {strides = array<i32>} : memref<128x128xf32, #tpu.memory_space<vmem>>, vector<16xf32>,
        %mul3A_765 = arith.mulf %get3A_761, %get3A_764 : vector<16xf32>
        %get3A_766 = arith.index_cast %add3A_735 : i32 to index
        %get3A_767 = arith.constant 32 : index
        %get3A_768 = tpu.vector_load %arg16[%get3A_766, %get3A_767] {strides = array<i32>} : memref<128x128xf32, #tpu.memory_space<vmem>>, vector<16xf32>,
        %mul3A_769 = arith.mulf %mul3A_765, %get3A_768 : vector<16xf32>
        %add3A_770 = arith.addf %add3A_758, %mul3A_769 : vector<16xf32>
        %get3A_771 = arith.index_cast %add3A_735 : i32 to index
        %get3A_772 = arith.constant 48 : index
        %get3A_773 = tpu.vector_load %arg14[%get3A_771, %get3A_772] {strides = array<i32>} : memref<128x128xf32, #tpu.memory_space<vmem>>, vector<16xf32>,
        %get3A_774 = arith.index_cast %add3A_735 : i32 to index
        %get3A_775 = arith.constant 48 : index
        %get3A_776 = tpu.vector_load %arg15[%get3A_774, %get3A_775] {strides = array<i32>} : memref<128x128xf32, #tpu.memory_space<vmem>>, vector<16xf32>,
        %mul3A_777 = arith.mulf %get3A_773, %get3A_776 : vector<16xf32>
        %get3A_778 = arith.index_cast %add3A_735 : i32 to index
        %get3A_779 = arith.constant 48 : index
        %get3A_780 = tpu.vector_load %arg16[%get3A_778, %get3A_779] {strides = array<i32>} : memref<128x128xf32, #tpu.memory_space<vmem>>, vector<16xf32>,
        %mul3A_781 = arith.mulf %mul3A_777, %get3A_780 : vector<16xf32>
        %add3A_782 = arith.addf %add3A_770, %mul3A_781 : vector<16xf32>
        %get3A_783 = arith.index_cast %add3A_735 : i32 to index
        %get3A_784 = arith.constant 64 : index
        %get3A_785 = tpu.vector_load %arg14[%get3A_783, %get3A_784] {strides = array<i32>} : memref<128x128xf32, #tpu.memory_space<vmem>>, vector<16xf32>,
        %get3A_786 = arith.index_cast %add3A_735 : i32 to index
        %get3A_787 = arith.constant 64 : index
        %get3A_788 = tpu.vector_load %arg15[%get3A_786, %get3A_787] {strides = array<i32>} : memref<128x128xf32, #tpu.memory_space<vmem>>, vector<16xf32>,
        %mul3A_789 = arith.mulf %get3A_785, %get3A_788 : vector<16xf32>
        %get3A_790 = arith.index_cast %add3A_735 : i32 to index
        %get3A_791 = arith.constant 64 : index
        %get3A_792 = tpu.vector_load %arg16[%get3A_790, %get3A_791] {strides = array<i32>} : memref<128x128xf32, #tpu.memory_space<vmem>>, vector<16xf32>,
        %mul3A_793 = arith.mulf %mul3A_789, %get3A_792 : vector<16xf32>
        %add3A_794 = arith.addf %add3A_782, %mul3A_793 : vector<16xf32>
        %get3A_795 = arith.index_cast %add3A_735 : i32 to index
        %get3A_796 = arith.constant 80 : index
        %get3A_797 = tpu.vector_load %arg14[%get3A_795, %get3A_796] {strides = array<i32>} : memref<128x128xf32, #tpu.memory_space<vmem>>, vector<16xf32>,
        %get3A_798 = arith.index_cast %add3A_735 : i32 to index
        %get3A_799 = arith.constant 80 : index
        %get3A_800 = tpu.vector_load %arg15[%get3A_798, %get3A_799] {strides = array<i32>} : memref<128x128xf32, #tpu.memory_space<vmem>>, vector<16xf32>,
        %mul3A_801 = arith.mulf %get3A_797, %get3A_800 : vector<16xf32>
        %get3A_802 = arith.index_cast %add3A_735 : i32 to index
        %get3A_803 = arith.constant 80 : index
        %get3A_804 = tpu.vector_load %arg16[%get3A_802, %get3A_803] {strides = array<i32>} : memref<128x128xf32, #tpu.memory_space<vmem>>, vector<16xf32>,
        %mul3A_805 = arith.mulf %mul3A_801, %get3A_804 : vector<16xf32>
        %add3A_806 = arith.addf %add3A_794, %mul3A_805 : vector<16xf32>
        %get3A_807 = arith.index_cast %add3A_735 : i32 to index
        %get3A_808 = arith.constant 96 : index
        %get3A_809 = tpu.vector_load %arg14[%get3A_807, %get3A_808] {strides = array<i32>} : memref<128x128xf32, #tpu.memory_space<vmem>>, vector<16xf32>,
        %get3A_810 = arith.index_cast %add3A_735 : i32 to index
        %get3A_811 = arith.constant 96 : index
        %get3A_812 = tpu.vector_load %arg15[%get3A_810, %get3A_811] {strides = array<i32>} : memref<128x128xf32, #tpu.memory_space<vmem>>, vector<16xf32>,
        %mul3A_813 = arith.mulf %get3A_809, %get3A_812 : vector<16xf32>
        %get3A_814 = arith.index_cast %add3A_735 : i32 to index
        %get3A_815 = arith.constant 96 : index
        %get3A_816 = tpu.vector_load %arg16[%get3A_814, %get3A_815] {strides = array<i32>} : memref<128x128xf32, #tpu.memory_space<vmem>>, vector<16xf32>,
        %mul3A_817 = arith.mulf %mul3A_813, %get3A_816 : vector<16xf32>
        %add3A_818 = arith.addf %add3A_806, %mul3A_817 : vector<16xf32>
        %get3A_819 = arith.index_cast %add3A_735 : i32 to index
        %get3A_820 = arith.constant 112 : index
        %get3A_821 = tpu.vector_load %arg14[%get3A_819, %get3A_820] {strides = array<i32>} : memref<128x128xf32, #tpu.memory_space<vmem>>, vector<16xf32>,
        %get3A_822 = arith.index_cast %add3A_735 : i32 to index
        %get3A_823 = arith.constant 112 : index
        %get3A_824 = tpu.vector_load %arg15[%get3A_822, %get3A_823] {strides = array<i32>} : memref<128x128xf32, #tpu.memory_space<vmem>>, vector<16xf32>,
        %mul3A_825 = arith.mulf %get3A_821, %get3A_824 : vector<16xf32>
        %get3A_826 = arith.index_cast %add3A_735 : i32 to index
        %get3A_827 = arith.constant 112 : index
        %get3A_828 = tpu.vector_load %arg16[%get3A_826, %get3A_827] {strides = array<i32>} : memref<128x128xf32, #tpu.memory_space<vmem>>, vector<16xf32>,
        %mul3A_829 = arith.mulf %mul3A_825, %get3A_828 : vector<16xf32>
        %add3A_830 = arith.addf %add3A_818, %mul3A_829 : vector<16xf32>
        %mul3A_831 = arith.constant 16 : i32
        %mul3A_832 = vector.broadcast %mul3A_831 : i32 to vector<16xi32>
        %mul3A_833 = arith.muli %iota3A, %mul3A_832 : vector<16xi32>
        %add3A_834 = vector.broadcast %scan3A_731 : i32 to vector<16xi32>
        %add3A_835 = arith.addi %mul3A_833, %add3A_834 : vector<16xi32>
        tpu.vector_store_idx %arg17[%add3A_835], %add3A_830 : memref<256xf32, #tpu.memory_space<vmem>>[vector<16xi32>], vector<16xf32>,
        %scan3A_836 = arith.constant 0 : i32
        scf.yield %scan3A_836 : i32
      }
      %scan3A_678 = arith.constant 16 : i32
      %get3A = arith.constant 0 : index
      %get3A_679 = tpu.vector_load %arg17[%get3A] {strides = array<i32>} : memref<256xf32, #tpu.memory_space<vmem>>, vector<16xf32>,
      %get3A_680 = arith.constant 16 : index
      %get3A_681 = tpu.vector_load %arg17[%get3A_680] {strides = array<i32>} : memref<256xf32, #tpu.memory_space<vmem>>, vector<16xf32>,
      %add3A_682 = arith.addf %get3A_679, %get3A_681 : vector<16xf32>
      %get3A_683 = arith.constant 32 : index
      %get3A_684 = tpu.vector_load %arg17[%get3A_683] {strides = array<i32>} : memref<256xf32, #tpu.memory_space<vmem>>, vector<16xf32>,
      %add3A_685 = arith.addf %add3A_682, %get3A_684 : vector<16xf32>
      %get3A_686 = arith.constant 48 : index
      %get3A_687 = tpu.vector_load %arg17[%get3A_686] {strides = array<i32>} : memref<256xf32, #tpu.memory_space<vmem>>, vector<16xf32>,
      %add3A_688 = arith.addf %add3A_685, %get3A_687 : vector<16xf32>
      %get3A_689 = arith.constant 64 : index
      %get3A_690 = tpu.vector_load %arg17[%get3A_689] {strides = array<i32>} : memref<256xf32, #tpu.memory_space<vmem>>, vector<16xf32>,
      %add3A_691 = arith.addf %add3A_688, %get3A_690 : vector<16xf32>
      %get3A_692 = arith.constant 80 : index
      %get3A_693 = tpu.vector_load %arg17[%get3A_692] {strides = array<i32>} : memref<256xf32, #tpu.memory_space<vmem>>, vector<16xf32>,
      %add3A_694 = arith.addf %add3A_691, %get3A_693 : vector<16xf32>
      %get3A_695 = arith.constant 96 : index
      %get3A_696 = tpu.vector_load %arg17[%get3A_695] {strides = array<i32>} : memref<256xf32, #tpu.memory_space<vmem>>, vector<16xf32>,
      %add3A_697 = arith.addf %add3A_694, %get3A_696 : vector<16xf32>
      %get3A_698 = arith.constant 112 : index
      %get3A_699 = tpu.vector_load %arg17[%get3A_698] {strides = array<i32>} : memref<256xf32, #tpu.memory_space<vmem>>, vector<16xf32>,
      %add3A_700 = arith.addf %add3A_697, %get3A_699 : vector<16xf32>
      %get3A_701 = arith.constant 128 : index
      %get3A_702 = tpu.vector_load %arg17[%get3A_701] {strides = array<i32>} : memref<256xf32, #tpu.memory_space<vmem>>, vector<16xf32>,
      %add3A_703 = arith.addf %add3A_700, %get3A_702 : vector<16xf32>
      %get3A_704 = arith.constant 144 : index
      %get3A_705 = tpu.vector_load %arg17[%get3A_704] {strides = array<i32>} : memref<256xf32, #tpu.memory_space<vmem>>, vector<16xf32>,
      %add3A_706 = arith.addf %add3A_703, %get3A_705 : vector<16xf32>
      %get3A_707 = arith.constant 160 : index
      %get3A_708 = tpu.vector_load %arg17[%get3A_707] {strides = array<i32>} : memref<256xf32, #tpu.memory_space<vmem>>, vector<16xf32>,
      %add3A_709 = arith.addf %add3A_706, %get3A_708 : vector<16xf32>
      %get3A_710 = arith.constant 176 : index
      %get3A_711 = tpu.vector_load %arg17[%get3A_710] {strides = array<i32>} : memref<256xf32, #tpu.memory_space<vmem>>, vector<16xf32>,
      %add3A_712 = arith.addf %add3A_709, %get3A_711 : vector<16xf32>
      %get3A_713 = arith.constant 192 : index
      %get3A_714 = tpu.vector_load %arg17[%get3A_713] {strides = array<i32>} : memref<256xf32, #tpu.memory_space<vmem>>, vector<16xf32>,
      %add3A_715 = arith.addf %add3A_712, %get3A_714 : vector<16xf32>
      %get3A_716 = arith.constant 208 : index
      %get3A_717 = tpu.vector_load %arg17[%get3A_716] {strides = array<i32>} : memref<256xf32, #tpu.memory_space<vmem>>, vector<16xf32>,
      %add3A_718 = arith.addf %add3A_715, %get3A_717 : vector<16xf32>
      %get3A_719 = arith.constant 224 : index
      %get3A_720 = tpu.vector_load %arg17[%get3A_719] {strides = array<i32>} : memref<256xf32, #tpu.memory_space<vmem>>, vector<16xf32>,
      %add3A_721 = arith.addf %add3A_718, %get3A_720 : vector<16xf32>
      %get3A_722 = arith.constant 240 : index
      %get3A_723 = tpu.vector_load %arg17[%get3A_722] {strides = array<i32>} : memref<256xf32, #tpu.memory_space<vmem>>, vector<16xf32>,
      %add3A_724 = arith.addf %add3A_721, %get3A_723 : vector<16xf32>
      %mul3A_725 = arith.constant 16 : i32
      %mul3A_726 = arith.muli %scan3A_670, %mul3A_725 : i32
      %add3A_727 = arith.constant 640 : i32
      %add3A_728 = arith.addi %add3A_727, %mul3A_726 : i32
      %swap3A = arith.index_cast %add3A_728 : i32 to index
      %swap3A_729 = tpu.vector_load %arg18[%swap3A] {strides = array<i32>} : memref<2048xf32, #tpu.memory_space<vmem>>, vector<16xf32>,
      tpu.vector_store %arg18[%swap3A], %add3A_724 {strides = array<i32>} : memref<2048xf32, #tpu.memory_space<vmem>>, vector<16xf32>,
      %scan3A_730 = arith.constant 0 : i32
      scf.yield %scan3A_730 : i32
    }
    %scan3A_314 = arith.constant 8 : i32
    %dma_start3A_315 = arith.constant 896 : i32
    %dma_start3A_316 = tpu.memref_slice %arg8[%dma_start3A_315] : memref<2048xi32, #tpu.memory_space<vmem>> -> memref<128xi32, #tpu.memory_space<vmem>>
    %dma_start3A_317 = arith.constant 0 : i32
    %dma_start3A_318 = arith.constant 0 : i32
    %dma_start3A_319 = tpu.memref_slice %arg5[%dma_start3A_317, %dma_start3A_318] : memref<100000x128xf32, #tpu.memory_space<hbm>> -> memref<100000x128xf32, #tpu.memory_space<hbm>>
    tpu.enqueue_indirect_dma source(%dma_start3A_319 : memref<100000x128xf32, #tpu.memory_space<hbm>>) target(%arg14 : memref<128x128xf32, #tpu.memory_space<vmem>>) offsets(%dma_start3A_316 : memref<128xi32, #tpu.memory_space<vmem>>) semaphore(%arg21 : memref<!tpu.dma_semaphore, #tpu.memory_space<semaphore_mem>>)
    %dma_start3A_320 = arith.constant 896 : i32
    %dma_start3A_321 = tpu.memref_slice %arg9[%dma_start3A_320] : memref<2048xi32, #tpu.memory_space<vmem>> -> memref<128xi32, #tpu.memory_space<vmem>>
    %dma_start3A_322 = arith.constant 0 : i32
    %dma_start3A_323 = arith.constant 0 : i32
    %dma_start3A_324 = tpu.memref_slice %arg6[%dma_start3A_322, %dma_start3A_323] : memref<100000x128xf32, #tpu.memory_space<hbm>> -> memref<100000x128xf32, #tpu.memory_space<hbm>>
    tpu.enqueue_indirect_dma source(%dma_start3A_324 : memref<100000x128xf32, #tpu.memory_space<hbm>>) target(%arg15 : memref<128x128xf32, #tpu.memory_space<vmem>>) offsets(%dma_start3A_321 : memref<128xi32, #tpu.memory_space<vmem>>) semaphore(%arg21 : memref<!tpu.dma_semaphore, #tpu.memory_space<semaphore_mem>>)
    %dma_start3A_325 = arith.constant 896 : i32
    %dma_start3A_326 = tpu.memref_slice %arg10[%dma_start3A_325] : memref<2048xi32, #tpu.memory_space<vmem>> -> memref<128xi32, #tpu.memory_space<vmem>>
    %dma_start3A_327 = arith.constant 0 : i32
    %dma_start3A_328 = arith.constant 0 : i32
    %dma_start3A_329 = tpu.memref_slice %arg5[%dma_start3A_327, %dma_start3A_328] : memref<100000x128xf32, #tpu.memory_space<hbm>> -> memref<100000x128xf32, #tpu.memory_space<hbm>>
    tpu.enqueue_indirect_dma source(%dma_start3A_329 : memref<100000x128xf32, #tpu.memory_space<hbm>>) target(%arg16 : memref<128x128xf32, #tpu.memory_space<vmem>>) offsets(%dma_start3A_326 : memref<128xi32, #tpu.memory_space<vmem>>) semaphore(%arg21 : memref<!tpu.dma_semaphore, #tpu.memory_space<semaphore_mem>>)
    %dma_wait3A_330 = arith.constant 768 : i32
    %dma_wait3A_331 = tpu.memref_slice %arg8[%dma_wait3A_330] : memref<2048xi32, #tpu.memory_space<vmem>> -> memref<128xi32, #tpu.memory_space<vmem>>
    %dma_wait3A_332 = arith.constant 0 : i32
    %dma_wait3A_333 = arith.constant 0 : i32
    %dma_wait3A_334 = tpu.memref_slice %arg5[%dma_wait3A_332, %dma_wait3A_333] : memref<100000x128xf32, #tpu.memory_space<hbm>> -> memref<100000x128xf32, #tpu.memory_space<hbm>>
    tpu.wait_indirect_dma semaphore(%arg20 : memref<!tpu.dma_semaphore, #tpu.memory_space<semaphore_mem>>) src(%dma_wait3A_334 : memref<100000x128xf32, #tpu.memory_space<hbm>>) dst(%arg11 : memref<128x128xf32, #tpu.memory_space<vmem>>)
    %dma_wait3A_335 = arith.constant 768 : i32
    %dma_wait3A_336 = tpu.memref_slice %arg9[%dma_wait3A_335] : memref<2048xi32, #tpu.memory_space<vmem>> -> memref<128xi32, #tpu.memory_space<vmem>>
    %dma_wait3A_337 = arith.constant 0 : i32
    %dma_wait3A_338 = arith.constant 0 : i32
    %dma_wait3A_339 = tpu.memref_slice %arg6[%dma_wait3A_337, %dma_wait3A_338] : memref<100000x128xf32, #tpu.memory_space<hbm>> -> memref<100000x128xf32, #tpu.memory_space<hbm>>
    tpu.wait_indirect_dma semaphore(%arg20 : memref<!tpu.dma_semaphore, #tpu.memory_space<semaphore_mem>>) src(%dma_wait3A_339 : memref<100000x128xf32, #tpu.memory_space<hbm>>) dst(%arg12 : memref<128x128xf32, #tpu.memory_space<vmem>>)
    %dma_wait3A_340 = arith.constant 768 : i32
    %dma_wait3A_341 = tpu.memref_slice %arg10[%dma_wait3A_340] : memref<2048xi32, #tpu.memory_space<vmem>> -> memref<128xi32, #tpu.memory_space<vmem>>
    %dma_wait3A_342 = arith.constant 0 : i32
    %dma_wait3A_343 = arith.constant 0 : i32
    %dma_wait3A_344 = tpu.memref_slice %arg5[%dma_wait3A_342, %dma_wait3A_343] : memref<100000x128xf32, #tpu.memory_space<hbm>> -> memref<100000x128xf32, #tpu.memory_space<hbm>>
    tpu.wait_indirect_dma semaphore(%arg20 : memref<!tpu.dma_semaphore, #tpu.memory_space<semaphore_mem>>) src(%dma_wait3A_344 : memref<100000x128xf32, #tpu.memory_space<hbm>>) dst(%arg13 : memref<128x128xf32, #tpu.memory_space<vmem>>)
    %scan3A_345 = arith.constant 0 : i32
    %scan3A_346 = arith.constant 0 : i32
    %scan3A_347 = arith.constant 8 : i32
    %scan3A_348 = arith.addi %scan3A_346, %scan3A_347 : i32
    %scan3A_349 = arith.constant 1 : i32
    %scan3A_350 = scf.for %scan3A_670 = %scan3A_346 to %scan3A_348 step %scan3A_349 iter_args(%scan3A_671 = %scan3A_345) -> (i32)  : i32 {
      %scan3A_672 = arith.constant 0 : i32
      %scan3A_673 = arith.constant 0 : i32
      %scan3A_674 = arith.constant 16 : i32
      %scan3A_675 = arith.addi %scan3A_673, %scan3A_674 : i32
      %scan3A_676 = arith.constant 1 : i32
      %scan3A_677 = scf.for %scan3A_731 = %scan3A_673 to %scan3A_675 step %scan3A_676 iter_args(%scan3A_732 = %scan3A_672) -> (i32)  : i32 {
        %mul3A_733 = arith.constant 16 : i32
        %mul3A_734 = arith.muli %scan3A_670, %mul3A_733 : i32
        %add3A_735 = arith.addi %mul3A_734, %scan3A_731 : i32
        %get3A_736 = arith.index_cast %add3A_735 : i32 to index
        %get3A_737 = arith.constant 0 : index
        %get3A_738 = tpu.vector_load %arg11[%get3A_736, %get3A_737] {strides = array<i32>} : memref<128x128xf32, #tpu.memory_space<vmem>>, vector<16xf32>,
        %get3A_739 = arith.index_cast %add3A_735 : i32 to index
        %get3A_740 = arith.constant 0 : index
        %get3A_741 = tpu.vector_load %arg12[%get3A_739, %get3A_740] {strides = array<i32>} : memref<128x128xf32, #tpu.memory_space<vmem>>, vector<16xf32>,
        %mul3A_742 = arith.mulf %get3A_738, %get3A_741 : vector<16xf32>
        %get3A_743 = arith.index_cast %add3A_735 : i32 to index
        %get3A_744 = arith.constant 0 : index
        %get3A_745 = tpu.vector_load %arg13[%get3A_743, %get3A_744] {strides = array<i32>} : memref<128x128xf32, #tpu.memory_space<vmem>>, vector<16xf32>,
        %mul3A_746 = arith.mulf %mul3A_742, %get3A_745 : vector<16xf32>
        %get3A_747 = arith.index_cast %add3A_735 : i32 to index
        %get3A_748 = arith.constant 16 : index
        %get3A_749 = tpu.vector_load %arg11[%get3A_747, %get3A_748] {strides = array<i32>} : memref<128x128xf32, #tpu.memory_space<vmem>>, vector<16xf32>,
        %get3A_750 = arith.index_cast %add3A_735 : i32 to index
        %get3A_751 = arith.constant 16 : index
        %get3A_752 = tpu.vector_load %arg12[%get3A_750, %get3A_751] {strides = array<i32>} : memref<128x128xf32, #tpu.memory_space<vmem>>, vector<16xf32>,
        %mul3A_753 = arith.mulf %get3A_749, %get3A_752 : vector<16xf32>
        %get3A_754 = arith.index_cast %add3A_735 : i32 to index
        %get3A_755 = arith.constant 16 : index
        %get3A_756 = tpu.vector_load %arg13[%get3A_754, %get3A_755] {strides = array<i32>} : memref<128x128xf32, #tpu.memory_space<vmem>>, vector<16xf32>,
        %mul3A_757 = arith.mulf %mul3A_753, %get3A_756 : vector<16xf32>
        %add3A_758 = arith.addf %mul3A_746, %mul3A_757 : vector<16xf32>
        %get3A_759 = arith.index_cast %add3A_735 : i32 to index
        %get3A_760 = arith.constant 32 : index
        %get3A_761 = tpu.vector_load %arg11[%get3A_759, %get3A_760] {strides = array<i32>} : memref<128x128xf32, #tpu.memory_space<vmem>>, vector<16xf32>,
        %get3A_762 = arith.index_cast %add3A_735 : i32 to index
        %get3A_763 = arith.constant 32 : index
        %get3A_764 = tpu.vector_load %arg12[%get3A_762, %get3A_763] {strides = array<i32>} : memref<128x128xf32, #tpu.memory_space<vmem>>, vector<16xf32>,
        %mul3A_765 = arith.mulf %get3A_761, %get3A_764 : vector<16xf32>
        %get3A_766 = arith.index_cast %add3A_735 : i32 to index
        %get3A_767 = arith.constant 32 : index
        %get3A_768 = tpu.vector_load %arg13[%get3A_766, %get3A_767] {strides = array<i32>} : memref<128x128xf32, #tpu.memory_space<vmem>>, vector<16xf32>,
        %mul3A_769 = arith.mulf %mul3A_765, %get3A_768 : vector<16xf32>
        %add3A_770 = arith.addf %add3A_758, %mul3A_769 : vector<16xf32>
        %get3A_771 = arith.index_cast %add3A_735 : i32 to index
        %get3A_772 = arith.constant 48 : index
        %get3A_773 = tpu.vector_load %arg11[%get3A_771, %get3A_772] {strides = array<i32>} : memref<128x128xf32, #tpu.memory_space<vmem>>, vector<16xf32>,
        %get3A_774 = arith.index_cast %add3A_735 : i32 to index
        %get3A_775 = arith.constant 48 : index
        %get3A_776 = tpu.vector_load %arg12[%get3A_774, %get3A_775] {strides = array<i32>} : memref<128x128xf32, #tpu.memory_space<vmem>>, vector<16xf32>,
        %mul3A_777 = arith.mulf %get3A_773, %get3A_776 : vector<16xf32>
        %get3A_778 = arith.index_cast %add3A_735 : i32 to index
        %get3A_779 = arith.constant 48 : index
        %get3A_780 = tpu.vector_load %arg13[%get3A_778, %get3A_779] {strides = array<i32>} : memref<128x128xf32, #tpu.memory_space<vmem>>, vector<16xf32>,
        %mul3A_781 = arith.mulf %mul3A_777, %get3A_780 : vector<16xf32>
        %add3A_782 = arith.addf %add3A_770, %mul3A_781 : vector<16xf32>
        %get3A_783 = arith.index_cast %add3A_735 : i32 to index
        %get3A_784 = arith.constant 64 : index
        %get3A_785 = tpu.vector_load %arg11[%get3A_783, %get3A_784] {strides = array<i32>} : memref<128x128xf32, #tpu.memory_space<vmem>>, vector<16xf32>,
        %get3A_786 = arith.index_cast %add3A_735 : i32 to index
        %get3A_787 = arith.constant 64 : index
        %get3A_788 = tpu.vector_load %arg12[%get3A_786, %get3A_787] {strides = array<i32>} : memref<128x128xf32, #tpu.memory_space<vmem>>, vector<16xf32>,
        %mul3A_789 = arith.mulf %get3A_785, %get3A_788 : vector<16xf32>
        %get3A_790 = arith.index_cast %add3A_735 : i32 to index
        %get3A_791 = arith.constant 64 : index
        %get3A_792 = tpu.vector_load %arg13[%get3A_790, %get3A_791] {strides = array<i32>} : memref<128x128xf32, #tpu.memory_space<vmem>>, vector<16xf32>,
        %mul3A_793 = arith.mulf %mul3A_789, %get3A_792 : vector<16xf32>
        %add3A_794 = arith.addf %add3A_782, %mul3A_793 : vector<16xf32>
        %get3A_795 = arith.index_cast %add3A_735 : i32 to index
        %get3A_796 = arith.constant 80 : index
        %get3A_797 = tpu.vector_load %arg11[%get3A_795, %get3A_796] {strides = array<i32>} : memref<128x128xf32, #tpu.memory_space<vmem>>, vector<16xf32>,
        %get3A_798 = arith.index_cast %add3A_735 : i32 to index
        %get3A_799 = arith.constant 80 : index
        %get3A_800 = tpu.vector_load %arg12[%get3A_798, %get3A_799] {strides = array<i32>} : memref<128x128xf32, #tpu.memory_space<vmem>>, vector<16xf32>,
        %mul3A_801 = arith.mulf %get3A_797, %get3A_800 : vector<16xf32>
        %get3A_802 = arith.index_cast %add3A_735 : i32 to index
        %get3A_803 = arith.constant 80 : index
        %get3A_804 = tpu.vector_load %arg13[%get3A_802, %get3A_803] {strides = array<i32>} : memref<128x128xf32, #tpu.memory_space<vmem>>, vector<16xf32>,
        %mul3A_805 = arith.mulf %mul3A_801, %get3A_804 : vector<16xf32>
        %add3A_806 = arith.addf %add3A_794, %mul3A_805 : vector<16xf32>
        %get3A_807 = arith.index_cast %add3A_735 : i32 to index
        %get3A_808 = arith.constant 96 : index
        %get3A_809 = tpu.vector_load %arg11[%get3A_807, %get3A_808] {strides = array<i32>} : memref<128x128xf32, #tpu.memory_space<vmem>>, vector<16xf32>,
        %get3A_810 = arith.index_cast %add3A_735 : i32 to index
        %get3A_811 = arith.constant 96 : index
        %get3A_812 = tpu.vector_load %arg12[%get3A_810, %get3A_811] {strides = array<i32>} : memref<128x128xf32, #tpu.memory_space<vmem>>, vector<16xf32>,
        %mul3A_813 = arith.mulf %get3A_809, %get3A_812 : vector<16xf32>
        %get3A_814 = arith.index_cast %add3A_735 : i32 to index
        %get3A_815 = arith.constant 96 : index
        %get3A_816 = tpu.vector_load %arg13[%get3A_814, %get3A_815] {strides = array<i32>} : memref<128x128xf32, #tpu.memory_space<vmem>>, vector<16xf32>,
        %mul3A_817 = arith.mulf %mul3A_813, %get3A_816 : vector<16xf32>
        %add3A_818 = arith.addf %add3A_806, %mul3A_817 : vector<16xf32>
        %get3A_819 = arith.index_cast %add3A_735 : i32 to index
        %get3A_820 = arith.constant 112 : index
        %get3A_821 = tpu.vector_load %arg11[%get3A_819, %get3A_820] {strides = array<i32>} : memref<128x128xf32, #tpu.memory_space<vmem>>, vector<16xf32>,
        %get3A_822 = arith.index_cast %add3A_735 : i32 to index
        %get3A_823 = arith.constant 112 : index
        %get3A_824 = tpu.vector_load %arg12[%get3A_822, %get3A_823] {strides = array<i32>} : memref<128x128xf32, #tpu.memory_space<vmem>>, vector<16xf32>,
        %mul3A_825 = arith.mulf %get3A_821, %get3A_824 : vector<16xf32>
        %get3A_826 = arith.index_cast %add3A_735 : i32 to index
        %get3A_827 = arith.constant 112 : index
        %get3A_828 = tpu.vector_load %arg13[%get3A_826, %get3A_827] {strides = array<i32>} : memref<128x128xf32, #tpu.memory_space<vmem>>, vector<16xf32>,
        %mul3A_829 = arith.mulf %mul3A_825, %get3A_828 : vector<16xf32>
        %add3A_830 = arith.addf %add3A_818, %mul3A_829 : vector<16xf32>
        %mul3A_831 = arith.constant 16 : i32
        %mul3A_832 = vector.broadcast %mul3A_831 : i32 to vector<16xi32>
        %mul3A_833 = arith.muli %iota3A, %mul3A_832 : vector<16xi32>
        %add3A_834 = vector.broadcast %scan3A_731 : i32 to vector<16xi32>
        %add3A_835 = arith.addi %mul3A_833, %add3A_834 : vector<16xi32>
        tpu.vector_store_idx %arg17[%add3A_835], %add3A_830 : memref<256xf32, #tpu.memory_space<vmem>>[vector<16xi32>], vector<16xf32>,
        %scan3A_836 = arith.constant 0 : i32
        scf.yield %scan3A_836 : i32
      }
      %scan3A_678 = arith.constant 16 : i32
      %get3A = arith.constant 0 : index
      %get3A_679 = tpu.vector_load %arg17[%get3A] {strides = array<i32>} : memref<256xf32, #tpu.memory_space<vmem>>, vector<16xf32>,
      %get3A_680 = arith.constant 16 : index
      %get3A_681 = tpu.vector_load %arg17[%get3A_680] {strides = array<i32>} : memref<256xf32, #tpu.memory_space<vmem>>, vector<16xf32>,
      %add3A_682 = arith.addf %get3A_679, %get3A_681 : vector<16xf32>
      %get3A_683 = arith.constant 32 : index
      %get3A_684 = tpu.vector_load %arg17[%get3A_683] {strides = array<i32>} : memref<256xf32, #tpu.memory_space<vmem>>, vector<16xf32>,
      %add3A_685 = arith.addf %add3A_682, %get3A_684 : vector<16xf32>
      %get3A_686 = arith.constant 48 : index
      %get3A_687 = tpu.vector_load %arg17[%get3A_686] {strides = array<i32>} : memref<256xf32, #tpu.memory_space<vmem>>, vector<16xf32>,
      %add3A_688 = arith.addf %add3A_685, %get3A_687 : vector<16xf32>
      %get3A_689 = arith.constant 64 : index
      %get3A_690 = tpu.vector_load %arg17[%get3A_689] {strides = array<i32>} : memref<256xf32, #tpu.memory_space<vmem>>, vector<16xf32>,
      %add3A_691 = arith.addf %add3A_688, %get3A_690 : vector<16xf32>
      %get3A_692 = arith.constant 80 : index
      %get3A_693 = tpu.vector_load %arg17[%get3A_692] {strides = array<i32>} : memref<256xf32, #tpu.memory_space<vmem>>, vector<16xf32>,
      %add3A_694 = arith.addf %add3A_691, %get3A_693 : vector<16xf32>
      %get3A_695 = arith.constant 96 : index
      %get3A_696 = tpu.vector_load %arg17[%get3A_695] {strides = array<i32>} : memref<256xf32, #tpu.memory_space<vmem>>, vector<16xf32>,
      %add3A_697 = arith.addf %add3A_694, %get3A_696 : vector<16xf32>
      %get3A_698 = arith.constant 112 : index
      %get3A_699 = tpu.vector_load %arg17[%get3A_698] {strides = array<i32>} : memref<256xf32, #tpu.memory_space<vmem>>, vector<16xf32>,
      %add3A_700 = arith.addf %add3A_697, %get3A_699 : vector<16xf32>
      %get3A_701 = arith.constant 128 : index
      %get3A_702 = tpu.vector_load %arg17[%get3A_701] {strides = array<i32>} : memref<256xf32, #tpu.memory_space<vmem>>, vector<16xf32>,
      %add3A_703 = arith.addf %add3A_700, %get3A_702 : vector<16xf32>
      %get3A_704 = arith.constant 144 : index
      %get3A_705 = tpu.vector_load %arg17[%get3A_704] {strides = array<i32>} : memref<256xf32, #tpu.memory_space<vmem>>, vector<16xf32>,
      %add3A_706 = arith.addf %add3A_703, %get3A_705 : vector<16xf32>
      %get3A_707 = arith.constant 160 : index
      %get3A_708 = tpu.vector_load %arg17[%get3A_707] {strides = array<i32>} : memref<256xf32, #tpu.memory_space<vmem>>, vector<16xf32>,
      %add3A_709 = arith.addf %add3A_706, %get3A_708 : vector<16xf32>
      %get3A_710 = arith.constant 176 : index
      %get3A_711 = tpu.vector_load %arg17[%get3A_710] {strides = array<i32>} : memref<256xf32, #tpu.memory_space<vmem>>, vector<16xf32>,
      %add3A_712 = arith.addf %add3A_709, %get3A_711 : vector<16xf32>
      %get3A_713 = arith.constant 192 : index
      %get3A_714 = tpu.vector_load %arg17[%get3A_713] {strides = array<i32>} : memref<256xf32, #tpu.memory_space<vmem>>, vector<16xf32>,
      %add3A_715 = arith.addf %add3A_712, %get3A_714 : vector<16xf32>
      %get3A_716 = arith.constant 208 : index
      %get3A_717 = tpu.vector_load %arg17[%get3A_716] {strides = array<i32>} : memref<256xf32, #tpu.memory_space<vmem>>, vector<16xf32>,
      %add3A_718 = arith.addf %add3A_715, %get3A_717 : vector<16xf32>
      %get3A_719 = arith.constant 224 : index
      %get3A_720 = tpu.vector_load %arg17[%get3A_719] {strides = array<i32>} : memref<256xf32, #tpu.memory_space<vmem>>, vector<16xf32>,
      %add3A_721 = arith.addf %add3A_718, %get3A_720 : vector<16xf32>
      %get3A_722 = arith.constant 240 : index
      %get3A_723 = tpu.vector_load %arg17[%get3A_722] {strides = array<i32>} : memref<256xf32, #tpu.memory_space<vmem>>, vector<16xf32>,
      %add3A_724 = arith.addf %add3A_721, %get3A_723 : vector<16xf32>
      %mul3A_725 = arith.constant 16 : i32
      %mul3A_726 = arith.muli %scan3A_670, %mul3A_725 : i32
      %add3A_727 = arith.constant 768 : i32
      %add3A_728 = arith.addi %add3A_727, %mul3A_726 : i32
      %swap3A = arith.index_cast %add3A_728 : i32 to index
      %swap3A_729 = tpu.vector_load %arg18[%swap3A] {strides = array<i32>} : memref<2048xf32, #tpu.memory_space<vmem>>, vector<16xf32>,
      tpu.vector_store %arg18[%swap3A], %add3A_724 {strides = array<i32>} : memref<2048xf32, #tpu.memory_space<vmem>>, vector<16xf32>,
      %scan3A_730 = arith.constant 0 : i32
      scf.yield %scan3A_730 : i32
    }
    %scan3A_351 = arith.constant 8 : i32
    %dma_start3A_352 = arith.constant 1024 : i32
    %dma_start3A_353 = tpu.memref_slice %arg8[%dma_start3A_352] : memref<2048xi32, #tpu.memory_space<vmem>> -> memref<128xi32, #tpu.memory_space<vmem>>
    %dma_start3A_354 = arith.constant 0 : i32
    %dma_start3A_355 = arith.constant 0 : i32
    %dma_start3A_356 = tpu.memref_slice %arg5[%dma_start3A_354, %dma_start3A_355] : memref<100000x128xf32, #tpu.memory_space<hbm>> -> memref<100000x128xf32, #tpu.memory_space<hbm>>
    tpu.enqueue_indirect_dma source(%dma_start3A_356 : memref<100000x128xf32, #tpu.memory_space<hbm>>) target(%arg11 : memref<128x128xf32, #tpu.memory_space<vmem>>) offsets(%dma_start3A_353 : memref<128xi32, #tpu.memory_space<vmem>>) semaphore(%arg20 : memref<!tpu.dma_semaphore, #tpu.memory_space<semaphore_mem>>)
    %dma_start3A_357 = arith.constant 1024 : i32
    %dma_start3A_358 = tpu.memref_slice %arg9[%dma_start3A_357] : memref<2048xi32, #tpu.memory_space<vmem>> -> memref<128xi32, #tpu.memory_space<vmem>>
    %dma_start3A_359 = arith.constant 0 : i32
    %dma_start3A_360 = arith.constant 0 : i32
    %dma_start3A_361 = tpu.memref_slice %arg6[%dma_start3A_359, %dma_start3A_360] : memref<100000x128xf32, #tpu.memory_space<hbm>> -> memref<100000x128xf32, #tpu.memory_space<hbm>>
    tpu.enqueue_indirect_dma source(%dma_start3A_361 : memref<100000x128xf32, #tpu.memory_space<hbm>>) target(%arg12 : memref<128x128xf32, #tpu.memory_space<vmem>>) offsets(%dma_start3A_358 : memref<128xi32, #tpu.memory_space<vmem>>) semaphore(%arg20 : memref<!tpu.dma_semaphore, #tpu.memory_space<semaphore_mem>>)
    %dma_start3A_362 = arith.constant 1024 : i32
    %dma_start3A_363 = tpu.memref_slice %arg10[%dma_start3A_362] : memref<2048xi32, #tpu.memory_space<vmem>> -> memref<128xi32, #tpu.memory_space<vmem>>
    %dma_start3A_364 = arith.constant 0 : i32
    %dma_start3A_365 = arith.constant 0 : i32
    %dma_start3A_366 = tpu.memref_slice %arg5[%dma_start3A_364, %dma_start3A_365] : memref<100000x128xf32, #tpu.memory_space<hbm>> -> memref<100000x128xf32, #tpu.memory_space<hbm>>
    tpu.enqueue_indirect_dma source(%dma_start3A_366 : memref<100000x128xf32, #tpu.memory_space<hbm>>) target(%arg13 : memref<128x128xf32, #tpu.memory_space<vmem>>) offsets(%dma_start3A_363 : memref<128xi32, #tpu.memory_space<vmem>>) semaphore(%arg20 : memref<!tpu.dma_semaphore, #tpu.memory_space<semaphore_mem>>)
    %dma_wait3A_367 = arith.constant 896 : i32
    %dma_wait3A_368 = tpu.memref_slice %arg8[%dma_wait3A_367] : memref<2048xi32, #tpu.memory_space<vmem>> -> memref<128xi32, #tpu.memory_space<vmem>>
    %dma_wait3A_369 = arith.constant 0 : i32
    %dma_wait3A_370 = arith.constant 0 : i32
    %dma_wait3A_371 = tpu.memref_slice %arg5[%dma_wait3A_369, %dma_wait3A_370] : memref<100000x128xf32, #tpu.memory_space<hbm>> -> memref<100000x128xf32, #tpu.memory_space<hbm>>
    tpu.wait_indirect_dma semaphore(%arg21 : memref<!tpu.dma_semaphore, #tpu.memory_space<semaphore_mem>>) src(%dma_wait3A_371 : memref<100000x128xf32, #tpu.memory_space<hbm>>) dst(%arg14 : memref<128x128xf32, #tpu.memory_space<vmem>>)
    %dma_wait3A_372 = arith.constant 896 : i32
    %dma_wait3A_373 = tpu.memref_slice %arg9[%dma_wait3A_372] : memref<2048xi32, #tpu.memory_space<vmem>> -> memref<128xi32, #tpu.memory_space<vmem>>
    %dma_wait3A_374 = arith.constant 0 : i32
    %dma_wait3A_375 = arith.constant 0 : i32
    %dma_wait3A_376 = tpu.memref_slice %arg6[%dma_wait3A_374, %dma_wait3A_375] : memref<100000x128xf32, #tpu.memory_space<hbm>> -> memref<100000x128xf32, #tpu.memory_space<hbm>>
    tpu.wait_indirect_dma semaphore(%arg21 : memref<!tpu.dma_semaphore, #tpu.memory_space<semaphore_mem>>) src(%dma_wait3A_376 : memref<100000x128xf32, #tpu.memory_space<hbm>>) dst(%arg15 : memref<128x128xf32, #tpu.memory_space<vmem>>)
    %dma_wait3A_377 = arith.constant 896 : i32
    %dma_wait3A_378 = tpu.memref_slice %arg10[%dma_wait3A_377] : memref<2048xi32, #tpu.memory_space<vmem>> -> memref<128xi32, #tpu.memory_space<vmem>>
    %dma_wait3A_379 = arith.constant 0 : i32
    %dma_wait3A_380 = arith.constant 0 : i32
    %dma_wait3A_381 = tpu.memref_slice %arg5[%dma_wait3A_379, %dma_wait3A_380] : memref<100000x128xf32, #tpu.memory_space<hbm>> -> memref<100000x128xf32, #tpu.memory_space<hbm>>
    tpu.wait_indirect_dma semaphore(%arg21 : memref<!tpu.dma_semaphore, #tpu.memory_space<semaphore_mem>>) src(%dma_wait3A_381 : memref<100000x128xf32, #tpu.memory_space<hbm>>) dst(%arg16 : memref<128x128xf32, #tpu.memory_space<vmem>>)
    %scan3A_382 = arith.constant 0 : i32
    %scan3A_383 = arith.constant 0 : i32
    %scan3A_384 = arith.constant 8 : i32
    %scan3A_385 = arith.addi %scan3A_383, %scan3A_384 : i32
    %scan3A_386 = arith.constant 1 : i32
    %scan3A_387 = scf.for %scan3A_670 = %scan3A_383 to %scan3A_385 step %scan3A_386 iter_args(%scan3A_671 = %scan3A_382) -> (i32)  : i32 {
      %scan3A_672 = arith.constant 0 : i32
      %scan3A_673 = arith.constant 0 : i32
      %scan3A_674 = arith.constant 16 : i32
      %scan3A_675 = arith.addi %scan3A_673, %scan3A_674 : i32
      %scan3A_676 = arith.constant 1 : i32
      %scan3A_677 = scf.for %scan3A_731 = %scan3A_673 to %scan3A_675 step %scan3A_676 iter_args(%scan3A_732 = %scan3A_672) -> (i32)  : i32 {
        %mul3A_733 = arith.constant 16 : i32
        %mul3A_734 = arith.muli %scan3A_670, %mul3A_733 : i32
        %add3A_735 = arith.addi %mul3A_734, %scan3A_731 : i32
        %get3A_736 = arith.index_cast %add3A_735 : i32 to index
        %get3A_737 = arith.constant 0 : index
        %get3A_738 = tpu.vector_load %arg14[%get3A_736, %get3A_737] {strides = array<i32>} : memref<128x128xf32, #tpu.memory_space<vmem>>, vector<16xf32>,
        %get3A_739 = arith.index_cast %add3A_735 : i32 to index
        %get3A_740 = arith.constant 0 : index
        %get3A_741 = tpu.vector_load %arg15[%get3A_739, %get3A_740] {strides = array<i32>} : memref<128x128xf32, #tpu.memory_space<vmem>>, vector<16xf32>,
        %mul3A_742 = arith.mulf %get3A_738, %get3A_741 : vector<16xf32>
        %get3A_743 = arith.index_cast %add3A_735 : i32 to index
        %get3A_744 = arith.constant 0 : index
        %get3A_745 = tpu.vector_load %arg16[%get3A_743, %get3A_744] {strides = array<i32>} : memref<128x128xf32, #tpu.memory_space<vmem>>, vector<16xf32>,
        %mul3A_746 = arith.mulf %mul3A_742, %get3A_745 : vector<16xf32>
        %get3A_747 = arith.index_cast %add3A_735 : i32 to index
        %get3A_748 = arith.constant 16 : index
        %get3A_749 = tpu.vector_load %arg14[%get3A_747, %get3A_748] {strides = array<i32>} : memref<128x128xf32, #tpu.memory_space<vmem>>, vector<16xf32>,
        %get3A_750 = arith.index_cast %add3A_735 : i32 to index
        %get3A_751 = arith.constant 16 : index
        %get3A_752 = tpu.vector_load %arg15[%get3A_750, %get3A_751] {strides = array<i32>} : memref<128x128xf32, #tpu.memory_space<vmem>>, vector<16xf32>,
        %mul3A_753 = arith.mulf %get3A_749, %get3A_752 : vector<16xf32>
        %get3A_754 = arith.index_cast %add3A_735 : i32 to index
        %get3A_755 = arith.constant 16 : index
        %get3A_756 = tpu.vector_load %arg16[%get3A_754, %get3A_755] {strides = array<i32>} : memref<128x128xf32, #tpu.memory_space<vmem>>, vector<16xf32>,
        %mul3A_757 = arith.mulf %mul3A_753, %get3A_756 : vector<16xf32>
        %add3A_758 = arith.addf %mul3A_746, %mul3A_757 : vector<16xf32>
        %get3A_759 = arith.index_cast %add3A_735 : i32 to index
        %get3A_760 = arith.constant 32 : index
        %get3A_761 = tpu.vector_load %arg14[%get3A_759, %get3A_760] {strides = array<i32>} : memref<128x128xf32, #tpu.memory_space<vmem>>, vector<16xf32>,
        %get3A_762 = arith.index_cast %add3A_735 : i32 to index
        %get3A_763 = arith.constant 32 : index
        %get3A_764 = tpu.vector_load %arg15[%get3A_762, %get3A_763] {strides = array<i32>} : memref<128x128xf32, #tpu.memory_space<vmem>>, vector<16xf32>,
        %mul3A_765 = arith.mulf %get3A_761, %get3A_764 : vector<16xf32>
        %get3A_766 = arith.index_cast %add3A_735 : i32 to index
        %get3A_767 = arith.constant 32 : index
        %get3A_768 = tpu.vector_load %arg16[%get3A_766, %get3A_767] {strides = array<i32>} : memref<128x128xf32, #tpu.memory_space<vmem>>, vector<16xf32>,
        %mul3A_769 = arith.mulf %mul3A_765, %get3A_768 : vector<16xf32>
        %add3A_770 = arith.addf %add3A_758, %mul3A_769 : vector<16xf32>
        %get3A_771 = arith.index_cast %add3A_735 : i32 to index
        %get3A_772 = arith.constant 48 : index
        %get3A_773 = tpu.vector_load %arg14[%get3A_771, %get3A_772] {strides = array<i32>} : memref<128x128xf32, #tpu.memory_space<vmem>>, vector<16xf32>,
        %get3A_774 = arith.index_cast %add3A_735 : i32 to index
        %get3A_775 = arith.constant 48 : index
        %get3A_776 = tpu.vector_load %arg15[%get3A_774, %get3A_775] {strides = array<i32>} : memref<128x128xf32, #tpu.memory_space<vmem>>, vector<16xf32>,
        %mul3A_777 = arith.mulf %get3A_773, %get3A_776 : vector<16xf32>
        %get3A_778 = arith.index_cast %add3A_735 : i32 to index
        %get3A_779 = arith.constant 48 : index
        %get3A_780 = tpu.vector_load %arg16[%get3A_778, %get3A_779] {strides = array<i32>} : memref<128x128xf32, #tpu.memory_space<vmem>>, vector<16xf32>,
        %mul3A_781 = arith.mulf %mul3A_777, %get3A_780 : vector<16xf32>
        %add3A_782 = arith.addf %add3A_770, %mul3A_781 : vector<16xf32>
        %get3A_783 = arith.index_cast %add3A_735 : i32 to index
        %get3A_784 = arith.constant 64 : index
        %get3A_785 = tpu.vector_load %arg14[%get3A_783, %get3A_784] {strides = array<i32>} : memref<128x128xf32, #tpu.memory_space<vmem>>, vector<16xf32>,
        %get3A_786 = arith.index_cast %add3A_735 : i32 to index
        %get3A_787 = arith.constant 64 : index
        %get3A_788 = tpu.vector_load %arg15[%get3A_786, %get3A_787] {strides = array<i32>} : memref<128x128xf32, #tpu.memory_space<vmem>>, vector<16xf32>,
        %mul3A_789 = arith.mulf %get3A_785, %get3A_788 : vector<16xf32>
        %get3A_790 = arith.index_cast %add3A_735 : i32 to index
        %get3A_791 = arith.constant 64 : index
        %get3A_792 = tpu.vector_load %arg16[%get3A_790, %get3A_791] {strides = array<i32>} : memref<128x128xf32, #tpu.memory_space<vmem>>, vector<16xf32>,
        %mul3A_793 = arith.mulf %mul3A_789, %get3A_792 : vector<16xf32>
        %add3A_794 = arith.addf %add3A_782, %mul3A_793 : vector<16xf32>
        %get3A_795 = arith.index_cast %add3A_735 : i32 to index
        %get3A_796 = arith.constant 80 : index
        %get3A_797 = tpu.vector_load %arg14[%get3A_795, %get3A_796] {strides = array<i32>} : memref<128x128xf32, #tpu.memory_space<vmem>>, vector<16xf32>,
        %get3A_798 = arith.index_cast %add3A_735 : i32 to index
        %get3A_799 = arith.constant 80 : index
        %get3A_800 = tpu.vector_load %arg15[%get3A_798, %get3A_799] {strides = array<i32>} : memref<128x128xf32, #tpu.memory_space<vmem>>, vector<16xf32>,
        %mul3A_801 = arith.mulf %get3A_797, %get3A_800 : vector<16xf32>
        %get3A_802 = arith.index_cast %add3A_735 : i32 to index
        %get3A_803 = arith.constant 80 : index
        %get3A_804 = tpu.vector_load %arg16[%get3A_802, %get3A_803] {strides = array<i32>} : memref<128x128xf32, #tpu.memory_space<vmem>>, vector<16xf32>,
        %mul3A_805 = arith.mulf %mul3A_801, %get3A_804 : vector<16xf32>
        %add3A_806 = arith.addf %add3A_794, %mul3A_805 : vector<16xf32>
        %get3A_807 = arith.index_cast %add3A_735 : i32 to index
        %get3A_808 = arith.constant 96 : index
        %get3A_809 = tpu.vector_load %arg14[%get3A_807, %get3A_808] {strides = array<i32>} : memref<128x128xf32, #tpu.memory_space<vmem>>, vector<16xf32>,
        %get3A_810 = arith.index_cast %add3A_735 : i32 to index
        %get3A_811 = arith.constant 96 : index
        %get3A_812 = tpu.vector_load %arg15[%get3A_810, %get3A_811] {strides = array<i32>} : memref<128x128xf32, #tpu.memory_space<vmem>>, vector<16xf32>,
        %mul3A_813 = arith.mulf %get3A_809, %get3A_812 : vector<16xf32>
        %get3A_814 = arith.index_cast %add3A_735 : i32 to index
        %get3A_815 = arith.constant 96 : index
        %get3A_816 = tpu.vector_load %arg16[%get3A_814, %get3A_815] {strides = array<i32>} : memref<128x128xf32, #tpu.memory_space<vmem>>, vector<16xf32>,
        %mul3A_817 = arith.mulf %mul3A_813, %get3A_816 : vector<16xf32>
        %add3A_818 = arith.addf %add3A_806, %mul3A_817 : vector<16xf32>
        %get3A_819 = arith.index_cast %add3A_735 : i32 to index
        %get3A_820 = arith.constant 112 : index
        %get3A_821 = tpu.vector_load %arg14[%get3A_819, %get3A_820] {strides = array<i32>} : memref<128x128xf32, #tpu.memory_space<vmem>>, vector<16xf32>,
        %get3A_822 = arith.index_cast %add3A_735 : i32 to index
        %get3A_823 = arith.constant 112 : index
        %get3A_824 = tpu.vector_load %arg15[%get3A_822, %get3A_823] {strides = array<i32>} : memref<128x128xf32, #tpu.memory_space<vmem>>, vector<16xf32>,
        %mul3A_825 = arith.mulf %get3A_821, %get3A_824 : vector<16xf32>
        %get3A_826 = arith.index_cast %add3A_735 : i32 to index
        %get3A_827 = arith.constant 112 : index
        %get3A_828 = tpu.vector_load %arg16[%get3A_826, %get3A_827] {strides = array<i32>} : memref<128x128xf32, #tpu.memory_space<vmem>>, vector<16xf32>,
        %mul3A_829 = arith.mulf %mul3A_825, %get3A_828 : vector<16xf32>
        %add3A_830 = arith.addf %add3A_818, %mul3A_829 : vector<16xf32>
        %mul3A_831 = arith.constant 16 : i32
        %mul3A_832 = vector.broadcast %mul3A_831 : i32 to vector<16xi32>
        %mul3A_833 = arith.muli %iota3A, %mul3A_832 : vector<16xi32>
        %add3A_834 = vector.broadcast %scan3A_731 : i32 to vector<16xi32>
        %add3A_835 = arith.addi %mul3A_833, %add3A_834 : vector<16xi32>
        tpu.vector_store_idx %arg17[%add3A_835], %add3A_830 : memref<256xf32, #tpu.memory_space<vmem>>[vector<16xi32>], vector<16xf32>,
        %scan3A_836 = arith.constant 0 : i32
        scf.yield %scan3A_836 : i32
      }
      %scan3A_678 = arith.constant 16 : i32
      %get3A = arith.constant 0 : index
      %get3A_679 = tpu.vector_load %arg17[%get3A] {strides = array<i32>} : memref<256xf32, #tpu.memory_space<vmem>>, vector<16xf32>,
      %get3A_680 = arith.constant 16 : index
      %get3A_681 = tpu.vector_load %arg17[%get3A_680] {strides = array<i32>} : memref<256xf32, #tpu.memory_space<vmem>>, vector<16xf32>,
      %add3A_682 = arith.addf %get3A_679, %get3A_681 : vector<16xf32>
      %get3A_683 = arith.constant 32 : index
      %get3A_684 = tpu.vector_load %arg17[%get3A_683] {strides = array<i32>} : memref<256xf32, #tpu.memory_space<vmem>>, vector<16xf32>,
      %add3A_685 = arith.addf %add3A_682, %get3A_684 : vector<16xf32>
      %get3A_686 = arith.constant 48 : index
      %get3A_687 = tpu.vector_load %arg17[%get3A_686] {strides = array<i32>} : memref<256xf32, #tpu.memory_space<vmem>>, vector<16xf32>,
      %add3A_688 = arith.addf %add3A_685, %get3A_687 : vector<16xf32>
      %get3A_689 = arith.constant 64 : index
      %get3A_690 = tpu.vector_load %arg17[%get3A_689] {strides = array<i32>} : memref<256xf32, #tpu.memory_space<vmem>>, vector<16xf32>,
      %add3A_691 = arith.addf %add3A_688, %get3A_690 : vector<16xf32>
      %get3A_692 = arith.constant 80 : index
      %get3A_693 = tpu.vector_load %arg17[%get3A_692] {strides = array<i32>} : memref<256xf32, #tpu.memory_space<vmem>>, vector<16xf32>,
      %add3A_694 = arith.addf %add3A_691, %get3A_693 : vector<16xf32>
      %get3A_695 = arith.constant 96 : index
      %get3A_696 = tpu.vector_load %arg17[%get3A_695] {strides = array<i32>} : memref<256xf32, #tpu.memory_space<vmem>>, vector<16xf32>,
      %add3A_697 = arith.addf %add3A_694, %get3A_696 : vector<16xf32>
      %get3A_698 = arith.constant 112 : index
      %get3A_699 = tpu.vector_load %arg17[%get3A_698] {strides = array<i32>} : memref<256xf32, #tpu.memory_space<vmem>>, vector<16xf32>,
      %add3A_700 = arith.addf %add3A_697, %get3A_699 : vector<16xf32>
      %get3A_701 = arith.constant 128 : index
      %get3A_702 = tpu.vector_load %arg17[%get3A_701] {strides = array<i32>} : memref<256xf32, #tpu.memory_space<vmem>>, vector<16xf32>,
      %add3A_703 = arith.addf %add3A_700, %get3A_702 : vector<16xf32>
      %get3A_704 = arith.constant 144 : index
      %get3A_705 = tpu.vector_load %arg17[%get3A_704] {strides = array<i32>} : memref<256xf32, #tpu.memory_space<vmem>>, vector<16xf32>,
      %add3A_706 = arith.addf %add3A_703, %get3A_705 : vector<16xf32>
      %get3A_707 = arith.constant 160 : index
      %get3A_708 = tpu.vector_load %arg17[%get3A_707] {strides = array<i32>} : memref<256xf32, #tpu.memory_space<vmem>>, vector<16xf32>,
      %add3A_709 = arith.addf %add3A_706, %get3A_708 : vector<16xf32>
      %get3A_710 = arith.constant 176 : index
      %get3A_711 = tpu.vector_load %arg17[%get3A_710] {strides = array<i32>} : memref<256xf32, #tpu.memory_space<vmem>>, vector<16xf32>,
      %add3A_712 = arith.addf %add3A_709, %get3A_711 : vector<16xf32>
      %get3A_713 = arith.constant 192 : index
      %get3A_714 = tpu.vector_load %arg17[%get3A_713] {strides = array<i32>} : memref<256xf32, #tpu.memory_space<vmem>>, vector<16xf32>,
      %add3A_715 = arith.addf %add3A_712, %get3A_714 : vector<16xf32>
      %get3A_716 = arith.constant 208 : index
      %get3A_717 = tpu.vector_load %arg17[%get3A_716] {strides = array<i32>} : memref<256xf32, #tpu.memory_space<vmem>>, vector<16xf32>,
      %add3A_718 = arith.addf %add3A_715, %get3A_717 : vector<16xf32>
      %get3A_719 = arith.constant 224 : index
      %get3A_720 = tpu.vector_load %arg17[%get3A_719] {strides = array<i32>} : memref<256xf32, #tpu.memory_space<vmem>>, vector<16xf32>,
      %add3A_721 = arith.addf %add3A_718, %get3A_720 : vector<16xf32>
      %get3A_722 = arith.constant 240 : index
      %get3A_723 = tpu.vector_load %arg17[%get3A_722] {strides = array<i32>} : memref<256xf32, #tpu.memory_space<vmem>>, vector<16xf32>,
      %add3A_724 = arith.addf %add3A_721, %get3A_723 : vector<16xf32>
      %mul3A_725 = arith.constant 16 : i32
      %mul3A_726 = arith.muli %scan3A_670, %mul3A_725 : i32
      %add3A_727 = arith.constant 896 : i32
      %add3A_728 = arith.addi %add3A_727, %mul3A_726 : i32
      %swap3A = arith.index_cast %add3A_728 : i32 to index
      %swap3A_729 = tpu.vector_load %arg18[%swap3A] {strides = array<i32>} : memref<2048xf32, #tpu.memory_space<vmem>>, vector<16xf32>,
      tpu.vector_store %arg18[%swap3A], %add3A_724 {strides = array<i32>} : memref<2048xf32, #tpu.memory_space<vmem>>, vector<16xf32>,
      %scan3A_730 = arith.constant 0 : i32
      scf.yield %scan3A_730 : i32
    }
    %scan3A_388 = arith.constant 8 : i32
    %dma_start3A_389 = arith.constant 1152 : i32
    %dma_start3A_390 = tpu.memref_slice %arg8[%dma_start3A_389] : memref<2048xi32, #tpu.memory_space<vmem>> -> memref<128xi32, #tpu.memory_space<vmem>>
    %dma_start3A_391 = arith.constant 0 : i32
    %dma_start3A_392 = arith.constant 0 : i32
    %dma_start3A_393 = tpu.memref_slice %arg5[%dma_start3A_391, %dma_start3A_392] : memref<100000x128xf32, #tpu.memory_space<hbm>> -> memref<100000x128xf32, #tpu.memory_space<hbm>>
    tpu.enqueue_indirect_dma source(%dma_start3A_393 : memref<100000x128xf32, #tpu.memory_space<hbm>>) target(%arg14 : memref<128x128xf32, #tpu.memory_space<vmem>>) offsets(%dma_start3A_390 : memref<128xi32, #tpu.memory_space<vmem>>) semaphore(%arg21 : memref<!tpu.dma_semaphore, #tpu.memory_space<semaphore_mem>>)
    %dma_start3A_394 = arith.constant 1152 : i32
    %dma_start3A_395 = tpu.memref_slice %arg9[%dma_start3A_394] : memref<2048xi32, #tpu.memory_space<vmem>> -> memref<128xi32, #tpu.memory_space<vmem>>
    %dma_start3A_396 = arith.constant 0 : i32
    %dma_start3A_397 = arith.constant 0 : i32
    %dma_start3A_398 = tpu.memref_slice %arg6[%dma_start3A_396, %dma_start3A_397] : memref<100000x128xf32, #tpu.memory_space<hbm>> -> memref<100000x128xf32, #tpu.memory_space<hbm>>
    tpu.enqueue_indirect_dma source(%dma_start3A_398 : memref<100000x128xf32, #tpu.memory_space<hbm>>) target(%arg15 : memref<128x128xf32, #tpu.memory_space<vmem>>) offsets(%dma_start3A_395 : memref<128xi32, #tpu.memory_space<vmem>>) semaphore(%arg21 : memref<!tpu.dma_semaphore, #tpu.memory_space<semaphore_mem>>)
    %dma_start3A_399 = arith.constant 1152 : i32
    %dma_start3A_400 = tpu.memref_slice %arg10[%dma_start3A_399] : memref<2048xi32, #tpu.memory_space<vmem>> -> memref<128xi32, #tpu.memory_space<vmem>>
    %dma_start3A_401 = arith.constant 0 : i32
    %dma_start3A_402 = arith.constant 0 : i32
    %dma_start3A_403 = tpu.memref_slice %arg5[%dma_start3A_401, %dma_start3A_402] : memref<100000x128xf32, #tpu.memory_space<hbm>> -> memref<100000x128xf32, #tpu.memory_space<hbm>>
    tpu.enqueue_indirect_dma source(%dma_start3A_403 : memref<100000x128xf32, #tpu.memory_space<hbm>>) target(%arg16 : memref<128x128xf32, #tpu.memory_space<vmem>>) offsets(%dma_start3A_400 : memref<128xi32, #tpu.memory_space<vmem>>) semaphore(%arg21 : memref<!tpu.dma_semaphore, #tpu.memory_space<semaphore_mem>>)
    %dma_wait3A_404 = arith.constant 1024 : i32
    %dma_wait3A_405 = tpu.memref_slice %arg8[%dma_wait3A_404] : memref<2048xi32, #tpu.memory_space<vmem>> -> memref<128xi32, #tpu.memory_space<vmem>>
    %dma_wait3A_406 = arith.constant 0 : i32
    %dma_wait3A_407 = arith.constant 0 : i32
    %dma_wait3A_408 = tpu.memref_slice %arg5[%dma_wait3A_406, %dma_wait3A_407] : memref<100000x128xf32, #tpu.memory_space<hbm>> -> memref<100000x128xf32, #tpu.memory_space<hbm>>
    tpu.wait_indirect_dma semaphore(%arg20 : memref<!tpu.dma_semaphore, #tpu.memory_space<semaphore_mem>>) src(%dma_wait3A_408 : memref<100000x128xf32, #tpu.memory_space<hbm>>) dst(%arg11 : memref<128x128xf32, #tpu.memory_space<vmem>>)
    %dma_wait3A_409 = arith.constant 1024 : i32
    %dma_wait3A_410 = tpu.memref_slice %arg9[%dma_wait3A_409] : memref<2048xi32, #tpu.memory_space<vmem>> -> memref<128xi32, #tpu.memory_space<vmem>>
    %dma_wait3A_411 = arith.constant 0 : i32
    %dma_wait3A_412 = arith.constant 0 : i32
    %dma_wait3A_413 = tpu.memref_slice %arg6[%dma_wait3A_411, %dma_wait3A_412] : memref<100000x128xf32, #tpu.memory_space<hbm>> -> memref<100000x128xf32, #tpu.memory_space<hbm>>
    tpu.wait_indirect_dma semaphore(%arg20 : memref<!tpu.dma_semaphore, #tpu.memory_space<semaphore_mem>>) src(%dma_wait3A_413 : memref<100000x128xf32, #tpu.memory_space<hbm>>) dst(%arg12 : memref<128x128xf32, #tpu.memory_space<vmem>>)
    %dma_wait3A_414 = arith.constant 1024 : i32
    %dma_wait3A_415 = tpu.memref_slice %arg10[%dma_wait3A_414] : memref<2048xi32, #tpu.memory_space<vmem>> -> memref<128xi32, #tpu.memory_space<vmem>>
    %dma_wait3A_416 = arith.constant 0 : i32
    %dma_wait3A_417 = arith.constant 0 : i32
    %dma_wait3A_418 = tpu.memref_slice %arg5[%dma_wait3A_416, %dma_wait3A_417] : memref<100000x128xf32, #tpu.memory_space<hbm>> -> memref<100000x128xf32, #tpu.memory_space<hbm>>
    tpu.wait_indirect_dma semaphore(%arg20 : memref<!tpu.dma_semaphore, #tpu.memory_space<semaphore_mem>>) src(%dma_wait3A_418 : memref<100000x128xf32, #tpu.memory_space<hbm>>) dst(%arg13 : memref<128x128xf32, #tpu.memory_space<vmem>>)
    %scan3A_419 = arith.constant 0 : i32
    %scan3A_420 = arith.constant 0 : i32
    %scan3A_421 = arith.constant 8 : i32
    %scan3A_422 = arith.addi %scan3A_420, %scan3A_421 : i32
    %scan3A_423 = arith.constant 1 : i32
    %scan3A_424 = scf.for %scan3A_670 = %scan3A_420 to %scan3A_422 step %scan3A_423 iter_args(%scan3A_671 = %scan3A_419) -> (i32)  : i32 {
      %scan3A_672 = arith.constant 0 : i32
      %scan3A_673 = arith.constant 0 : i32
      %scan3A_674 = arith.constant 16 : i32
      %scan3A_675 = arith.addi %scan3A_673, %scan3A_674 : i32
      %scan3A_676 = arith.constant 1 : i32
      %scan3A_677 = scf.for %scan3A_731 = %scan3A_673 to %scan3A_675 step %scan3A_676 iter_args(%scan3A_732 = %scan3A_672) -> (i32)  : i32 {
        %mul3A_733 = arith.constant 16 : i32
        %mul3A_734 = arith.muli %scan3A_670, %mul3A_733 : i32
        %add3A_735 = arith.addi %mul3A_734, %scan3A_731 : i32
        %get3A_736 = arith.index_cast %add3A_735 : i32 to index
        %get3A_737 = arith.constant 0 : index
        %get3A_738 = tpu.vector_load %arg11[%get3A_736, %get3A_737] {strides = array<i32>} : memref<128x128xf32, #tpu.memory_space<vmem>>, vector<16xf32>,
        %get3A_739 = arith.index_cast %add3A_735 : i32 to index
        %get3A_740 = arith.constant 0 : index
        %get3A_741 = tpu.vector_load %arg12[%get3A_739, %get3A_740] {strides = array<i32>} : memref<128x128xf32, #tpu.memory_space<vmem>>, vector<16xf32>,
        %mul3A_742 = arith.mulf %get3A_738, %get3A_741 : vector<16xf32>
        %get3A_743 = arith.index_cast %add3A_735 : i32 to index
        %get3A_744 = arith.constant 0 : index
        %get3A_745 = tpu.vector_load %arg13[%get3A_743, %get3A_744] {strides = array<i32>} : memref<128x128xf32, #tpu.memory_space<vmem>>, vector<16xf32>,
        %mul3A_746 = arith.mulf %mul3A_742, %get3A_745 : vector<16xf32>
        %get3A_747 = arith.index_cast %add3A_735 : i32 to index
        %get3A_748 = arith.constant 16 : index
        %get3A_749 = tpu.vector_load %arg11[%get3A_747, %get3A_748] {strides = array<i32>} : memref<128x128xf32, #tpu.memory_space<vmem>>, vector<16xf32>,
        %get3A_750 = arith.index_cast %add3A_735 : i32 to index
        %get3A_751 = arith.constant 16 : index
        %get3A_752 = tpu.vector_load %arg12[%get3A_750, %get3A_751] {strides = array<i32>} : memref<128x128xf32, #tpu.memory_space<vmem>>, vector<16xf32>,
        %mul3A_753 = arith.mulf %get3A_749, %get3A_752 : vector<16xf32>
        %get3A_754 = arith.index_cast %add3A_735 : i32 to index
        %get3A_755 = arith.constant 16 : index
        %get3A_756 = tpu.vector_load %arg13[%get3A_754, %get3A_755] {strides = array<i32>} : memref<128x128xf32, #tpu.memory_space<vmem>>, vector<16xf32>,
        %mul3A_757 = arith.mulf %mul3A_753, %get3A_756 : vector<16xf32>
        %add3A_758 = arith.addf %mul3A_746, %mul3A_757 : vector<16xf32>
        %get3A_759 = arith.index_cast %add3A_735 : i32 to index
        %get3A_760 = arith.constant 32 : index
        %get3A_761 = tpu.vector_load %arg11[%get3A_759, %get3A_760] {strides = array<i32>} : memref<128x128xf32, #tpu.memory_space<vmem>>, vector<16xf32>,
        %get3A_762 = arith.index_cast %add3A_735 : i32 to index
        %get3A_763 = arith.constant 32 : index
        %get3A_764 = tpu.vector_load %arg12[%get3A_762, %get3A_763] {strides = array<i32>} : memref<128x128xf32, #tpu.memory_space<vmem>>, vector<16xf32>,
        %mul3A_765 = arith.mulf %get3A_761, %get3A_764 : vector<16xf32>
        %get3A_766 = arith.index_cast %add3A_735 : i32 to index
        %get3A_767 = arith.constant 32 : index
        %get3A_768 = tpu.vector_load %arg13[%get3A_766, %get3A_767] {strides = array<i32>} : memref<128x128xf32, #tpu.memory_space<vmem>>, vector<16xf32>,
        %mul3A_769 = arith.mulf %mul3A_765, %get3A_768 : vector<16xf32>
        %add3A_770 = arith.addf %add3A_758, %mul3A_769 : vector<16xf32>
        %get3A_771 = arith.index_cast %add3A_735 : i32 to index
        %get3A_772 = arith.constant 48 : index
        %get3A_773 = tpu.vector_load %arg11[%get3A_771, %get3A_772] {strides = array<i32>} : memref<128x128xf32, #tpu.memory_space<vmem>>, vector<16xf32>,
        %get3A_774 = arith.index_cast %add3A_735 : i32 to index
        %get3A_775 = arith.constant 48 : index
        %get3A_776 = tpu.vector_load %arg12[%get3A_774, %get3A_775] {strides = array<i32>} : memref<128x128xf32, #tpu.memory_space<vmem>>, vector<16xf32>,
        %mul3A_777 = arith.mulf %get3A_773, %get3A_776 : vector<16xf32>
        %get3A_778 = arith.index_cast %add3A_735 : i32 to index
        %get3A_779 = arith.constant 48 : index
        %get3A_780 = tpu.vector_load %arg13[%get3A_778, %get3A_779] {strides = array<i32>} : memref<128x128xf32, #tpu.memory_space<vmem>>, vector<16xf32>,
        %mul3A_781 = arith.mulf %mul3A_777, %get3A_780 : vector<16xf32>
        %add3A_782 = arith.addf %add3A_770, %mul3A_781 : vector<16xf32>
        %get3A_783 = arith.index_cast %add3A_735 : i32 to index
        %get3A_784 = arith.constant 64 : index
        %get3A_785 = tpu.vector_load %arg11[%get3A_783, %get3A_784] {strides = array<i32>} : memref<128x128xf32, #tpu.memory_space<vmem>>, vector<16xf32>,
        %get3A_786 = arith.index_cast %add3A_735 : i32 to index
        %get3A_787 = arith.constant 64 : index
        %get3A_788 = tpu.vector_load %arg12[%get3A_786, %get3A_787] {strides = array<i32>} : memref<128x128xf32, #tpu.memory_space<vmem>>, vector<16xf32>,
        %mul3A_789 = arith.mulf %get3A_785, %get3A_788 : vector<16xf32>
        %get3A_790 = arith.index_cast %add3A_735 : i32 to index
        %get3A_791 = arith.constant 64 : index
        %get3A_792 = tpu.vector_load %arg13[%get3A_790, %get3A_791] {strides = array<i32>} : memref<128x128xf32, #tpu.memory_space<vmem>>, vector<16xf32>,
        %mul3A_793 = arith.mulf %mul3A_789, %get3A_792 : vector<16xf32>
        %add3A_794 = arith.addf %add3A_782, %mul3A_793 : vector<16xf32>
        %get3A_795 = arith.index_cast %add3A_735 : i32 to index
        %get3A_796 = arith.constant 80 : index
        %get3A_797 = tpu.vector_load %arg11[%get3A_795, %get3A_796] {strides = array<i32>} : memref<128x128xf32, #tpu.memory_space<vmem>>, vector<16xf32>,
        %get3A_798 = arith.index_cast %add3A_735 : i32 to index
        %get3A_799 = arith.constant 80 : index
        %get3A_800 = tpu.vector_load %arg12[%get3A_798, %get3A_799] {strides = array<i32>} : memref<128x128xf32, #tpu.memory_space<vmem>>, vector<16xf32>,
        %mul3A_801 = arith.mulf %get3A_797, %get3A_800 : vector<16xf32>
        %get3A_802 = arith.index_cast %add3A_735 : i32 to index
        %get3A_803 = arith.constant 80 : index
        %get3A_804 = tpu.vector_load %arg13[%get3A_802, %get3A_803] {strides = array<i32>} : memref<128x128xf32, #tpu.memory_space<vmem>>, vector<16xf32>,
        %mul3A_805 = arith.mulf %mul3A_801, %get3A_804 : vector<16xf32>
        %add3A_806 = arith.addf %add3A_794, %mul3A_805 : vector<16xf32>
        %get3A_807 = arith.index_cast %add3A_735 : i32 to index
        %get3A_808 = arith.constant 96 : index
        %get3A_809 = tpu.vector_load %arg11[%get3A_807, %get3A_808] {strides = array<i32>} : memref<128x128xf32, #tpu.memory_space<vmem>>, vector<16xf32>,
        %get3A_810 = arith.index_cast %add3A_735 : i32 to index
        %get3A_811 = arith.constant 96 : index
        %get3A_812 = tpu.vector_load %arg12[%get3A_810, %get3A_811] {strides = array<i32>} : memref<128x128xf32, #tpu.memory_space<vmem>>, vector<16xf32>,
        %mul3A_813 = arith.mulf %get3A_809, %get3A_812 : vector<16xf32>
        %get3A_814 = arith.index_cast %add3A_735 : i32 to index
        %get3A_815 = arith.constant 96 : index
        %get3A_816 = tpu.vector_load %arg13[%get3A_814, %get3A_815] {strides = array<i32>} : memref<128x128xf32, #tpu.memory_space<vmem>>, vector<16xf32>,
        %mul3A_817 = arith.mulf %mul3A_813, %get3A_816 : vector<16xf32>
        %add3A_818 = arith.addf %add3A_806, %mul3A_817 : vector<16xf32>
        %get3A_819 = arith.index_cast %add3A_735 : i32 to index
        %get3A_820 = arith.constant 112 : index
        %get3A_821 = tpu.vector_load %arg11[%get3A_819, %get3A_820] {strides = array<i32>} : memref<128x128xf32, #tpu.memory_space<vmem>>, vector<16xf32>,
        %get3A_822 = arith.index_cast %add3A_735 : i32 to index
        %get3A_823 = arith.constant 112 : index
        %get3A_824 = tpu.vector_load %arg12[%get3A_822, %get3A_823] {strides = array<i32>} : memref<128x128xf32, #tpu.memory_space<vmem>>, vector<16xf32>,
        %mul3A_825 = arith.mulf %get3A_821, %get3A_824 : vector<16xf32>
        %get3A_826 = arith.index_cast %add3A_735 : i32 to index
        %get3A_827 = arith.constant 112 : index
        %get3A_828 = tpu.vector_load %arg13[%get3A_826, %get3A_827] {strides = array<i32>} : memref<128x128xf32, #tpu.memory_space<vmem>>, vector<16xf32>,
        %mul3A_829 = arith.mulf %mul3A_825, %get3A_828 : vector<16xf32>
        %add3A_830 = arith.addf %add3A_818, %mul3A_829 : vector<16xf32>
        %mul3A_831 = arith.constant 16 : i32
        %mul3A_832 = vector.broadcast %mul3A_831 : i32 to vector<16xi32>
        %mul3A_833 = arith.muli %iota3A, %mul3A_832 : vector<16xi32>
        %add3A_834 = vector.broadcast %scan3A_731 : i32 to vector<16xi32>
        %add3A_835 = arith.addi %mul3A_833, %add3A_834 : vector<16xi32>
        tpu.vector_store_idx %arg17[%add3A_835], %add3A_830 : memref<256xf32, #tpu.memory_space<vmem>>[vector<16xi32>], vector<16xf32>,
        %scan3A_836 = arith.constant 0 : i32
        scf.yield %scan3A_836 : i32
      }
      %scan3A_678 = arith.constant 16 : i32
      %get3A = arith.constant 0 : index
      %get3A_679 = tpu.vector_load %arg17[%get3A] {strides = array<i32>} : memref<256xf32, #tpu.memory_space<vmem>>, vector<16xf32>,
      %get3A_680 = arith.constant 16 : index
      %get3A_681 = tpu.vector_load %arg17[%get3A_680] {strides = array<i32>} : memref<256xf32, #tpu.memory_space<vmem>>, vector<16xf32>,
      %add3A_682 = arith.addf %get3A_679, %get3A_681 : vector<16xf32>
      %get3A_683 = arith.constant 32 : index
      %get3A_684 = tpu.vector_load %arg17[%get3A_683] {strides = array<i32>} : memref<256xf32, #tpu.memory_space<vmem>>, vector<16xf32>,
      %add3A_685 = arith.addf %add3A_682, %get3A_684 : vector<16xf32>
      %get3A_686 = arith.constant 48 : index
      %get3A_687 = tpu.vector_load %arg17[%get3A_686] {strides = array<i32>} : memref<256xf32, #tpu.memory_space<vmem>>, vector<16xf32>,
      %add3A_688 = arith.addf %add3A_685, %get3A_687 : vector<16xf32>
      %get3A_689 = arith.constant 64 : index
      %get3A_690 = tpu.vector_load %arg17[%get3A_689] {strides = array<i32>} : memref<256xf32, #tpu.memory_space<vmem>>, vector<16xf32>,
      %add3A_691 = arith.addf %add3A_688, %get3A_690 : vector<16xf32>
      %get3A_692 = arith.constant 80 : index
      %get3A_693 = tpu.vector_load %arg17[%get3A_692] {strides = array<i32>} : memref<256xf32, #tpu.memory_space<vmem>>, vector<16xf32>,
      %add3A_694 = arith.addf %add3A_691, %get3A_693 : vector<16xf32>
      %get3A_695 = arith.constant 96 : index
      %get3A_696 = tpu.vector_load %arg17[%get3A_695] {strides = array<i32>} : memref<256xf32, #tpu.memory_space<vmem>>, vector<16xf32>,
      %add3A_697 = arith.addf %add3A_694, %get3A_696 : vector<16xf32>
      %get3A_698 = arith.constant 112 : index
      %get3A_699 = tpu.vector_load %arg17[%get3A_698] {strides = array<i32>} : memref<256xf32, #tpu.memory_space<vmem>>, vector<16xf32>,
      %add3A_700 = arith.addf %add3A_697, %get3A_699 : vector<16xf32>
      %get3A_701 = arith.constant 128 : index
      %get3A_702 = tpu.vector_load %arg17[%get3A_701] {strides = array<i32>} : memref<256xf32, #tpu.memory_space<vmem>>, vector<16xf32>,
      %add3A_703 = arith.addf %add3A_700, %get3A_702 : vector<16xf32>
      %get3A_704 = arith.constant 144 : index
      %get3A_705 = tpu.vector_load %arg17[%get3A_704] {strides = array<i32>} : memref<256xf32, #tpu.memory_space<vmem>>, vector<16xf32>,
      %add3A_706 = arith.addf %add3A_703, %get3A_705 : vector<16xf32>
      %get3A_707 = arith.constant 160 : index
      %get3A_708 = tpu.vector_load %arg17[%get3A_707] {strides = array<i32>} : memref<256xf32, #tpu.memory_space<vmem>>, vector<16xf32>,
      %add3A_709 = arith.addf %add3A_706, %get3A_708 : vector<16xf32>
      %get3A_710 = arith.constant 176 : index
      %get3A_711 = tpu.vector_load %arg17[%get3A_710] {strides = array<i32>} : memref<256xf32, #tpu.memory_space<vmem>>, vector<16xf32>,
      %add3A_712 = arith.addf %add3A_709, %get3A_711 : vector<16xf32>
      %get3A_713 = arith.constant 192 : index
      %get3A_714 = tpu.vector_load %arg17[%get3A_713] {strides = array<i32>} : memref<256xf32, #tpu.memory_space<vmem>>, vector<16xf32>,
      %add3A_715 = arith.addf %add3A_712, %get3A_714 : vector<16xf32>
      %get3A_716 = arith.constant 208 : index
      %get3A_717 = tpu.vector_load %arg17[%get3A_716] {strides = array<i32>} : memref<256xf32, #tpu.memory_space<vmem>>, vector<16xf32>,
      %add3A_718 = arith.addf %add3A_715, %get3A_717 : vector<16xf32>
      %get3A_719 = arith.constant 224 : index
      %get3A_720 = tpu.vector_load %arg17[%get3A_719] {strides = array<i32>} : memref<256xf32, #tpu.memory_space<vmem>>, vector<16xf32>,
      %add3A_721 = arith.addf %add3A_718, %get3A_720 : vector<16xf32>
      %get3A_722 = arith.constant 240 : index
      %get3A_723 = tpu.vector_load %arg17[%get3A_722] {strides = array<i32>} : memref<256xf32, #tpu.memory_space<vmem>>, vector<16xf32>,
      %add3A_724 = arith.addf %add3A_721, %get3A_723 : vector<16xf32>
      %mul3A_725 = arith.constant 16 : i32
      %mul3A_726 = arith.muli %scan3A_670, %mul3A_725 : i32
      %add3A_727 = arith.constant 1024 : i32
      %add3A_728 = arith.addi %add3A_727, %mul3A_726 : i32
      %swap3A = arith.index_cast %add3A_728 : i32 to index
      %swap3A_729 = tpu.vector_load %arg18[%swap3A] {strides = array<i32>} : memref<2048xf32, #tpu.memory_space<vmem>>, vector<16xf32>,
      tpu.vector_store %arg18[%swap3A], %add3A_724 {strides = array<i32>} : memref<2048xf32, #tpu.memory_space<vmem>>, vector<16xf32>,
      %scan3A_730 = arith.constant 0 : i32
      scf.yield %scan3A_730 : i32
    }
    %scan3A_425 = arith.constant 8 : i32
    %dma_start3A_426 = arith.constant 1280 : i32
    %dma_start3A_427 = tpu.memref_slice %arg8[%dma_start3A_426] : memref<2048xi32, #tpu.memory_space<vmem>> -> memref<128xi32, #tpu.memory_space<vmem>>
    %dma_start3A_428 = arith.constant 0 : i32
    %dma_start3A_429 = arith.constant 0 : i32
    %dma_start3A_430 = tpu.memref_slice %arg5[%dma_start3A_428, %dma_start3A_429] : memref<100000x128xf32, #tpu.memory_space<hbm>> -> memref<100000x128xf32, #tpu.memory_space<hbm>>
    tpu.enqueue_indirect_dma source(%dma_start3A_430 : memref<100000x128xf32, #tpu.memory_space<hbm>>) target(%arg11 : memref<128x128xf32, #tpu.memory_space<vmem>>) offsets(%dma_start3A_427 : memref<128xi32, #tpu.memory_space<vmem>>) semaphore(%arg20 : memref<!tpu.dma_semaphore, #tpu.memory_space<semaphore_mem>>)
    %dma_start3A_431 = arith.constant 1280 : i32
    %dma_start3A_432 = tpu.memref_slice %arg9[%dma_start3A_431] : memref<2048xi32, #tpu.memory_space<vmem>> -> memref<128xi32, #tpu.memory_space<vmem>>
    %dma_start3A_433 = arith.constant 0 : i32
    %dma_start3A_434 = arith.constant 0 : i32
    %dma_start3A_435 = tpu.memref_slice %arg6[%dma_start3A_433, %dma_start3A_434] : memref<100000x128xf32, #tpu.memory_space<hbm>> -> memref<100000x128xf32, #tpu.memory_space<hbm>>
    tpu.enqueue_indirect_dma source(%dma_start3A_435 : memref<100000x128xf32, #tpu.memory_space<hbm>>) target(%arg12 : memref<128x128xf32, #tpu.memory_space<vmem>>) offsets(%dma_start3A_432 : memref<128xi32, #tpu.memory_space<vmem>>) semaphore(%arg20 : memref<!tpu.dma_semaphore, #tpu.memory_space<semaphore_mem>>)
    %dma_start3A_436 = arith.constant 1280 : i32
    %dma_start3A_437 = tpu.memref_slice %arg10[%dma_start3A_436] : memref<2048xi32, #tpu.memory_space<vmem>> -> memref<128xi32, #tpu.memory_space<vmem>>
    %dma_start3A_438 = arith.constant 0 : i32
    %dma_start3A_439 = arith.constant 0 : i32
    %dma_start3A_440 = tpu.memref_slice %arg5[%dma_start3A_438, %dma_start3A_439] : memref<100000x128xf32, #tpu.memory_space<hbm>> -> memref<100000x128xf32, #tpu.memory_space<hbm>>
    tpu.enqueue_indirect_dma source(%dma_start3A_440 : memref<100000x128xf32, #tpu.memory_space<hbm>>) target(%arg13 : memref<128x128xf32, #tpu.memory_space<vmem>>) offsets(%dma_start3A_437 : memref<128xi32, #tpu.memory_space<vmem>>) semaphore(%arg20 : memref<!tpu.dma_semaphore, #tpu.memory_space<semaphore_mem>>)
    %dma_wait3A_441 = arith.constant 1152 : i32
    %dma_wait3A_442 = tpu.memref_slice %arg8[%dma_wait3A_441] : memref<2048xi32, #tpu.memory_space<vmem>> -> memref<128xi32, #tpu.memory_space<vmem>>
    %dma_wait3A_443 = arith.constant 0 : i32
    %dma_wait3A_444 = arith.constant 0 : i32
    %dma_wait3A_445 = tpu.memref_slice %arg5[%dma_wait3A_443, %dma_wait3A_444] : memref<100000x128xf32, #tpu.memory_space<hbm>> -> memref<100000x128xf32, #tpu.memory_space<hbm>>
    tpu.wait_indirect_dma semaphore(%arg21 : memref<!tpu.dma_semaphore, #tpu.memory_space<semaphore_mem>>) src(%dma_wait3A_445 : memref<100000x128xf32, #tpu.memory_space<hbm>>) dst(%arg14 : memref<128x128xf32, #tpu.memory_space<vmem>>)
    %dma_wait3A_446 = arith.constant 1152 : i32
    %dma_wait3A_447 = tpu.memref_slice %arg9[%dma_wait3A_446] : memref<2048xi32, #tpu.memory_space<vmem>> -> memref<128xi32, #tpu.memory_space<vmem>>
    %dma_wait3A_448 = arith.constant 0 : i32
    %dma_wait3A_449 = arith.constant 0 : i32
    %dma_wait3A_450 = tpu.memref_slice %arg6[%dma_wait3A_448, %dma_wait3A_449] : memref<100000x128xf32, #tpu.memory_space<hbm>> -> memref<100000x128xf32, #tpu.memory_space<hbm>>
    tpu.wait_indirect_dma semaphore(%arg21 : memref<!tpu.dma_semaphore, #tpu.memory_space<semaphore_mem>>) src(%dma_wait3A_450 : memref<100000x128xf32, #tpu.memory_space<hbm>>) dst(%arg15 : memref<128x128xf32, #tpu.memory_space<vmem>>)
    %dma_wait3A_451 = arith.constant 1152 : i32
    %dma_wait3A_452 = tpu.memref_slice %arg10[%dma_wait3A_451] : memref<2048xi32, #tpu.memory_space<vmem>> -> memref<128xi32, #tpu.memory_space<vmem>>
    %dma_wait3A_453 = arith.constant 0 : i32
    %dma_wait3A_454 = arith.constant 0 : i32
    %dma_wait3A_455 = tpu.memref_slice %arg5[%dma_wait3A_453, %dma_wait3A_454] : memref<100000x128xf32, #tpu.memory_space<hbm>> -> memref<100000x128xf32, #tpu.memory_space<hbm>>
    tpu.wait_indirect_dma semaphore(%arg21 : memref<!tpu.dma_semaphore, #tpu.memory_space<semaphore_mem>>) src(%dma_wait3A_455 : memref<100000x128xf32, #tpu.memory_space<hbm>>) dst(%arg16 : memref<128x128xf32, #tpu.memory_space<vmem>>)
    %scan3A_456 = arith.constant 0 : i32
    %scan3A_457 = arith.constant 0 : i32
    %scan3A_458 = arith.constant 8 : i32
    %scan3A_459 = arith.addi %scan3A_457, %scan3A_458 : i32
    %scan3A_460 = arith.constant 1 : i32
    %scan3A_461 = scf.for %scan3A_670 = %scan3A_457 to %scan3A_459 step %scan3A_460 iter_args(%scan3A_671 = %scan3A_456) -> (i32)  : i32 {
      %scan3A_672 = arith.constant 0 : i32
      %scan3A_673 = arith.constant 0 : i32
      %scan3A_674 = arith.constant 16 : i32
      %scan3A_675 = arith.addi %scan3A_673, %scan3A_674 : i32
      %scan3A_676 = arith.constant 1 : i32
      %scan3A_677 = scf.for %scan3A_731 = %scan3A_673 to %scan3A_675 step %scan3A_676 iter_args(%scan3A_732 = %scan3A_672) -> (i32)  : i32 {
        %mul3A_733 = arith.constant 16 : i32
        %mul3A_734 = arith.muli %scan3A_670, %mul3A_733 : i32
        %add3A_735 = arith.addi %mul3A_734, %scan3A_731 : i32
        %get3A_736 = arith.index_cast %add3A_735 : i32 to index
        %get3A_737 = arith.constant 0 : index
        %get3A_738 = tpu.vector_load %arg14[%get3A_736, %get3A_737] {strides = array<i32>} : memref<128x128xf32, #tpu.memory_space<vmem>>, vector<16xf32>,
        %get3A_739 = arith.index_cast %add3A_735 : i32 to index
        %get3A_740 = arith.constant 0 : index
        %get3A_741 = tpu.vector_load %arg15[%get3A_739, %get3A_740] {strides = array<i32>} : memref<128x128xf32, #tpu.memory_space<vmem>>, vector<16xf32>,
        %mul3A_742 = arith.mulf %get3A_738, %get3A_741 : vector<16xf32>
        %get3A_743 = arith.index_cast %add3A_735 : i32 to index
        %get3A_744 = arith.constant 0 : index
        %get3A_745 = tpu.vector_load %arg16[%get3A_743, %get3A_744] {strides = array<i32>} : memref<128x128xf32, #tpu.memory_space<vmem>>, vector<16xf32>,
        %mul3A_746 = arith.mulf %mul3A_742, %get3A_745 : vector<16xf32>
        %get3A_747 = arith.index_cast %add3A_735 : i32 to index
        %get3A_748 = arith.constant 16 : index
        %get3A_749 = tpu.vector_load %arg14[%get3A_747, %get3A_748] {strides = array<i32>} : memref<128x128xf32, #tpu.memory_space<vmem>>, vector<16xf32>,
        %get3A_750 = arith.index_cast %add3A_735 : i32 to index
        %get3A_751 = arith.constant 16 : index
        %get3A_752 = tpu.vector_load %arg15[%get3A_750, %get3A_751] {strides = array<i32>} : memref<128x128xf32, #tpu.memory_space<vmem>>, vector<16xf32>,
        %mul3A_753 = arith.mulf %get3A_749, %get3A_752 : vector<16xf32>
        %get3A_754 = arith.index_cast %add3A_735 : i32 to index
        %get3A_755 = arith.constant 16 : index
        %get3A_756 = tpu.vector_load %arg16[%get3A_754, %get3A_755] {strides = array<i32>} : memref<128x128xf32, #tpu.memory_space<vmem>>, vector<16xf32>,
        %mul3A_757 = arith.mulf %mul3A_753, %get3A_756 : vector<16xf32>
        %add3A_758 = arith.addf %mul3A_746, %mul3A_757 : vector<16xf32>
        %get3A_759 = arith.index_cast %add3A_735 : i32 to index
        %get3A_760 = arith.constant 32 : index
        %get3A_761 = tpu.vector_load %arg14[%get3A_759, %get3A_760] {strides = array<i32>} : memref<128x128xf32, #tpu.memory_space<vmem>>, vector<16xf32>,
        %get3A_762 = arith.index_cast %add3A_735 : i32 to index
        %get3A_763 = arith.constant 32 : index
        %get3A_764 = tpu.vector_load %arg15[%get3A_762, %get3A_763] {strides = array<i32>} : memref<128x128xf32, #tpu.memory_space<vmem>>, vector<16xf32>,
        %mul3A_765 = arith.mulf %get3A_761, %get3A_764 : vector<16xf32>
        %get3A_766 = arith.index_cast %add3A_735 : i32 to index
        %get3A_767 = arith.constant 32 : index
        %get3A_768 = tpu.vector_load %arg16[%get3A_766, %get3A_767] {strides = array<i32>} : memref<128x128xf32, #tpu.memory_space<vmem>>, vector<16xf32>,
        %mul3A_769 = arith.mulf %mul3A_765, %get3A_768 : vector<16xf32>
        %add3A_770 = arith.addf %add3A_758, %mul3A_769 : vector<16xf32>
        %get3A_771 = arith.index_cast %add3A_735 : i32 to index
        %get3A_772 = arith.constant 48 : index
        %get3A_773 = tpu.vector_load %arg14[%get3A_771, %get3A_772] {strides = array<i32>} : memref<128x128xf32, #tpu.memory_space<vmem>>, vector<16xf32>,
        %get3A_774 = arith.index_cast %add3A_735 : i32 to index
        %get3A_775 = arith.constant 48 : index
        %get3A_776 = tpu.vector_load %arg15[%get3A_774, %get3A_775] {strides = array<i32>} : memref<128x128xf32, #tpu.memory_space<vmem>>, vector<16xf32>,
        %mul3A_777 = arith.mulf %get3A_773, %get3A_776 : vector<16xf32>
        %get3A_778 = arith.index_cast %add3A_735 : i32 to index
        %get3A_779 = arith.constant 48 : index
        %get3A_780 = tpu.vector_load %arg16[%get3A_778, %get3A_779] {strides = array<i32>} : memref<128x128xf32, #tpu.memory_space<vmem>>, vector<16xf32>,
        %mul3A_781 = arith.mulf %mul3A_777, %get3A_780 : vector<16xf32>
        %add3A_782 = arith.addf %add3A_770, %mul3A_781 : vector<16xf32>
        %get3A_783 = arith.index_cast %add3A_735 : i32 to index
        %get3A_784 = arith.constant 64 : index
        %get3A_785 = tpu.vector_load %arg14[%get3A_783, %get3A_784] {strides = array<i32>} : memref<128x128xf32, #tpu.memory_space<vmem>>, vector<16xf32>,
        %get3A_786 = arith.index_cast %add3A_735 : i32 to index
        %get3A_787 = arith.constant 64 : index
        %get3A_788 = tpu.vector_load %arg15[%get3A_786, %get3A_787] {strides = array<i32>} : memref<128x128xf32, #tpu.memory_space<vmem>>, vector<16xf32>,
        %mul3A_789 = arith.mulf %get3A_785, %get3A_788 : vector<16xf32>
        %get3A_790 = arith.index_cast %add3A_735 : i32 to index
        %get3A_791 = arith.constant 64 : index
        %get3A_792 = tpu.vector_load %arg16[%get3A_790, %get3A_791] {strides = array<i32>} : memref<128x128xf32, #tpu.memory_space<vmem>>, vector<16xf32>,
        %mul3A_793 = arith.mulf %mul3A_789, %get3A_792 : vector<16xf32>
        %add3A_794 = arith.addf %add3A_782, %mul3A_793 : vector<16xf32>
        %get3A_795 = arith.index_cast %add3A_735 : i32 to index
        %get3A_796 = arith.constant 80 : index
        %get3A_797 = tpu.vector_load %arg14[%get3A_795, %get3A_796] {strides = array<i32>} : memref<128x128xf32, #tpu.memory_space<vmem>>, vector<16xf32>,
        %get3A_798 = arith.index_cast %add3A_735 : i32 to index
        %get3A_799 = arith.constant 80 : index
        %get3A_800 = tpu.vector_load %arg15[%get3A_798, %get3A_799] {strides = array<i32>} : memref<128x128xf32, #tpu.memory_space<vmem>>, vector<16xf32>,
        %mul3A_801 = arith.mulf %get3A_797, %get3A_800 : vector<16xf32>
        %get3A_802 = arith.index_cast %add3A_735 : i32 to index
        %get3A_803 = arith.constant 80 : index
        %get3A_804 = tpu.vector_load %arg16[%get3A_802, %get3A_803] {strides = array<i32>} : memref<128x128xf32, #tpu.memory_space<vmem>>, vector<16xf32>,
        %mul3A_805 = arith.mulf %mul3A_801, %get3A_804 : vector<16xf32>
        %add3A_806 = arith.addf %add3A_794, %mul3A_805 : vector<16xf32>
        %get3A_807 = arith.index_cast %add3A_735 : i32 to index
        %get3A_808 = arith.constant 96 : index
        %get3A_809 = tpu.vector_load %arg14[%get3A_807, %get3A_808] {strides = array<i32>} : memref<128x128xf32, #tpu.memory_space<vmem>>, vector<16xf32>,
        %get3A_810 = arith.index_cast %add3A_735 : i32 to index
        %get3A_811 = arith.constant 96 : index
        %get3A_812 = tpu.vector_load %arg15[%get3A_810, %get3A_811] {strides = array<i32>} : memref<128x128xf32, #tpu.memory_space<vmem>>, vector<16xf32>,
        %mul3A_813 = arith.mulf %get3A_809, %get3A_812 : vector<16xf32>
        %get3A_814 = arith.index_cast %add3A_735 : i32 to index
        %get3A_815 = arith.constant 96 : index
        %get3A_816 = tpu.vector_load %arg16[%get3A_814, %get3A_815] {strides = array<i32>} : memref<128x128xf32, #tpu.memory_space<vmem>>, vector<16xf32>,
        %mul3A_817 = arith.mulf %mul3A_813, %get3A_816 : vector<16xf32>
        %add3A_818 = arith.addf %add3A_806, %mul3A_817 : vector<16xf32>
        %get3A_819 = arith.index_cast %add3A_735 : i32 to index
        %get3A_820 = arith.constant 112 : index
        %get3A_821 = tpu.vector_load %arg14[%get3A_819, %get3A_820] {strides = array<i32>} : memref<128x128xf32, #tpu.memory_space<vmem>>, vector<16xf32>,
        %get3A_822 = arith.index_cast %add3A_735 : i32 to index
        %get3A_823 = arith.constant 112 : index
        %get3A_824 = tpu.vector_load %arg15[%get3A_822, %get3A_823] {strides = array<i32>} : memref<128x128xf32, #tpu.memory_space<vmem>>, vector<16xf32>,
        %mul3A_825 = arith.mulf %get3A_821, %get3A_824 : vector<16xf32>
        %get3A_826 = arith.index_cast %add3A_735 : i32 to index
        %get3A_827 = arith.constant 112 : index
        %get3A_828 = tpu.vector_load %arg16[%get3A_826, %get3A_827] {strides = array<i32>} : memref<128x128xf32, #tpu.memory_space<vmem>>, vector<16xf32>,
        %mul3A_829 = arith.mulf %mul3A_825, %get3A_828 : vector<16xf32>
        %add3A_830 = arith.addf %add3A_818, %mul3A_829 : vector<16xf32>
        %mul3A_831 = arith.constant 16 : i32
        %mul3A_832 = vector.broadcast %mul3A_831 : i32 to vector<16xi32>
        %mul3A_833 = arith.muli %iota3A, %mul3A_832 : vector<16xi32>
        %add3A_834 = vector.broadcast %scan3A_731 : i32 to vector<16xi32>
        %add3A_835 = arith.addi %mul3A_833, %add3A_834 : vector<16xi32>
        tpu.vector_store_idx %arg17[%add3A_835], %add3A_830 : memref<256xf32, #tpu.memory_space<vmem>>[vector<16xi32>], vector<16xf32>,
        %scan3A_836 = arith.constant 0 : i32
        scf.yield %scan3A_836 : i32
      }
      %scan3A_678 = arith.constant 16 : i32
      %get3A = arith.constant 0 : index
      %get3A_679 = tpu.vector_load %arg17[%get3A] {strides = array<i32>} : memref<256xf32, #tpu.memory_space<vmem>>, vector<16xf32>,
      %get3A_680 = arith.constant 16 : index
      %get3A_681 = tpu.vector_load %arg17[%get3A_680] {strides = array<i32>} : memref<256xf32, #tpu.memory_space<vmem>>, vector<16xf32>,
      %add3A_682 = arith.addf %get3A_679, %get3A_681 : vector<16xf32>
      %get3A_683 = arith.constant 32 : index
      %get3A_684 = tpu.vector_load %arg17[%get3A_683] {strides = array<i32>} : memref<256xf32, #tpu.memory_space<vmem>>, vector<16xf32>,
      %add3A_685 = arith.addf %add3A_682, %get3A_684 : vector<16xf32>
      %get3A_686 = arith.constant 48 : index
      %get3A_687 = tpu.vector_load %arg17[%get3A_686] {strides = array<i32>} : memref<256xf32, #tpu.memory_space<vmem>>, vector<16xf32>,
      %add3A_688 = arith.addf %add3A_685, %get3A_687 : vector<16xf32>
      %get3A_689 = arith.constant 64 : index
      %get3A_690 = tpu.vector_load %arg17[%get3A_689] {strides = array<i32>} : memref<256xf32, #tpu.memory_space<vmem>>, vector<16xf32>,
      %add3A_691 = arith.addf %add3A_688, %get3A_690 : vector<16xf32>
      %get3A_692 = arith.constant 80 : index
      %get3A_693 = tpu.vector_load %arg17[%get3A_692] {strides = array<i32>} : memref<256xf32, #tpu.memory_space<vmem>>, vector<16xf32>,
      %add3A_694 = arith.addf %add3A_691, %get3A_693 : vector<16xf32>
      %get3A_695 = arith.constant 96 : index
      %get3A_696 = tpu.vector_load %arg17[%get3A_695] {strides = array<i32>} : memref<256xf32, #tpu.memory_space<vmem>>, vector<16xf32>,
      %add3A_697 = arith.addf %add3A_694, %get3A_696 : vector<16xf32>
      %get3A_698 = arith.constant 112 : index
      %get3A_699 = tpu.vector_load %arg17[%get3A_698] {strides = array<i32>} : memref<256xf32, #tpu.memory_space<vmem>>, vector<16xf32>,
      %add3A_700 = arith.addf %add3A_697, %get3A_699 : vector<16xf32>
      %get3A_701 = arith.constant 128 : index
      %get3A_702 = tpu.vector_load %arg17[%get3A_701] {strides = array<i32>} : memref<256xf32, #tpu.memory_space<vmem>>, vector<16xf32>,
      %add3A_703 = arith.addf %add3A_700, %get3A_702 : vector<16xf32>
      %get3A_704 = arith.constant 144 : index
      %get3A_705 = tpu.vector_load %arg17[%get3A_704] {strides = array<i32>} : memref<256xf32, #tpu.memory_space<vmem>>, vector<16xf32>,
      %add3A_706 = arith.addf %add3A_703, %get3A_705 : vector<16xf32>
      %get3A_707 = arith.constant 160 : index
      %get3A_708 = tpu.vector_load %arg17[%get3A_707] {strides = array<i32>} : memref<256xf32, #tpu.memory_space<vmem>>, vector<16xf32>,
      %add3A_709 = arith.addf %add3A_706, %get3A_708 : vector<16xf32>
      %get3A_710 = arith.constant 176 : index
      %get3A_711 = tpu.vector_load %arg17[%get3A_710] {strides = array<i32>} : memref<256xf32, #tpu.memory_space<vmem>>, vector<16xf32>,
      %add3A_712 = arith.addf %add3A_709, %get3A_711 : vector<16xf32>
      %get3A_713 = arith.constant 192 : index
      %get3A_714 = tpu.vector_load %arg17[%get3A_713] {strides = array<i32>} : memref<256xf32, #tpu.memory_space<vmem>>, vector<16xf32>,
      %add3A_715 = arith.addf %add3A_712, %get3A_714 : vector<16xf32>
      %get3A_716 = arith.constant 208 : index
      %get3A_717 = tpu.vector_load %arg17[%get3A_716] {strides = array<i32>} : memref<256xf32, #tpu.memory_space<vmem>>, vector<16xf32>,
      %add3A_718 = arith.addf %add3A_715, %get3A_717 : vector<16xf32>
      %get3A_719 = arith.constant 224 : index
      %get3A_720 = tpu.vector_load %arg17[%get3A_719] {strides = array<i32>} : memref<256xf32, #tpu.memory_space<vmem>>, vector<16xf32>,
      %add3A_721 = arith.addf %add3A_718, %get3A_720 : vector<16xf32>
      %get3A_722 = arith.constant 240 : index
      %get3A_723 = tpu.vector_load %arg17[%get3A_722] {strides = array<i32>} : memref<256xf32, #tpu.memory_space<vmem>>, vector<16xf32>,
      %add3A_724 = arith.addf %add3A_721, %get3A_723 : vector<16xf32>
      %mul3A_725 = arith.constant 16 : i32
      %mul3A_726 = arith.muli %scan3A_670, %mul3A_725 : i32
      %add3A_727 = arith.constant 1152 : i32
      %add3A_728 = arith.addi %add3A_727, %mul3A_726 : i32
      %swap3A = arith.index_cast %add3A_728 : i32 to index
      %swap3A_729 = tpu.vector_load %arg18[%swap3A] {strides = array<i32>} : memref<2048xf32, #tpu.memory_space<vmem>>, vector<16xf32>,
      tpu.vector_store %arg18[%swap3A], %add3A_724 {strides = array<i32>} : memref<2048xf32, #tpu.memory_space<vmem>>, vector<16xf32>,
      %scan3A_730 = arith.constant 0 : i32
      scf.yield %scan3A_730 : i32
    }
    %scan3A_462 = arith.constant 8 : i32
    %dma_start3A_463 = arith.constant 1408 : i32
    %dma_start3A_464 = tpu.memref_slice %arg8[%dma_start3A_463] : memref<2048xi32, #tpu.memory_space<vmem>> -> memref<128xi32, #tpu.memory_space<vmem>>
    %dma_start3A_465 = arith.constant 0 : i32
    %dma_start3A_466 = arith.constant 0 : i32
    %dma_start3A_467 = tpu.memref_slice %arg5[%dma_start3A_465, %dma_start3A_466] : memref<100000x128xf32, #tpu.memory_space<hbm>> -> memref<100000x128xf32, #tpu.memory_space<hbm>>
    tpu.enqueue_indirect_dma source(%dma_start3A_467 : memref<100000x128xf32, #tpu.memory_space<hbm>>) target(%arg14 : memref<128x128xf32, #tpu.memory_space<vmem>>) offsets(%dma_start3A_464 : memref<128xi32, #tpu.memory_space<vmem>>) semaphore(%arg21 : memref<!tpu.dma_semaphore, #tpu.memory_space<semaphore_mem>>)
    %dma_start3A_468 = arith.constant 1408 : i32
    %dma_start3A_469 = tpu.memref_slice %arg9[%dma_start3A_468] : memref<2048xi32, #tpu.memory_space<vmem>> -> memref<128xi32, #tpu.memory_space<vmem>>
    %dma_start3A_470 = arith.constant 0 : i32
    %dma_start3A_471 = arith.constant 0 : i32
    %dma_start3A_472 = tpu.memref_slice %arg6[%dma_start3A_470, %dma_start3A_471] : memref<100000x128xf32, #tpu.memory_space<hbm>> -> memref<100000x128xf32, #tpu.memory_space<hbm>>
    tpu.enqueue_indirect_dma source(%dma_start3A_472 : memref<100000x128xf32, #tpu.memory_space<hbm>>) target(%arg15 : memref<128x128xf32, #tpu.memory_space<vmem>>) offsets(%dma_start3A_469 : memref<128xi32, #tpu.memory_space<vmem>>) semaphore(%arg21 : memref<!tpu.dma_semaphore, #tpu.memory_space<semaphore_mem>>)
    %dma_start3A_473 = arith.constant 1408 : i32
    %dma_start3A_474 = tpu.memref_slice %arg10[%dma_start3A_473] : memref<2048xi32, #tpu.memory_space<vmem>> -> memref<128xi32, #tpu.memory_space<vmem>>
    %dma_start3A_475 = arith.constant 0 : i32
    %dma_start3A_476 = arith.constant 0 : i32
    %dma_start3A_477 = tpu.memref_slice %arg5[%dma_start3A_475, %dma_start3A_476] : memref<100000x128xf32, #tpu.memory_space<hbm>> -> memref<100000x128xf32, #tpu.memory_space<hbm>>
    tpu.enqueue_indirect_dma source(%dma_start3A_477 : memref<100000x128xf32, #tpu.memory_space<hbm>>) target(%arg16 : memref<128x128xf32, #tpu.memory_space<vmem>>) offsets(%dma_start3A_474 : memref<128xi32, #tpu.memory_space<vmem>>) semaphore(%arg21 : memref<!tpu.dma_semaphore, #tpu.memory_space<semaphore_mem>>)
    %dma_wait3A_478 = arith.constant 1280 : i32
    %dma_wait3A_479 = tpu.memref_slice %arg8[%dma_wait3A_478] : memref<2048xi32, #tpu.memory_space<vmem>> -> memref<128xi32, #tpu.memory_space<vmem>>
    %dma_wait3A_480 = arith.constant 0 : i32
    %dma_wait3A_481 = arith.constant 0 : i32
    %dma_wait3A_482 = tpu.memref_slice %arg5[%dma_wait3A_480, %dma_wait3A_481] : memref<100000x128xf32, #tpu.memory_space<hbm>> -> memref<100000x128xf32, #tpu.memory_space<hbm>>
    tpu.wait_indirect_dma semaphore(%arg20 : memref<!tpu.dma_semaphore, #tpu.memory_space<semaphore_mem>>) src(%dma_wait3A_482 : memref<100000x128xf32, #tpu.memory_space<hbm>>) dst(%arg11 : memref<128x128xf32, #tpu.memory_space<vmem>>)
    %dma_wait3A_483 = arith.constant 1280 : i32
    %dma_wait3A_484 = tpu.memref_slice %arg9[%dma_wait3A_483] : memref<2048xi32, #tpu.memory_space<vmem>> -> memref<128xi32, #tpu.memory_space<vmem>>
    %dma_wait3A_485 = arith.constant 0 : i32
    %dma_wait3A_486 = arith.constant 0 : i32
    %dma_wait3A_487 = tpu.memref_slice %arg6[%dma_wait3A_485, %dma_wait3A_486] : memref<100000x128xf32, #tpu.memory_space<hbm>> -> memref<100000x128xf32, #tpu.memory_space<hbm>>
    tpu.wait_indirect_dma semaphore(%arg20 : memref<!tpu.dma_semaphore, #tpu.memory_space<semaphore_mem>>) src(%dma_wait3A_487 : memref<100000x128xf32, #tpu.memory_space<hbm>>) dst(%arg12 : memref<128x128xf32, #tpu.memory_space<vmem>>)
    %dma_wait3A_488 = arith.constant 1280 : i32
    %dma_wait3A_489 = tpu.memref_slice %arg10[%dma_wait3A_488] : memref<2048xi32, #tpu.memory_space<vmem>> -> memref<128xi32, #tpu.memory_space<vmem>>
    %dma_wait3A_490 = arith.constant 0 : i32
    %dma_wait3A_491 = arith.constant 0 : i32
    %dma_wait3A_492 = tpu.memref_slice %arg5[%dma_wait3A_490, %dma_wait3A_491] : memref<100000x128xf32, #tpu.memory_space<hbm>> -> memref<100000x128xf32, #tpu.memory_space<hbm>>
    tpu.wait_indirect_dma semaphore(%arg20 : memref<!tpu.dma_semaphore, #tpu.memory_space<semaphore_mem>>) src(%dma_wait3A_492 : memref<100000x128xf32, #tpu.memory_space<hbm>>) dst(%arg13 : memref<128x128xf32, #tpu.memory_space<vmem>>)
    %scan3A_493 = arith.constant 0 : i32
    %scan3A_494 = arith.constant 0 : i32
    %scan3A_495 = arith.constant 8 : i32
    %scan3A_496 = arith.addi %scan3A_494, %scan3A_495 : i32
    %scan3A_497 = arith.constant 1 : i32
    %scan3A_498 = scf.for %scan3A_670 = %scan3A_494 to %scan3A_496 step %scan3A_497 iter_args(%scan3A_671 = %scan3A_493) -> (i32)  : i32 {
      %scan3A_672 = arith.constant 0 : i32
      %scan3A_673 = arith.constant 0 : i32
      %scan3A_674 = arith.constant 16 : i32
      %scan3A_675 = arith.addi %scan3A_673, %scan3A_674 : i32
      %scan3A_676 = arith.constant 1 : i32
      %scan3A_677 = scf.for %scan3A_731 = %scan3A_673 to %scan3A_675 step %scan3A_676 iter_args(%scan3A_732 = %scan3A_672) -> (i32)  : i32 {
        %mul3A_733 = arith.constant 16 : i32
        %mul3A_734 = arith.muli %scan3A_670, %mul3A_733 : i32
        %add3A_735 = arith.addi %mul3A_734, %scan3A_731 : i32
        %get3A_736 = arith.index_cast %add3A_735 : i32 to index
        %get3A_737 = arith.constant 0 : index
        %get3A_738 = tpu.vector_load %arg11[%get3A_736, %get3A_737] {strides = array<i32>} : memref<128x128xf32, #tpu.memory_space<vmem>>, vector<16xf32>,
        %get3A_739 = arith.index_cast %add3A_735 : i32 to index
        %get3A_740 = arith.constant 0 : index
        %get3A_741 = tpu.vector_load %arg12[%get3A_739, %get3A_740] {strides = array<i32>} : memref<128x128xf32, #tpu.memory_space<vmem>>, vector<16xf32>,
        %mul3A_742 = arith.mulf %get3A_738, %get3A_741 : vector<16xf32>
        %get3A_743 = arith.index_cast %add3A_735 : i32 to index
        %get3A_744 = arith.constant 0 : index
        %get3A_745 = tpu.vector_load %arg13[%get3A_743, %get3A_744] {strides = array<i32>} : memref<128x128xf32, #tpu.memory_space<vmem>>, vector<16xf32>,
        %mul3A_746 = arith.mulf %mul3A_742, %get3A_745 : vector<16xf32>
        %get3A_747 = arith.index_cast %add3A_735 : i32 to index
        %get3A_748 = arith.constant 16 : index
        %get3A_749 = tpu.vector_load %arg11[%get3A_747, %get3A_748] {strides = array<i32>} : memref<128x128xf32, #tpu.memory_space<vmem>>, vector<16xf32>,
        %get3A_750 = arith.index_cast %add3A_735 : i32 to index
        %get3A_751 = arith.constant 16 : index
        %get3A_752 = tpu.vector_load %arg12[%get3A_750, %get3A_751] {strides = array<i32>} : memref<128x128xf32, #tpu.memory_space<vmem>>, vector<16xf32>,
        %mul3A_753 = arith.mulf %get3A_749, %get3A_752 : vector<16xf32>
        %get3A_754 = arith.index_cast %add3A_735 : i32 to index
        %get3A_755 = arith.constant 16 : index
        %get3A_756 = tpu.vector_load %arg13[%get3A_754, %get3A_755] {strides = array<i32>} : memref<128x128xf32, #tpu.memory_space<vmem>>, vector<16xf32>,
        %mul3A_757 = arith.mulf %mul3A_753, %get3A_756 : vector<16xf32>
        %add3A_758 = arith.addf %mul3A_746, %mul3A_757 : vector<16xf32>
        %get3A_759 = arith.index_cast %add3A_735 : i32 to index
        %get3A_760 = arith.constant 32 : index
        %get3A_761 = tpu.vector_load %arg11[%get3A_759, %get3A_760] {strides = array<i32>} : memref<128x128xf32, #tpu.memory_space<vmem>>, vector<16xf32>,
        %get3A_762 = arith.index_cast %add3A_735 : i32 to index
        %get3A_763 = arith.constant 32 : index
        %get3A_764 = tpu.vector_load %arg12[%get3A_762, %get3A_763] {strides = array<i32>} : memref<128x128xf32, #tpu.memory_space<vmem>>, vector<16xf32>,
        %mul3A_765 = arith.mulf %get3A_761, %get3A_764 : vector<16xf32>
        %get3A_766 = arith.index_cast %add3A_735 : i32 to index
        %get3A_767 = arith.constant 32 : index
        %get3A_768 = tpu.vector_load %arg13[%get3A_766, %get3A_767] {strides = array<i32>} : memref<128x128xf32, #tpu.memory_space<vmem>>, vector<16xf32>,
        %mul3A_769 = arith.mulf %mul3A_765, %get3A_768 : vector<16xf32>
        %add3A_770 = arith.addf %add3A_758, %mul3A_769 : vector<16xf32>
        %get3A_771 = arith.index_cast %add3A_735 : i32 to index
        %get3A_772 = arith.constant 48 : index
        %get3A_773 = tpu.vector_load %arg11[%get3A_771, %get3A_772] {strides = array<i32>} : memref<128x128xf32, #tpu.memory_space<vmem>>, vector<16xf32>,
        %get3A_774 = arith.index_cast %add3A_735 : i32 to index
        %get3A_775 = arith.constant 48 : index
        %get3A_776 = tpu.vector_load %arg12[%get3A_774, %get3A_775] {strides = array<i32>} : memref<128x128xf32, #tpu.memory_space<vmem>>, vector<16xf32>,
        %mul3A_777 = arith.mulf %get3A_773, %get3A_776 : vector<16xf32>
        %get3A_778 = arith.index_cast %add3A_735 : i32 to index
        %get3A_779 = arith.constant 48 : index
        %get3A_780 = tpu.vector_load %arg13[%get3A_778, %get3A_779] {strides = array<i32>} : memref<128x128xf32, #tpu.memory_space<vmem>>, vector<16xf32>,
        %mul3A_781 = arith.mulf %mul3A_777, %get3A_780 : vector<16xf32>
        %add3A_782 = arith.addf %add3A_770, %mul3A_781 : vector<16xf32>
        %get3A_783 = arith.index_cast %add3A_735 : i32 to index
        %get3A_784 = arith.constant 64 : index
        %get3A_785 = tpu.vector_load %arg11[%get3A_783, %get3A_784] {strides = array<i32>} : memref<128x128xf32, #tpu.memory_space<vmem>>, vector<16xf32>,
        %get3A_786 = arith.index_cast %add3A_735 : i32 to index
        %get3A_787 = arith.constant 64 : index
        %get3A_788 = tpu.vector_load %arg12[%get3A_786, %get3A_787] {strides = array<i32>} : memref<128x128xf32, #tpu.memory_space<vmem>>, vector<16xf32>,
        %mul3A_789 = arith.mulf %get3A_785, %get3A_788 : vector<16xf32>
        %get3A_790 = arith.index_cast %add3A_735 : i32 to index
        %get3A_791 = arith.constant 64 : index
        %get3A_792 = tpu.vector_load %arg13[%get3A_790, %get3A_791] {strides = array<i32>} : memref<128x128xf32, #tpu.memory_space<vmem>>, vector<16xf32>,
        %mul3A_793 = arith.mulf %mul3A_789, %get3A_792 : vector<16xf32>
        %add3A_794 = arith.addf %add3A_782, %mul3A_793 : vector<16xf32>
        %get3A_795 = arith.index_cast %add3A_735 : i32 to index
        %get3A_796 = arith.constant 80 : index
        %get3A_797 = tpu.vector_load %arg11[%get3A_795, %get3A_796] {strides = array<i32>} : memref<128x128xf32, #tpu.memory_space<vmem>>, vector<16xf32>,
        %get3A_798 = arith.index_cast %add3A_735 : i32 to index
        %get3A_799 = arith.constant 80 : index
        %get3A_800 = tpu.vector_load %arg12[%get3A_798, %get3A_799] {strides = array<i32>} : memref<128x128xf32, #tpu.memory_space<vmem>>, vector<16xf32>,
        %mul3A_801 = arith.mulf %get3A_797, %get3A_800 : vector<16xf32>
        %get3A_802 = arith.index_cast %add3A_735 : i32 to index
        %get3A_803 = arith.constant 80 : index
        %get3A_804 = tpu.vector_load %arg13[%get3A_802, %get3A_803] {strides = array<i32>} : memref<128x128xf32, #tpu.memory_space<vmem>>, vector<16xf32>,
        %mul3A_805 = arith.mulf %mul3A_801, %get3A_804 : vector<16xf32>
        %add3A_806 = arith.addf %add3A_794, %mul3A_805 : vector<16xf32>
        %get3A_807 = arith.index_cast %add3A_735 : i32 to index
        %get3A_808 = arith.constant 96 : index
        %get3A_809 = tpu.vector_load %arg11[%get3A_807, %get3A_808] {strides = array<i32>} : memref<128x128xf32, #tpu.memory_space<vmem>>, vector<16xf32>,
        %get3A_810 = arith.index_cast %add3A_735 : i32 to index
        %get3A_811 = arith.constant 96 : index
        %get3A_812 = tpu.vector_load %arg12[%get3A_810, %get3A_811] {strides = array<i32>} : memref<128x128xf32, #tpu.memory_space<vmem>>, vector<16xf32>,
        %mul3A_813 = arith.mulf %get3A_809, %get3A_812 : vector<16xf32>
        %get3A_814 = arith.index_cast %add3A_735 : i32 to index
        %get3A_815 = arith.constant 96 : index
        %get3A_816 = tpu.vector_load %arg13[%get3A_814, %get3A_815] {strides = array<i32>} : memref<128x128xf32, #tpu.memory_space<vmem>>, vector<16xf32>,
        %mul3A_817 = arith.mulf %mul3A_813, %get3A_816 : vector<16xf32>
        %add3A_818 = arith.addf %add3A_806, %mul3A_817 : vector<16xf32>
        %get3A_819 = arith.index_cast %add3A_735 : i32 to index
        %get3A_820 = arith.constant 112 : index
        %get3A_821 = tpu.vector_load %arg11[%get3A_819, %get3A_820] {strides = array<i32>} : memref<128x128xf32, #tpu.memory_space<vmem>>, vector<16xf32>,
        %get3A_822 = arith.index_cast %add3A_735 : i32 to index
        %get3A_823 = arith.constant 112 : index
        %get3A_824 = tpu.vector_load %arg12[%get3A_822, %get3A_823] {strides = array<i32>} : memref<128x128xf32, #tpu.memory_space<vmem>>, vector<16xf32>,
        %mul3A_825 = arith.mulf %get3A_821, %get3A_824 : vector<16xf32>
        %get3A_826 = arith.index_cast %add3A_735 : i32 to index
        %get3A_827 = arith.constant 112 : index
        %get3A_828 = tpu.vector_load %arg13[%get3A_826, %get3A_827] {strides = array<i32>} : memref<128x128xf32, #tpu.memory_space<vmem>>, vector<16xf32>,
        %mul3A_829 = arith.mulf %mul3A_825, %get3A_828 : vector<16xf32>
        %add3A_830 = arith.addf %add3A_818, %mul3A_829 : vector<16xf32>
        %mul3A_831 = arith.constant 16 : i32
        %mul3A_832 = vector.broadcast %mul3A_831 : i32 to vector<16xi32>
        %mul3A_833 = arith.muli %iota3A, %mul3A_832 : vector<16xi32>
        %add3A_834 = vector.broadcast %scan3A_731 : i32 to vector<16xi32>
        %add3A_835 = arith.addi %mul3A_833, %add3A_834 : vector<16xi32>
        tpu.vector_store_idx %arg17[%add3A_835], %add3A_830 : memref<256xf32, #tpu.memory_space<vmem>>[vector<16xi32>], vector<16xf32>,
        %scan3A_836 = arith.constant 0 : i32
        scf.yield %scan3A_836 : i32
      }
      %scan3A_678 = arith.constant 16 : i32
      %get3A = arith.constant 0 : index
      %get3A_679 = tpu.vector_load %arg17[%get3A] {strides = array<i32>} : memref<256xf32, #tpu.memory_space<vmem>>, vector<16xf32>,
      %get3A_680 = arith.constant 16 : index
      %get3A_681 = tpu.vector_load %arg17[%get3A_680] {strides = array<i32>} : memref<256xf32, #tpu.memory_space<vmem>>, vector<16xf32>,
      %add3A_682 = arith.addf %get3A_679, %get3A_681 : vector<16xf32>
      %get3A_683 = arith.constant 32 : index
      %get3A_684 = tpu.vector_load %arg17[%get3A_683] {strides = array<i32>} : memref<256xf32, #tpu.memory_space<vmem>>, vector<16xf32>,
      %add3A_685 = arith.addf %add3A_682, %get3A_684 : vector<16xf32>
      %get3A_686 = arith.constant 48 : index
      %get3A_687 = tpu.vector_load %arg17[%get3A_686] {strides = array<i32>} : memref<256xf32, #tpu.memory_space<vmem>>, vector<16xf32>,
      %add3A_688 = arith.addf %add3A_685, %get3A_687 : vector<16xf32>
      %get3A_689 = arith.constant 64 : index
      %get3A_690 = tpu.vector_load %arg17[%get3A_689] {strides = array<i32>} : memref<256xf32, #tpu.memory_space<vmem>>, vector<16xf32>,
      %add3A_691 = arith.addf %add3A_688, %get3A_690 : vector<16xf32>
      %get3A_692 = arith.constant 80 : index
      %get3A_693 = tpu.vector_load %arg17[%get3A_692] {strides = array<i32>} : memref<256xf32, #tpu.memory_space<vmem>>, vector<16xf32>,
      %add3A_694 = arith.addf %add3A_691, %get3A_693 : vector<16xf32>
      %get3A_695 = arith.constant 96 : index
      %get3A_696 = tpu.vector_load %arg17[%get3A_695] {strides = array<i32>} : memref<256xf32, #tpu.memory_space<vmem>>, vector<16xf32>,
      %add3A_697 = arith.addf %add3A_694, %get3A_696 : vector<16xf32>
      %get3A_698 = arith.constant 112 : index
      %get3A_699 = tpu.vector_load %arg17[%get3A_698] {strides = array<i32>} : memref<256xf32, #tpu.memory_space<vmem>>, vector<16xf32>,
      %add3A_700 = arith.addf %add3A_697, %get3A_699 : vector<16xf32>
      %get3A_701 = arith.constant 128 : index
      %get3A_702 = tpu.vector_load %arg17[%get3A_701] {strides = array<i32>} : memref<256xf32, #tpu.memory_space<vmem>>, vector<16xf32>,
      %add3A_703 = arith.addf %add3A_700, %get3A_702 : vector<16xf32>
      %get3A_704 = arith.constant 144 : index
      %get3A_705 = tpu.vector_load %arg17[%get3A_704] {strides = array<i32>} : memref<256xf32, #tpu.memory_space<vmem>>, vector<16xf32>,
      %add3A_706 = arith.addf %add3A_703, %get3A_705 : vector<16xf32>
      %get3A_707 = arith.constant 160 : index
      %get3A_708 = tpu.vector_load %arg17[%get3A_707] {strides = array<i32>} : memref<256xf32, #tpu.memory_space<vmem>>, vector<16xf32>,
      %add3A_709 = arith.addf %add3A_706, %get3A_708 : vector<16xf32>
      %get3A_710 = arith.constant 176 : index
      %get3A_711 = tpu.vector_load %arg17[%get3A_710] {strides = array<i32>} : memref<256xf32, #tpu.memory_space<vmem>>, vector<16xf32>,
      %add3A_712 = arith.addf %add3A_709, %get3A_711 : vector<16xf32>
      %get3A_713 = arith.constant 192 : index
      %get3A_714 = tpu.vector_load %arg17[%get3A_713] {strides = array<i32>} : memref<256xf32, #tpu.memory_space<vmem>>, vector<16xf32>,
      %add3A_715 = arith.addf %add3A_712, %get3A_714 : vector<16xf32>
      %get3A_716 = arith.constant 208 : index
      %get3A_717 = tpu.vector_load %arg17[%get3A_716] {strides = array<i32>} : memref<256xf32, #tpu.memory_space<vmem>>, vector<16xf32>,
      %add3A_718 = arith.addf %add3A_715, %get3A_717 : vector<16xf32>
      %get3A_719 = arith.constant 224 : index
      %get3A_720 = tpu.vector_load %arg17[%get3A_719] {strides = array<i32>} : memref<256xf32, #tpu.memory_space<vmem>>, vector<16xf32>,
      %add3A_721 = arith.addf %add3A_718, %get3A_720 : vector<16xf32>
      %get3A_722 = arith.constant 240 : index
      %get3A_723 = tpu.vector_load %arg17[%get3A_722] {strides = array<i32>} : memref<256xf32, #tpu.memory_space<vmem>>, vector<16xf32>,
      %add3A_724 = arith.addf %add3A_721, %get3A_723 : vector<16xf32>
      %mul3A_725 = arith.constant 16 : i32
      %mul3A_726 = arith.muli %scan3A_670, %mul3A_725 : i32
      %add3A_727 = arith.constant 1280 : i32
      %add3A_728 = arith.addi %add3A_727, %mul3A_726 : i32
      %swap3A = arith.index_cast %add3A_728 : i32 to index
      %swap3A_729 = tpu.vector_load %arg18[%swap3A] {strides = array<i32>} : memref<2048xf32, #tpu.memory_space<vmem>>, vector<16xf32>,
      tpu.vector_store %arg18[%swap3A], %add3A_724 {strides = array<i32>} : memref<2048xf32, #tpu.memory_space<vmem>>, vector<16xf32>,
      %scan3A_730 = arith.constant 0 : i32
      scf.yield %scan3A_730 : i32
    }
    %scan3A_499 = arith.constant 8 : i32
    %dma_start3A_500 = arith.constant 1536 : i32
    %dma_start3A_501 = tpu.memref_slice %arg8[%dma_start3A_500] : memref<2048xi32, #tpu.memory_space<vmem>> -> memref<128xi32, #tpu.memory_space<vmem>>
    %dma_start3A_502 = arith.constant 0 : i32
    %dma_start3A_503 = arith.constant 0 : i32
    %dma_start3A_504 = tpu.memref_slice %arg5[%dma_start3A_502, %dma_start3A_503] : memref<100000x128xf32, #tpu.memory_space<hbm>> -> memref<100000x128xf32, #tpu.memory_space<hbm>>
    tpu.enqueue_indirect_dma source(%dma_start3A_504 : memref<100000x128xf32, #tpu.memory_space<hbm>>) target(%arg11 : memref<128x128xf32, #tpu.memory_space<vmem>>) offsets(%dma_start3A_501 : memref<128xi32, #tpu.memory_space<vmem>>) semaphore(%arg20 : memref<!tpu.dma_semaphore, #tpu.memory_space<semaphore_mem>>)
    %dma_start3A_505 = arith.constant 1536 : i32
    %dma_start3A_506 = tpu.memref_slice %arg9[%dma_start3A_505] : memref<2048xi32, #tpu.memory_space<vmem>> -> memref<128xi32, #tpu.memory_space<vmem>>
    %dma_start3A_507 = arith.constant 0 : i32
    %dma_start3A_508 = arith.constant 0 : i32
    %dma_start3A_509 = tpu.memref_slice %arg6[%dma_start3A_507, %dma_start3A_508] : memref<100000x128xf32, #tpu.memory_space<hbm>> -> memref<100000x128xf32, #tpu.memory_space<hbm>>
    tpu.enqueue_indirect_dma source(%dma_start3A_509 : memref<100000x128xf32, #tpu.memory_space<hbm>>) target(%arg12 : memref<128x128xf32, #tpu.memory_space<vmem>>) offsets(%dma_start3A_506 : memref<128xi32, #tpu.memory_space<vmem>>) semaphore(%arg20 : memref<!tpu.dma_semaphore, #tpu.memory_space<semaphore_mem>>)
    %dma_start3A_510 = arith.constant 1536 : i32
    %dma_start3A_511 = tpu.memref_slice %arg10[%dma_start3A_510] : memref<2048xi32, #tpu.memory_space<vmem>> -> memref<128xi32, #tpu.memory_space<vmem>>
    %dma_start3A_512 = arith.constant 0 : i32
    %dma_start3A_513 = arith.constant 0 : i32
    %dma_start3A_514 = tpu.memref_slice %arg5[%dma_start3A_512, %dma_start3A_513] : memref<100000x128xf32, #tpu.memory_space<hbm>> -> memref<100000x128xf32, #tpu.memory_space<hbm>>
    tpu.enqueue_indirect_dma source(%dma_start3A_514 : memref<100000x128xf32, #tpu.memory_space<hbm>>) target(%arg13 : memref<128x128xf32, #tpu.memory_space<vmem>>) offsets(%dma_start3A_511 : memref<128xi32, #tpu.memory_space<vmem>>) semaphore(%arg20 : memref<!tpu.dma_semaphore, #tpu.memory_space<semaphore_mem>>)
    %dma_wait3A_515 = arith.constant 1408 : i32
    %dma_wait3A_516 = tpu.memref_slice %arg8[%dma_wait3A_515] : memref<2048xi32, #tpu.memory_space<vmem>> -> memref<128xi32, #tpu.memory_space<vmem>>
    %dma_wait3A_517 = arith.constant 0 : i32
    %dma_wait3A_518 = arith.constant 0 : i32
    %dma_wait3A_519 = tpu.memref_slice %arg5[%dma_wait3A_517, %dma_wait3A_518] : memref<100000x128xf32, #tpu.memory_space<hbm>> -> memref<100000x128xf32, #tpu.memory_space<hbm>>
    tpu.wait_indirect_dma semaphore(%arg21 : memref<!tpu.dma_semaphore, #tpu.memory_space<semaphore_mem>>) src(%dma_wait3A_519 : memref<100000x128xf32, #tpu.memory_space<hbm>>) dst(%arg14 : memref<128x128xf32, #tpu.memory_space<vmem>>)
    %dma_wait3A_520 = arith.constant 1408 : i32
    %dma_wait3A_521 = tpu.memref_slice %arg9[%dma_wait3A_520] : memref<2048xi32, #tpu.memory_space<vmem>> -> memref<128xi32, #tpu.memory_space<vmem>>
    %dma_wait3A_522 = arith.constant 0 : i32
    %dma_wait3A_523 = arith.constant 0 : i32
    %dma_wait3A_524 = tpu.memref_slice %arg6[%dma_wait3A_522, %dma_wait3A_523] : memref<100000x128xf32, #tpu.memory_space<hbm>> -> memref<100000x128xf32, #tpu.memory_space<hbm>>
    tpu.wait_indirect_dma semaphore(%arg21 : memref<!tpu.dma_semaphore, #tpu.memory_space<semaphore_mem>>) src(%dma_wait3A_524 : memref<100000x128xf32, #tpu.memory_space<hbm>>) dst(%arg15 : memref<128x128xf32, #tpu.memory_space<vmem>>)
    %dma_wait3A_525 = arith.constant 1408 : i32
    %dma_wait3A_526 = tpu.memref_slice %arg10[%dma_wait3A_525] : memref<2048xi32, #tpu.memory_space<vmem>> -> memref<128xi32, #tpu.memory_space<vmem>>
    %dma_wait3A_527 = arith.constant 0 : i32
    %dma_wait3A_528 = arith.constant 0 : i32
    %dma_wait3A_529 = tpu.memref_slice %arg5[%dma_wait3A_527, %dma_wait3A_528] : memref<100000x128xf32, #tpu.memory_space<hbm>> -> memref<100000x128xf32, #tpu.memory_space<hbm>>
    tpu.wait_indirect_dma semaphore(%arg21 : memref<!tpu.dma_semaphore, #tpu.memory_space<semaphore_mem>>) src(%dma_wait3A_529 : memref<100000x128xf32, #tpu.memory_space<hbm>>) dst(%arg16 : memref<128x128xf32, #tpu.memory_space<vmem>>)
    %scan3A_530 = arith.constant 0 : i32
    %scan3A_531 = arith.constant 0 : i32
    %scan3A_532 = arith.constant 8 : i32
    %scan3A_533 = arith.addi %scan3A_531, %scan3A_532 : i32
    %scan3A_534 = arith.constant 1 : i32
    %scan3A_535 = scf.for %scan3A_670 = %scan3A_531 to %scan3A_533 step %scan3A_534 iter_args(%scan3A_671 = %scan3A_530) -> (i32)  : i32 {
      %scan3A_672 = arith.constant 0 : i32
      %scan3A_673 = arith.constant 0 : i32
      %scan3A_674 = arith.constant 16 : i32
      %scan3A_675 = arith.addi %scan3A_673, %scan3A_674 : i32
      %scan3A_676 = arith.constant 1 : i32
      %scan3A_677 = scf.for %scan3A_731 = %scan3A_673 to %scan3A_675 step %scan3A_676 iter_args(%scan3A_732 = %scan3A_672) -> (i32)  : i32 {
        %mul3A_733 = arith.constant 16 : i32
        %mul3A_734 = arith.muli %scan3A_670, %mul3A_733 : i32
        %add3A_735 = arith.addi %mul3A_734, %scan3A_731 : i32
        %get3A_736 = arith.index_cast %add3A_735 : i32 to index
        %get3A_737 = arith.constant 0 : index
        %get3A_738 = tpu.vector_load %arg14[%get3A_736, %get3A_737] {strides = array<i32>} : memref<128x128xf32, #tpu.memory_space<vmem>>, vector<16xf32>,
        %get3A_739 = arith.index_cast %add3A_735 : i32 to index
        %get3A_740 = arith.constant 0 : index
        %get3A_741 = tpu.vector_load %arg15[%get3A_739, %get3A_740] {strides = array<i32>} : memref<128x128xf32, #tpu.memory_space<vmem>>, vector<16xf32>,
        %mul3A_742 = arith.mulf %get3A_738, %get3A_741 : vector<16xf32>
        %get3A_743 = arith.index_cast %add3A_735 : i32 to index
        %get3A_744 = arith.constant 0 : index
        %get3A_745 = tpu.vector_load %arg16[%get3A_743, %get3A_744] {strides = array<i32>} : memref<128x128xf32, #tpu.memory_space<vmem>>, vector<16xf32>,
        %mul3A_746 = arith.mulf %mul3A_742, %get3A_745 : vector<16xf32>
        %get3A_747 = arith.index_cast %add3A_735 : i32 to index
        %get3A_748 = arith.constant 16 : index
        %get3A_749 = tpu.vector_load %arg14[%get3A_747, %get3A_748] {strides = array<i32>} : memref<128x128xf32, #tpu.memory_space<vmem>>, vector<16xf32>,
        %get3A_750 = arith.index_cast %add3A_735 : i32 to index
        %get3A_751 = arith.constant 16 : index
        %get3A_752 = tpu.vector_load %arg15[%get3A_750, %get3A_751] {strides = array<i32>} : memref<128x128xf32, #tpu.memory_space<vmem>>, vector<16xf32>,
        %mul3A_753 = arith.mulf %get3A_749, %get3A_752 : vector<16xf32>
        %get3A_754 = arith.index_cast %add3A_735 : i32 to index
        %get3A_755 = arith.constant 16 : index
        %get3A_756 = tpu.vector_load %arg16[%get3A_754, %get3A_755] {strides = array<i32>} : memref<128x128xf32, #tpu.memory_space<vmem>>, vector<16xf32>,
        %mul3A_757 = arith.mulf %mul3A_753, %get3A_756 : vector<16xf32>
        %add3A_758 = arith.addf %mul3A_746, %mul3A_757 : vector<16xf32>
        %get3A_759 = arith.index_cast %add3A_735 : i32 to index
        %get3A_760 = arith.constant 32 : index
        %get3A_761 = tpu.vector_load %arg14[%get3A_759, %get3A_760] {strides = array<i32>} : memref<128x128xf32, #tpu.memory_space<vmem>>, vector<16xf32>,
        %get3A_762 = arith.index_cast %add3A_735 : i32 to index
        %get3A_763 = arith.constant 32 : index
        %get3A_764 = tpu.vector_load %arg15[%get3A_762, %get3A_763] {strides = array<i32>} : memref<128x128xf32, #tpu.memory_space<vmem>>, vector<16xf32>,
        %mul3A_765 = arith.mulf %get3A_761, %get3A_764 : vector<16xf32>
        %get3A_766 = arith.index_cast %add3A_735 : i32 to index
        %get3A_767 = arith.constant 32 : index
        %get3A_768 = tpu.vector_load %arg16[%get3A_766, %get3A_767] {strides = array<i32>} : memref<128x128xf32, #tpu.memory_space<vmem>>, vector<16xf32>,
        %mul3A_769 = arith.mulf %mul3A_765, %get3A_768 : vector<16xf32>
        %add3A_770 = arith.addf %add3A_758, %mul3A_769 : vector<16xf32>
        %get3A_771 = arith.index_cast %add3A_735 : i32 to index
        %get3A_772 = arith.constant 48 : index
        %get3A_773 = tpu.vector_load %arg14[%get3A_771, %get3A_772] {strides = array<i32>} : memref<128x128xf32, #tpu.memory_space<vmem>>, vector<16xf32>,
        %get3A_774 = arith.index_cast %add3A_735 : i32 to index
        %get3A_775 = arith.constant 48 : index
        %get3A_776 = tpu.vector_load %arg15[%get3A_774, %get3A_775] {strides = array<i32>} : memref<128x128xf32, #tpu.memory_space<vmem>>, vector<16xf32>,
        %mul3A_777 = arith.mulf %get3A_773, %get3A_776 : vector<16xf32>
        %get3A_778 = arith.index_cast %add3A_735 : i32 to index
        %get3A_779 = arith.constant 48 : index
        %get3A_780 = tpu.vector_load %arg16[%get3A_778, %get3A_779] {strides = array<i32>} : memref<128x128xf32, #tpu.memory_space<vmem>>, vector<16xf32>,
        %mul3A_781 = arith.mulf %mul3A_777, %get3A_780 : vector<16xf32>
        %add3A_782 = arith.addf %add3A_770, %mul3A_781 : vector<16xf32>
        %get3A_783 = arith.index_cast %add3A_735 : i32 to index
        %get3A_784 = arith.constant 64 : index
        %get3A_785 = tpu.vector_load %arg14[%get3A_783, %get3A_784] {strides = array<i32>} : memref<128x128xf32, #tpu.memory_space<vmem>>, vector<16xf32>,
        %get3A_786 = arith.index_cast %add3A_735 : i32 to index
        %get3A_787 = arith.constant 64 : index
        %get3A_788 = tpu.vector_load %arg15[%get3A_786, %get3A_787] {strides = array<i32>} : memref<128x128xf32, #tpu.memory_space<vmem>>, vector<16xf32>,
        %mul3A_789 = arith.mulf %get3A_785, %get3A_788 : vector<16xf32>
        %get3A_790 = arith.index_cast %add3A_735 : i32 to index
        %get3A_791 = arith.constant 64 : index
        %get3A_792 = tpu.vector_load %arg16[%get3A_790, %get3A_791] {strides = array<i32>} : memref<128x128xf32, #tpu.memory_space<vmem>>, vector<16xf32>,
        %mul3A_793 = arith.mulf %mul3A_789, %get3A_792 : vector<16xf32>
        %add3A_794 = arith.addf %add3A_782, %mul3A_793 : vector<16xf32>
        %get3A_795 = arith.index_cast %add3A_735 : i32 to index
        %get3A_796 = arith.constant 80 : index
        %get3A_797 = tpu.vector_load %arg14[%get3A_795, %get3A_796] {strides = array<i32>} : memref<128x128xf32, #tpu.memory_space<vmem>>, vector<16xf32>,
        %get3A_798 = arith.index_cast %add3A_735 : i32 to index
        %get3A_799 = arith.constant 80 : index
        %get3A_800 = tpu.vector_load %arg15[%get3A_798, %get3A_799] {strides = array<i32>} : memref<128x128xf32, #tpu.memory_space<vmem>>, vector<16xf32>,
        %mul3A_801 = arith.mulf %get3A_797, %get3A_800 : vector<16xf32>
        %get3A_802 = arith.index_cast %add3A_735 : i32 to index
        %get3A_803 = arith.constant 80 : index
        %get3A_804 = tpu.vector_load %arg16[%get3A_802, %get3A_803] {strides = array<i32>} : memref<128x128xf32, #tpu.memory_space<vmem>>, vector<16xf32>,
        %mul3A_805 = arith.mulf %mul3A_801, %get3A_804 : vector<16xf32>
        %add3A_806 = arith.addf %add3A_794, %mul3A_805 : vector<16xf32>
        %get3A_807 = arith.index_cast %add3A_735 : i32 to index
        %get3A_808 = arith.constant 96 : index
        %get3A_809 = tpu.vector_load %arg14[%get3A_807, %get3A_808] {strides = array<i32>} : memref<128x128xf32, #tpu.memory_space<vmem>>, vector<16xf32>,
        %get3A_810 = arith.index_cast %add3A_735 : i32 to index
        %get3A_811 = arith.constant 96 : index
        %get3A_812 = tpu.vector_load %arg15[%get3A_810, %get3A_811] {strides = array<i32>} : memref<128x128xf32, #tpu.memory_space<vmem>>, vector<16xf32>,
        %mul3A_813 = arith.mulf %get3A_809, %get3A_812 : vector<16xf32>
        %get3A_814 = arith.index_cast %add3A_735 : i32 to index
        %get3A_815 = arith.constant 96 : index
        %get3A_816 = tpu.vector_load %arg16[%get3A_814, %get3A_815] {strides = array<i32>} : memref<128x128xf32, #tpu.memory_space<vmem>>, vector<16xf32>,
        %mul3A_817 = arith.mulf %mul3A_813, %get3A_816 : vector<16xf32>
        %add3A_818 = arith.addf %add3A_806, %mul3A_817 : vector<16xf32>
        %get3A_819 = arith.index_cast %add3A_735 : i32 to index
        %get3A_820 = arith.constant 112 : index
        %get3A_821 = tpu.vector_load %arg14[%get3A_819, %get3A_820] {strides = array<i32>} : memref<128x128xf32, #tpu.memory_space<vmem>>, vector<16xf32>,
        %get3A_822 = arith.index_cast %add3A_735 : i32 to index
        %get3A_823 = arith.constant 112 : index
        %get3A_824 = tpu.vector_load %arg15[%get3A_822, %get3A_823] {strides = array<i32>} : memref<128x128xf32, #tpu.memory_space<vmem>>, vector<16xf32>,
        %mul3A_825 = arith.mulf %get3A_821, %get3A_824 : vector<16xf32>
        %get3A_826 = arith.index_cast %add3A_735 : i32 to index
        %get3A_827 = arith.constant 112 : index
        %get3A_828 = tpu.vector_load %arg16[%get3A_826, %get3A_827] {strides = array<i32>} : memref<128x128xf32, #tpu.memory_space<vmem>>, vector<16xf32>,
        %mul3A_829 = arith.mulf %mul3A_825, %get3A_828 : vector<16xf32>
        %add3A_830 = arith.addf %add3A_818, %mul3A_829 : vector<16xf32>
        %mul3A_831 = arith.constant 16 : i32
        %mul3A_832 = vector.broadcast %mul3A_831 : i32 to vector<16xi32>
        %mul3A_833 = arith.muli %iota3A, %mul3A_832 : vector<16xi32>
        %add3A_834 = vector.broadcast %scan3A_731 : i32 to vector<16xi32>
        %add3A_835 = arith.addi %mul3A_833, %add3A_834 : vector<16xi32>
        tpu.vector_store_idx %arg17[%add3A_835], %add3A_830 : memref<256xf32, #tpu.memory_space<vmem>>[vector<16xi32>], vector<16xf32>,
        %scan3A_836 = arith.constant 0 : i32
        scf.yield %scan3A_836 : i32
      }
      %scan3A_678 = arith.constant 16 : i32
      %get3A = arith.constant 0 : index
      %get3A_679 = tpu.vector_load %arg17[%get3A] {strides = array<i32>} : memref<256xf32, #tpu.memory_space<vmem>>, vector<16xf32>,
      %get3A_680 = arith.constant 16 : index
      %get3A_681 = tpu.vector_load %arg17[%get3A_680] {strides = array<i32>} : memref<256xf32, #tpu.memory_space<vmem>>, vector<16xf32>,
      %add3A_682 = arith.addf %get3A_679, %get3A_681 : vector<16xf32>
      %get3A_683 = arith.constant 32 : index
      %get3A_684 = tpu.vector_load %arg17[%get3A_683] {strides = array<i32>} : memref<256xf32, #tpu.memory_space<vmem>>, vector<16xf32>,
      %add3A_685 = arith.addf %add3A_682, %get3A_684 : vector<16xf32>
      %get3A_686 = arith.constant 48 : index
      %get3A_687 = tpu.vector_load %arg17[%get3A_686] {strides = array<i32>} : memref<256xf32, #tpu.memory_space<vmem>>, vector<16xf32>,
      %add3A_688 = arith.addf %add3A_685, %get3A_687 : vector<16xf32>
      %get3A_689 = arith.constant 64 : index
      %get3A_690 = tpu.vector_load %arg17[%get3A_689] {strides = array<i32>} : memref<256xf32, #tpu.memory_space<vmem>>, vector<16xf32>,
      %add3A_691 = arith.addf %add3A_688, %get3A_690 : vector<16xf32>
      %get3A_692 = arith.constant 80 : index
      %get3A_693 = tpu.vector_load %arg17[%get3A_692] {strides = array<i32>} : memref<256xf32, #tpu.memory_space<vmem>>, vector<16xf32>,
      %add3A_694 = arith.addf %add3A_691, %get3A_693 : vector<16xf32>
      %get3A_695 = arith.constant 96 : index
      %get3A_696 = tpu.vector_load %arg17[%get3A_695] {strides = array<i32>} : memref<256xf32, #tpu.memory_space<vmem>>, vector<16xf32>,
      %add3A_697 = arith.addf %add3A_694, %get3A_696 : vector<16xf32>
      %get3A_698 = arith.constant 112 : index
      %get3A_699 = tpu.vector_load %arg17[%get3A_698] {strides = array<i32>} : memref<256xf32, #tpu.memory_space<vmem>>, vector<16xf32>,
      %add3A_700 = arith.addf %add3A_697, %get3A_699 : vector<16xf32>
      %get3A_701 = arith.constant 128 : index
      %get3A_702 = tpu.vector_load %arg17[%get3A_701] {strides = array<i32>} : memref<256xf32, #tpu.memory_space<vmem>>, vector<16xf32>,
      %add3A_703 = arith.addf %add3A_700, %get3A_702 : vector<16xf32>
      %get3A_704 = arith.constant 144 : index
      %get3A_705 = tpu.vector_load %arg17[%get3A_704] {strides = array<i32>} : memref<256xf32, #tpu.memory_space<vmem>>, vector<16xf32>,
      %add3A_706 = arith.addf %add3A_703, %get3A_705 : vector<16xf32>
      %get3A_707 = arith.constant 160 : index
      %get3A_708 = tpu.vector_load %arg17[%get3A_707] {strides = array<i32>} : memref<256xf32, #tpu.memory_space<vmem>>, vector<16xf32>,
      %add3A_709 = arith.addf %add3A_706, %get3A_708 : vector<16xf32>
      %get3A_710 = arith.constant 176 : index
      %get3A_711 = tpu.vector_load %arg17[%get3A_710] {strides = array<i32>} : memref<256xf32, #tpu.memory_space<vmem>>, vector<16xf32>,
      %add3A_712 = arith.addf %add3A_709, %get3A_711 : vector<16xf32>
      %get3A_713 = arith.constant 192 : index
      %get3A_714 = tpu.vector_load %arg17[%get3A_713] {strides = array<i32>} : memref<256xf32, #tpu.memory_space<vmem>>, vector<16xf32>,
      %add3A_715 = arith.addf %add3A_712, %get3A_714 : vector<16xf32>
      %get3A_716 = arith.constant 208 : index
      %get3A_717 = tpu.vector_load %arg17[%get3A_716] {strides = array<i32>} : memref<256xf32, #tpu.memory_space<vmem>>, vector<16xf32>,
      %add3A_718 = arith.addf %add3A_715, %get3A_717 : vector<16xf32>
      %get3A_719 = arith.constant 224 : index
      %get3A_720 = tpu.vector_load %arg17[%get3A_719] {strides = array<i32>} : memref<256xf32, #tpu.memory_space<vmem>>, vector<16xf32>,
      %add3A_721 = arith.addf %add3A_718, %get3A_720 : vector<16xf32>
      %get3A_722 = arith.constant 240 : index
      %get3A_723 = tpu.vector_load %arg17[%get3A_722] {strides = array<i32>} : memref<256xf32, #tpu.memory_space<vmem>>, vector<16xf32>,
      %add3A_724 = arith.addf %add3A_721, %get3A_723 : vector<16xf32>
      %mul3A_725 = arith.constant 16 : i32
      %mul3A_726 = arith.muli %scan3A_670, %mul3A_725 : i32
      %add3A_727 = arith.constant 1408 : i32
      %add3A_728 = arith.addi %add3A_727, %mul3A_726 : i32
      %swap3A = arith.index_cast %add3A_728 : i32 to index
      %swap3A_729 = tpu.vector_load %arg18[%swap3A] {strides = array<i32>} : memref<2048xf32, #tpu.memory_space<vmem>>, vector<16xf32>,
      tpu.vector_store %arg18[%swap3A], %add3A_724 {strides = array<i32>} : memref<2048xf32, #tpu.memory_space<vmem>>, vector<16xf32>,
      %scan3A_730 = arith.constant 0 : i32
      scf.yield %scan3A_730 : i32
    }
    %scan3A_536 = arith.constant 8 : i32
    %dma_start3A_537 = arith.constant 1664 : i32
    %dma_start3A_538 = tpu.memref_slice %arg8[%dma_start3A_537] : memref<2048xi32, #tpu.memory_space<vmem>> -> memref<128xi32, #tpu.memory_space<vmem>>
    %dma_start3A_539 = arith.constant 0 : i32
    %dma_start3A_540 = arith.constant 0 : i32
    %dma_start3A_541 = tpu.memref_slice %arg5[%dma_start3A_539, %dma_start3A_540] : memref<100000x128xf32, #tpu.memory_space<hbm>> -> memref<100000x128xf32, #tpu.memory_space<hbm>>
    tpu.enqueue_indirect_dma source(%dma_start3A_541 : memref<100000x128xf32, #tpu.memory_space<hbm>>) target(%arg14 : memref<128x128xf32, #tpu.memory_space<vmem>>) offsets(%dma_start3A_538 : memref<128xi32, #tpu.memory_space<vmem>>) semaphore(%arg21 : memref<!tpu.dma_semaphore, #tpu.memory_space<semaphore_mem>>)
    %dma_start3A_542 = arith.constant 1664 : i32
    %dma_start3A_543 = tpu.memref_slice %arg9[%dma_start3A_542] : memref<2048xi32, #tpu.memory_space<vmem>> -> memref<128xi32, #tpu.memory_space<vmem>>
    %dma_start3A_544 = arith.constant 0 : i32
    %dma_start3A_545 = arith.constant 0 : i32
    %dma_start3A_546 = tpu.memref_slice %arg6[%dma_start3A_544, %dma_start3A_545] : memref<100000x128xf32, #tpu.memory_space<hbm>> -> memref<100000x128xf32, #tpu.memory_space<hbm>>
    tpu.enqueue_indirect_dma source(%dma_start3A_546 : memref<100000x128xf32, #tpu.memory_space<hbm>>) target(%arg15 : memref<128x128xf32, #tpu.memory_space<vmem>>) offsets(%dma_start3A_543 : memref<128xi32, #tpu.memory_space<vmem>>) semaphore(%arg21 : memref<!tpu.dma_semaphore, #tpu.memory_space<semaphore_mem>>)
    %dma_start3A_547 = arith.constant 1664 : i32
    %dma_start3A_548 = tpu.memref_slice %arg10[%dma_start3A_547] : memref<2048xi32, #tpu.memory_space<vmem>> -> memref<128xi32, #tpu.memory_space<vmem>>
    %dma_start3A_549 = arith.constant 0 : i32
    %dma_start3A_550 = arith.constant 0 : i32
    %dma_start3A_551 = tpu.memref_slice %arg5[%dma_start3A_549, %dma_start3A_550] : memref<100000x128xf32, #tpu.memory_space<hbm>> -> memref<100000x128xf32, #tpu.memory_space<hbm>>
    tpu.enqueue_indirect_dma source(%dma_start3A_551 : memref<100000x128xf32, #tpu.memory_space<hbm>>) target(%arg16 : memref<128x128xf32, #tpu.memory_space<vmem>>) offsets(%dma_start3A_548 : memref<128xi32, #tpu.memory_space<vmem>>) semaphore(%arg21 : memref<!tpu.dma_semaphore, #tpu.memory_space<semaphore_mem>>)
    %dma_wait3A_552 = arith.constant 1536 : i32
    %dma_wait3A_553 = tpu.memref_slice %arg8[%dma_wait3A_552] : memref<2048xi32, #tpu.memory_space<vmem>> -> memref<128xi32, #tpu.memory_space<vmem>>
    %dma_wait3A_554 = arith.constant 0 : i32
    %dma_wait3A_555 = arith.constant 0 : i32
    %dma_wait3A_556 = tpu.memref_slice %arg5[%dma_wait3A_554, %dma_wait3A_555] : memref<100000x128xf32, #tpu.memory_space<hbm>> -> memref<100000x128xf32, #tpu.memory_space<hbm>>
    tpu.wait_indirect_dma semaphore(%arg20 : memref<!tpu.dma_semaphore, #tpu.memory_space<semaphore_mem>>) src(%dma_wait3A_556 : memref<100000x128xf32, #tpu.memory_space<hbm>>) dst(%arg11 : memref<128x128xf32, #tpu.memory_space<vmem>>)
    %dma_wait3A_557 = arith.constant 1536 : i32
    %dma_wait3A_558 = tpu.memref_slice %arg9[%dma_wait3A_557] : memref<2048xi32, #tpu.memory_space<vmem>> -> memref<128xi32, #tpu.memory_space<vmem>>
    %dma_wait3A_559 = arith.constant 0 : i32
    %dma_wait3A_560 = arith.constant 0 : i32
    %dma_wait3A_561 = tpu.memref_slice %arg6[%dma_wait3A_559, %dma_wait3A_560] : memref<100000x128xf32, #tpu.memory_space<hbm>> -> memref<100000x128xf32, #tpu.memory_space<hbm>>
    tpu.wait_indirect_dma semaphore(%arg20 : memref<!tpu.dma_semaphore, #tpu.memory_space<semaphore_mem>>) src(%dma_wait3A_561 : memref<100000x128xf32, #tpu.memory_space<hbm>>) dst(%arg12 : memref<128x128xf32, #tpu.memory_space<vmem>>)
    %dma_wait3A_562 = arith.constant 1536 : i32
    %dma_wait3A_563 = tpu.memref_slice %arg10[%dma_wait3A_562] : memref<2048xi32, #tpu.memory_space<vmem>> -> memref<128xi32, #tpu.memory_space<vmem>>
    %dma_wait3A_564 = arith.constant 0 : i32
    %dma_wait3A_565 = arith.constant 0 : i32
    %dma_wait3A_566 = tpu.memref_slice %arg5[%dma_wait3A_564, %dma_wait3A_565] : memref<100000x128xf32, #tpu.memory_space<hbm>> -> memref<100000x128xf32, #tpu.memory_space<hbm>>
    tpu.wait_indirect_dma semaphore(%arg20 : memref<!tpu.dma_semaphore, #tpu.memory_space<semaphore_mem>>) src(%dma_wait3A_566 : memref<100000x128xf32, #tpu.memory_space<hbm>>) dst(%arg13 : memref<128x128xf32, #tpu.memory_space<vmem>>)
    %scan3A_567 = arith.constant 0 : i32
    %scan3A_568 = arith.constant 0 : i32
    %scan3A_569 = arith.constant 8 : i32
    %scan3A_570 = arith.addi %scan3A_568, %scan3A_569 : i32
    %scan3A_571 = arith.constant 1 : i32
    %scan3A_572 = scf.for %scan3A_670 = %scan3A_568 to %scan3A_570 step %scan3A_571 iter_args(%scan3A_671 = %scan3A_567) -> (i32)  : i32 {
      %scan3A_672 = arith.constant 0 : i32
      %scan3A_673 = arith.constant 0 : i32
      %scan3A_674 = arith.constant 16 : i32
      %scan3A_675 = arith.addi %scan3A_673, %scan3A_674 : i32
      %scan3A_676 = arith.constant 1 : i32
      %scan3A_677 = scf.for %scan3A_731 = %scan3A_673 to %scan3A_675 step %scan3A_676 iter_args(%scan3A_732 = %scan3A_672) -> (i32)  : i32 {
        %mul3A_733 = arith.constant 16 : i32
        %mul3A_734 = arith.muli %scan3A_670, %mul3A_733 : i32
        %add3A_735 = arith.addi %mul3A_734, %scan3A_731 : i32
        %get3A_736 = arith.index_cast %add3A_735 : i32 to index
        %get3A_737 = arith.constant 0 : index
        %get3A_738 = tpu.vector_load %arg11[%get3A_736, %get3A_737] {strides = array<i32>} : memref<128x128xf32, #tpu.memory_space<vmem>>, vector<16xf32>,
        %get3A_739 = arith.index_cast %add3A_735 : i32 to index
        %get3A_740 = arith.constant 0 : index
        %get3A_741 = tpu.vector_load %arg12[%get3A_739, %get3A_740] {strides = array<i32>} : memref<128x128xf32, #tpu.memory_space<vmem>>, vector<16xf32>,
        %mul3A_742 = arith.mulf %get3A_738, %get3A_741 : vector<16xf32>
        %get3A_743 = arith.index_cast %add3A_735 : i32 to index
        %get3A_744 = arith.constant 0 : index
        %get3A_745 = tpu.vector_load %arg13[%get3A_743, %get3A_744] {strides = array<i32>} : memref<128x128xf32, #tpu.memory_space<vmem>>, vector<16xf32>,
        %mul3A_746 = arith.mulf %mul3A_742, %get3A_745 : vector<16xf32>
        %get3A_747 = arith.index_cast %add3A_735 : i32 to index
        %get3A_748 = arith.constant 16 : index
        %get3A_749 = tpu.vector_load %arg11[%get3A_747, %get3A_748] {strides = array<i32>} : memref<128x128xf32, #tpu.memory_space<vmem>>, vector<16xf32>,
        %get3A_750 = arith.index_cast %add3A_735 : i32 to index
        %get3A_751 = arith.constant 16 : index
        %get3A_752 = tpu.vector_load %arg12[%get3A_750, %get3A_751] {strides = array<i32>} : memref<128x128xf32, #tpu.memory_space<vmem>>, vector<16xf32>,
        %mul3A_753 = arith.mulf %get3A_749, %get3A_752 : vector<16xf32>
        %get3A_754 = arith.index_cast %add3A_735 : i32 to index
        %get3A_755 = arith.constant 16 : index
        %get3A_756 = tpu.vector_load %arg13[%get3A_754, %get3A_755] {strides = array<i32>} : memref<128x128xf32, #tpu.memory_space<vmem>>, vector<16xf32>,
        %mul3A_757 = arith.mulf %mul3A_753, %get3A_756 : vector<16xf32>
        %add3A_758 = arith.addf %mul3A_746, %mul3A_757 : vector<16xf32>
        %get3A_759 = arith.index_cast %add3A_735 : i32 to index
        %get3A_760 = arith.constant 32 : index
        %get3A_761 = tpu.vector_load %arg11[%get3A_759, %get3A_760] {strides = array<i32>} : memref<128x128xf32, #tpu.memory_space<vmem>>, vector<16xf32>,
        %get3A_762 = arith.index_cast %add3A_735 : i32 to index
        %get3A_763 = arith.constant 32 : index
        %get3A_764 = tpu.vector_load %arg12[%get3A_762, %get3A_763] {strides = array<i32>} : memref<128x128xf32, #tpu.memory_space<vmem>>, vector<16xf32>,
        %mul3A_765 = arith.mulf %get3A_761, %get3A_764 : vector<16xf32>
        %get3A_766 = arith.index_cast %add3A_735 : i32 to index
        %get3A_767 = arith.constant 32 : index
        %get3A_768 = tpu.vector_load %arg13[%get3A_766, %get3A_767] {strides = array<i32>} : memref<128x128xf32, #tpu.memory_space<vmem>>, vector<16xf32>,
        %mul3A_769 = arith.mulf %mul3A_765, %get3A_768 : vector<16xf32>
        %add3A_770 = arith.addf %add3A_758, %mul3A_769 : vector<16xf32>
        %get3A_771 = arith.index_cast %add3A_735 : i32 to index
        %get3A_772 = arith.constant 48 : index
        %get3A_773 = tpu.vector_load %arg11[%get3A_771, %get3A_772] {strides = array<i32>} : memref<128x128xf32, #tpu.memory_space<vmem>>, vector<16xf32>,
        %get3A_774 = arith.index_cast %add3A_735 : i32 to index
        %get3A_775 = arith.constant 48 : index
        %get3A_776 = tpu.vector_load %arg12[%get3A_774, %get3A_775] {strides = array<i32>} : memref<128x128xf32, #tpu.memory_space<vmem>>, vector<16xf32>,
        %mul3A_777 = arith.mulf %get3A_773, %get3A_776 : vector<16xf32>
        %get3A_778 = arith.index_cast %add3A_735 : i32 to index
        %get3A_779 = arith.constant 48 : index
        %get3A_780 = tpu.vector_load %arg13[%get3A_778, %get3A_779] {strides = array<i32>} : memref<128x128xf32, #tpu.memory_space<vmem>>, vector<16xf32>,
        %mul3A_781 = arith.mulf %mul3A_777, %get3A_780 : vector<16xf32>
        %add3A_782 = arith.addf %add3A_770, %mul3A_781 : vector<16xf32>
        %get3A_783 = arith.index_cast %add3A_735 : i32 to index
        %get3A_784 = arith.constant 64 : index
        %get3A_785 = tpu.vector_load %arg11[%get3A_783, %get3A_784] {strides = array<i32>} : memref<128x128xf32, #tpu.memory_space<vmem>>, vector<16xf32>,
        %get3A_786 = arith.index_cast %add3A_735 : i32 to index
        %get3A_787 = arith.constant 64 : index
        %get3A_788 = tpu.vector_load %arg12[%get3A_786, %get3A_787] {strides = array<i32>} : memref<128x128xf32, #tpu.memory_space<vmem>>, vector<16xf32>,
        %mul3A_789 = arith.mulf %get3A_785, %get3A_788 : vector<16xf32>
        %get3A_790 = arith.index_cast %add3A_735 : i32 to index
        %get3A_791 = arith.constant 64 : index
        %get3A_792 = tpu.vector_load %arg13[%get3A_790, %get3A_791] {strides = array<i32>} : memref<128x128xf32, #tpu.memory_space<vmem>>, vector<16xf32>,
        %mul3A_793 = arith.mulf %mul3A_789, %get3A_792 : vector<16xf32>
        %add3A_794 = arith.addf %add3A_782, %mul3A_793 : vector<16xf32>
        %get3A_795 = arith.index_cast %add3A_735 : i32 to index
        %get3A_796 = arith.constant 80 : index
        %get3A_797 = tpu.vector_load %arg11[%get3A_795, %get3A_796] {strides = array<i32>} : memref<128x128xf32, #tpu.memory_space<vmem>>, vector<16xf32>,
        %get3A_798 = arith.index_cast %add3A_735 : i32 to index
        %get3A_799 = arith.constant 80 : index
        %get3A_800 = tpu.vector_load %arg12[%get3A_798, %get3A_799] {strides = array<i32>} : memref<128x128xf32, #tpu.memory_space<vmem>>, vector<16xf32>,
        %mul3A_801 = arith.mulf %get3A_797, %get3A_800 : vector<16xf32>
        %get3A_802 = arith.index_cast %add3A_735 : i32 to index
        %get3A_803 = arith.constant 80 : index
        %get3A_804 = tpu.vector_load %arg13[%get3A_802, %get3A_803] {strides = array<i32>} : memref<128x128xf32, #tpu.memory_space<vmem>>, vector<16xf32>,
        %mul3A_805 = arith.mulf %mul3A_801, %get3A_804 : vector<16xf32>
        %add3A_806 = arith.addf %add3A_794, %mul3A_805 : vector<16xf32>
        %get3A_807 = arith.index_cast %add3A_735 : i32 to index
        %get3A_808 = arith.constant 96 : index
        %get3A_809 = tpu.vector_load %arg11[%get3A_807, %get3A_808] {strides = array<i32>} : memref<128x128xf32, #tpu.memory_space<vmem>>, vector<16xf32>,
        %get3A_810 = arith.index_cast %add3A_735 : i32 to index
        %get3A_811 = arith.constant 96 : index
        %get3A_812 = tpu.vector_load %arg12[%get3A_810, %get3A_811] {strides = array<i32>} : memref<128x128xf32, #tpu.memory_space<vmem>>, vector<16xf32>,
        %mul3A_813 = arith.mulf %get3A_809, %get3A_812 : vector<16xf32>
        %get3A_814 = arith.index_cast %add3A_735 : i32 to index
        %get3A_815 = arith.constant 96 : index
        %get3A_816 = tpu.vector_load %arg13[%get3A_814, %get3A_815] {strides = array<i32>} : memref<128x128xf32, #tpu.memory_space<vmem>>, vector<16xf32>,
        %mul3A_817 = arith.mulf %mul3A_813, %get3A_816 : vector<16xf32>
        %add3A_818 = arith.addf %add3A_806, %mul3A_817 : vector<16xf32>
        %get3A_819 = arith.index_cast %add3A_735 : i32 to index
        %get3A_820 = arith.constant 112 : index
        %get3A_821 = tpu.vector_load %arg11[%get3A_819, %get3A_820] {strides = array<i32>} : memref<128x128xf32, #tpu.memory_space<vmem>>, vector<16xf32>,
        %get3A_822 = arith.index_cast %add3A_735 : i32 to index
        %get3A_823 = arith.constant 112 : index
        %get3A_824 = tpu.vector_load %arg12[%get3A_822, %get3A_823] {strides = array<i32>} : memref<128x128xf32, #tpu.memory_space<vmem>>, vector<16xf32>,
        %mul3A_825 = arith.mulf %get3A_821, %get3A_824 : vector<16xf32>
        %get3A_826 = arith.index_cast %add3A_735 : i32 to index
        %get3A_827 = arith.constant 112 : index
        %get3A_828 = tpu.vector_load %arg13[%get3A_826, %get3A_827] {strides = array<i32>} : memref<128x128xf32, #tpu.memory_space<vmem>>, vector<16xf32>,
        %mul3A_829 = arith.mulf %mul3A_825, %get3A_828 : vector<16xf32>
        %add3A_830 = arith.addf %add3A_818, %mul3A_829 : vector<16xf32>
        %mul3A_831 = arith.constant 16 : i32
        %mul3A_832 = vector.broadcast %mul3A_831 : i32 to vector<16xi32>
        %mul3A_833 = arith.muli %iota3A, %mul3A_832 : vector<16xi32>
        %add3A_834 = vector.broadcast %scan3A_731 : i32 to vector<16xi32>
        %add3A_835 = arith.addi %mul3A_833, %add3A_834 : vector<16xi32>
        tpu.vector_store_idx %arg17[%add3A_835], %add3A_830 : memref<256xf32, #tpu.memory_space<vmem>>[vector<16xi32>], vector<16xf32>,
        %scan3A_836 = arith.constant 0 : i32
        scf.yield %scan3A_836 : i32
      }
      %scan3A_678 = arith.constant 16 : i32
      %get3A = arith.constant 0 : index
      %get3A_679 = tpu.vector_load %arg17[%get3A] {strides = array<i32>} : memref<256xf32, #tpu.memory_space<vmem>>, vector<16xf32>,
      %get3A_680 = arith.constant 16 : index
      %get3A_681 = tpu.vector_load %arg17[%get3A_680] {strides = array<i32>} : memref<256xf32, #tpu.memory_space<vmem>>, vector<16xf32>,
      %add3A_682 = arith.addf %get3A_679, %get3A_681 : vector<16xf32>
      %get3A_683 = arith.constant 32 : index
      %get3A_684 = tpu.vector_load %arg17[%get3A_683] {strides = array<i32>} : memref<256xf32, #tpu.memory_space<vmem>>, vector<16xf32>,
      %add3A_685 = arith.addf %add3A_682, %get3A_684 : vector<16xf32>
      %get3A_686 = arith.constant 48 : index
      %get3A_687 = tpu.vector_load %arg17[%get3A_686] {strides = array<i32>} : memref<256xf32, #tpu.memory_space<vmem>>, vector<16xf32>,
      %add3A_688 = arith.addf %add3A_685, %get3A_687 : vector<16xf32>
      %get3A_689 = arith.constant 64 : index
      %get3A_690 = tpu.vector_load %arg17[%get3A_689] {strides = array<i32>} : memref<256xf32, #tpu.memory_space<vmem>>, vector<16xf32>,
      %add3A_691 = arith.addf %add3A_688, %get3A_690 : vector<16xf32>
      %get3A_692 = arith.constant 80 : index
      %get3A_693 = tpu.vector_load %arg17[%get3A_692] {strides = array<i32>} : memref<256xf32, #tpu.memory_space<vmem>>, vector<16xf32>,
      %add3A_694 = arith.addf %add3A_691, %get3A_693 : vector<16xf32>
      %get3A_695 = arith.constant 96 : index
      %get3A_696 = tpu.vector_load %arg17[%get3A_695] {strides = array<i32>} : memref<256xf32, #tpu.memory_space<vmem>>, vector<16xf32>,
      %add3A_697 = arith.addf %add3A_694, %get3A_696 : vector<16xf32>
      %get3A_698 = arith.constant 112 : index
      %get3A_699 = tpu.vector_load %arg17[%get3A_698] {strides = array<i32>} : memref<256xf32, #tpu.memory_space<vmem>>, vector<16xf32>,
      %add3A_700 = arith.addf %add3A_697, %get3A_699 : vector<16xf32>
      %get3A_701 = arith.constant 128 : index
      %get3A_702 = tpu.vector_load %arg17[%get3A_701] {strides = array<i32>} : memref<256xf32, #tpu.memory_space<vmem>>, vector<16xf32>,
      %add3A_703 = arith.addf %add3A_700, %get3A_702 : vector<16xf32>
      %get3A_704 = arith.constant 144 : index
      %get3A_705 = tpu.vector_load %arg17[%get3A_704] {strides = array<i32>} : memref<256xf32, #tpu.memory_space<vmem>>, vector<16xf32>,
      %add3A_706 = arith.addf %add3A_703, %get3A_705 : vector<16xf32>
      %get3A_707 = arith.constant 160 : index
      %get3A_708 = tpu.vector_load %arg17[%get3A_707] {strides = array<i32>} : memref<256xf32, #tpu.memory_space<vmem>>, vector<16xf32>,
      %add3A_709 = arith.addf %add3A_706, %get3A_708 : vector<16xf32>
      %get3A_710 = arith.constant 176 : index
      %get3A_711 = tpu.vector_load %arg17[%get3A_710] {strides = array<i32>} : memref<256xf32, #tpu.memory_space<vmem>>, vector<16xf32>,
      %add3A_712 = arith.addf %add3A_709, %get3A_711 : vector<16xf32>
      %get3A_713 = arith.constant 192 : index
      %get3A_714 = tpu.vector_load %arg17[%get3A_713] {strides = array<i32>} : memref<256xf32, #tpu.memory_space<vmem>>, vector<16xf32>,
      %add3A_715 = arith.addf %add3A_712, %get3A_714 : vector<16xf32>
      %get3A_716 = arith.constant 208 : index
      %get3A_717 = tpu.vector_load %arg17[%get3A_716] {strides = array<i32>} : memref<256xf32, #tpu.memory_space<vmem>>, vector<16xf32>,
      %add3A_718 = arith.addf %add3A_715, %get3A_717 : vector<16xf32>
      %get3A_719 = arith.constant 224 : index
      %get3A_720 = tpu.vector_load %arg17[%get3A_719] {strides = array<i32>} : memref<256xf32, #tpu.memory_space<vmem>>, vector<16xf32>,
      %add3A_721 = arith.addf %add3A_718, %get3A_720 : vector<16xf32>
      %get3A_722 = arith.constant 240 : index
      %get3A_723 = tpu.vector_load %arg17[%get3A_722] {strides = array<i32>} : memref<256xf32, #tpu.memory_space<vmem>>, vector<16xf32>,
      %add3A_724 = arith.addf %add3A_721, %get3A_723 : vector<16xf32>
      %mul3A_725 = arith.constant 16 : i32
      %mul3A_726 = arith.muli %scan3A_670, %mul3A_725 : i32
      %add3A_727 = arith.constant 1536 : i32
      %add3A_728 = arith.addi %add3A_727, %mul3A_726 : i32
      %swap3A = arith.index_cast %add3A_728 : i32 to index
      %swap3A_729 = tpu.vector_load %arg18[%swap3A] {strides = array<i32>} : memref<2048xf32, #tpu.memory_space<vmem>>, vector<16xf32>,
      tpu.vector_store %arg18[%swap3A], %add3A_724 {strides = array<i32>} : memref<2048xf32, #tpu.memory_space<vmem>>, vector<16xf32>,
      %scan3A_730 = arith.constant 0 : i32
      scf.yield %scan3A_730 : i32
    }
    %scan3A_573 = arith.constant 8 : i32
    %dma_start3A_574 = arith.constant 1792 : i32
    %dma_start3A_575 = tpu.memref_slice %arg8[%dma_start3A_574] : memref<2048xi32, #tpu.memory_space<vmem>> -> memref<128xi32, #tpu.memory_space<vmem>>
    %dma_start3A_576 = arith.constant 0 : i32
    %dma_start3A_577 = arith.constant 0 : i32
    %dma_start3A_578 = tpu.memref_slice %arg5[%dma_start3A_576, %dma_start3A_577] : memref<100000x128xf32, #tpu.memory_space<hbm>> -> memref<100000x128xf32, #tpu.memory_space<hbm>>
    tpu.enqueue_indirect_dma source(%dma_start3A_578 : memref<100000x128xf32, #tpu.memory_space<hbm>>) target(%arg11 : memref<128x128xf32, #tpu.memory_space<vmem>>) offsets(%dma_start3A_575 : memref<128xi32, #tpu.memory_space<vmem>>) semaphore(%arg20 : memref<!tpu.dma_semaphore, #tpu.memory_space<semaphore_mem>>)
    %dma_start3A_579 = arith.constant 1792 : i32
    %dma_start3A_580 = tpu.memref_slice %arg9[%dma_start3A_579] : memref<2048xi32, #tpu.memory_space<vmem>> -> memref<128xi32, #tpu.memory_space<vmem>>
    %dma_start3A_581 = arith.constant 0 : i32
    %dma_start3A_582 = arith.constant 0 : i32
    %dma_start3A_583 = tpu.memref_slice %arg6[%dma_start3A_581, %dma_start3A_582] : memref<100000x128xf32, #tpu.memory_space<hbm>> -> memref<100000x128xf32, #tpu.memory_space<hbm>>
    tpu.enqueue_indirect_dma source(%dma_start3A_583 : memref<100000x128xf32, #tpu.memory_space<hbm>>) target(%arg12 : memref<128x128xf32, #tpu.memory_space<vmem>>) offsets(%dma_start3A_580 : memref<128xi32, #tpu.memory_space<vmem>>) semaphore(%arg20 : memref<!tpu.dma_semaphore, #tpu.memory_space<semaphore_mem>>)
    %dma_start3A_584 = arith.constant 1792 : i32
    %dma_start3A_585 = tpu.memref_slice %arg10[%dma_start3A_584] : memref<2048xi32, #tpu.memory_space<vmem>> -> memref<128xi32, #tpu.memory_space<vmem>>
    %dma_start3A_586 = arith.constant 0 : i32
    %dma_start3A_587 = arith.constant 0 : i32
    %dma_start3A_588 = tpu.memref_slice %arg5[%dma_start3A_586, %dma_start3A_587] : memref<100000x128xf32, #tpu.memory_space<hbm>> -> memref<100000x128xf32, #tpu.memory_space<hbm>>
    tpu.enqueue_indirect_dma source(%dma_start3A_588 : memref<100000x128xf32, #tpu.memory_space<hbm>>) target(%arg13 : memref<128x128xf32, #tpu.memory_space<vmem>>) offsets(%dma_start3A_585 : memref<128xi32, #tpu.memory_space<vmem>>) semaphore(%arg20 : memref<!tpu.dma_semaphore, #tpu.memory_space<semaphore_mem>>)
    %dma_wait3A_589 = arith.constant 1664 : i32
    %dma_wait3A_590 = tpu.memref_slice %arg8[%dma_wait3A_589] : memref<2048xi32, #tpu.memory_space<vmem>> -> memref<128xi32, #tpu.memory_space<vmem>>
    %dma_wait3A_591 = arith.constant 0 : i32
    %dma_wait3A_592 = arith.constant 0 : i32
    %dma_wait3A_593 = tpu.memref_slice %arg5[%dma_wait3A_591, %dma_wait3A_592] : memref<100000x128xf32, #tpu.memory_space<hbm>> -> memref<100000x128xf32, #tpu.memory_space<hbm>>
    tpu.wait_indirect_dma semaphore(%arg21 : memref<!tpu.dma_semaphore, #tpu.memory_space<semaphore_mem>>) src(%dma_wait3A_593 : memref<100000x128xf32, #tpu.memory_space<hbm>>) dst(%arg14 : memref<128x128xf32, #tpu.memory_space<vmem>>)
    %dma_wait3A_594 = arith.constant 1664 : i32
    %dma_wait3A_595 = tpu.memref_slice %arg9[%dma_wait3A_594] : memref<2048xi32, #tpu.memory_space<vmem>> -> memref<128xi32, #tpu.memory_space<vmem>>
    %dma_wait3A_596 = arith.constant 0 : i32
    %dma_wait3A_597 = arith.constant 0 : i32
    %dma_wait3A_598 = tpu.memref_slice %arg6[%dma_wait3A_596, %dma_wait3A_597] : memref<100000x128xf32, #tpu.memory_space<hbm>> -> memref<100000x128xf32, #tpu.memory_space<hbm>>
    tpu.wait_indirect_dma semaphore(%arg21 : memref<!tpu.dma_semaphore, #tpu.memory_space<semaphore_mem>>) src(%dma_wait3A_598 : memref<100000x128xf32, #tpu.memory_space<hbm>>) dst(%arg15 : memref<128x128xf32, #tpu.memory_space<vmem>>)
    %dma_wait3A_599 = arith.constant 1664 : i32
    %dma_wait3A_600 = tpu.memref_slice %arg10[%dma_wait3A_599] : memref<2048xi32, #tpu.memory_space<vmem>> -> memref<128xi32, #tpu.memory_space<vmem>>
    %dma_wait3A_601 = arith.constant 0 : i32
    %dma_wait3A_602 = arith.constant 0 : i32
    %dma_wait3A_603 = tpu.memref_slice %arg5[%dma_wait3A_601, %dma_wait3A_602] : memref<100000x128xf32, #tpu.memory_space<hbm>> -> memref<100000x128xf32, #tpu.memory_space<hbm>>
    tpu.wait_indirect_dma semaphore(%arg21 : memref<!tpu.dma_semaphore, #tpu.memory_space<semaphore_mem>>) src(%dma_wait3A_603 : memref<100000x128xf32, #tpu.memory_space<hbm>>) dst(%arg16 : memref<128x128xf32, #tpu.memory_space<vmem>>)
    %scan3A_604 = arith.constant 0 : i32
    %scan3A_605 = arith.constant 0 : i32
    %scan3A_606 = arith.constant 8 : i32
    %scan3A_607 = arith.addi %scan3A_605, %scan3A_606 : i32
    %scan3A_608 = arith.constant 1 : i32
    %scan3A_609 = scf.for %scan3A_670 = %scan3A_605 to %scan3A_607 step %scan3A_608 iter_args(%scan3A_671 = %scan3A_604) -> (i32)  : i32 {
      %scan3A_672 = arith.constant 0 : i32
      %scan3A_673 = arith.constant 0 : i32
      %scan3A_674 = arith.constant 16 : i32
      %scan3A_675 = arith.addi %scan3A_673, %scan3A_674 : i32
      %scan3A_676 = arith.constant 1 : i32
      %scan3A_677 = scf.for %scan3A_731 = %scan3A_673 to %scan3A_675 step %scan3A_676 iter_args(%scan3A_732 = %scan3A_672) -> (i32)  : i32 {
        %mul3A_733 = arith.constant 16 : i32
        %mul3A_734 = arith.muli %scan3A_670, %mul3A_733 : i32
        %add3A_735 = arith.addi %mul3A_734, %scan3A_731 : i32
        %get3A_736 = arith.index_cast %add3A_735 : i32 to index
        %get3A_737 = arith.constant 0 : index
        %get3A_738 = tpu.vector_load %arg14[%get3A_736, %get3A_737] {strides = array<i32>} : memref<128x128xf32, #tpu.memory_space<vmem>>, vector<16xf32>,
        %get3A_739 = arith.index_cast %add3A_735 : i32 to index
        %get3A_740 = arith.constant 0 : index
        %get3A_741 = tpu.vector_load %arg15[%get3A_739, %get3A_740] {strides = array<i32>} : memref<128x128xf32, #tpu.memory_space<vmem>>, vector<16xf32>,
        %mul3A_742 = arith.mulf %get3A_738, %get3A_741 : vector<16xf32>
        %get3A_743 = arith.index_cast %add3A_735 : i32 to index
        %get3A_744 = arith.constant 0 : index
        %get3A_745 = tpu.vector_load %arg16[%get3A_743, %get3A_744] {strides = array<i32>} : memref<128x128xf32, #tpu.memory_space<vmem>>, vector<16xf32>,
        %mul3A_746 = arith.mulf %mul3A_742, %get3A_745 : vector<16xf32>
        %get3A_747 = arith.index_cast %add3A_735 : i32 to index
        %get3A_748 = arith.constant 16 : index
        %get3A_749 = tpu.vector_load %arg14[%get3A_747, %get3A_748] {strides = array<i32>} : memref<128x128xf32, #tpu.memory_space<vmem>>, vector<16xf32>,
        %get3A_750 = arith.index_cast %add3A_735 : i32 to index
        %get3A_751 = arith.constant 16 : index
        %get3A_752 = tpu.vector_load %arg15[%get3A_750, %get3A_751] {strides = array<i32>} : memref<128x128xf32, #tpu.memory_space<vmem>>, vector<16xf32>,
        %mul3A_753 = arith.mulf %get3A_749, %get3A_752 : vector<16xf32>
        %get3A_754 = arith.index_cast %add3A_735 : i32 to index
        %get3A_755 = arith.constant 16 : index
        %get3A_756 = tpu.vector_load %arg16[%get3A_754, %get3A_755] {strides = array<i32>} : memref<128x128xf32, #tpu.memory_space<vmem>>, vector<16xf32>,
        %mul3A_757 = arith.mulf %mul3A_753, %get3A_756 : vector<16xf32>
        %add3A_758 = arith.addf %mul3A_746, %mul3A_757 : vector<16xf32>
        %get3A_759 = arith.index_cast %add3A_735 : i32 to index
        %get3A_760 = arith.constant 32 : index
        %get3A_761 = tpu.vector_load %arg14[%get3A_759, %get3A_760] {strides = array<i32>} : memref<128x128xf32, #tpu.memory_space<vmem>>, vector<16xf32>,
        %get3A_762 = arith.index_cast %add3A_735 : i32 to index
        %get3A_763 = arith.constant 32 : index
        %get3A_764 = tpu.vector_load %arg15[%get3A_762, %get3A_763] {strides = array<i32>} : memref<128x128xf32, #tpu.memory_space<vmem>>, vector<16xf32>,
        %mul3A_765 = arith.mulf %get3A_761, %get3A_764 : vector<16xf32>
        %get3A_766 = arith.index_cast %add3A_735 : i32 to index
        %get3A_767 = arith.constant 32 : index
        %get3A_768 = tpu.vector_load %arg16[%get3A_766, %get3A_767] {strides = array<i32>} : memref<128x128xf32, #tpu.memory_space<vmem>>, vector<16xf32>,
        %mul3A_769 = arith.mulf %mul3A_765, %get3A_768 : vector<16xf32>
        %add3A_770 = arith.addf %add3A_758, %mul3A_769 : vector<16xf32>
        %get3A_771 = arith.index_cast %add3A_735 : i32 to index
        %get3A_772 = arith.constant 48 : index
        %get3A_773 = tpu.vector_load %arg14[%get3A_771, %get3A_772] {strides = array<i32>} : memref<128x128xf32, #tpu.memory_space<vmem>>, vector<16xf32>,
        %get3A_774 = arith.index_cast %add3A_735 : i32 to index
        %get3A_775 = arith.constant 48 : index
        %get3A_776 = tpu.vector_load %arg15[%get3A_774, %get3A_775] {strides = array<i32>} : memref<128x128xf32, #tpu.memory_space<vmem>>, vector<16xf32>,
        %mul3A_777 = arith.mulf %get3A_773, %get3A_776 : vector<16xf32>
        %get3A_778 = arith.index_cast %add3A_735 : i32 to index
        %get3A_779 = arith.constant 48 : index
        %get3A_780 = tpu.vector_load %arg16[%get3A_778, %get3A_779] {strides = array<i32>} : memref<128x128xf32, #tpu.memory_space<vmem>>, vector<16xf32>,
        %mul3A_781 = arith.mulf %mul3A_777, %get3A_780 : vector<16xf32>
        %add3A_782 = arith.addf %add3A_770, %mul3A_781 : vector<16xf32>
        %get3A_783 = arith.index_cast %add3A_735 : i32 to index
        %get3A_784 = arith.constant 64 : index
        %get3A_785 = tpu.vector_load %arg14[%get3A_783, %get3A_784] {strides = array<i32>} : memref<128x128xf32, #tpu.memory_space<vmem>>, vector<16xf32>,
        %get3A_786 = arith.index_cast %add3A_735 : i32 to index
        %get3A_787 = arith.constant 64 : index
        %get3A_788 = tpu.vector_load %arg15[%get3A_786, %get3A_787] {strides = array<i32>} : memref<128x128xf32, #tpu.memory_space<vmem>>, vector<16xf32>,
        %mul3A_789 = arith.mulf %get3A_785, %get3A_788 : vector<16xf32>
        %get3A_790 = arith.index_cast %add3A_735 : i32 to index
        %get3A_791 = arith.constant 64 : index
        %get3A_792 = tpu.vector_load %arg16[%get3A_790, %get3A_791] {strides = array<i32>} : memref<128x128xf32, #tpu.memory_space<vmem>>, vector<16xf32>,
        %mul3A_793 = arith.mulf %mul3A_789, %get3A_792 : vector<16xf32>
        %add3A_794 = arith.addf %add3A_782, %mul3A_793 : vector<16xf32>
        %get3A_795 = arith.index_cast %add3A_735 : i32 to index
        %get3A_796 = arith.constant 80 : index
        %get3A_797 = tpu.vector_load %arg14[%get3A_795, %get3A_796] {strides = array<i32>} : memref<128x128xf32, #tpu.memory_space<vmem>>, vector<16xf32>,
        %get3A_798 = arith.index_cast %add3A_735 : i32 to index
        %get3A_799 = arith.constant 80 : index
        %get3A_800 = tpu.vector_load %arg15[%get3A_798, %get3A_799] {strides = array<i32>} : memref<128x128xf32, #tpu.memory_space<vmem>>, vector<16xf32>,
        %mul3A_801 = arith.mulf %get3A_797, %get3A_800 : vector<16xf32>
        %get3A_802 = arith.index_cast %add3A_735 : i32 to index
        %get3A_803 = arith.constant 80 : index
        %get3A_804 = tpu.vector_load %arg16[%get3A_802, %get3A_803] {strides = array<i32>} : memref<128x128xf32, #tpu.memory_space<vmem>>, vector<16xf32>,
        %mul3A_805 = arith.mulf %mul3A_801, %get3A_804 : vector<16xf32>
        %add3A_806 = arith.addf %add3A_794, %mul3A_805 : vector<16xf32>
        %get3A_807 = arith.index_cast %add3A_735 : i32 to index
        %get3A_808 = arith.constant 96 : index
        %get3A_809 = tpu.vector_load %arg14[%get3A_807, %get3A_808] {strides = array<i32>} : memref<128x128xf32, #tpu.memory_space<vmem>>, vector<16xf32>,
        %get3A_810 = arith.index_cast %add3A_735 : i32 to index
        %get3A_811 = arith.constant 96 : index
        %get3A_812 = tpu.vector_load %arg15[%get3A_810, %get3A_811] {strides = array<i32>} : memref<128x128xf32, #tpu.memory_space<vmem>>, vector<16xf32>,
        %mul3A_813 = arith.mulf %get3A_809, %get3A_812 : vector<16xf32>
        %get3A_814 = arith.index_cast %add3A_735 : i32 to index
        %get3A_815 = arith.constant 96 : index
        %get3A_816 = tpu.vector_load %arg16[%get3A_814, %get3A_815] {strides = array<i32>} : memref<128x128xf32, #tpu.memory_space<vmem>>, vector<16xf32>,
        %mul3A_817 = arith.mulf %mul3A_813, %get3A_816 : vector<16xf32>
        %add3A_818 = arith.addf %add3A_806, %mul3A_817 : vector<16xf32>
        %get3A_819 = arith.index_cast %add3A_735 : i32 to index
        %get3A_820 = arith.constant 112 : index
        %get3A_821 = tpu.vector_load %arg14[%get3A_819, %get3A_820] {strides = array<i32>} : memref<128x128xf32, #tpu.memory_space<vmem>>, vector<16xf32>,
        %get3A_822 = arith.index_cast %add3A_735 : i32 to index
        %get3A_823 = arith.constant 112 : index
        %get3A_824 = tpu.vector_load %arg15[%get3A_822, %get3A_823] {strides = array<i32>} : memref<128x128xf32, #tpu.memory_space<vmem>>, vector<16xf32>,
        %mul3A_825 = arith.mulf %get3A_821, %get3A_824 : vector<16xf32>
        %get3A_826 = arith.index_cast %add3A_735 : i32 to index
        %get3A_827 = arith.constant 112 : index
        %get3A_828 = tpu.vector_load %arg16[%get3A_826, %get3A_827] {strides = array<i32>} : memref<128x128xf32, #tpu.memory_space<vmem>>, vector<16xf32>,
        %mul3A_829 = arith.mulf %mul3A_825, %get3A_828 : vector<16xf32>
        %add3A_830 = arith.addf %add3A_818, %mul3A_829 : vector<16xf32>
        %mul3A_831 = arith.constant 16 : i32
        %mul3A_832 = vector.broadcast %mul3A_831 : i32 to vector<16xi32>
        %mul3A_833 = arith.muli %iota3A, %mul3A_832 : vector<16xi32>
        %add3A_834 = vector.broadcast %scan3A_731 : i32 to vector<16xi32>
        %add3A_835 = arith.addi %mul3A_833, %add3A_834 : vector<16xi32>
        tpu.vector_store_idx %arg17[%add3A_835], %add3A_830 : memref<256xf32, #tpu.memory_space<vmem>>[vector<16xi32>], vector<16xf32>,
        %scan3A_836 = arith.constant 0 : i32
        scf.yield %scan3A_836 : i32
      }
      %scan3A_678 = arith.constant 16 : i32
      %get3A = arith.constant 0 : index
      %get3A_679 = tpu.vector_load %arg17[%get3A] {strides = array<i32>} : memref<256xf32, #tpu.memory_space<vmem>>, vector<16xf32>,
      %get3A_680 = arith.constant 16 : index
      %get3A_681 = tpu.vector_load %arg17[%get3A_680] {strides = array<i32>} : memref<256xf32, #tpu.memory_space<vmem>>, vector<16xf32>,
      %add3A_682 = arith.addf %get3A_679, %get3A_681 : vector<16xf32>
      %get3A_683 = arith.constant 32 : index
      %get3A_684 = tpu.vector_load %arg17[%get3A_683] {strides = array<i32>} : memref<256xf32, #tpu.memory_space<vmem>>, vector<16xf32>,
      %add3A_685 = arith.addf %add3A_682, %get3A_684 : vector<16xf32>
      %get3A_686 = arith.constant 48 : index
      %get3A_687 = tpu.vector_load %arg17[%get3A_686] {strides = array<i32>} : memref<256xf32, #tpu.memory_space<vmem>>, vector<16xf32>,
      %add3A_688 = arith.addf %add3A_685, %get3A_687 : vector<16xf32>
      %get3A_689 = arith.constant 64 : index
      %get3A_690 = tpu.vector_load %arg17[%get3A_689] {strides = array<i32>} : memref<256xf32, #tpu.memory_space<vmem>>, vector<16xf32>,
      %add3A_691 = arith.addf %add3A_688, %get3A_690 : vector<16xf32>
      %get3A_692 = arith.constant 80 : index
      %get3A_693 = tpu.vector_load %arg17[%get3A_692] {strides = array<i32>} : memref<256xf32, #tpu.memory_space<vmem>>, vector<16xf32>,
      %add3A_694 = arith.addf %add3A_691, %get3A_693 : vector<16xf32>
      %get3A_695 = arith.constant 96 : index
      %get3A_696 = tpu.vector_load %arg17[%get3A_695] {strides = array<i32>} : memref<256xf32, #tpu.memory_space<vmem>>, vector<16xf32>,
      %add3A_697 = arith.addf %add3A_694, %get3A_696 : vector<16xf32>
      %get3A_698 = arith.constant 112 : index
      %get3A_699 = tpu.vector_load %arg17[%get3A_698] {strides = array<i32>} : memref<256xf32, #tpu.memory_space<vmem>>, vector<16xf32>,
      %add3A_700 = arith.addf %add3A_697, %get3A_699 : vector<16xf32>
      %get3A_701 = arith.constant 128 : index
      %get3A_702 = tpu.vector_load %arg17[%get3A_701] {strides = array<i32>} : memref<256xf32, #tpu.memory_space<vmem>>, vector<16xf32>,
      %add3A_703 = arith.addf %add3A_700, %get3A_702 : vector<16xf32>
      %get3A_704 = arith.constant 144 : index
      %get3A_705 = tpu.vector_load %arg17[%get3A_704] {strides = array<i32>} : memref<256xf32, #tpu.memory_space<vmem>>, vector<16xf32>,
      %add3A_706 = arith.addf %add3A_703, %get3A_705 : vector<16xf32>
      %get3A_707 = arith.constant 160 : index
      %get3A_708 = tpu.vector_load %arg17[%get3A_707] {strides = array<i32>} : memref<256xf32, #tpu.memory_space<vmem>>, vector<16xf32>,
      %add3A_709 = arith.addf %add3A_706, %get3A_708 : vector<16xf32>
      %get3A_710 = arith.constant 176 : index
      %get3A_711 = tpu.vector_load %arg17[%get3A_710] {strides = array<i32>} : memref<256xf32, #tpu.memory_space<vmem>>, vector<16xf32>,
      %add3A_712 = arith.addf %add3A_709, %get3A_711 : vector<16xf32>
      %get3A_713 = arith.constant 192 : index
      %get3A_714 = tpu.vector_load %arg17[%get3A_713] {strides = array<i32>} : memref<256xf32, #tpu.memory_space<vmem>>, vector<16xf32>,
      %add3A_715 = arith.addf %add3A_712, %get3A_714 : vector<16xf32>
      %get3A_716 = arith.constant 208 : index
      %get3A_717 = tpu.vector_load %arg17[%get3A_716] {strides = array<i32>} : memref<256xf32, #tpu.memory_space<vmem>>, vector<16xf32>,
      %add3A_718 = arith.addf %add3A_715, %get3A_717 : vector<16xf32>
      %get3A_719 = arith.constant 224 : index
      %get3A_720 = tpu.vector_load %arg17[%get3A_719] {strides = array<i32>} : memref<256xf32, #tpu.memory_space<vmem>>, vector<16xf32>,
      %add3A_721 = arith.addf %add3A_718, %get3A_720 : vector<16xf32>
      %get3A_722 = arith.constant 240 : index
      %get3A_723 = tpu.vector_load %arg17[%get3A_722] {strides = array<i32>} : memref<256xf32, #tpu.memory_space<vmem>>, vector<16xf32>,
      %add3A_724 = arith.addf %add3A_721, %get3A_723 : vector<16xf32>
      %mul3A_725 = arith.constant 16 : i32
      %mul3A_726 = arith.muli %scan3A_670, %mul3A_725 : i32
      %add3A_727 = arith.constant 1664 : i32
      %add3A_728 = arith.addi %add3A_727, %mul3A_726 : i32
      %swap3A = arith.index_cast %add3A_728 : i32 to index
      %swap3A_729 = tpu.vector_load %arg18[%swap3A] {strides = array<i32>} : memref<2048xf32, #tpu.memory_space<vmem>>, vector<16xf32>,
      tpu.vector_store %arg18[%swap3A], %add3A_724 {strides = array<i32>} : memref<2048xf32, #tpu.memory_space<vmem>>, vector<16xf32>,
      %scan3A_730 = arith.constant 0 : i32
      scf.yield %scan3A_730 : i32
    }
    %scan3A_610 = arith.constant 8 : i32
    %dma_start3A_611 = arith.constant 1920 : i32
    %dma_start3A_612 = tpu.memref_slice %arg8[%dma_start3A_611] : memref<2048xi32, #tpu.memory_space<vmem>> -> memref<128xi32, #tpu.memory_space<vmem>>
    %dma_start3A_613 = arith.constant 0 : i32
    %dma_start3A_614 = arith.constant 0 : i32
    %dma_start3A_615 = tpu.memref_slice %arg5[%dma_start3A_613, %dma_start3A_614] : memref<100000x128xf32, #tpu.memory_space<hbm>> -> memref<100000x128xf32, #tpu.memory_space<hbm>>
    tpu.enqueue_indirect_dma source(%dma_start3A_615 : memref<100000x128xf32, #tpu.memory_space<hbm>>) target(%arg14 : memref<128x128xf32, #tpu.memory_space<vmem>>) offsets(%dma_start3A_612 : memref<128xi32, #tpu.memory_space<vmem>>) semaphore(%arg21 : memref<!tpu.dma_semaphore, #tpu.memory_space<semaphore_mem>>)
    %dma_start3A_616 = arith.constant 1920 : i32
    %dma_start3A_617 = tpu.memref_slice %arg9[%dma_start3A_616] : memref<2048xi32, #tpu.memory_space<vmem>> -> memref<128xi32, #tpu.memory_space<vmem>>
    %dma_start3A_618 = arith.constant 0 : i32
    %dma_start3A_619 = arith.constant 0 : i32
    %dma_start3A_620 = tpu.memref_slice %arg6[%dma_start3A_618, %dma_start3A_619] : memref<100000x128xf32, #tpu.memory_space<hbm>> -> memref<100000x128xf32, #tpu.memory_space<hbm>>
    tpu.enqueue_indirect_dma source(%dma_start3A_620 : memref<100000x128xf32, #tpu.memory_space<hbm>>) target(%arg15 : memref<128x128xf32, #tpu.memory_space<vmem>>) offsets(%dma_start3A_617 : memref<128xi32, #tpu.memory_space<vmem>>) semaphore(%arg21 : memref<!tpu.dma_semaphore, #tpu.memory_space<semaphore_mem>>)
    %dma_start3A_621 = arith.constant 1920 : i32
    %dma_start3A_622 = tpu.memref_slice %arg10[%dma_start3A_621] : memref<2048xi32, #tpu.memory_space<vmem>> -> memref<128xi32, #tpu.memory_space<vmem>>
    %dma_start3A_623 = arith.constant 0 : i32
    %dma_start3A_624 = arith.constant 0 : i32
    %dma_start3A_625 = tpu.memref_slice %arg5[%dma_start3A_623, %dma_start3A_624] : memref<100000x128xf32, #tpu.memory_space<hbm>> -> memref<100000x128xf32, #tpu.memory_space<hbm>>
    tpu.enqueue_indirect_dma source(%dma_start3A_625 : memref<100000x128xf32, #tpu.memory_space<hbm>>) target(%arg16 : memref<128x128xf32, #tpu.memory_space<vmem>>) offsets(%dma_start3A_622 : memref<128xi32, #tpu.memory_space<vmem>>) semaphore(%arg21 : memref<!tpu.dma_semaphore, #tpu.memory_space<semaphore_mem>>)
    %dma_wait3A_626 = arith.constant 1792 : i32
    %dma_wait3A_627 = tpu.memref_slice %arg8[%dma_wait3A_626] : memref<2048xi32, #tpu.memory_space<vmem>> -> memref<128xi32, #tpu.memory_space<vmem>>
    %dma_wait3A_628 = arith.constant 0 : i32
    %dma_wait3A_629 = arith.constant 0 : i32
    %dma_wait3A_630 = tpu.memref_slice %arg5[%dma_wait3A_628, %dma_wait3A_629] : memref<100000x128xf32, #tpu.memory_space<hbm>> -> memref<100000x128xf32, #tpu.memory_space<hbm>>
    tpu.wait_indirect_dma semaphore(%arg20 : memref<!tpu.dma_semaphore, #tpu.memory_space<semaphore_mem>>) src(%dma_wait3A_630 : memref<100000x128xf32, #tpu.memory_space<hbm>>) dst(%arg11 : memref<128x128xf32, #tpu.memory_space<vmem>>)
    %dma_wait3A_631 = arith.constant 1792 : i32
    %dma_wait3A_632 = tpu.memref_slice %arg9[%dma_wait3A_631] : memref<2048xi32, #tpu.memory_space<vmem>> -> memref<128xi32, #tpu.memory_space<vmem>>
    %dma_wait3A_633 = arith.constant 0 : i32
    %dma_wait3A_634 = arith.constant 0 : i32
    %dma_wait3A_635 = tpu.memref_slice %arg6[%dma_wait3A_633, %dma_wait3A_634] : memref<100000x128xf32, #tpu.memory_space<hbm>> -> memref<100000x128xf32, #tpu.memory_space<hbm>>
    tpu.wait_indirect_dma semaphore(%arg20 : memref<!tpu.dma_semaphore, #tpu.memory_space<semaphore_mem>>) src(%dma_wait3A_635 : memref<100000x128xf32, #tpu.memory_space<hbm>>) dst(%arg12 : memref<128x128xf32, #tpu.memory_space<vmem>>)
    %dma_wait3A_636 = arith.constant 1792 : i32
    %dma_wait3A_637 = tpu.memref_slice %arg10[%dma_wait3A_636] : memref<2048xi32, #tpu.memory_space<vmem>> -> memref<128xi32, #tpu.memory_space<vmem>>
    %dma_wait3A_638 = arith.constant 0 : i32
    %dma_wait3A_639 = arith.constant 0 : i32
    %dma_wait3A_640 = tpu.memref_slice %arg5[%dma_wait3A_638, %dma_wait3A_639] : memref<100000x128xf32, #tpu.memory_space<hbm>> -> memref<100000x128xf32, #tpu.memory_space<hbm>>
    tpu.wait_indirect_dma semaphore(%arg20 : memref<!tpu.dma_semaphore, #tpu.memory_space<semaphore_mem>>) src(%dma_wait3A_640 : memref<100000x128xf32, #tpu.memory_space<hbm>>) dst(%arg13 : memref<128x128xf32, #tpu.memory_space<vmem>>)
    %scan3A_641 = arith.constant 0 : i32
    %scan3A_642 = arith.constant 0 : i32
    %scan3A_643 = arith.constant 8 : i32
    %scan3A_644 = arith.addi %scan3A_642, %scan3A_643 : i32
    %scan3A_645 = arith.constant 1 : i32
    %scan3A_646 = scf.for %scan3A_670 = %scan3A_642 to %scan3A_644 step %scan3A_645 iter_args(%scan3A_671 = %scan3A_641) -> (i32)  : i32 {
      %scan3A_672 = arith.constant 0 : i32
      %scan3A_673 = arith.constant 0 : i32
      %scan3A_674 = arith.constant 16 : i32
      %scan3A_675 = arith.addi %scan3A_673, %scan3A_674 : i32
      %scan3A_676 = arith.constant 1 : i32
      %scan3A_677 = scf.for %scan3A_731 = %scan3A_673 to %scan3A_675 step %scan3A_676 iter_args(%scan3A_732 = %scan3A_672) -> (i32)  : i32 {
        %mul3A_733 = arith.constant 16 : i32
        %mul3A_734 = arith.muli %scan3A_670, %mul3A_733 : i32
        %add3A_735 = arith.addi %mul3A_734, %scan3A_731 : i32
        %get3A_736 = arith.index_cast %add3A_735 : i32 to index
        %get3A_737 = arith.constant 0 : index
        %get3A_738 = tpu.vector_load %arg11[%get3A_736, %get3A_737] {strides = array<i32>} : memref<128x128xf32, #tpu.memory_space<vmem>>, vector<16xf32>,
        %get3A_739 = arith.index_cast %add3A_735 : i32 to index
        %get3A_740 = arith.constant 0 : index
        %get3A_741 = tpu.vector_load %arg12[%get3A_739, %get3A_740] {strides = array<i32>} : memref<128x128xf32, #tpu.memory_space<vmem>>, vector<16xf32>,
        %mul3A_742 = arith.mulf %get3A_738, %get3A_741 : vector<16xf32>
        %get3A_743 = arith.index_cast %add3A_735 : i32 to index
        %get3A_744 = arith.constant 0 : index
        %get3A_745 = tpu.vector_load %arg13[%get3A_743, %get3A_744] {strides = array<i32>} : memref<128x128xf32, #tpu.memory_space<vmem>>, vector<16xf32>,
        %mul3A_746 = arith.mulf %mul3A_742, %get3A_745 : vector<16xf32>
        %get3A_747 = arith.index_cast %add3A_735 : i32 to index
        %get3A_748 = arith.constant 16 : index
        %get3A_749 = tpu.vector_load %arg11[%get3A_747, %get3A_748] {strides = array<i32>} : memref<128x128xf32, #tpu.memory_space<vmem>>, vector<16xf32>,
        %get3A_750 = arith.index_cast %add3A_735 : i32 to index
        %get3A_751 = arith.constant 16 : index
        %get3A_752 = tpu.vector_load %arg12[%get3A_750, %get3A_751] {strides = array<i32>} : memref<128x128xf32, #tpu.memory_space<vmem>>, vector<16xf32>,
        %mul3A_753 = arith.mulf %get3A_749, %get3A_752 : vector<16xf32>
        %get3A_754 = arith.index_cast %add3A_735 : i32 to index
        %get3A_755 = arith.constant 16 : index
        %get3A_756 = tpu.vector_load %arg13[%get3A_754, %get3A_755] {strides = array<i32>} : memref<128x128xf32, #tpu.memory_space<vmem>>, vector<16xf32>,
        %mul3A_757 = arith.mulf %mul3A_753, %get3A_756 : vector<16xf32>
        %add3A_758 = arith.addf %mul3A_746, %mul3A_757 : vector<16xf32>
        %get3A_759 = arith.index_cast %add3A_735 : i32 to index
        %get3A_760 = arith.constant 32 : index
        %get3A_761 = tpu.vector_load %arg11[%get3A_759, %get3A_760] {strides = array<i32>} : memref<128x128xf32, #tpu.memory_space<vmem>>, vector<16xf32>,
        %get3A_762 = arith.index_cast %add3A_735 : i32 to index
        %get3A_763 = arith.constant 32 : index
        %get3A_764 = tpu.vector_load %arg12[%get3A_762, %get3A_763] {strides = array<i32>} : memref<128x128xf32, #tpu.memory_space<vmem>>, vector<16xf32>,
        %mul3A_765 = arith.mulf %get3A_761, %get3A_764 : vector<16xf32>
        %get3A_766 = arith.index_cast %add3A_735 : i32 to index
        %get3A_767 = arith.constant 32 : index
        %get3A_768 = tpu.vector_load %arg13[%get3A_766, %get3A_767] {strides = array<i32>} : memref<128x128xf32, #tpu.memory_space<vmem>>, vector<16xf32>,
        %mul3A_769 = arith.mulf %mul3A_765, %get3A_768 : vector<16xf32>
        %add3A_770 = arith.addf %add3A_758, %mul3A_769 : vector<16xf32>
        %get3A_771 = arith.index_cast %add3A_735 : i32 to index
        %get3A_772 = arith.constant 48 : index
        %get3A_773 = tpu.vector_load %arg11[%get3A_771, %get3A_772] {strides = array<i32>} : memref<128x128xf32, #tpu.memory_space<vmem>>, vector<16xf32>,
        %get3A_774 = arith.index_cast %add3A_735 : i32 to index
        %get3A_775 = arith.constant 48 : index
        %get3A_776 = tpu.vector_load %arg12[%get3A_774, %get3A_775] {strides = array<i32>} : memref<128x128xf32, #tpu.memory_space<vmem>>, vector<16xf32>,
        %mul3A_777 = arith.mulf %get3A_773, %get3A_776 : vector<16xf32>
        %get3A_778 = arith.index_cast %add3A_735 : i32 to index
        %get3A_779 = arith.constant 48 : index
        %get3A_780 = tpu.vector_load %arg13[%get3A_778, %get3A_779] {strides = array<i32>} : memref<128x128xf32, #tpu.memory_space<vmem>>, vector<16xf32>,
        %mul3A_781 = arith.mulf %mul3A_777, %get3A_780 : vector<16xf32>
        %add3A_782 = arith.addf %add3A_770, %mul3A_781 : vector<16xf32>
        %get3A_783 = arith.index_cast %add3A_735 : i32 to index
        %get3A_784 = arith.constant 64 : index
        %get3A_785 = tpu.vector_load %arg11[%get3A_783, %get3A_784] {strides = array<i32>} : memref<128x128xf32, #tpu.memory_space<vmem>>, vector<16xf32>,
        %get3A_786 = arith.index_cast %add3A_735 : i32 to index
        %get3A_787 = arith.constant 64 : index
        %get3A_788 = tpu.vector_load %arg12[%get3A_786, %get3A_787] {strides = array<i32>} : memref<128x128xf32, #tpu.memory_space<vmem>>, vector<16xf32>,
        %mul3A_789 = arith.mulf %get3A_785, %get3A_788 : vector<16xf32>
        %get3A_790 = arith.index_cast %add3A_735 : i32 to index
        %get3A_791 = arith.constant 64 : index
        %get3A_792 = tpu.vector_load %arg13[%get3A_790, %get3A_791] {strides = array<i32>} : memref<128x128xf32, #tpu.memory_space<vmem>>, vector<16xf32>,
        %mul3A_793 = arith.mulf %mul3A_789, %get3A_792 : vector<16xf32>
        %add3A_794 = arith.addf %add3A_782, %mul3A_793 : vector<16xf32>
        %get3A_795 = arith.index_cast %add3A_735 : i32 to index
        %get3A_796 = arith.constant 80 : index
        %get3A_797 = tpu.vector_load %arg11[%get3A_795, %get3A_796] {strides = array<i32>} : memref<128x128xf32, #tpu.memory_space<vmem>>, vector<16xf32>,
        %get3A_798 = arith.index_cast %add3A_735 : i32 to index
        %get3A_799 = arith.constant 80 : index
        %get3A_800 = tpu.vector_load %arg12[%get3A_798, %get3A_799] {strides = array<i32>} : memref<128x128xf32, #tpu.memory_space<vmem>>, vector<16xf32>,
        %mul3A_801 = arith.mulf %get3A_797, %get3A_800 : vector<16xf32>
        %get3A_802 = arith.index_cast %add3A_735 : i32 to index
        %get3A_803 = arith.constant 80 : index
        %get3A_804 = tpu.vector_load %arg13[%get3A_802, %get3A_803] {strides = array<i32>} : memref<128x128xf32, #tpu.memory_space<vmem>>, vector<16xf32>,
        %mul3A_805 = arith.mulf %mul3A_801, %get3A_804 : vector<16xf32>
        %add3A_806 = arith.addf %add3A_794, %mul3A_805 : vector<16xf32>
        %get3A_807 = arith.index_cast %add3A_735 : i32 to index
        %get3A_808 = arith.constant 96 : index
        %get3A_809 = tpu.vector_load %arg11[%get3A_807, %get3A_808] {strides = array<i32>} : memref<128x128xf32, #tpu.memory_space<vmem>>, vector<16xf32>,
        %get3A_810 = arith.index_cast %add3A_735 : i32 to index
        %get3A_811 = arith.constant 96 : index
        %get3A_812 = tpu.vector_load %arg12[%get3A_810, %get3A_811] {strides = array<i32>} : memref<128x128xf32, #tpu.memory_space<vmem>>, vector<16xf32>,
        %mul3A_813 = arith.mulf %get3A_809, %get3A_812 : vector<16xf32>
        %get3A_814 = arith.index_cast %add3A_735 : i32 to index
        %get3A_815 = arith.constant 96 : index
        %get3A_816 = tpu.vector_load %arg13[%get3A_814, %get3A_815] {strides = array<i32>} : memref<128x128xf32, #tpu.memory_space<vmem>>, vector<16xf32>,
        %mul3A_817 = arith.mulf %mul3A_813, %get3A_816 : vector<16xf32>
        %add3A_818 = arith.addf %add3A_806, %mul3A_817 : vector<16xf32>
        %get3A_819 = arith.index_cast %add3A_735 : i32 to index
        %get3A_820 = arith.constant 112 : index
        %get3A_821 = tpu.vector_load %arg11[%get3A_819, %get3A_820] {strides = array<i32>} : memref<128x128xf32, #tpu.memory_space<vmem>>, vector<16xf32>,
        %get3A_822 = arith.index_cast %add3A_735 : i32 to index
        %get3A_823 = arith.constant 112 : index
        %get3A_824 = tpu.vector_load %arg12[%get3A_822, %get3A_823] {strides = array<i32>} : memref<128x128xf32, #tpu.memory_space<vmem>>, vector<16xf32>,
        %mul3A_825 = arith.mulf %get3A_821, %get3A_824 : vector<16xf32>
        %get3A_826 = arith.index_cast %add3A_735 : i32 to index
        %get3A_827 = arith.constant 112 : index
        %get3A_828 = tpu.vector_load %arg13[%get3A_826, %get3A_827] {strides = array<i32>} : memref<128x128xf32, #tpu.memory_space<vmem>>, vector<16xf32>,
        %mul3A_829 = arith.mulf %mul3A_825, %get3A_828 : vector<16xf32>
        %add3A_830 = arith.addf %add3A_818, %mul3A_829 : vector<16xf32>
        %mul3A_831 = arith.constant 16 : i32
        %mul3A_832 = vector.broadcast %mul3A_831 : i32 to vector<16xi32>
        %mul3A_833 = arith.muli %iota3A, %mul3A_832 : vector<16xi32>
        %add3A_834 = vector.broadcast %scan3A_731 : i32 to vector<16xi32>
        %add3A_835 = arith.addi %mul3A_833, %add3A_834 : vector<16xi32>
        tpu.vector_store_idx %arg17[%add3A_835], %add3A_830 : memref<256xf32, #tpu.memory_space<vmem>>[vector<16xi32>], vector<16xf32>,
        %scan3A_836 = arith.constant 0 : i32
        scf.yield %scan3A_836 : i32
      }
      %scan3A_678 = arith.constant 16 : i32
      %get3A = arith.constant 0 : index
      %get3A_679 = tpu.vector_load %arg17[%get3A] {strides = array<i32>} : memref<256xf32, #tpu.memory_space<vmem>>, vector<16xf32>,
      %get3A_680 = arith.constant 16 : index
      %get3A_681 = tpu.vector_load %arg17[%get3A_680] {strides = array<i32>} : memref<256xf32, #tpu.memory_space<vmem>>, vector<16xf32>,
      %add3A_682 = arith.addf %get3A_679, %get3A_681 : vector<16xf32>
      %get3A_683 = arith.constant 32 : index
      %get3A_684 = tpu.vector_load %arg17[%get3A_683] {strides = array<i32>} : memref<256xf32, #tpu.memory_space<vmem>>, vector<16xf32>,
      %add3A_685 = arith.addf %add3A_682, %get3A_684 : vector<16xf32>
      %get3A_686 = arith.constant 48 : index
      %get3A_687 = tpu.vector_load %arg17[%get3A_686] {strides = array<i32>} : memref<256xf32, #tpu.memory_space<vmem>>, vector<16xf32>,
      %add3A_688 = arith.addf %add3A_685, %get3A_687 : vector<16xf32>
      %get3A_689 = arith.constant 64 : index
      %get3A_690 = tpu.vector_load %arg17[%get3A_689] {strides = array<i32>} : memref<256xf32, #tpu.memory_space<vmem>>, vector<16xf32>,
      %add3A_691 = arith.addf %add3A_688, %get3A_690 : vector<16xf32>
      %get3A_692 = arith.constant 80 : index
      %get3A_693 = tpu.vector_load %arg17[%get3A_692] {strides = array<i32>} : memref<256xf32, #tpu.memory_space<vmem>>, vector<16xf32>,
      %add3A_694 = arith.addf %add3A_691, %get3A_693 : vector<16xf32>
      %get3A_695 = arith.constant 96 : index
      %get3A_696 = tpu.vector_load %arg17[%get3A_695] {strides = array<i32>} : memref<256xf32, #tpu.memory_space<vmem>>, vector<16xf32>,
      %add3A_697 = arith.addf %add3A_694, %get3A_696 : vector<16xf32>
      %get3A_698 = arith.constant 112 : index
      %get3A_699 = tpu.vector_load %arg17[%get3A_698] {strides = array<i32>} : memref<256xf32, #tpu.memory_space<vmem>>, vector<16xf32>,
      %add3A_700 = arith.addf %add3A_697, %get3A_699 : vector<16xf32>
      %get3A_701 = arith.constant 128 : index
      %get3A_702 = tpu.vector_load %arg17[%get3A_701] {strides = array<i32>} : memref<256xf32, #tpu.memory_space<vmem>>, vector<16xf32>,
      %add3A_703 = arith.addf %add3A_700, %get3A_702 : vector<16xf32>
      %get3A_704 = arith.constant 144 : index
      %get3A_705 = tpu.vector_load %arg17[%get3A_704] {strides = array<i32>} : memref<256xf32, #tpu.memory_space<vmem>>, vector<16xf32>,
      %add3A_706 = arith.addf %add3A_703, %get3A_705 : vector<16xf32>
      %get3A_707 = arith.constant 160 : index
      %get3A_708 = tpu.vector_load %arg17[%get3A_707] {strides = array<i32>} : memref<256xf32, #tpu.memory_space<vmem>>, vector<16xf32>,
      %add3A_709 = arith.addf %add3A_706, %get3A_708 : vector<16xf32>
      %get3A_710 = arith.constant 176 : index
      %get3A_711 = tpu.vector_load %arg17[%get3A_710] {strides = array<i32>} : memref<256xf32, #tpu.memory_space<vmem>>, vector<16xf32>,
      %add3A_712 = arith.addf %add3A_709, %get3A_711 : vector<16xf32>
      %get3A_713 = arith.constant 192 : index
      %get3A_714 = tpu.vector_load %arg17[%get3A_713] {strides = array<i32>} : memref<256xf32, #tpu.memory_space<vmem>>, vector<16xf32>,
      %add3A_715 = arith.addf %add3A_712, %get3A_714 : vector<16xf32>
      %get3A_716 = arith.constant 208 : index
      %get3A_717 = tpu.vector_load %arg17[%get3A_716] {strides = array<i32>} : memref<256xf32, #tpu.memory_space<vmem>>, vector<16xf32>,
      %add3A_718 = arith.addf %add3A_715, %get3A_717 : vector<16xf32>
      %get3A_719 = arith.constant 224 : index
      %get3A_720 = tpu.vector_load %arg17[%get3A_719] {strides = array<i32>} : memref<256xf32, #tpu.memory_space<vmem>>, vector<16xf32>,
      %add3A_721 = arith.addf %add3A_718, %get3A_720 : vector<16xf32>
      %get3A_722 = arith.constant 240 : index
      %get3A_723 = tpu.vector_load %arg17[%get3A_722] {strides = array<i32>} : memref<256xf32, #tpu.memory_space<vmem>>, vector<16xf32>,
      %add3A_724 = arith.addf %add3A_721, %get3A_723 : vector<16xf32>
      %mul3A_725 = arith.constant 16 : i32
      %mul3A_726 = arith.muli %scan3A_670, %mul3A_725 : i32
      %add3A_727 = arith.constant 1792 : i32
      %add3A_728 = arith.addi %add3A_727, %mul3A_726 : i32
      %swap3A = arith.index_cast %add3A_728 : i32 to index
      %swap3A_729 = tpu.vector_load %arg18[%swap3A] {strides = array<i32>} : memref<2048xf32, #tpu.memory_space<vmem>>, vector<16xf32>,
      tpu.vector_store %arg18[%swap3A], %add3A_724 {strides = array<i32>} : memref<2048xf32, #tpu.memory_space<vmem>>, vector<16xf32>,
      %scan3A_730 = arith.constant 0 : i32
      scf.yield %scan3A_730 : i32
    }
    %scan3A_647 = arith.constant 8 : i32
    %dma_wait3A_648 = arith.constant 1920 : i32
    %dma_wait3A_649 = tpu.memref_slice %arg8[%dma_wait3A_648] : memref<2048xi32, #tpu.memory_space<vmem>> -> memref<128xi32, #tpu.memory_space<vmem>>
    %dma_wait3A_650 = arith.constant 0 : i32
    %dma_wait3A_651 = arith.constant 0 : i32
    %dma_wait3A_652 = tpu.memref_slice %arg5[%dma_wait3A_650, %dma_wait3A_651] : memref<100000x128xf32, #tpu.memory_space<hbm>> -> memref<100000x128xf32, #tpu.memory_space<hbm>>
    tpu.wait_indirect_dma semaphore(%arg21 : memref<!tpu.dma_semaphore, #tpu.memory_space<semaphore_mem>>) src(%dma_wait3A_652 : memref<100000x128xf32, #tpu.memory_space<hbm>>) dst(%arg14 : memref<128x128xf32, #tpu.memory_space<vmem>>)
    %dma_wait3A_653 = arith.constant 1920 : i32
    %dma_wait3A_654 = tpu.memref_slice %arg9[%dma_wait3A_653] : memref<2048xi32, #tpu.memory_space<vmem>> -> memref<128xi32, #tpu.memory_space<vmem>>
    %dma_wait3A_655 = arith.constant 0 : i32
    %dma_wait3A_656 = arith.constant 0 : i32
    %dma_wait3A_657 = tpu.memref_slice %arg6[%dma_wait3A_655, %dma_wait3A_656] : memref<100000x128xf32, #tpu.memory_space<hbm>> -> memref<100000x128xf32, #tpu.memory_space<hbm>>
    tpu.wait_indirect_dma semaphore(%arg21 : memref<!tpu.dma_semaphore, #tpu.memory_space<semaphore_mem>>) src(%dma_wait3A_657 : memref<100000x128xf32, #tpu.memory_space<hbm>>) dst(%arg15 : memref<128x128xf32, #tpu.memory_space<vmem>>)
    %dma_wait3A_658 = arith.constant 1920 : i32
    %dma_wait3A_659 = tpu.memref_slice %arg10[%dma_wait3A_658] : memref<2048xi32, #tpu.memory_space<vmem>> -> memref<128xi32, #tpu.memory_space<vmem>>
    %dma_wait3A_660 = arith.constant 0 : i32
    %dma_wait3A_661 = arith.constant 0 : i32
    %dma_wait3A_662 = tpu.memref_slice %arg5[%dma_wait3A_660, %dma_wait3A_661] : memref<100000x128xf32, #tpu.memory_space<hbm>> -> memref<100000x128xf32, #tpu.memory_space<hbm>>
    tpu.wait_indirect_dma semaphore(%arg21 : memref<!tpu.dma_semaphore, #tpu.memory_space<semaphore_mem>>) src(%dma_wait3A_662 : memref<100000x128xf32, #tpu.memory_space<hbm>>) dst(%arg16 : memref<128x128xf32, #tpu.memory_space<vmem>>)
    %scan3A_663 = arith.constant 0 : i32
    %scan3A_664 = arith.constant 0 : i32
    %scan3A_665 = arith.constant 8 : i32
    %scan3A_666 = arith.addi %scan3A_664, %scan3A_665 : i32
    %scan3A_667 = arith.constant 1 : i32
    %scan3A_668 = scf.for %scan3A_670 = %scan3A_664 to %scan3A_666 step %scan3A_667 iter_args(%scan3A_671 = %scan3A_663) -> (i32)  : i32 {
      %scan3A_672 = arith.constant 0 : i32
      %scan3A_673 = arith.constant 0 : i32
      %scan3A_674 = arith.constant 16 : i32
      %scan3A_675 = arith.addi %scan3A_673, %scan3A_674 : i32
      %scan3A_676 = arith.constant 1 : i32
      %scan3A_677 = scf.for %scan3A_731 = %scan3A_673 to %scan3A_675 step %scan3A_676 iter_args(%scan3A_732 = %scan3A_672) -> (i32)  : i32 {
        %mul3A_733 = arith.constant 16 : i32
        %mul3A_734 = arith.muli %scan3A_670, %mul3A_733 : i32
        %add3A_735 = arith.addi %mul3A_734, %scan3A_731 : i32
        %get3A_736 = arith.index_cast %add3A_735 : i32 to index
        %get3A_737 = arith.constant 0 : index
        %get3A_738 = tpu.vector_load %arg14[%get3A_736, %get3A_737] {strides = array<i32>} : memref<128x128xf32, #tpu.memory_space<vmem>>, vector<16xf32>,
        %get3A_739 = arith.index_cast %add3A_735 : i32 to index
        %get3A_740 = arith.constant 0 : index
        %get3A_741 = tpu.vector_load %arg15[%get3A_739, %get3A_740] {strides = array<i32>} : memref<128x128xf32, #tpu.memory_space<vmem>>, vector<16xf32>,
        %mul3A_742 = arith.mulf %get3A_738, %get3A_741 : vector<16xf32>
        %get3A_743 = arith.index_cast %add3A_735 : i32 to index
        %get3A_744 = arith.constant 0 : index
        %get3A_745 = tpu.vector_load %arg16[%get3A_743, %get3A_744] {strides = array<i32>} : memref<128x128xf32, #tpu.memory_space<vmem>>, vector<16xf32>,
        %mul3A_746 = arith.mulf %mul3A_742, %get3A_745 : vector<16xf32>
        %get3A_747 = arith.index_cast %add3A_735 : i32 to index
        %get3A_748 = arith.constant 16 : index
        %get3A_749 = tpu.vector_load %arg14[%get3A_747, %get3A_748] {strides = array<i32>} : memref<128x128xf32, #tpu.memory_space<vmem>>, vector<16xf32>,
        %get3A_750 = arith.index_cast %add3A_735 : i32 to index
        %get3A_751 = arith.constant 16 : index
        %get3A_752 = tpu.vector_load %arg15[%get3A_750, %get3A_751] {strides = array<i32>} : memref<128x128xf32, #tpu.memory_space<vmem>>, vector<16xf32>,
        %mul3A_753 = arith.mulf %get3A_749, %get3A_752 : vector<16xf32>
        %get3A_754 = arith.index_cast %add3A_735 : i32 to index
        %get3A_755 = arith.constant 16 : index
        %get3A_756 = tpu.vector_load %arg16[%get3A_754, %get3A_755] {strides = array<i32>} : memref<128x128xf32, #tpu.memory_space<vmem>>, vector<16xf32>,
        %mul3A_757 = arith.mulf %mul3A_753, %get3A_756 : vector<16xf32>
        %add3A_758 = arith.addf %mul3A_746, %mul3A_757 : vector<16xf32>
        %get3A_759 = arith.index_cast %add3A_735 : i32 to index
        %get3A_760 = arith.constant 32 : index
        %get3A_761 = tpu.vector_load %arg14[%get3A_759, %get3A_760] {strides = array<i32>} : memref<128x128xf32, #tpu.memory_space<vmem>>, vector<16xf32>,
        %get3A_762 = arith.index_cast %add3A_735 : i32 to index
        %get3A_763 = arith.constant 32 : index
        %get3A_764 = tpu.vector_load %arg15[%get3A_762, %get3A_763] {strides = array<i32>} : memref<128x128xf32, #tpu.memory_space<vmem>>, vector<16xf32>,
        %mul3A_765 = arith.mulf %get3A_761, %get3A_764 : vector<16xf32>
        %get3A_766 = arith.index_cast %add3A_735 : i32 to index
        %get3A_767 = arith.constant 32 : index
        %get3A_768 = tpu.vector_load %arg16[%get3A_766, %get3A_767] {strides = array<i32>} : memref<128x128xf32, #tpu.memory_space<vmem>>, vector<16xf32>,
        %mul3A_769 = arith.mulf %mul3A_765, %get3A_768 : vector<16xf32>
        %add3A_770 = arith.addf %add3A_758, %mul3A_769 : vector<16xf32>
        %get3A_771 = arith.index_cast %add3A_735 : i32 to index
        %get3A_772 = arith.constant 48 : index
        %get3A_773 = tpu.vector_load %arg14[%get3A_771, %get3A_772] {strides = array<i32>} : memref<128x128xf32, #tpu.memory_space<vmem>>, vector<16xf32>,
        %get3A_774 = arith.index_cast %add3A_735 : i32 to index
        %get3A_775 = arith.constant 48 : index
        %get3A_776 = tpu.vector_load %arg15[%get3A_774, %get3A_775] {strides = array<i32>} : memref<128x128xf32, #tpu.memory_space<vmem>>, vector<16xf32>,
        %mul3A_777 = arith.mulf %get3A_773, %get3A_776 : vector<16xf32>
        %get3A_778 = arith.index_cast %add3A_735 : i32 to index
        %get3A_779 = arith.constant 48 : index
        %get3A_780 = tpu.vector_load %arg16[%get3A_778, %get3A_779] {strides = array<i32>} : memref<128x128xf32, #tpu.memory_space<vmem>>, vector<16xf32>,
        %mul3A_781 = arith.mulf %mul3A_777, %get3A_780 : vector<16xf32>
        %add3A_782 = arith.addf %add3A_770, %mul3A_781 : vector<16xf32>
        %get3A_783 = arith.index_cast %add3A_735 : i32 to index
        %get3A_784 = arith.constant 64 : index
        %get3A_785 = tpu.vector_load %arg14[%get3A_783, %get3A_784] {strides = array<i32>} : memref<128x128xf32, #tpu.memory_space<vmem>>, vector<16xf32>,
        %get3A_786 = arith.index_cast %add3A_735 : i32 to index
        %get3A_787 = arith.constant 64 : index
        %get3A_788 = tpu.vector_load %arg15[%get3A_786, %get3A_787] {strides = array<i32>} : memref<128x128xf32, #tpu.memory_space<vmem>>, vector<16xf32>,
        %mul3A_789 = arith.mulf %get3A_785, %get3A_788 : vector<16xf32>
        %get3A_790 = arith.index_cast %add3A_735 : i32 to index
        %get3A_791 = arith.constant 64 : index
        %get3A_792 = tpu.vector_load %arg16[%get3A_790, %get3A_791] {strides = array<i32>} : memref<128x128xf32, #tpu.memory_space<vmem>>, vector<16xf32>,
        %mul3A_793 = arith.mulf %mul3A_789, %get3A_792 : vector<16xf32>
        %add3A_794 = arith.addf %add3A_782, %mul3A_793 : vector<16xf32>
        %get3A_795 = arith.index_cast %add3A_735 : i32 to index
        %get3A_796 = arith.constant 80 : index
        %get3A_797 = tpu.vector_load %arg14[%get3A_795, %get3A_796] {strides = array<i32>} : memref<128x128xf32, #tpu.memory_space<vmem>>, vector<16xf32>,
        %get3A_798 = arith.index_cast %add3A_735 : i32 to index
        %get3A_799 = arith.constant 80 : index
        %get3A_800 = tpu.vector_load %arg15[%get3A_798, %get3A_799] {strides = array<i32>} : memref<128x128xf32, #tpu.memory_space<vmem>>, vector<16xf32>,
        %mul3A_801 = arith.mulf %get3A_797, %get3A_800 : vector<16xf32>
        %get3A_802 = arith.index_cast %add3A_735 : i32 to index
        %get3A_803 = arith.constant 80 : index
        %get3A_804 = tpu.vector_load %arg16[%get3A_802, %get3A_803] {strides = array<i32>} : memref<128x128xf32, #tpu.memory_space<vmem>>, vector<16xf32>,
        %mul3A_805 = arith.mulf %mul3A_801, %get3A_804 : vector<16xf32>
        %add3A_806 = arith.addf %add3A_794, %mul3A_805 : vector<16xf32>
        %get3A_807 = arith.index_cast %add3A_735 : i32 to index
        %get3A_808 = arith.constant 96 : index
        %get3A_809 = tpu.vector_load %arg14[%get3A_807, %get3A_808] {strides = array<i32>} : memref<128x128xf32, #tpu.memory_space<vmem>>, vector<16xf32>,
        %get3A_810 = arith.index_cast %add3A_735 : i32 to index
        %get3A_811 = arith.constant 96 : index
        %get3A_812 = tpu.vector_load %arg15[%get3A_810, %get3A_811] {strides = array<i32>} : memref<128x128xf32, #tpu.memory_space<vmem>>, vector<16xf32>,
        %mul3A_813 = arith.mulf %get3A_809, %get3A_812 : vector<16xf32>
        %get3A_814 = arith.index_cast %add3A_735 : i32 to index
        %get3A_815 = arith.constant 96 : index
        %get3A_816 = tpu.vector_load %arg16[%get3A_814, %get3A_815] {strides = array<i32>} : memref<128x128xf32, #tpu.memory_space<vmem>>, vector<16xf32>,
        %mul3A_817 = arith.mulf %mul3A_813, %get3A_816 : vector<16xf32>
        %add3A_818 = arith.addf %add3A_806, %mul3A_817 : vector<16xf32>
        %get3A_819 = arith.index_cast %add3A_735 : i32 to index
        %get3A_820 = arith.constant 112 : index
        %get3A_821 = tpu.vector_load %arg14[%get3A_819, %get3A_820] {strides = array<i32>} : memref<128x128xf32, #tpu.memory_space<vmem>>, vector<16xf32>,
        %get3A_822 = arith.index_cast %add3A_735 : i32 to index
        %get3A_823 = arith.constant 112 : index
        %get3A_824 = tpu.vector_load %arg15[%get3A_822, %get3A_823] {strides = array<i32>} : memref<128x128xf32, #tpu.memory_space<vmem>>, vector<16xf32>,
        %mul3A_825 = arith.mulf %get3A_821, %get3A_824 : vector<16xf32>
        %get3A_826 = arith.index_cast %add3A_735 : i32 to index
        %get3A_827 = arith.constant 112 : index
        %get3A_828 = tpu.vector_load %arg16[%get3A_826, %get3A_827] {strides = array<i32>} : memref<128x128xf32, #tpu.memory_space<vmem>>, vector<16xf32>,
        %mul3A_829 = arith.mulf %mul3A_825, %get3A_828 : vector<16xf32>
        %add3A_830 = arith.addf %add3A_818, %mul3A_829 : vector<16xf32>
        %mul3A_831 = arith.constant 16 : i32
        %mul3A_832 = vector.broadcast %mul3A_831 : i32 to vector<16xi32>
        %mul3A_833 = arith.muli %iota3A, %mul3A_832 : vector<16xi32>
        %add3A_834 = vector.broadcast %scan3A_731 : i32 to vector<16xi32>
        %add3A_835 = arith.addi %mul3A_833, %add3A_834 : vector<16xi32>
        tpu.vector_store_idx %arg17[%add3A_835], %add3A_830 : memref<256xf32, #tpu.memory_space<vmem>>[vector<16xi32>], vector<16xf32>,
        %scan3A_836 = arith.constant 0 : i32
        scf.yield %scan3A_836 : i32
      }
      %scan3A_678 = arith.constant 16 : i32
      %get3A = arith.constant 0 : index
      %get3A_679 = tpu.vector_load %arg17[%get3A] {strides = array<i32>} : memref<256xf32, #tpu.memory_space<vmem>>, vector<16xf32>,
      %get3A_680 = arith.constant 16 : index
      %get3A_681 = tpu.vector_load %arg17[%get3A_680] {strides = array<i32>} : memref<256xf32, #tpu.memory_space<vmem>>, vector<16xf32>,
      %add3A_682 = arith.addf %get3A_679, %get3A_681 : vector<16xf32>
      %get3A_683 = arith.constant 32 : index
      %get3A_684 = tpu.vector_load %arg17[%get3A_683] {strides = array<i32>} : memref<256xf32, #tpu.memory_space<vmem>>, vector<16xf32>,
      %add3A_685 = arith.addf %add3A_682, %get3A_684 : vector<16xf32>
      %get3A_686 = arith.constant 48 : index
      %get3A_687 = tpu.vector_load %arg17[%get3A_686] {strides = array<i32>} : memref<256xf32, #tpu.memory_space<vmem>>, vector<16xf32>,
      %add3A_688 = arith.addf %add3A_685, %get3A_687 : vector<16xf32>
      %get3A_689 = arith.constant 64 : index
      %get3A_690 = tpu.vector_load %arg17[%get3A_689] {strides = array<i32>} : memref<256xf32, #tpu.memory_space<vmem>>, vector<16xf32>,
      %add3A_691 = arith.addf %add3A_688, %get3A_690 : vector<16xf32>
      %get3A_692 = arith.constant 80 : index
      %get3A_693 = tpu.vector_load %arg17[%get3A_692] {strides = array<i32>} : memref<256xf32, #tpu.memory_space<vmem>>, vector<16xf32>,
      %add3A_694 = arith.addf %add3A_691, %get3A_693 : vector<16xf32>
      %get3A_695 = arith.constant 96 : index
      %get3A_696 = tpu.vector_load %arg17[%get3A_695] {strides = array<i32>} : memref<256xf32, #tpu.memory_space<vmem>>, vector<16xf32>,
      %add3A_697 = arith.addf %add3A_694, %get3A_696 : vector<16xf32>
      %get3A_698 = arith.constant 112 : index
      %get3A_699 = tpu.vector_load %arg17[%get3A_698] {strides = array<i32>} : memref<256xf32, #tpu.memory_space<vmem>>, vector<16xf32>,
      %add3A_700 = arith.addf %add3A_697, %get3A_699 : vector<16xf32>
      %get3A_701 = arith.constant 128 : index
      %get3A_702 = tpu.vector_load %arg17[%get3A_701] {strides = array<i32>} : memref<256xf32, #tpu.memory_space<vmem>>, vector<16xf32>,
      %add3A_703 = arith.addf %add3A_700, %get3A_702 : vector<16xf32>
      %get3A_704 = arith.constant 144 : index
      %get3A_705 = tpu.vector_load %arg17[%get3A_704] {strides = array<i32>} : memref<256xf32, #tpu.memory_space<vmem>>, vector<16xf32>,
      %add3A_706 = arith.addf %add3A_703, %get3A_705 : vector<16xf32>
      %get3A_707 = arith.constant 160 : index
      %get3A_708 = tpu.vector_load %arg17[%get3A_707] {strides = array<i32>} : memref<256xf32, #tpu.memory_space<vmem>>, vector<16xf32>,
      %add3A_709 = arith.addf %add3A_706, %get3A_708 : vector<16xf32>
      %get3A_710 = arith.constant 176 : index
      %get3A_711 = tpu.vector_load %arg17[%get3A_710] {strides = array<i32>} : memref<256xf32, #tpu.memory_space<vmem>>, vector<16xf32>,
      %add3A_712 = arith.addf %add3A_709, %get3A_711 : vector<16xf32>
      %get3A_713 = arith.constant 192 : index
      %get3A_714 = tpu.vector_load %arg17[%get3A_713] {strides = array<i32>} : memref<256xf32, #tpu.memory_space<vmem>>, vector<16xf32>,
      %add3A_715 = arith.addf %add3A_712, %get3A_714 : vector<16xf32>
      %get3A_716 = arith.constant 208 : index
      %get3A_717 = tpu.vector_load %arg17[%get3A_716] {strides = array<i32>} : memref<256xf32, #tpu.memory_space<vmem>>, vector<16xf32>,
      %add3A_718 = arith.addf %add3A_715, %get3A_717 : vector<16xf32>
      %get3A_719 = arith.constant 224 : index
      %get3A_720 = tpu.vector_load %arg17[%get3A_719] {strides = array<i32>} : memref<256xf32, #tpu.memory_space<vmem>>, vector<16xf32>,
      %add3A_721 = arith.addf %add3A_718, %get3A_720 : vector<16xf32>
      %get3A_722 = arith.constant 240 : index
      %get3A_723 = tpu.vector_load %arg17[%get3A_722] {strides = array<i32>} : memref<256xf32, #tpu.memory_space<vmem>>, vector<16xf32>,
      %add3A_724 = arith.addf %add3A_721, %get3A_723 : vector<16xf32>
      %mul3A_725 = arith.constant 16 : i32
      %mul3A_726 = arith.muli %scan3A_670, %mul3A_725 : i32
      %add3A_727 = arith.constant 1920 : i32
      %add3A_728 = arith.addi %add3A_727, %mul3A_726 : i32
      %swap3A = arith.index_cast %add3A_728 : i32 to index
      %swap3A_729 = tpu.vector_load %arg18[%swap3A] {strides = array<i32>} : memref<2048xf32, #tpu.memory_space<vmem>>, vector<16xf32>,
      tpu.vector_store %arg18[%swap3A], %add3A_724 {strides = array<i32>} : memref<2048xf32, #tpu.memory_space<vmem>>, vector<16xf32>,
      %scan3A_730 = arith.constant 0 : i32
      scf.yield %scan3A_730 : i32
    }
    %scan3A_669 = arith.constant 8 : i32
    "tpu.region"() ({
      %run_scoped3A = tpu.sem_alloc : memref<!tpu.dma_semaphore, #tpu.memory_space<semaphore_mem>>
      %dma_start3A_670 = tpu.memref_slice %arg7[%mul3A_2] : memref<65536xf32, #tpu.memory_space<hbm>> -> memref<2048xf32, #tpu.memory_space<hbm>>
      %dma_start3A_671 = tpu.memref_slice %arg7[%mul3A_2] : memref<65536xf32, #tpu.memory_space<hbm>> -> memref<2048xf32, #tpu.memory_space<hbm>>
      tpu.enqueue_dma source(%arg18 : memref<2048xf32, #tpu.memory_space<vmem>>) target(%dma_start3A_671 : memref<2048xf32, #tpu.memory_space<hbm>>) target_semaphore(%run_scoped3A : memref<!tpu.dma_semaphore, #tpu.memory_space<semaphore_mem>>)
      %dma_wait3A_672 = tpu.memref_slice %arg7[%mul3A_2] : memref<65536xf32, #tpu.memory_space<hbm>> -> memref<2048xf32, #tpu.memory_space<hbm>>
      %dma_wait3A_673 = tpu.memref_slice %arg7[%mul3A_2] : memref<65536xf32, #tpu.memory_space<hbm>> -> memref<2048xf32, #tpu.memory_space<hbm>>
      tpu.wait_dma2 semaphore(%run_scoped3A : memref<!tpu.dma_semaphore, #tpu.memory_space<semaphore_mem>>) src(%arg18 : memref<2048xf32, #tpu.memory_space<vmem>>) dst(%dma_wait3A_673 : memref<2048xf32, #tpu.memory_space<hbm>>)
      tpu.yield
    }) : () -> ()
    return
  }
}

</mosaic_0001>

<sc_bundles>
// kernel: kernel.3.cloned.1.call-start
scs
__scs_entry_jumppad:
0x0: {  	(pc) =	sbr.rel $0x88, $3  }
0x1: {  	(tag) =	ssettag $0x0;
	lr =	simm.s32 $0x1  }
0x2: {  	[smem:$0x3F9E] =	sst lr;
	_ =	strace $0xD0000000  }
0x3: {  	_ = 	snop  }
0x4: {  	_ = 	snop  }
0x5: {  	_ = 	snop  }
0x6: {  	_ = 	snop  }
0x7: {  	_ = 	snop  }
__scs_overlays_trampoline_lowered:
0x8: {  	[smem:$0x3FAD] =	sst s0  }
0x9: {  	[smem:$0x3FAE] =	sst s1  }
0xa: {  	[smem:$0x3FAF] =	sst s2  }
0xb: {  	[smem:$0x3FB0] =	sst s3  }
0xc: {  	[smem:$0x3FB1] =	sst s4  }
0xd: {  	[smem:$0x3FB2] =	sst s5  }
0xe: {  	[smem:$0x3FB3] =	sst s6  }
0xf: {  	[smem:$0x3FB4] =	sst s7  }
0x10: {  	[smem:$0x3FB5] =	sst s8  }
0x11: {  	[smem:$0x3FB6] =	sst s9;
	s0 =	simm.s32 @!p0 $0x0  }
0x12: {  	s1 =	sld [smem:$0x3F9C];
	s0 =	simm.s32 @p0 $0x1  }
0x13: {  	[smem:$0x3FB7] =	sst s0;
	s0 =	simm.s32 @!p1 $0x0  }
0x14: {  	s2 =	sld [smem:$0x3F9B];
	s0 =	simm.s32 @p1 $0x1  }
0x15: {  	[smem:$0x3FB8] =	sst s0;
	s0 =	simm.s32 @!p2 $0x0  }
0x16: {  	s3 =	sld [smem:$0x3FDB];
	s0 =	simm.s32 @p2 $0x1  }
0x17: {  	s4 =	simm.s32 $0x1BF5;
	[smem:$0x3FBA] =	sst s0  }
0x18: {  	s0 =	sld [smem:$0x3F9D];
	_ =	swait.ge [sflag:s4], $0x0  }
0x19: {  	s7 =	sld [smem:$0x3F9E]  }
0x1a: {  	s8 =	sadd.s32 $0xFFFFE003, lr  }
0x1b: {  	s9 =	sadd.s32 $0xFFFFFEF7, lr;
	s5 =	simm.s32 $0xFFFFFFFF;
	p2 =	slt.u32 s8, $0xFFFFF086  }
0x1c: {  	p1 =	slt.u32 s9, $0xF7A;
	s5 =	simm.s32 @!p2 $0x0  }
0x1d: {  	s5 =	simm.s32 @p1 $0x1;
	p0 =	seq.s32 s7, s2  }
0x1e: {  	s7 =	smul.u32 @!p0 $0xF7A, s2;
	p2 =	seq.s32 @!p0 s5, $0x0  }
0x1f: {  	s9 =	smul.u32 $0xF7A, s1;
	s8 =	simm.s32 @!p0 $0x1BF5;
	p2 =	por !p2, p0  }
0x20: {  	[sflag:s8] =	ssyncset.s32 @!p0 $0xFFFFF086;
	s6 =	sadd.s32 @!p0 s3, s7;
	s7 =	simm.s32 @!p0 $0x108  }
0x21: {  	s3 =	sadd.s32 s3, s9;
	s6 =	sadd.s32 @!p0 $0x88, s6;
	s7 =	simm.s32 @p2 $0x1082  }
0x22: {  	[simem:s7], [sflag:s8] =	dma.local @!p0 [hbm:s6], $0xF7A  }
0x23: {  	s9 =	sor.u32 $0xD0000000, s2;
	s6 =	simm.s32 $0x108;
	_ =	swait.ge @!p0 [sflag:s8], $0x0  }
0x24: {  	s3 =	sadd.s32 $0x88, s3;
	s6 =	simm.s32 @!p1 $0x1082;
	[sflag:s4] =	ssyncset.s32 $0xFFFFF086  }
0x25: {  	[simem:s6], [sflag:s4] =	dma.local [hbm:s3], $0xF7A  }
0x26: {  	[smem:$0x3F9E] =	sst s1;
	(tag) =	ssettag s2;
	_ =	strace s9  }
0x27: {  	s1 =	sld [smem:$0x3FAE]  }
0x28: {  	s2 =	sld [smem:$0x3FAF]  }
0x29: {  	s4 =	sld [smem:$0x3FB1]  }
0x2a: {  	p0 =	seq.s32 s5, $0x0;
	s5 =	sld [smem:$0x3FB2]  }
0x2b: {  	s6 =	sld [smem:$0x3FB3]  }
0x2c: {  	s7 =	sld [smem:$0x3FB4]  }
0x2d: {  	s3 =	simm.s32 $0x108;
	s8 =	sld [smem:$0x3FB5]  }
0x2e: {  	s3 =	simm.s32 @!p0 $0x1082;
	s9 =	sld [smem:$0x3FB6]  }
0x2f: {  	lr =	sadd.s32 s0, s3;
	s0 =	sld [smem:$0x3FAD]  }
0x30: {  	s3 =	sld [smem:$0x3FB0]  }
0x31: {  	[smem:$0x3FB9] =	sst s10  }
0x32: {  	s10 =	sld [smem:$0x3FB7];
	_ =	sdelay $0x3  }
0x33: {  	p0 =	seq.s32 s10, $0x1;
	s10 =	sld [smem:$0x3FB9];
	_ =	sdelay $0x3  }
0x34: {  	[smem:$0x3FB9] =	sst s10  }
0x35: {  	s10 =	sld [smem:$0x3FB8];
	_ =	sdelay $0x3  }
0x36: {  	p1 =	seq.s32 s10, $0x1;
	s10 =	sld [smem:$0x3FB9];
	_ =	sdelay $0x3  }
0x37: {  	[smem:$0x3FB9] =	sst s10  }
0x38: {  	s10 =	sld [smem:$0x3FBA]  }
0x39: {  	_ = 	snop;
	(pc) =	sbr.ind lr, $3  }
0x3a: {  	_ = 	snop  }
0x3b: {  	_ = 	snop  }
0x3c: {  	p2 =	seq.s32 s10, $0x1;
	s10 =	sld [smem:$0x3FB9]  }
0x3d: {  	_ =	shalt  }
0x3e: {  	_ =	shalt  }
0x3f: {  	_ =	shalt  }
0x40: {  	_ =	shalt  }
0x41: {  	_ =	shalt  }
0x42: {  	_ =	shalt  }
0x43: {  	_ =	shalt  }
0x44: {  	_ =	shalt  }
0x45: {  	_ =	shalt  }
0x46: {  	_ =	shalt  }
0x47: {  	_ =	shalt  }
0x48: {  	_ =	shalt  }
0x49: {  	_ =	shalt  }
0x4a: {  	_ =	shalt  }
0x4b: {  	_ =	shalt  }
0x4c: {  	_ =	shalt  }
0x4d: {  	_ =	shalt  }
0x4e: {  	_ =	shalt  }
0x4f: {  	_ =	shalt  }
0x50: {  	_ =	shalt  }
0x51: {  	_ =	shalt  }
0x52: {  	_ =	shalt  }
0x53: {  	_ =	shalt  }
0x54: {  	_ =	shalt  }
0x55: {  	_ =	shalt  }
0x56: {  	_ =	shalt  }
0x57: {  	_ =	shalt  }
0x58: {  	_ =	shalt  }
0x59: {  	_ =	shalt  }
0x5a: {  	_ =	shalt  }
0x5b: {  	_ =	shalt  }
0x5c: {  	_ =	shalt  }
0x5d: {  	_ =	shalt  }
0x5e: {  	_ =	shalt  }
0x5f: {  	_ =	shalt  }
0x60: {  	_ =	shalt  }
0x61: {  	_ =	shalt  }
0x62: {  	_ =	shalt  }
0x63: {  	_ =	shalt  }
0x64: {  	_ =	shalt  }
0x65: {  	_ =	shalt  }
0x66: {  	_ =	shalt  }
0x67: {  	_ =	shalt  }
0x68: {  	_ =	shalt  }
0x69: {  	_ =	shalt  }
0x6a: {  	_ =	shalt  }
0x6b: {  	_ =	shalt  }
0x6c: {  	_ =	shalt  }
0x6d: {  	_ =	shalt  }
0x6e: {  	_ =	shalt  }
0x6f: {  	_ =	shalt  }
0x70: {  	_ =	shalt  }
0x71: {  	_ =	shalt  }
0x72: {  	_ =	shalt  }
0x73: {  	_ =	shalt  }
0x74: {  	_ =	shalt  }
0x75: {  	_ =	shalt  }
0x76: {  	_ =	shalt  }
0x77: {  	_ =	shalt  }
0x78: {  	_ =	shalt  }
0x79: {  	_ =	shalt  }
0x7a: {  	_ =	shalt  }
0x7b: {  	_ =	shalt  }
0x7c: {  	_ =	shalt  }
0x7d: {  	_ =	shalt  }
0x7e: {  	_ =	shalt  }
0x7f: {  	_ =	shalt  }
0x80: {  	_ =	shalt  }
0x81: {  	_ =	shalt  }
0x82: {  	_ =	shalt  }
0x83: {  	_ =	shalt  }
0x84: {  	_ =	shalt  }
0x85: {  	_ =	shalt  }
0x86: {  	_ =	shalt  }
0x87: {  	_ =	shalt  }
.Lfunc_end0:
.L_simem_size_0:
called_computation_lowered:
.L_overlay_start_0:
0x88: {  	s2 =	sld [smem:$0x3FD9]  }
0x89: {  	s3 =	sld [smem:$0x3FFE];
	_ =	sdelay $0x1  }
0x8a: {  	s1 =	srdreg.scid  }
0x8b: {  	s0 =	sand.u32 $0x1, s1  }
0x8c: {  	s17 =	sshll.u32 s0, $0xA;
	s2 =	sadd.s32 s3, s2  }
0x8d: {  	s2 =	sadd.s32 s2, s17  }
0x8e: {  	[smem:$0x3FC5] =	sst s2  }
0x8f: {  	_ = 	snop  }
0x90: {  	s2 =	sld [smem:$0x3FC8]  }
0x91: {  	s18 =	sld [smem:$0x3FC7]  }
0x92: {  	s4 =	sld [smem:$0x3FD0];
	(tm) =	ssettm $0x1  }
0x93: {  	s5 =	sld [smem:$0x3FFB];
	_ =	sdelay $0x3  }
0x94: {  	_ =	strace s5  }
0x95: {  	s5 =	sld [smem:$0x3FFC];
	_ =	sdelay $0x3  }
0x96: {  	_ =	strace s5  }
0x97: {  	s5 =	sld [smem:$0x3FFD];
	_ =	sdelay $0x3  }
0x98: {  	_ =	strace s5  }
0x99: {  	_ =	strace $0x8FFFFFFF  }
0x9a: {  	s19 =	sld [smem:$0x3FDB];
	_ =	sdelay $0x1  }
0x9b: {  	s6 =	simm.s32 $_scs_section_size  }
0x9c: {  	s7 =	simm.s32 $_size__tile_overlayer_lowered;
	s8 =	simm.s32 $_tile_overlayer_lowered  }
0x9d: {  	s22 =	simm.s32 $0x1BFF;
	s21 =	sshll.u32 s8, $0x1;
	s5 =	sadd.s32 s6, s19  }
0x9e: {  	s9 =	simm.s32 $0x0;
	s20 =	sshll.u32 s7, $0x1;
	s7 =	sadd.s32 s21, s5  }
0x9f: {  	[timem:s9], [sflag:s22] =	dma.local [hbm:s7], s20  }
0xa0: {  	_ =	swait.ge [sflag:s22], s20  }
0xa1: {  	s6 =	ssub.s32 $0x0, s20;
	[sflag:s22] =	ssyncset.done $0x0  }
0xa2: {  	[sflag:s22] =	ssyncadd.s32 s6;
	_ =	sdelay $0x1  }
0xa3: {  	s23 =	simm.s32 $0x1B8B  }
0xa4: {  	_ =	swait.ge [sflag:s23], $0x1  }
0xa5: {  	[sflag:s23] =	ssyncset.done $0x0  }
0xa6: {  	s25 =	simm.s32 $0x1B8E;
	s24 =	sld [smem:$0x3FFE];
	[sflag:s23] =	ssyncadd.s32 $0xFFFFFFFF  }
0xa7: {  	s26 =	simm.s32 $execute0_lowered;
	[smem:$0x3FD2] =	sst s25  }
0xa8: {  	s7 =	sshll.u32 s26, $0x1;
	_ =	strace $0x80000046;
	[dreg:$0x1] =	wrdreg $0xFFFFFFFF  }
0xa9: {  	s28 =	simm.s32 $_size_execute0_lowered;
	s5 =	sadd.s32 s5, s7;
	[dreg:$0x0] =	wrdreg $0x0  }
0xaa: {  	s7 =	sshll.u32 s28, $0x1;
	[dreg:$0x2] =	wrdreg s5  }
0xab: {  	[dreg:$0x3] =	wrdreg s7  }
0xac: {  	[dreg:$0x4] =	wrdreg $0xC0  }
0xad: {  	_ =	task [dreg:s9], $0x5FFFF  }
0xae: {  	[dreg:$0x1] =	wrdreg $0xFFFFFFFF  }
0xaf: {  	[dreg:$0x0] =	wrdreg $0x60  }
0xb0: {  	[dreg:$0x2] =	wrdreg s4  }
0xb1: {  	[dreg:$0x3] =	wrdreg s24  }
0xb2: {  	[dreg:$0x4] =	wrdreg s2  }
0xb3: {  	[dreg:$0x5] =	wrdreg s18  }
0xb4: {  	[dreg:$0x6] =	wrdreg $0x9  }
0xb5: {  	_ =	task.clear_ibuf [dreg:s9], $0x7FFFF;
	_ =	strace $0x90000046  }
0xb6: {  	s29 =	simm.s32 $0x9;
	_ =	strace $0x80000048  }
0xb7: {  	_ =	swait.ge [sflag:s29], $0x1  }
0xb8: {  	[sflag:s29] =	ssyncadd.s32 $0xFFFFFFFF  }
0xb9: {  	_ =	strace $0x90000048  }
0xba: {  	_ =	sfence  }
0xbb: {  	s30 =	sld [smem:$0x0];
	_ =	sdelay $0x2  }
0xbc: {  	s31 =	sshll.u32 s1, $0xD;
	s1 =	sshrl.u32 s1, $0x2  }
0xbd: {  	s3 =	sand.u32 $0x4000, s31;
	s1 =	sadd.s32 s1, s30  }
0xbe: {  	s0 =	sor.u32 s3, s0;
	s1 =	sshll.u32 s1, $0x11  }
0xbf: {  	s0 =	sor.u32 s1, s0  }
0xc0: {  	s0 =	sadd.s32 $0x8F2B, s0  }
0xc1: {  	[sflag:s0] =	ssyncadd.remote.s32 $0x1  }
0xc2: {  	_ =	sfence.sel $0xFFFF  }
0xc3: {  	[dreg:$0x0] =	wrdreg $0xFFFFFFFF;
	(pc) =	sbr.abs _section_cstart, $3  }
0xc4: {  	[dreg:$0x1] =	wrdreg $0xFFFFFFFF  }
0xc5: {  	_ =	task.clear_ibuf [dreg:s9], $0x2FFFF;
	_ =	strace $0x9FFFFFFF  }
0xc6: {  	(tm) =	ssettm $0x7FFFFFFF  }
0xc7: {  	_ =	shalt  }
tec
execute0_lowered:
.L_overlay_start_1:
0x0: {  	(tag) =	ssettag $0x1  }
0x1: {  	s0 =	rddreg [dreg:$0x0]  }
0x2: {  	s3 =	rddreg [dreg:$0x1]  }
0x3: {  	s1 =	rddreg [dreg:$0x2]  }
0x4: {  	s2 =	rddreg [dreg:$0x3]  }
0x5: {  	s4 =	simm.s32 $0x0;
	s5 =	srdreg.scid;
	s6 =	stileid.u32  }
0x6: {  	s15 =	simm.s32 $0x1;
	s16 =	simm.s32 $0x80;
	s17 =	simm.s32 $0x1800  }
0x7: {  	s18 =	simm.s32 $0x5800;
	s19 =	simm.s32 $0x9800;
	s22 =	simm.s32 $0xD800  }
0x8: {  	s23 =	simm.s32 $0x11800;
	s24 =	simm.s32 $0x15800;
	s25 =	simm.s32 $0x2  }
0x9: {  	s26 =	simm.s32 $0x19800;
	s31 =	simm.s32 $0x3;
	[smem:$0x7FF] =	sst s4  }
0xa: {  	s5 =	sand.u32 $0x1, s5;
	s6 =	sshll.u32 s6, $0x9;
	s9 =	sadd.s32 $0x2600, s3  }
0xb: {  	s10 =	sadd.s32 $0x600, s3;
	s7 =	sshll.u32 s5, $0x8;
	s5 =	ssub.s32 $0x2, s5  }
0xc: {  	_ =	strace $0x80000047;
	s6 =	sor.u32 s7, s6;
	s28 =	sshrl.u32 s5, $0x1  }
0xd: {  	s3 =	sadd.s32 s6, s3;
	s5 =	ssub.s32 s5, s28;
	s29 =	sadd.s32 s0, s6  }
0xe: {  	s30 =	sadd.s32 s9, s6;
	s11 =	sor.u32 $0x10, s6;
	[dreg:$0x5] =	wrdreg s29  }
0xf: {  	s7 =	sadd.s32 s10, s6;
	[dreg:$0x6] =	wrdreg s30;
	s8 =	sadd.s32 s0, s11  }
0x10: {  	v0 =	vlaneseq.u32;
	s9 =	sadd.s32 s9, s11;
	s10 =	sadd.s32 s10, s11;
	s11 =	sadd.s32 $0x4600, s3  }
0x11: {  	v0 =	vmul.u32 $0x10, v0;
	s12 =	smax.u32 s5, $0x1;
	s0 =	simm.s32 $0x4;
	s3 =	simm.s32 $0x0  }
.LBB2_1:
0x12: {  	s5 =	rddreg [dreg:$0x5]  }
0x13: {  	[tilespmem:s4], [sflag:$0x1] =	stream.linear.gather [hbm4b:s5+s4], $0x80, $0x38;
	[tilespmem:$0x1A100] =	vst v63  }
0x14: {  	s13 =	rddreg [dreg:$0x6];
	s6 =	simm.s32 $0x800  }
0x15: {  	[tilespmem:s6], [sflag:$0x1] =	stream.linear.gather [hbm4b:s13+s4], $0x80, $0x38;
	[tilespmem:$0x1A100] =	vst v63  }
0x16: {  	s14 =	simm.s32 $0x1000  }
0x17: {  	[tilespmem:s14], [sflag:$0x1] =	stream.linear.gather [hbm4b:s7+s4], $0x80, $0x38;
	[tilespmem:$0x1A100] =	vst v63  }
0x18: {  	_ =	swait.ge [sflag:s15], $0x80  }
0x19: {  	[sflag:s15] =	ssyncset.done $0x0  }
0x1a: {  	[sflag:s15] =	ssyncadd.s32 $0xFFFFFF80  }
0x1b: {  	_ =	swait.ge [sflag:s15], $0x80  }
0x1c: {  	[sflag:s15] =	ssyncset.done $0x0  }
0x1d: {  	[sflag:s15] =	ssyncadd.s32 $0xFFFFFF80  }
0x1e: {  	_ =	swait.ge [sflag:s15], $0x80  }
0x1f: {  	[sflag:s15] =	ssyncset.done $0x0  }
0x20: {  	[sflag:s15] =	ssyncadd.s32 $0xFFFFFF80  }
0x21: {  	[tilespmem:s17], [sflag:$0x2] =	stream.indirect.gather [hbm4b:s1+s16], $0x80, s4, s16, $0xb8;
	[tilespmem:$0x1A100] =	vst v63  }
0x22: {  	_ = 	snop  }
0x23: {  	[tilespmem:s18], [sflag:$0x2] =	stream.indirect.gather [hbm4b:s2+s16], $0x80, s6, s16, $0xb8;
	[tilespmem:$0x1A100] =	vst v63  }
0x24: {  	_ = 	snop  }
0x25: {  	[tilespmem:s19], [sflag:$0x2] =	stream.indirect.gather [hbm4b:s1+s16], $0x80, s14, s16, $0xb8;
	[tilespmem:$0x1A100] =	vst v63  }
0x26: {  	_ = 	snop  }
0x27: {  	[tilespmem:s16], [sflag:$0x1] =	stream.linear.gather [hbm4b:s8+s4], $0x780, $0x38;
	[tilespmem:$0x1A100] =	vst v63  }
0x28: {  	s20 =	simm.s32 $0x880  }
0x29: {  	[tilespmem:s20], [sflag:$0x1] =	stream.linear.gather [hbm4b:s9+s4], $0x780, $0x38;
	[tilespmem:$0x1A100] =	vst v63  }
0x2a: {  	s21 =	simm.s32 $0x1080  }
0x2b: {  	[tilespmem:s21], [sflag:$0x1] =	stream.linear.gather [hbm4b:s10+s4], $0x780, $0x38;
	[tilespmem:$0x1A100] =	vst v63  }
0x2c: {  	_ =	swait.ge [sflag:s15], $0x780  }
0x2d: {  	[sflag:s15] =	ssyncset.done $0x0  }
0x2e: {  	[sflag:s15] =	ssyncadd.s32 $0xFFFFF880  }
0x2f: {  	_ =	swait.ge [sflag:s15], $0x780  }
0x30: {  	[sflag:s15] =	ssyncset.done $0x0  }
0x31: {  	[sflag:s15] =	ssyncadd.s32 $0xFFFFF880  }
0x32: {  	_ =	swait.ge [sflag:s15], $0x780  }
0x33: {  	[sflag:s15] =	ssyncset.done $0x0  }
0x34: {  	[sflag:s15] =	ssyncadd.s32 $0xFFFFF880  }
0x35: {  	[tilespmem:s22], [sflag:$0x3] =	stream.indirect.gather [hbm4b:s1+s16], $0x80, s16, s16, $0xb8;
	[tilespmem:$0x1A100] =	vst v63  }
0x36: {  	_ = 	snop  }
0x37: {  	[tilespmem:s23], [sflag:$0x3] =	stream.indirect.gather [hbm4b:s2+s16], $0x80, s20, s16, $0xb8;
	[tilespmem:$0x1A100] =	vst v63  }
0x38: {  	_ = 	snop  }
0x39: {  	[tilespmem:s24], [sflag:$0x3] =	stream.indirect.gather [hbm4b:s1+s16], $0x80, s21, s16, $0xb8;
	[tilespmem:$0x1A100] =	vst v63  }
0x3a: {  	_ =	swait.ge [sflag:s25], $0x4000  }
0x3b: {  	[sflag:s25] =	ssyncset.done $0x0  }
0x3c: {  	[sflag:s25] =	ssyncadd.s32 $0xFFFFC000  }
0x3d: {  	_ =	swait.ge [sflag:s25], $0x4000  }
0x3e: {  	[sflag:s25] =	ssyncset.done $0x0  }
0x3f: {  	[sflag:s25] =	ssyncadd.s32 $0xFFFFC000  }
0x40: {  	_ =	swait.ge [sflag:s25], $0x4000  }
0x41: {  	s28 =	simm.s32 $0x1840;
	s29 =	simm.s32 $0x5840;
	[sflag:s25] =	ssyncset.done $0x0  }
0x42: {  	s30 =	simm.s32 $0x9840;
	s13 =	simm.s32 $0x0;
	[sflag:s25] =	ssyncadd.s32 $0xFFFFC000  }
.LBB2_2:
0x43: {  	v1 =	vld [tilespmem:s30+$0x20]  }
0x44: {  	v2 =	vld [tilespmem:s30+$0x10]  }
0x45: {  	v3 =	vld [tilespmem:s30+$0x0]  }
0x46: {  	v4 =	vld [tilespmem:s30+$0xFFFFFFF0]  }
0x47: {  	v5 =	vld [tilespmem:s30+$0xFFFFFFE0]  }
0x48: {  	v6 =	vld [tilespmem:s30+$0xFFFFFFC0]  }
0x49: {  	v7 =	vld [tilespmem:s28+$0xFFFFFFE0]  }
0x4a: {  	v8 =	vld [tilespmem:s29+$0xFFFFFFC0]  }
0x4b: {  	v9 =	vld [tilespmem:s28+$0xFFFFFFC0]  }
0x4c: {  	v10 =	vld [tilespmem:s28+$0xFFFFFFD0];
	s14 =	simm.s32 $0x0;
	s6 =	simm.s32 $0x1  }
0x4d: {  	v11 =	vld [tilespmem:s29+$0xFFFFFFD0];
	s21 =	smov.u32 s29;
	s20 =	smov.u32 s30;
	s5 =	smov.u32 s28  }
.LBB2_3:
0x4e: {  	p0 =	sne.s32 s6, $0xF;
	v12 =	vld [tilespmem:s21+$0xFFFFFFE0]  }
0x4f: {  	v13 =	vld [tilespmem:s20+$0xFFFFFFD0]  }
0x50: {  	v14 =	vld [tilespmem:s5+$0xFFFFFFF0]  }
0x51: {  	v15 =	vld [tilespmem:s21+$0xFFFFFFF0]  }
0x52: {  	v8 =	vmul.f32 v8, v9;
	v9 =	vmul.f32 v11, v10;
	v10 =	vld [tilespmem:s5+$0x0]  }
0x53: {  	v7 =	vmul.f32 v12, v7;
	v11 =	vld [tilespmem:s21+$0x0]  }
0x54: {  	v6 =	vmul.f32 v6, v8;
	v8 =	vmul.f32 v13, v9;
	v9 =	vld [tilespmem:s5+$0x10]  }
0x55: {  	v12 =	vld [tilespmem:s21+$0x10]  }
0x56: {  	v5 =	vmul.f32 v5, v7;
	v6 =	vadd.f32 v8, v6;
	v7 =	vmul.f32 v15, v14;
	v8 =	vld [tilespmem:s5+$0x20]  }
0x57: {  	v13 =	vld [tilespmem:s21+$0x20]  }
0x58: {  	v5 =	vadd.f32 v5, v6;
	v4 =	vmul.f32 v4, v7;
	v6 =	vmul.f32 v11, v10;
	v7 =	vld [tilespmem:s5+$0x30]  }
0x59: {  	v10 =	vld [tilespmem:s21+$0x30]  }
0x5a: {  	v4 =	vadd.f32 v4, v5;
	v3 =	vmul.f32 v3, v6;
	v5 =	vmul.f32 v12, v9  }
0x5b: {  	v6 =	vld [tilespmem:s20+$0x30]  }
0x5c: {  	v3 =	vadd.f32 v3, v4;
	v2 =	vmul.f32 v2, v5;
	v4 =	vmul.f32 v13, v8;
	_ =	sdelay $0x1  }
0x5d: {  	v2 =	vadd.f32 v2, v3;
	v1 =	vmul.f32 v1, v4;
	v3 =	vmul.f32 v10, v7  }
0x5e: {  	v4 =	vor.u32 s14, v0;
	s14 =	smov.u32 s6  }
0x5f: {  	v1 =	vadd.f32 v1, v2;
	v2 =	vmul.f32 v6, v3;
	_ =	sdelay $0x1  }
0x60: {  	v1 =	vadd.f32 v2, v1;
	_ =	sdelay $0x1  }
0x61: {  	s20 =	sadd.s32 $0x80, s20;
	[tilespmem:v4+s26+$0x0] =	vst.idx.msk $0xffff, v1  }
0x62: {  	v1 =	vld [tilespmem:s20+$0x20]  }
0x63: {  	v2 =	vld [tilespmem:s20+$0x10]  }
0x64: {  	v3 =	vld [tilespmem:s20+$0x0]  }
0x65: {  	v4 =	vld [tilespmem:s20+$0xFFFFFFF0]  }
0x66: {  	v5 =	vld [tilespmem:s20+$0xFFFFFFE0]  }
0x67: {  	s5 =	sadd.s32 $0x80, s5;
	v6 =	vld [tilespmem:s20+$0xFFFFFFC0]  }
.Ltmp0:
0x68: {  	s21 =	sadd.s32 $0x80, s21;
	v7 =	vld [tilespmem:s5+$0xFFFFFFE0];
	(pc) =	sbr.rel @p0 .LBB2_3-.Ltmp0, $4  }
0x69: {  	v8 =	vld [tilespmem:s21+$0xFFFFFFC0]  }
0x6a: {  	v9 =	vld [tilespmem:s5+$0xFFFFFFC0]  }
0x6b: {  	v10 =	vld [tilespmem:s5+$0xFFFFFFD0]  }
0x6c: {  	s6 =	sadd.s32 $0x1, s6;
	v11 =	vld [tilespmem:s21+$0xFFFFFFD0]  }
0x6d: {  	v12 =	vld [tilespmem:s21+$0xFFFFFFE0]  }
0x6e: {  	v13 =	vld [tilespmem:s20+$0xFFFFFFD0]  }
0x6f: {  	v14 =	vld [tilespmem:s5+$0xFFFFFFF0]  }
0x70: {  	v15 =	vld [tilespmem:s21+$0xFFFFFFF0];
	v8 =	vmul.f32 v8, v9  }
0x71: {  	v45 =	vld [tilespmem:s5+$0x0];
	v44 =	vmul.f32 v11, v10  }
0x72: {  	v46 =	vld [tilespmem:s21+$0x0];
	v6 =	vmul.f32 v6, v8  }
0x73: {  	v48 =	vld [tilespmem:s5+$0x10];
	v7 =	vmul.f32 v12, v7;
	v47 =	vmul.f32 v13, v44  }
0x74: {  	v49 =	vld [tilespmem:s21+$0x10]  }
0x75: {  	v51 =	vld [tilespmem:s5+$0x20];
	v50 =	vmul.f32 v15, v14;
	v5 =	vmul.f32 v5, v7;
	v6 =	vadd.f32 v47, v6  }
0x76: {  	v52 =	vld [tilespmem:s21+$0x20]  }
0x77: {  	v54 =	vld [tilespmem:s5+$0x30];
	v53 =	vmul.f32 v46, v45;
	v4 =	vmul.f32 v4, v50;
	v5 =	vadd.f32 v5, v6  }
0x78: {  	v55 =	vld [tilespmem:s21+$0x30]  }
0x79: {  	v56 =	vmul.f32 v49, v48;
	v3 =	vmul.f32 v3, v53;
	v4 =	vadd.f32 v4, v5  }
0x7a: {  	v57 =	vld [tilespmem:s20+$0x30]  }
0x7b: {  	v58 =	vmul.f32 v52, v51;
	v2 =	vmul.f32 v2, v56;
	v3 =	vadd.f32 v3, v4;
	_ =	sdelay $0x1  }
0x7c: {  	v1 =	vmul.f32 v1, v58;
	v2 =	vadd.f32 v2, v3;
	v3 =	vmul.f32 v55, v54  }
0x7d: {  	v59 =	vor.u32 s14, v0  }
0x7e: {  	v1 =	vadd.f32 v1, v2;
	v2 =	vmul.f32 v57, v3;
	_ =	sdelay $0x1  }
0x7f: {  	v1 =	vadd.f32 v2, v1;
	_ =	sdelay $0x1  }
0x80: {  	[tilespmem:v59+s26+$0x0] =	vst.idx.msk $0xffff, v1  }
0x81: {  	v1 =	vld [tilespmem:$0x19800]  }
0x82: {  	v2 =	vld [tilespmem:$0x19810];
	_ =	sdelay $0x1  }
0x83: {  	v3 =	vld [tilespmem:$0x19820];
	_ =	sdelay $0x1  }
0x84: {  	v4 =	vld [tilespmem:$0x19830]  }
0x85: {  	v1 =	vadd.f32 v2, v1  }
0x86: {  	v2 =	vld [tilespmem:$0x19840]  }
0x87: {  	v1 =	vadd.f32 v3, v1  }
0x88: {  	v3 =	vld [tilespmem:$0x19850]  }
0x89: {  	v1 =	vadd.f32 v4, v1  }
0x8a: {  	v60 =	vld [tilespmem:$0x19860]  }
0x8b: {  	v1 =	vadd.f32 v2, v1  }
0x8c: {  	v2 =	vld [tilespmem:$0x19870]  }
0x8d: {  	v1 =	vadd.f32 v3, v1  }
0x8e: {  	v3 =	vld [tilespmem:$0x19880]  }
0x8f: {  	v1 =	vadd.f32 v60, v1  }
0x90: {  	v61 =	vld [tilespmem:$0x19890]  }
0x91: {  	v1 =	vadd.f32 v2, v1  }
0x92: {  	v2 =	vld [tilespmem:$0x198A0]  }
0x93: {  	v1 =	vadd.f32 v3, v1  }
0x94: {  	v3 =	vld [tilespmem:$0x198B0]  }
0x95: {  	v1 =	vadd.f32 v61, v1  }
0x96: {  	v62 =	vld [tilespmem:$0x198C0]  }
0x97: {  	v1 =	vadd.f32 v2, v1  }
0x98: {  	v2 =	vld [tilespmem:$0x198D0]  }
0x99: {  	v1 =	vadd.f32 v3, v1  }
0x9a: {  	v3 =	vld [tilespmem:$0x198E0]  }
0x9b: {  	v1 =	vadd.f32 v62, v1  }
0x9c: {  	v63 =	vld [tilespmem:$0x198F0]  }
0x9d: {  	s21 =	sshll.u32 s13, $0x4;
	s13 =	sadd.s32 $0x1, s13;
	v1 =	vadd.f32 v2, v1  }
0x9e: {  	p0 =	sne.s32 s13, $0x8  }
.Ltmp1:
0x9f: {  	v1 =	vadd.f32 v3, v1;
	(pc) =	sbr.rel @p0 .LBB2_2-.Ltmp1, $4  }
0xa0: {  	_ = 	snop  }
0xa1: {  	v1 =	vadd.f32 v63, v1  }
0xa2: {  	s5 =	sand.u32 $0x3FFFFFF0, s21  }
0xa3: {  	s28 =	sadd.s32 $0x800, s28;
	s29 =	sadd.s32 $0x800, s29;
	s30 =	sadd.s32 $0x800, s30;
	[tilespmem:s5+$0x19900] =	vst v1  }
0xa4: {  	s5 =	simm.s32 $0x100  }
0xa5: {  	[tilespmem:s17], [sflag:$0x2] =	stream.indirect.gather [hbm4b:s1+s16], $0x80, s5, s16, $0xb8;
	[tilespmem:$0x1A100] =	vst v63  }
0xa6: {  	s29 =	simm.s32 $0x900  }
0xa7: {  	[tilespmem:s18], [sflag:$0x2] =	stream.indirect.gather [hbm4b:s2+s16], $0x80, s29, s16, $0xb8;
	[tilespmem:$0x1A100] =	vst v63  }
0xa8: {  	s30 =	simm.s32 $0x1100  }
0xa9: {  	[tilespmem:s19], [sflag:$0x2] =	stream.indirect.gather [hbm4b:s1+s16], $0x80, s30, s16, $0xb8;
	[tilespmem:$0x1A100] =	vst v63  }
0xaa: {  	_ =	swait.ge [sflag:s31], $0x4000  }
0xab: {  	[sflag:s31] =	ssyncset.done $0x0  }
0xac: {  	[sflag:s31] =	ssyncadd.s32 $0xFFFFC000  }
0xad: {  	_ =	swait.ge [sflag:s31], $0x4000  }
0xae: {  	[sflag:s31] =	ssyncset.done $0x0  }
0xaf: {  	[sflag:s31] =	ssyncadd.s32 $0xFFFFC000  }
0xb0: {  	_ =	swait.ge [sflag:s31], $0x4000  }
0xb1: {  	s28 =	simm.s32 $0x0;
	s21 =	simm.s32 $0x11840;
	[sflag:s31] =	ssyncset.done $0x0  }
0xb2: {  	s20 =	simm.s32 $0x15840;
	s5 =	simm.s32 $0xD840;
	[sflag:s31] =	ssyncadd.s32 $0xFFFFC000  }
.LBB2_6:
0xb3: {  	v1 =	vld [tilespmem:s20+$0x20]  }
0xb4: {  	v2 =	vld [tilespmem:s20+$0x10]  }
0xb5: {  	v3 =	vld [tilespmem:s20+$0x0]  }
0xb6: {  	v4 =	vld [tilespmem:s20+$0xFFFFFFF0]  }
0xb7: {  	v5 =	vld [tilespmem:s20+$0xFFFFFFE0]  }
0xb8: {  	v6 =	vld [tilespmem:s20+$0xFFFFFFC0]  }
0xb9: {  	v7 =	vld [tilespmem:s5+$0xFFFFFFE0]  }
0xba: {  	v8 =	vld [tilespmem:s21+$0xFFFFFFC0]  }
0xbb: {  	v9 =	vld [tilespmem:s5+$0xFFFFFFC0]  }
0xbc: {  	v10 =	vld [tilespmem:s5+$0xFFFFFFD0];
	s6 =	simm.s32 $0x1;
	s30 =	smov.u32 s21  }
0xbd: {  	v11 =	vld [tilespmem:s21+$0xFFFFFFD0];
	s13 =	smov.u32 s20;
	s29 =	smov.u32 s5;
	s14 =	simm.s32 $0x0  }
.LBB2_7:
0xbe: {  	p0 =	sne.s32 s6, $0xF;
	v12 =	vld [tilespmem:s30+$0xFFFFFFE0]  }
0xbf: {  	v13 =	vld [tilespmem:s13+$0xFFFFFFD0]  }
0xc0: {  	v14 =	vld [tilespmem:s29+$0xFFFFFFF0]  }
0xc1: {  	v15 =	vld [tilespmem:s30+$0xFFFFFFF0]  }
0xc2: {  	v8 =	vmul.f32 v8, v9;
	v9 =	vmul.f32 v11, v10;
	v10 =	vld [tilespmem:s29+$0x0]  }
0xc3: {  	v7 =	vmul.f32 v12, v7;
	v11 =	vld [tilespmem:s30+$0x0]  }
0xc4: {  	v6 =	vmul.f32 v6, v8;
	v8 =	vmul.f32 v13, v9;
	v9 =	vld [tilespmem:s29+$0x10]  }
0xc5: {  	v12 =	vld [tilespmem:s30+$0x10]  }
0xc6: {  	v5 =	vmul.f32 v5, v7;
	v6 =	vadd.f32 v8, v6;
	v7 =	vmul.f32 v15, v14;
	v8 =	vld [tilespmem:s29+$0x20]  }
0xc7: {  	v13 =	vld [tilespmem:s30+$0x20]  }
0xc8: {  	v5 =	vadd.f32 v5, v6;
	v4 =	vmul.f32 v4, v7;
	v6 =	vmul.f32 v11, v10;
	v7 =	vld [tilespmem:s29+$0x30]  }
0xc9: {  	v10 =	vld [tilespmem:s30+$0x30]  }
0xca: {  	v4 =	vadd.f32 v4, v5;
	v3 =	vmul.f32 v3, v6;
	v5 =	vmul.f32 v12, v9  }
0xcb: {  	v6 =	vld [tilespmem:s13+$0x30]  }
0xcc: {  	v3 =	vadd.f32 v3, v4;
	v2 =	vmul.f32 v2, v5;
	v4 =	vmul.f32 v13, v8;
	_ =	sdelay $0x1  }
0xcd: {  	v2 =	vadd.f32 v2, v3;
	v1 =	vmul.f32 v1, v4;
	v3 =	vmul.f32 v10, v7  }
0xce: {  	v4 =	vor.u32 s14, v0;
	s14 =	smov.u32 s6  }
0xcf: {  	v1 =	vadd.f32 v1, v2;
	v2 =	vmul.f32 v6, v3;
	_ =	sdelay $0x1  }
0xd0: {  	v1 =	vadd.f32 v2, v1;
	_ =	sdelay $0x1  }
0xd1: {  	s13 =	sadd.s32 $0x80, s13;
	[tilespmem:v4+s26+$0x0] =	vst.idx.msk $0xffff, v1  }
0xd2: {  	v1 =	vld [tilespmem:s13+$0x20]  }
0xd3: {  	v2 =	vld [tilespmem:s13+$0x10]  }
0xd4: {  	v3 =	vld [tilespmem:s13+$0x0]  }
0xd5: {  	v4 =	vld [tilespmem:s13+$0xFFFFFFF0]  }
0xd6: {  	v5 =	vld [tilespmem:s13+$0xFFFFFFE0]  }
0xd7: {  	s29 =	sadd.s32 $0x80, s29;
	v6 =	vld [tilespmem:s13+$0xFFFFFFC0]  }
.Ltmp2:
0xd8: {  	s30 =	sadd.s32 $0x80, s30;
	v7 =	vld [tilespmem:s29+$0xFFFFFFE0];
	(pc) =	sbr.rel @p0 .LBB2_7-.Ltmp2, $4  }
0xd9: {  	v8 =	vld [tilespmem:s30+$0xFFFFFFC0]  }
0xda: {  	v9 =	vld [tilespmem:s29+$0xFFFFFFC0]  }
0xdb: {  	v10 =	vld [tilespmem:s29+$0xFFFFFFD0]  }
0xdc: {  	s6 =	sadd.s32 $0x1, s6;
	v11 =	vld [tilespmem:s30+$0xFFFFFFD0]  }
0xdd: {  	v12 =	vld [tilespmem:s30+$0xFFFFFFE0]  }
0xde: {  	v13 =	vld [tilespmem:s13+$0xFFFFFFD0]  }
0xdf: {  	v14 =	vld [tilespmem:s29+$0xFFFFFFF0]  }
0xe0: {  	v15 =	vld [tilespmem:s30+$0xFFFFFFF0];
	v8 =	vmul.f32 v8, v9  }
0xe1: {  	v45 =	vld [tilespmem:s29+$0x0];
	v44 =	vmul.f32 v11, v10  }
0xe2: {  	v46 =	vld [tilespmem:s30+$0x0];
	v6 =	vmul.f32 v6, v8  }
0xe3: {  	v48 =	vld [tilespmem:s29+$0x10];
	v7 =	vmul.f32 v12, v7;
	v47 =	vmul.f32 v13, v44  }
0xe4: {  	v49 =	vld [tilespmem:s30+$0x10]  }
0xe5: {  	v51 =	vld [tilespmem:s29+$0x20];
	v50 =	vmul.f32 v15, v14;
	v5 =	vmul.f32 v5, v7;
	v6 =	vadd.f32 v47, v6  }
0xe6: {  	v52 =	vld [tilespmem:s30+$0x20]  }
0xe7: {  	v54 =	vld [tilespmem:s29+$0x30];
	v53 =	vmul.f32 v46, v45;
	v4 =	vmul.f32 v4, v50;
	v5 =	vadd.f32 v5, v6  }
0xe8: {  	v55 =	vld [tilespmem:s30+$0x30]  }
0xe9: {  	v56 =	vmul.f32 v49, v48;
	v3 =	vmul.f32 v3, v53;
	v4 =	vadd.f32 v4, v5  }
0xea: {  	v57 =	vld [tilespmem:s13+$0x30]  }
0xeb: {  	v58 =	vmul.f32 v52, v51;
	v2 =	vmul.f32 v2, v56;
	v3 =	vadd.f32 v3, v4;
	_ =	sdelay $0x1  }
0xec: {  	v1 =	vmul.f32 v1, v58;
	v2 =	vadd.f32 v2, v3;
	v3 =	vmul.f32 v55, v54  }
0xed: {  	v59 =	vor.u32 s14, v0  }
0xee: {  	v1 =	vadd.f32 v1, v2;
	v2 =	vmul.f32 v57, v3;
	_ =	sdelay $0x1  }
0xef: {  	v1 =	vadd.f32 v2, v1;
	_ =	sdelay $0x1  }
0xf0: {  	[tilespmem:v59+s26+$0x0] =	vst.idx.msk $0xffff, v1  }
0xf1: {  	v1 =	vld [tilespmem:$0x19800]  }
0xf2: {  	v2 =	vld [tilespmem:$0x19810];
	_ =	sdelay $0x1  }
0xf3: {  	v3 =	vld [tilespmem:$0x19820];
	_ =	sdelay $0x1  }
0xf4: {  	v4 =	vld [tilespmem:$0x19830]  }
0xf5: {  	v1 =	vadd.f32 v2, v1  }
0xf6: {  	v2 =	vld [tilespmem:$0x19840]  }
0xf7: {  	v1 =	vadd.f32 v3, v1  }
0xf8: {  	v3 =	vld [tilespmem:$0x19850]  }
0xf9: {  	v1 =	vadd.f32 v4, v1  }
0xfa: {  	v60 =	vld [tilespmem:$0x19860]  }
0xfb: {  	v1 =	vadd.f32 v2, v1  }
0xfc: {  	v2 =	vld [tilespmem:$0x19870]  }
0xfd: {  	v1 =	vadd.f32 v3, v1  }
0xfe: {  	v3 =	vld [tilespmem:$0x19880]  }
0xff: {  	v1 =	vadd.f32 v60, v1  }
0x100: {  	v61 =	vld [tilespmem:$0x19890]  }
0x101: {  	v1 =	vadd.f32 v2, v1  }
0x102: {  	v2 =	vld [tilespmem:$0x198A0]  }
0x103: {  	v1 =	vadd.f32 v3, v1  }
0x104: {  	v3 =	vld [tilespmem:$0x198B0]  }
0x105: {  	v1 =	vadd.f32 v61, v1  }
0x106: {  	v62 =	vld [tilespmem:$0x198C0]  }
0x107: {  	v1 =	vadd.f32 v2, v1  }
0x108: {  	v2 =	vld [tilespmem:$0x198D0]  }
0x109: {  	v1 =	vadd.f32 v3, v1  }
0x10a: {  	v3 =	vld [tilespmem:$0x198E0]  }
0x10b: {  	v1 =	vadd.f32 v62, v1  }
0x10c: {  	v63 =	vld [tilespmem:$0x198F0]  }
0x10d: {  	s6 =	sshll.u32 s28, $0x4;
	s28 =	sadd.s32 $0x1, s28;
	v1 =	vadd.f32 v2, v1  }
0x10e: {  	p0 =	sne.s32 s28, $0x8  }
.Ltmp3:
0x10f: {  	v1 =	vadd.f32 v3, v1;
	(pc) =	sbr.rel @p0 .LBB2_6-.Ltmp3, $4  }
0x110: {  	_ = 	snop  }
0x111: {  	v1 =	vadd.f32 v63, v1  }
0x112: {  	s6 =	sand.u32 $0x3FFFFFF0, s6  }
0x113: {  	s5 =	sadd.s32 $0x800, s5;
	s21 =	sadd.s32 $0x800, s21;
	s20 =	sadd.s32 $0x800, s20;
	[tilespmem:s6+$0x19980] =	vst v1  }
0x114: {  	s5 =	simm.s32 $0x180  }
0x115: {  	[tilespmem:s22], [sflag:$0x3] =	stream.indirect.gather [hbm4b:s1+s16], $0x80, s5, s16, $0xb8;
	[tilespmem:$0x1A100] =	vst v63  }
0x116: {  	s20 =	simm.s32 $0x980  }
0x117: {  	[tilespmem:s23], [sflag:$0x3] =	stream.indirect.gather [hbm4b:s2+s16], $0x80, s20, s16, $0xb8;
	[tilespmem:$0x1A100] =	vst v63  }
0x118: {  	s21 =	simm.s32 $0x1180  }
0x119: {  	[tilespmem:s24], [sflag:$0x3] =	stream.indirect.gather [hbm4b:s1+s16], $0x80, s21, s16, $0xb8;
	[tilespmem:$0x1A100] =	vst v63  }
0x11a: {  	_ =	swait.ge [sflag:s25], $0x4000  }
0x11b: {  	[sflag:s25] =	ssyncset.done $0x0  }
0x11c: {  	[sflag:s25] =	ssyncadd.s32 $0xFFFFC000  }
0x11d: {  	_ =	swait.ge [sflag:s25], $0x4000  }
0x11e: {  	[sflag:s25] =	ssyncset.done $0x0  }
0x11f: {  	[sflag:s25] =	ssyncadd.s32 $0xFFFFC000  }
0x120: {  	_ =	swait.ge [sflag:s25], $0x4000  }
0x121: {  	s28 =	simm.s32 $0x0;
	s29 =	simm.s32 $0x1840;
	[sflag:s25] =	ssyncset.done $0x0  }
0x122: {  	s30 =	simm.s32 $0x5840;
	s13 =	simm.s32 $0x9840;
	[sflag:s25] =	ssyncadd.s32 $0xFFFFC000  }
.LBB2_10:
0x123: {  	v1 =	vld [tilespmem:s13+$0x20]  }
0x124: {  	v2 =	vld [tilespmem:s13+$0x10]  }
0x125: {  	v3 =	vld [tilespmem:s13+$0x0]  }
0x126: {  	v4 =	vld [tilespmem:s13+$0xFFFFFFF0]  }
0x127: {  	v5 =	vld [tilespmem:s13+$0xFFFFFFE0]  }
0x128: {  	v6 =	vld [tilespmem:s13+$0xFFFFFFC0]  }
0x129: {  	v7 =	vld [tilespmem:s29+$0xFFFFFFE0]  }
0x12a: {  	v8 =	vld [tilespmem:s30+$0xFFFFFFC0]  }
0x12b: {  	v9 =	vld [tilespmem:s29+$0xFFFFFFC0]  }
0x12c: {  	v10 =	vld [tilespmem:s29+$0xFFFFFFD0];
	s6 =	simm.s32 $0x1;
	s21 =	smov.u32 s30  }
0x12d: {  	v11 =	vld [tilespmem:s30+$0xFFFFFFD0];
	s20 =	smov.u32 s13;
	s5 =	smov.u32 s29;
	s14 =	simm.s32 $0x0  }
.LBB2_11:
0x12e: {  	p0 =	sne.s32 s6, $0xF;
	v12 =	vld [tilespmem:s21+$0xFFFFFFE0]  }
0x12f: {  	v13 =	vld [tilespmem:s20+$0xFFFFFFD0]  }
0x130: {  	v14 =	vld [tilespmem:s5+$0xFFFFFFF0]  }
0x131: {  	v15 =	vld [tilespmem:s21+$0xFFFFFFF0]  }
0x132: {  	v8 =	vmul.f32 v8, v9;
	v9 =	vmul.f32 v11, v10;
	v10 =	vld [tilespmem:s5+$0x0]  }
0x133: {  	v7 =	vmul.f32 v12, v7;
	v11 =	vld [tilespmem:s21+$0x0]  }
0x134: {  	v6 =	vmul.f32 v6, v8;
	v8 =	vmul.f32 v13, v9;
	v9 =	vld [tilespmem:s5+$0x10]  }
0x135: {  	v12 =	vld [tilespmem:s21+$0x10]  }
0x136: {  	v5 =	vmul.f32 v5, v7;
	v6 =	vadd.f32 v8, v6;
	v7 =	vmul.f32 v15, v14;
	v8 =	vld [tilespmem:s5+$0x20]  }
0x137: {  	v13 =	vld [tilespmem:s21+$0x20]  }
0x138: {  	v5 =	vadd.f32 v5, v6;
	v4 =	vmul.f32 v4, v7;
	v6 =	vmul.f32 v11, v10;
	v7 =	vld [tilespmem:s5+$0x30]  }
0x139: {  	v10 =	vld [tilespmem:s21+$0x30]  }
0x13a: {  	v4 =	vadd.f32 v4, v5;
	v3 =	vmul.f32 v3, v6;
	v5 =	vmul.f32 v12, v9  }
0x13b: {  	v6 =	vld [tilespmem:s20+$0x30]  }
0x13c: {  	v3 =	vadd.f32 v3, v4;
	v2 =	vmul.f32 v2, v5;
	v4 =	vmul.f32 v13, v8;
	_ =	sdelay $0x1  }
0x13d: {  	v2 =	vadd.f32 v2, v3;
	v1 =	vmul.f32 v1, v4;
	v3 =	vmul.f32 v10, v7  }
0x13e: {  	v4 =	vor.u32 s14, v0;
	s14 =	smov.u32 s6  }
0x13f: {  	v1 =	vadd.f32 v1, v2;
	v2 =	vmul.f32 v6, v3;
	_ =	sdelay $0x1  }
0x140: {  	v1 =	vadd.f32 v2, v1;
	_ =	sdelay $0x1  }
0x141: {  	s20 =	sadd.s32 $0x80, s20;
	[tilespmem:v4+s26+$0x0] =	vst.idx.msk $0xffff, v1  }
0x142: {  	v1 =	vld [tilespmem:s20+$0x20]  }
0x143: {  	v2 =	vld [tilespmem:s20+$0x10]  }
0x144: {  	v3 =	vld [tilespmem:s20+$0x0]  }
0x145: {  	v4 =	vld [tilespmem:s20+$0xFFFFFFF0]  }
0x146: {  	v5 =	vld [tilespmem:s20+$0xFFFFFFE0]  }
0x147: {  	s5 =	sadd.s32 $0x80, s5;
	v6 =	vld [tilespmem:s20+$0xFFFFFFC0]  }
.Ltmp4:
0x148: {  	s21 =	sadd.s32 $0x80, s21;
	v7 =	vld [tilespmem:s5+$0xFFFFFFE0];
	(pc) =	sbr.rel @p0 .LBB2_11-.Ltmp4, $4  }
0x149: {  	v8 =	vld [tilespmem:s21+$0xFFFFFFC0]  }
0x14a: {  	v9 =	vld [tilespmem:s5+$0xFFFFFFC0]  }
0x14b: {  	v10 =	vld [tilespmem:s5+$0xFFFFFFD0]  }
0x14c: {  	s6 =	sadd.s32 $0x1, s6;
	v11 =	vld [tilespmem:s21+$0xFFFFFFD0]  }
0x14d: {  	v12 =	vld [tilespmem:s21+$0xFFFFFFE0]  }
0x14e: {  	v13 =	vld [tilespmem:s20+$0xFFFFFFD0]  }
0x14f: {  	v14 =	vld [tilespmem:s5+$0xFFFFFFF0]  }
0x150: {  	v15 =	vld [tilespmem:s21+$0xFFFFFFF0];
	v8 =	vmul.f32 v8, v9  }
0x151: {  	v45 =	vld [tilespmem:s5+$0x0];
	v44 =	vmul.f32 v11, v10  }
0x152: {  	v46 =	vld [tilespmem:s21+$0x0];
	v6 =	vmul.f32 v6, v8  }
0x153: {  	v48 =	vld [tilespmem:s5+$0x10];
	v7 =	vmul.f32 v12, v7;
	v47 =	vmul.f32 v13, v44  }
0x154: {  	v49 =	vld [tilespmem:s21+$0x10]  }
0x155: {  	v51 =	vld [tilespmem:s5+$0x20];
	v50 =	vmul.f32 v15, v14;
	v5 =	vmul.f32 v5, v7;
	v6 =	vadd.f32 v47, v6  }
0x156: {  	v52 =	vld [tilespmem:s21+$0x20]  }
0x157: {  	v54 =	vld [tilespmem:s5+$0x30];
	v53 =	vmul.f32 v46, v45;
	v4 =	vmul.f32 v4, v50;
	v5 =	vadd.f32 v5, v6  }
0x158: {  	v55 =	vld [tilespmem:s21+$0x30]  }
0x159: {  	v56 =	vmul.f32 v49, v48;
	v3 =	vmul.f32 v3, v53;
	v4 =	vadd.f32 v4, v5  }
0x15a: {  	v57 =	vld [tilespmem:s20+$0x30]  }
0x15b: {  	v58 =	vmul.f32 v52, v51;
	v2 =	vmul.f32 v2, v56;
	v3 =	vadd.f32 v3, v4;
	_ =	sdelay $0x1  }
0x15c: {  	v1 =	vmul.f32 v1, v58;
	v2 =	vadd.f32 v2, v3;
	v3 =	vmul.f32 v55, v54  }
0x15d: {  	v59 =	vor.u32 s14, v0  }
0x15e: {  	v1 =	vadd.f32 v1, v2;
	v2 =	vmul.f32 v57, v3;
	_ =	sdelay $0x1  }
0x15f: {  	v1 =	vadd.f32 v2, v1;
	_ =	sdelay $0x1  }
0x160: {  	[tilespmem:v59+s26+$0x0] =	vst.idx.msk $0xffff, v1  }
0x161: {  	v1 =	vld [tilespmem:$0x19800]  }
0x162: {  	v2 =	vld [tilespmem:$0x19810];
	_ =	sdelay $0x1  }
0x163: {  	v3 =	vld [tilespmem:$0x19820];
	_ =	sdelay $0x1  }
0x164: {  	v4 =	vld [tilespmem:$0x19830]  }
0x165: {  	v1 =	vadd.f32 v2, v1  }
0x166: {  	v2 =	vld [tilespmem:$0x19840]  }
0x167: {  	v1 =	vadd.f32 v3, v1  }
0x168: {  	v3 =	vld [tilespmem:$0x19850]  }
0x169: {  	v1 =	vadd.f32 v4, v1  }
0x16a: {  	v60 =	vld [tilespmem:$0x19860]  }
0x16b: {  	v1 =	vadd.f32 v2, v1  }
0x16c: {  	v2 =	vld [tilespmem:$0x19870]  }
0x16d: {  	v1 =	vadd.f32 v3, v1  }
0x16e: {  	v3 =	vld [tilespmem:$0x19880]  }
0x16f: {  	v1 =	vadd.f32 v60, v1  }
0x170: {  	v61 =	vld [tilespmem:$0x19890]  }
0x171: {  	v1 =	vadd.f32 v2, v1  }
0x172: {  	v2 =	vld [tilespmem:$0x198A0]  }
0x173: {  	v1 =	vadd.f32 v3, v1  }
0x174: {  	v3 =	vld [tilespmem:$0x198B0]  }
0x175: {  	v1 =	vadd.f32 v61, v1  }
0x176: {  	v62 =	vld [tilespmem:$0x198C0]  }
0x177: {  	v1 =	vadd.f32 v2, v1  }
0x178: {  	v2 =	vld [tilespmem:$0x198D0]  }
0x179: {  	v1 =	vadd.f32 v3, v1  }
0x17a: {  	v3 =	vld [tilespmem:$0x198E0]  }
0x17b: {  	v1 =	vadd.f32 v62, v1  }
0x17c: {  	v63 =	vld [tilespmem:$0x198F0]  }
0x17d: {  	s21 =	sshll.u32 s28, $0x4;
	s28 =	sadd.s32 $0x1, s28;
	v1 =	vadd.f32 v2, v1  }
0x17e: {  	p0 =	sne.s32 s28, $0x8  }
.Ltmp5:
0x17f: {  	v1 =	vadd.f32 v3, v1;
	(pc) =	sbr.rel @p0 .LBB2_10-.Ltmp5, $4  }
0x180: {  	_ = 	snop  }
0x181: {  	v1 =	vadd.f32 v63, v1  }
0x182: {  	s5 =	sand.u32 $0x3FFFFFF0, s21  }
0x183: {  	s29 =	sadd.s32 $0x800, s29;
	s30 =	sadd.s32 $0x800, s30;
	s13 =	sadd.s32 $0x800, s13;
	[tilespmem:s5+$0x19A00] =	vst v1  }
0x184: {  	s5 =	simm.s32 $0x200  }
0x185: {  	[tilespmem:s17], [sflag:$0x2] =	stream.indirect.gather [hbm4b:s1+s16], $0x80, s5, s16, $0xb8;
	[tilespmem:$0x1A100] =	vst v63  }
0x186: {  	s20 =	simm.s32 $0xA00  }
0x187: {  	[tilespmem:s18], [sflag:$0x2] =	stream.indirect.gather [hbm4b:s2+s16], $0x80, s20, s16, $0xb8;
	[tilespmem:$0x1A100] =	vst v63  }
0x188: {  	s21 =	simm.s32 $0x1200  }
0x189: {  	[tilespmem:s19], [sflag:$0x2] =	stream.indirect.gather [hbm4b:s1+s16], $0x80, s21, s16, $0xb8;
	[tilespmem:$0x1A100] =	vst v63  }
0x18a: {  	_ =	swait.ge [sflag:s31], $0x4000  }
0x18b: {  	[sflag:s31] =	ssyncset.done $0x0  }
0x18c: {  	[sflag:s31] =	ssyncadd.s32 $0xFFFFC000  }
0x18d: {  	_ =	swait.ge [sflag:s31], $0x4000  }
0x18e: {  	[sflag:s31] =	ssyncset.done $0x0  }
0x18f: {  	[sflag:s31] =	ssyncadd.s32 $0xFFFFC000  }
0x190: {  	_ =	swait.ge [sflag:s31], $0x4000  }
0x191: {  	s28 =	simm.s32 $0x0;
	s29 =	simm.s32 $0xD840;
	[sflag:s31] =	ssyncset.done $0x0  }
0x192: {  	s30 =	simm.s32 $0x11840;
	s13 =	simm.s32 $0x15840;
	[sflag:s31] =	ssyncadd.s32 $0xFFFFC000  }
.LBB2_14:
0x193: {  	v1 =	vld [tilespmem:s13+$0x20]  }
0x194: {  	v2 =	vld [tilespmem:s13+$0x10]  }
0x195: {  	v3 =	vld [tilespmem:s13+$0x0]  }
0x196: {  	v4 =	vld [tilespmem:s13+$0xFFFFFFF0]  }
0x197: {  	v5 =	vld [tilespmem:s13+$0xFFFFFFE0]  }
0x198: {  	v6 =	vld [tilespmem:s13+$0xFFFFFFC0]  }
0x199: {  	v7 =	vld [tilespmem:s29+$0xFFFFFFE0]  }
0x19a: {  	v8 =	vld [tilespmem:s30+$0xFFFFFFC0]  }
0x19b: {  	v9 =	vld [tilespmem:s29+$0xFFFFFFC0]  }
0x19c: {  	v10 =	vld [tilespmem:s29+$0xFFFFFFD0];
	s6 =	simm.s32 $0x1;
	s21 =	smov.u32 s30  }
0x19d: {  	v11 =	vld [tilespmem:s30+$0xFFFFFFD0];
	s20 =	smov.u32 s13;
	s5 =	smov.u32 s29;
	s14 =	simm.s32 $0x0  }
.LBB2_15:
0x19e: {  	p0 =	sne.s32 s6, $0xF;
	v12 =	vld [tilespmem:s21+$0xFFFFFFE0]  }
0x19f: {  	v13 =	vld [tilespmem:s20+$0xFFFFFFD0]  }
0x1a0: {  	v14 =	vld [tilespmem:s5+$0xFFFFFFF0]  }
0x1a1: {  	v15 =	vld [tilespmem:s21+$0xFFFFFFF0]  }
0x1a2: {  	v8 =	vmul.f32 v8, v9;
	v9 =	vmul.f32 v11, v10;
	v10 =	vld [tilespmem:s5+$0x0]  }
0x1a3: {  	v7 =	vmul.f32 v12, v7;
	v11 =	vld [tilespmem:s21+$0x0]  }
0x1a4: {  	v6 =	vmul.f32 v6, v8;
	v8 =	vmul.f32 v13, v9;
	v9 =	vld [tilespmem:s5+$0x10]  }
0x1a5: {  	v12 =	vld [tilespmem:s21+$0x10]  }
0x1a6: {  	v5 =	vmul.f32 v5, v7;
	v6 =	vadd.f32 v8, v6;
	v7 =	vmul.f32 v15, v14;
	v8 =	vld [tilespmem:s5+$0x20]  }
0x1a7: {  	v13 =	vld [tilespmem:s21+$0x20]  }
0x1a8: {  	v5 =	vadd.f32 v5, v6;
	v4 =	vmul.f32 v4, v7;
	v6 =	vmul.f32 v11, v10;
	v7 =	vld [tilespmem:s5+$0x30]  }
0x1a9: {  	v10 =	vld [tilespmem:s21+$0x30]  }
0x1aa: {  	v4 =	vadd.f32 v4, v5;
	v3 =	vmul.f32 v3, v6;
	v5 =	vmul.f32 v12, v9  }
0x1ab: {  	v6 =	vld [tilespmem:s20+$0x30]  }
0x1ac: {  	v3 =	vadd.f32 v3, v4;
	v2 =	vmul.f32 v2, v5;
	v4 =	vmul.f32 v13, v8;
	_ =	sdelay $0x1  }
0x1ad: {  	v2 =	vadd.f32 v2, v3;
	v1 =	vmul.f32 v1, v4;
	v3 =	vmul.f32 v10, v7  }
0x1ae: {  	v4 =	vor.u32 s14, v0;
	s14 =	smov.u32 s6  }
0x1af: {  	v1 =	vadd.f32 v1, v2;
	v2 =	vmul.f32 v6, v3;
	_ =	sdelay $0x1  }
0x1b0: {  	v1 =	vadd.f32 v2, v1;
	_ =	sdelay $0x1  }
0x1b1: {  	s20 =	sadd.s32 $0x80, s20;
	[tilespmem:v4+s26+$0x0] =	vst.idx.msk $0xffff, v1  }
0x1b2: {  	v1 =	vld [tilespmem:s20+$0x20]  }
0x1b3: {  	v2 =	vld [tilespmem:s20+$0x10]  }
0x1b4: {  	v3 =	vld [tilespmem:s20+$0x0]  }
0x1b5: {  	v4 =	vld [tilespmem:s20+$0xFFFFFFF0]  }
0x1b6: {  	v5 =	vld [tilespmem:s20+$0xFFFFFFE0]  }
0x1b7: {  	s5 =	sadd.s32 $0x80, s5;
	v6 =	vld [tilespmem:s20+$0xFFFFFFC0]  }
.Ltmp6:
0x1b8: {  	s21 =	sadd.s32 $0x80, s21;
	v7 =	vld [tilespmem:s5+$0xFFFFFFE0];
	(pc) =	sbr.rel @p0 .LBB2_15-.Ltmp6, $4  }
0x1b9: {  	v8 =	vld [tilespmem:s21+$0xFFFFFFC0]  }
0x1ba: {  	v9 =	vld [tilespmem:s5+$0xFFFFFFC0]  }
0x1bb: {  	v10 =	vld [tilespmem:s5+$0xFFFFFFD0]  }
0x1bc: {  	s6 =	sadd.s32 $0x1, s6;
	v11 =	vld [tilespmem:s21+$0xFFFFFFD0]  }
0x1bd: {  	v12 =	vld [tilespmem:s21+$0xFFFFFFE0]  }
0x1be: {  	v13 =	vld [tilespmem:s20+$0xFFFFFFD0]  }
0x1bf: {  	v14 =	vld [tilespmem:s5+$0xFFFFFFF0]  }
0x1c0: {  	v15 =	vld [tilespmem:s21+$0xFFFFFFF0];
	v8 =	vmul.f32 v8, v9  }
0x1c1: {  	v45 =	vld [tilespmem:s5+$0x0];
	v44 =	vmul.f32 v11, v10  }
0x1c2: {  	v46 =	vld [tilespmem:s21+$0x0];
	v6 =	vmul.f32 v6, v8  }
0x1c3: {  	v48 =	vld [tilespmem:s5+$0x10];
	v7 =	vmul.f32 v12, v7;
	v47 =	vmul.f32 v13, v44  }
0x1c4: {  	v49 =	vld [tilespmem:s21+$0x10]  }
0x1c5: {  	v51 =	vld [tilespmem:s5+$0x20];
	v50 =	vmul.f32 v15, v14;
	v5 =	vmul.f32 v5, v7;
	v6 =	vadd.f32 v47, v6  }
0x1c6: {  	v52 =	vld [tilespmem:s21+$0x20]  }
0x1c7: {  	v54 =	vld [tilespmem:s5+$0x30];
	v53 =	vmul.f32 v46, v45;
	v4 =	vmul.f32 v4, v50;
	v5 =	vadd.f32 v5, v6  }
0x1c8: {  	v55 =	vld [tilespmem:s21+$0x30]  }
0x1c9: {  	v56 =	vmul.f32 v49, v48;
	v3 =	vmul.f32 v3, v53;
	v4 =	vadd.f32 v4, v5  }
0x1ca: {  	v57 =	vld [tilespmem:s20+$0x30]  }
0x1cb: {  	v58 =	vmul.f32 v52, v51;
	v2 =	vmul.f32 v2, v56;
	v3 =	vadd.f32 v3, v4;
	_ =	sdelay $0x1  }
0x1cc: {  	v1 =	vmul.f32 v1, v58;
	v2 =	vadd.f32 v2, v3;
	v3 =	vmul.f32 v55, v54  }
0x1cd: {  	v59 =	vor.u32 s14, v0  }
0x1ce: {  	v1 =	vadd.f32 v1, v2;
	v2 =	vmul.f32 v57, v3;
	_ =	sdelay $0x1  }
0x1cf: {  	v1 =	vadd.f32 v2, v1;
	_ =	sdelay $0x1  }
0x1d0: {  	[tilespmem:v59+s26+$0x0] =	vst.idx.msk $0xffff, v1  }
0x1d1: {  	v1 =	vld [tilespmem:$0x19800]  }
0x1d2: {  	v2 =	vld [tilespmem:$0x19810];
	_ =	sdelay $0x1  }
0x1d3: {  	v3 =	vld [tilespmem:$0x19820];
	_ =	sdelay $0x1  }
0x1d4: {  	v4 =	vld [tilespmem:$0x19830]  }
0x1d5: {  	v1 =	vadd.f32 v2, v1  }
0x1d6: {  	v2 =	vld [tilespmem:$0x19840]  }
0x1d7: {  	v1 =	vadd.f32 v3, v1  }
0x1d8: {  	v3 =	vld [tilespmem:$0x19850]  }
0x1d9: {  	v1 =	vadd.f32 v4, v1  }
0x1da: {  	v60 =	vld [tilespmem:$0x19860]  }
0x1db: {  	v1 =	vadd.f32 v2, v1  }
0x1dc: {  	v2 =	vld [tilespmem:$0x19870]  }
0x1dd: {  	v1 =	vadd.f32 v3, v1  }
0x1de: {  	v3 =	vld [tilespmem:$0x19880]  }
0x1df: {  	v1 =	vadd.f32 v60, v1  }
0x1e0: {  	v61 =	vld [tilespmem:$0x19890]  }
0x1e1: {  	v1 =	vadd.f32 v2, v1  }
0x1e2: {  	v2 =	vld [tilespmem:$0x198A0]  }
0x1e3: {  	v1 =	vadd.f32 v3, v1  }
0x1e4: {  	v3 =	vld [tilespmem:$0x198B0]  }
0x1e5: {  	v1 =	vadd.f32 v61, v1  }
0x1e6: {  	v62 =	vld [tilespmem:$0x198C0]  }
0x1e7: {  	v1 =	vadd.f32 v2, v1  }
0x1e8: {  	v2 =	vld [tilespmem:$0x198D0]  }
0x1e9: {  	v1 =	vadd.f32 v3, v1  }
0x1ea: {  	v3 =	vld [tilespmem:$0x198E0]  }
0x1eb: {  	v1 =	vadd.f32 v62, v1  }
0x1ec: {  	v63 =	vld [tilespmem:$0x198F0]  }
0x1ed: {  	s21 =	sshll.u32 s28, $0x4;
	s28 =	sadd.s32 $0x1, s28;
	v1 =	vadd.f32 v2, v1  }
0x1ee: {  	p0 =	sne.s32 s28, $0x8  }
.Ltmp7:
0x1ef: {  	v1 =	vadd.f32 v3, v1;
	(pc) =	sbr.rel @p0 .LBB2_14-.Ltmp7, $4  }
0x1f0: {  	_ = 	snop  }
0x1f1: {  	v1 =	vadd.f32 v63, v1  }
0x1f2: {  	s5 =	sand.u32 $0x3FFFFFF0, s21  }
0x1f3: {  	s29 =	sadd.s32 $0x800, s29;
	s30 =	sadd.s32 $0x800, s30;
	s13 =	sadd.s32 $0x800, s13;
	[tilespmem:s5+$0x19A80] =	vst v1  }
0x1f4: {  	s5 =	simm.s32 $0x280  }
0x1f5: {  	[tilespmem:s22], [sflag:$0x3] =	stream.indirect.gather [hbm4b:s1+s16], $0x80, s5, s16, $0xb8;
	[tilespmem:$0x1A100] =	vst v63  }
0x1f6: {  	s20 =	simm.s32 $0xA80  }
0x1f7: {  	[tilespmem:s23], [sflag:$0x3] =	stream.indirect.gather [hbm4b:s2+s16], $0x80, s20, s16, $0xb8;
	[tilespmem:$0x1A100] =	vst v63  }
0x1f8: {  	s21 =	simm.s32 $0x1280  }
0x1f9: {  	[tilespmem:s24], [sflag:$0x3] =	stream.indirect.gather [hbm4b:s1+s16], $0x80, s21, s16, $0xb8;
	[tilespmem:$0x1A100] =	vst v63  }
0x1fa: {  	_ =	swait.ge [sflag:s25], $0x4000  }
0x1fb: {  	[sflag:s25] =	ssyncset.done $0x0  }
0x1fc: {  	[sflag:s25] =	ssyncadd.s32 $0xFFFFC000  }
0x1fd: {  	_ =	swait.ge [sflag:s25], $0x4000  }
0x1fe: {  	[sflag:s25] =	ssyncset.done $0x0  }
0x1ff: {  	[sflag:s25] =	ssyncadd.s32 $0xFFFFC000  }
0x200: {  	_ =	swait.ge [sflag:s25], $0x4000  }
0x201: {  	s28 =	simm.s32 $0x0;
	s29 =	simm.s32 $0x1840;
	[sflag:s25] =	ssyncset.done $0x0  }
0x202: {  	s30 =	simm.s32 $0x5840;
	s13 =	simm.s32 $0x9840;
	[sflag:s25] =	ssyncadd.s32 $0xFFFFC000  }
.LBB2_18:
0x203: {  	v1 =	vld [tilespmem:s13+$0x20]  }
0x204: {  	v2 =	vld [tilespmem:s13+$0x10]  }
0x205: {  	v3 =	vld [tilespmem:s13+$0x0]  }
0x206: {  	v4 =	vld [tilespmem:s13+$0xFFFFFFF0]  }
0x207: {  	v5 =	vld [tilespmem:s13+$0xFFFFFFE0]  }
0x208: {  	v6 =	vld [tilespmem:s13+$0xFFFFFFC0]  }
0x209: {  	v7 =	vld [tilespmem:s29+$0xFFFFFFE0]  }
0x20a: {  	v8 =	vld [tilespmem:s30+$0xFFFFFFC0]  }
0x20b: {  	v9 =	vld [tilespmem:s29+$0xFFFFFFC0]  }
0x20c: {  	v10 =	vld [tilespmem:s29+$0xFFFFFFD0];
	s6 =	simm.s32 $0x1;
	s21 =	smov.u32 s30  }
0x20d: {  	v11 =	vld [tilespmem:s30+$0xFFFFFFD0];
	s20 =	smov.u32 s13;
	s5 =	smov.u32 s29;
	s14 =	simm.s32 $0x0  }
.LBB2_19:
0x20e: {  	p0 =	sne.s32 s6, $0xF;
	v12 =	vld [tilespmem:s21+$0xFFFFFFE0]  }
0x20f: {  	v13 =	vld [tilespmem:s20+$0xFFFFFFD0]  }
0x210: {  	v14 =	vld [tilespmem:s5+$0xFFFFFFF0]  }
0x211: {  	v15 =	vld [tilespmem:s21+$0xFFFFFFF0]  }
0x212: {  	v8 =	vmul.f32 v8, v9;
	v9 =	vmul.f32 v11, v10;
	v10 =	vld [tilespmem:s5+$0x0]  }
0x213: {  	v7 =	vmul.f32 v12, v7;
	v11 =	vld [tilespmem:s21+$0x0]  }
0x214: {  	v6 =	vmul.f32 v6, v8;
	v8 =	vmul.f32 v13, v9;
	v9 =	vld [tilespmem:s5+$0x10]  }
0x215: {  	v12 =	vld [tilespmem:s21+$0x10]  }
0x216: {  	v5 =	vmul.f32 v5, v7;
	v6 =	vadd.f32 v8, v6;
	v7 =	vmul.f32 v15, v14;
	v8 =	vld [tilespmem:s5+$0x20]  }
0x217: {  	v13 =	vld [tilespmem:s21+$0x20]  }
0x218: {  	v5 =	vadd.f32 v5, v6;
	v4 =	vmul.f32 v4, v7;
	v6 =	vmul.f32 v11, v10;
	v7 =	vld [tilespmem:s5+$0x30]  }
0x219: {  	v10 =	vld [tilespmem:s21+$0x30]  }
0x21a: {  	v4 =	vadd.f32 v4, v5;
	v3 =	vmul.f32 v3, v6;
	v5 =	vmul.f32 v12, v9  }
0x21b: {  	v6 =	vld [tilespmem:s20+$0x30]  }
0x21c: {  	v3 =	vadd.f32 v3, v4;
	v2 =	vmul.f32 v2, v5;
	v4 =	vmul.f32 v13, v8;
	_ =	sdelay $0x1  }
0x21d: {  	v2 =	vadd.f32 v2, v3;
	v1 =	vmul.f32 v1, v4;
	v3 =	vmul.f32 v10, v7  }
0x21e: {  	v4 =	vor.u32 s14, v0;
	s14 =	smov.u32 s6  }
0x21f: {  	v1 =	vadd.f32 v1, v2;
	v2 =	vmul.f32 v6, v3;
	_ =	sdelay $0x1  }
0x220: {  	v1 =	vadd.f32 v2, v1;
	_ =	sdelay $0x1  }
0x221: {  	s20 =	sadd.s32 $0x80, s20;
	[tilespmem:v4+s26+$0x0] =	vst.idx.msk $0xffff, v1  }
0x222: {  	v1 =	vld [tilespmem:s20+$0x20]  }
0x223: {  	v2 =	vld [tilespmem:s20+$0x10]  }
0x224: {  	v3 =	vld [tilespmem:s20+$0x0]  }
0x225: {  	v4 =	vld [tilespmem:s20+$0xFFFFFFF0]  }
0x226: {  	v5 =	vld [tilespmem:s20+$0xFFFFFFE0]  }
0x227: {  	s5 =	sadd.s32 $0x80, s5;
	v6 =	vld [tilespmem:s20+$0xFFFFFFC0]  }
.Ltmp8:
0x228: {  	s21 =	sadd.s32 $0x80, s21;
	v7 =	vld [tilespmem:s5+$0xFFFFFFE0];
	(pc) =	sbr.rel @p0 .LBB2_19-.Ltmp8, $4  }
0x229: {  	v8 =	vld [tilespmem:s21+$0xFFFFFFC0]  }
0x22a: {  	v9 =	vld [tilespmem:s5+$0xFFFFFFC0]  }
0x22b: {  	v10 =	vld [tilespmem:s5+$0xFFFFFFD0]  }
0x22c: {  	s6 =	sadd.s32 $0x1, s6;
	v11 =	vld [tilespmem:s21+$0xFFFFFFD0]  }
0x22d: {  	v12 =	vld [tilespmem:s21+$0xFFFFFFE0]  }
0x22e: {  	v13 =	vld [tilespmem:s20+$0xFFFFFFD0]  }
0x22f: {  	v14 =	vld [tilespmem:s5+$0xFFFFFFF0]  }
0x230: {  	v15 =	vld [tilespmem:s21+$0xFFFFFFF0];
	v8 =	vmul.f32 v8, v9  }
0x231: {  	v45 =	vld [tilespmem:s5+$0x0];
	v44 =	vmul.f32 v11, v10  }
0x232: {  	v46 =	vld [tilespmem:s21+$0x0];
	v6 =	vmul.f32 v6, v8  }
0x233: {  	v48 =	vld [tilespmem:s5+$0x10];
	v7 =	vmul.f32 v12, v7;
	v47 =	vmul.f32 v13, v44  }
0x234: {  	v49 =	vld [tilespmem:s21+$0x10]  }
0x235: {  	v51 =	vld [tilespmem:s5+$0x20];
	v50 =	vmul.f32 v15, v14;
	v5 =	vmul.f32 v5, v7;
	v6 =	vadd.f32 v47, v6  }
0x236: {  	v52 =	vld [tilespmem:s21+$0x20]  }
0x237: {  	v54 =	vld [tilespmem:s5+$0x30];
	v53 =	vmul.f32 v46, v45;
	v4 =	vmul.f32 v4, v50;
	v5 =	vadd.f32 v5, v6  }
0x238: {  	v55 =	vld [tilespmem:s21+$0x30]  }
0x239: {  	v56 =	vmul.f32 v49, v48;
	v3 =	vmul.f32 v3, v53;
	v4 =	vadd.f32 v4, v5  }
0x23a: {  	v57 =	vld [tilespmem:s20+$0x30]  }
0x23b: {  	v58 =	vmul.f32 v52, v51;
	v2 =	vmul.f32 v2, v56;
	v3 =	vadd.f32 v3, v4;
	_ =	sdelay $0x1  }
0x23c: {  	v1 =	vmul.f32 v1, v58;
	v2 =	vadd.f32 v2, v3;
	v3 =	vmul.f32 v55, v54  }
0x23d: {  	v59 =	vor.u32 s14, v0  }
0x23e: {  	v1 =	vadd.f32 v1, v2;
	v2 =	vmul.f32 v57, v3;
	_ =	sdelay $0x1  }
0x23f: {  	v1 =	vadd.f32 v2, v1;
	_ =	sdelay $0x1  }
0x240: {  	[tilespmem:v59+s26+$0x0] =	vst.idx.msk $0xffff, v1  }
0x241: {  	v1 =	vld [tilespmem:$0x19800]  }
0x242: {  	v2 =	vld [tilespmem:$0x19810];
	_ =	sdelay $0x1  }
0x243: {  	v3 =	vld [tilespmem:$0x19820];
	_ =	sdelay $0x1  }
0x244: {  	v4 =	vld [tilespmem:$0x19830]  }
0x245: {  	v1 =	vadd.f32 v2, v1  }
0x246: {  	v2 =	vld [tilespmem:$0x19840]  }
0x247: {  	v1 =	vadd.f32 v3, v1  }
0x248: {  	v3 =	vld [tilespmem:$0x19850]  }
0x249: {  	v1 =	vadd.f32 v4, v1  }
0x24a: {  	v60 =	vld [tilespmem:$0x19860]  }
0x24b: {  	v1 =	vadd.f32 v2, v1  }
0x24c: {  	v2 =	vld [tilespmem:$0x19870]  }
0x24d: {  	v1 =	vadd.f32 v3, v1  }
0x24e: {  	v3 =	vld [tilespmem:$0x19880]  }
0x24f: {  	v1 =	vadd.f32 v60, v1  }
0x250: {  	v61 =	vld [tilespmem:$0x19890]  }
0x251: {  	v1 =	vadd.f32 v2, v1  }
0x252: {  	v2 =	vld [tilespmem:$0x198A0]  }
0x253: {  	v1 =	vadd.f32 v3, v1  }
0x254: {  	v3 =	vld [tilespmem:$0x198B0]  }
0x255: {  	v1 =	vadd.f32 v61, v1  }
0x256: {  	v62 =	vld [tilespmem:$0x198C0]  }
0x257: {  	v1 =	vadd.f32 v2, v1  }
0x258: {  	v2 =	vld [tilespmem:$0x198D0]  }
0x259: {  	v1 =	vadd.f32 v3, v1  }
0x25a: {  	v3 =	vld [tilespmem:$0x198E0]  }
0x25b: {  	v1 =	vadd.f32 v62, v1  }
0x25c: {  	v63 =	vld [tilespmem:$0x198F0]  }
0x25d: {  	s21 =	sshll.u32 s28, $0x4;
	s28 =	sadd.s32 $0x1, s28;
	v1 =	vadd.f32 v2, v1  }
0x25e: {  	p0 =	sne.s32 s28, $0x8  }
.Ltmp9:
0x25f: {  	v1 =	vadd.f32 v3, v1;
	(pc) =	sbr.rel @p0 .LBB2_18-.Ltmp9, $4  }
0x260: {  	_ = 	snop  }
0x261: {  	v1 =	vadd.f32 v63, v1  }
0x262: {  	s5 =	sand.u32 $0x3FFFFFF0, s21  }
0x263: {  	s29 =	sadd.s32 $0x800, s29;
	s30 =	sadd.s32 $0x800, s30;
	s13 =	sadd.s32 $0x800, s13;
	[tilespmem:s5+$0x19B00] =	vst v1  }
0x264: {  	s5 =	simm.s32 $0x300  }
0x265: {  	[tilespmem:s17], [sflag:$0x2] =	stream.indirect.gather [hbm4b:s1+s16], $0x80, s5, s16, $0xb8;
	[tilespmem:$0x1A100] =	vst v63  }
0x266: {  	s20 =	simm.s32 $0xB00  }
0x267: {  	[tilespmem:s18], [sflag:$0x2] =	stream.indirect.gather [hbm4b:s2+s16], $0x80, s20, s16, $0xb8;
	[tilespmem:$0x1A100] =	vst v63  }
0x268: {  	s21 =	simm.s32 $0x1300  }
0x269: {  	[tilespmem:s19], [sflag:$0x2] =	stream.indirect.gather [hbm4b:s1+s16], $0x80, s21, s16, $0xb8;
	[tilespmem:$0x1A100] =	vst v63  }
0x26a: {  	_ =	swait.ge [sflag:s31], $0x4000  }
0x26b: {  	[sflag:s31] =	ssyncset.done $0x0  }
0x26c: {  	[sflag:s31] =	ssyncadd.s32 $0xFFFFC000  }
0x26d: {  	_ =	swait.ge [sflag:s31], $0x4000  }
0x26e: {  	[sflag:s31] =	ssyncset.done $0x0  }
0x26f: {  	[sflag:s31] =	ssyncadd.s32 $0xFFFFC000  }
0x270: {  	_ =	swait.ge [sflag:s31], $0x4000  }
0x271: {  	s28 =	simm.s32 $0x0;
	s29 =	simm.s32 $0xD840;
	[sflag:s31] =	ssyncset.done $0x0  }
0x272: {  	s30 =	simm.s32 $0x11840;
	s13 =	simm.s32 $0x15840;
	[sflag:s31] =	ssyncadd.s32 $0xFFFFC000  }
.LBB2_22:
0x273: {  	v1 =	vld [tilespmem:s13+$0x20]  }
0x274: {  	v2 =	vld [tilespmem:s13+$0x10]  }
0x275: {  	v3 =	vld [tilespmem:s13+$0x0]  }
0x276: {  	v4 =	vld [tilespmem:s13+$0xFFFFFFF0]  }
0x277: {  	v5 =	vld [tilespmem:s13+$0xFFFFFFE0]  }
0x278: {  	v6 =	vld [tilespmem:s13+$0xFFFFFFC0]  }
0x279: {  	v7 =	vld [tilespmem:s29+$0xFFFFFFE0]  }
0x27a: {  	v8 =	vld [tilespmem:s30+$0xFFFFFFC0]  }
0x27b: {  	v9 =	vld [tilespmem:s29+$0xFFFFFFC0]  }
0x27c: {  	v10 =	vld [tilespmem:s29+$0xFFFFFFD0];
	s6 =	simm.s32 $0x1;
	s21 =	smov.u32 s30  }
0x27d: {  	v11 =	vld [tilespmem:s30+$0xFFFFFFD0];
	s20 =	smov.u32 s13;
	s5 =	smov.u32 s29;
	s14 =	simm.s32 $0x0  }
.LBB2_23:
0x27e: {  	p0 =	sne.s32 s6, $0xF;
	v12 =	vld [tilespmem:s21+$0xFFFFFFE0]  }
0x27f: {  	v13 =	vld [tilespmem:s20+$0xFFFFFFD0]  }
0x280: {  	v14 =	vld [tilespmem:s5+$0xFFFFFFF0]  }
0x281: {  	v15 =	vld [tilespmem:s21+$0xFFFFFFF0]  }
0x282: {  	v8 =	vmul.f32 v8, v9;
	v9 =	vmul.f32 v11, v10;
	v10 =	vld [tilespmem:s5+$0x0]  }
0x283: {  	v7 =	vmul.f32 v12, v7;
	v11 =	vld [tilespmem:s21+$0x0]  }
0x284: {  	v6 =	vmul.f32 v6, v8;
	v8 =	vmul.f32 v13, v9;
	v9 =	vld [tilespmem:s5+$0x10]  }
0x285: {  	v12 =	vld [tilespmem:s21+$0x10]  }
0x286: {  	v5 =	vmul.f32 v5, v7;
	v6 =	vadd.f32 v8, v6;
	v7 =	vmul.f32 v15, v14;
	v8 =	vld [tilespmem:s5+$0x20]  }
0x287: {  	v13 =	vld [tilespmem:s21+$0x20]  }
0x288: {  	v5 =	vadd.f32 v5, v6;
	v4 =	vmul.f32 v4, v7;
	v6 =	vmul.f32 v11, v10;
	v7 =	vld [tilespmem:s5+$0x30]  }
0x289: {  	v10 =	vld [tilespmem:s21+$0x30]  }
0x28a: {  	v4 =	vadd.f32 v4, v5;
	v3 =	vmul.f32 v3, v6;
	v5 =	vmul.f32 v12, v9  }
0x28b: {  	v6 =	vld [tilespmem:s20+$0x30]  }
0x28c: {  	v3 =	vadd.f32 v3, v4;
	v2 =	vmul.f32 v2, v5;
	v4 =	vmul.f32 v13, v8;
	_ =	sdelay $0x1  }
0x28d: {  	v2 =	vadd.f32 v2, v3;
	v1 =	vmul.f32 v1, v4;
	v3 =	vmul.f32 v10, v7  }
0x28e: {  	v4 =	vor.u32 s14, v0;
	s14 =	smov.u32 s6  }
0x28f: {  	v1 =	vadd.f32 v1, v2;
	v2 =	vmul.f32 v6, v3;
	_ =	sdelay $0x1  }
0x290: {  	v1 =	vadd.f32 v2, v1;
	_ =	sdelay $0x1  }
0x291: {  	s20 =	sadd.s32 $0x80, s20;
	[tilespmem:v4+s26+$0x0] =	vst.idx.msk $0xffff, v1  }
0x292: {  	v1 =	vld [tilespmem:s20+$0x20]  }
0x293: {  	v2 =	vld [tilespmem:s20+$0x10]  }
0x294: {  	v3 =	vld [tilespmem:s20+$0x0]  }
0x295: {  	v4 =	vld [tilespmem:s20+$0xFFFFFFF0]  }
0x296: {  	v5 =	vld [tilespmem:s20+$0xFFFFFFE0]  }
0x297: {  	s5 =	sadd.s32 $0x80, s5;
	v6 =	vld [tilespmem:s20+$0xFFFFFFC0]  }
.Ltmp10:
0x298: {  	s21 =	sadd.s32 $0x80, s21;
	v7 =	vld [tilespmem:s5+$0xFFFFFFE0];
	(pc) =	sbr.rel @p0 .LBB2_23-.Ltmp10, $4  }
0x299: {  	v8 =	vld [tilespmem:s21+$0xFFFFFFC0]  }
0x29a: {  	v9 =	vld [tilespmem:s5+$0xFFFFFFC0]  }
0x29b: {  	v10 =	vld [tilespmem:s5+$0xFFFFFFD0]  }
0x29c: {  	s6 =	sadd.s32 $0x1, s6;
	v11 =	vld [tilespmem:s21+$0xFFFFFFD0]  }
0x29d: {  	v12 =	vld [tilespmem:s21+$0xFFFFFFE0]  }
0x29e: {  	v13 =	vld [tilespmem:s20+$0xFFFFFFD0]  }
0x29f: {  	v14 =	vld [tilespmem:s5+$0xFFFFFFF0]  }
0x2a0: {  	v15 =	vld [tilespmem:s21+$0xFFFFFFF0];
	v8 =	vmul.f32 v8, v9  }
0x2a1: {  	v45 =	vld [tilespmem:s5+$0x0];
	v44 =	vmul.f32 v11, v10  }
0x2a2: {  	v46 =	vld [tilespmem:s21+$0x0];
	v6 =	vmul.f32 v6, v8  }
0x2a3: {  	v48 =	vld [tilespmem:s5+$0x10];
	v7 =	vmul.f32 v12, v7;
	v47 =	vmul.f32 v13, v44  }
0x2a4: {  	v49 =	vld [tilespmem:s21+$0x10]  }
0x2a5: {  	v51 =	vld [tilespmem:s5+$0x20];
	v50 =	vmul.f32 v15, v14;
	v5 =	vmul.f32 v5, v7;
	v6 =	vadd.f32 v47, v6  }
0x2a6: {  	v52 =	vld [tilespmem:s21+$0x20]  }
0x2a7: {  	v54 =	vld [tilespmem:s5+$0x30];
	v53 =	vmul.f32 v46, v45;
	v4 =	vmul.f32 v4, v50;
	v5 =	vadd.f32 v5, v6  }
0x2a8: {  	v55 =	vld [tilespmem:s21+$0x30]  }
0x2a9: {  	v56 =	vmul.f32 v49, v48;
	v3 =	vmul.f32 v3, v53;
	v4 =	vadd.f32 v4, v5  }
0x2aa: {  	v57 =	vld [tilespmem:s20+$0x30]  }
0x2ab: {  	v58 =	vmul.f32 v52, v51;
	v2 =	vmul.f32 v2, v56;
	v3 =	vadd.f32 v3, v4;
	_ =	sdelay $0x1  }
0x2ac: {  	v1 =	vmul.f32 v1, v58;
	v2 =	vadd.f32 v2, v3;
	v3 =	vmul.f32 v55, v54  }
0x2ad: {  	v59 =	vor.u32 s14, v0  }
0x2ae: {  	v1 =	vadd.f32 v1, v2;
	v2 =	vmul.f32 v57, v3;
	_ =	sdelay $0x1  }
0x2af: {  	v1 =	vadd.f32 v2, v1;
	_ =	sdelay $0x1  }
0x2b0: {  	[tilespmem:v59+s26+$0x0] =	vst.idx.msk $0xffff, v1  }
0x2b1: {  	v1 =	vld [tilespmem:$0x19800]  }
0x2b2: {  	v2 =	vld [tilespmem:$0x19810];
	_ =	sdelay $0x1  }
0x2b3: {  	v3 =	vld [tilespmem:$0x19820];
	_ =	sdelay $0x1  }
0x2b4: {  	v4 =	vld [tilespmem:$0x19830]  }
0x2b5: {  	v1 =	vadd.f32 v2, v1  }
0x2b6: {  	v2 =	vld [tilespmem:$0x19840]  }
0x2b7: {  	v1 =	vadd.f32 v3, v1  }
0x2b8: {  	v3 =	vld [tilespmem:$0x19850]  }
0x2b9: {  	v1 =	vadd.f32 v4, v1  }
0x2ba: {  	v60 =	vld [tilespmem:$0x19860]  }
0x2bb: {  	v1 =	vadd.f32 v2, v1  }
0x2bc: {  	v2 =	vld [tilespmem:$0x19870]  }
0x2bd: {  	v1 =	vadd.f32 v3, v1  }
0x2be: {  	v3 =	vld [tilespmem:$0x19880]  }
0x2bf: {  	v1 =	vadd.f32 v60, v1  }
0x2c0: {  	v61 =	vld [tilespmem:$0x19890]  }
0x2c1: {  	v1 =	vadd.f32 v2, v1  }
0x2c2: {  	v2 =	vld [tilespmem:$0x198A0]  }
0x2c3: {  	v1 =	vadd.f32 v3, v1  }
0x2c4: {  	v3 =	vld [tilespmem:$0x198B0]  }
0x2c5: {  	v1 =	vadd.f32 v61, v1  }
0x2c6: {  	v62 =	vld [tilespmem:$0x198C0]  }
0x2c7: {  	v1 =	vadd.f32 v2, v1  }
0x2c8: {  	v2 =	vld [tilespmem:$0x198D0]  }
0x2c9: {  	v1 =	vadd.f32 v3, v1  }
0x2ca: {  	v3 =	vld [tilespmem:$0x198E0]  }
0x2cb: {  	v1 =	vadd.f32 v62, v1  }
0x2cc: {  	v63 =	vld [tilespmem:$0x198F0]  }
0x2cd: {  	s21 =	sshll.u32 s28, $0x4;
	s28 =	sadd.s32 $0x1, s28;
	v1 =	vadd.f32 v2, v1  }
0x2ce: {  	p0 =	sne.s32 s28, $0x8  }
.Ltmp11:
0x2cf: {  	v1 =	vadd.f32 v3, v1;
	(pc) =	sbr.rel @p0 .LBB2_22-.Ltmp11, $4  }
0x2d0: {  	_ = 	snop  }
0x2d1: {  	v1 =	vadd.f32 v63, v1  }
0x2d2: {  	s5 =	sand.u32 $0x3FFFFFF0, s21  }
0x2d3: {  	s29 =	sadd.s32 $0x800, s29;
	s30 =	sadd.s32 $0x800, s30;
	s13 =	sadd.s32 $0x800, s13;
	[tilespmem:s5+$0x19B80] =	vst v1  }
0x2d4: {  	s5 =	simm.s32 $0x380  }
0x2d5: {  	[tilespmem:s22], [sflag:$0x3] =	stream.indirect.gather [hbm4b:s1+s16], $0x80, s5, s16, $0xb8;
	[tilespmem:$0x1A100] =	vst v63  }
0x2d6: {  	s20 =	simm.s32 $0xB80  }
0x2d7: {  	[tilespmem:s23], [sflag:$0x3] =	stream.indirect.gather [hbm4b:s2+s16], $0x80, s20, s16, $0xb8;
	[tilespmem:$0x1A100] =	vst v63  }
0x2d8: {  	s21 =	simm.s32 $0x1380  }
0x2d9: {  	[tilespmem:s24], [sflag:$0x3] =	stream.indirect.gather [hbm4b:s1+s16], $0x80, s21, s16, $0xb8;
	[tilespmem:$0x1A100] =	vst v63  }
0x2da: {  	_ =	swait.ge [sflag:s25], $0x4000  }
0x2db: {  	[sflag:s25] =	ssyncset.done $0x0  }
0x2dc: {  	[sflag:s25] =	ssyncadd.s32 $0xFFFFC000  }
0x2dd: {  	_ =	swait.ge [sflag:s25], $0x4000  }
0x2de: {  	[sflag:s25] =	ssyncset.done $0x0  }
0x2df: {  	[sflag:s25] =	ssyncadd.s32 $0xFFFFC000  }
0x2e0: {  	_ =	swait.ge [sflag:s25], $0x4000  }
0x2e1: {  	s28 =	simm.s32 $0x0;
	s29 =	simm.s32 $0x1840;
	[sflag:s25] =	ssyncset.done $0x0  }
0x2e2: {  	s30 =	simm.s32 $0x5840;
	s13 =	simm.s32 $0x9840;
	[sflag:s25] =	ssyncadd.s32 $0xFFFFC000  }
.LBB2_26:
0x2e3: {  	v1 =	vld [tilespmem:s13+$0x20]  }
0x2e4: {  	v2 =	vld [tilespmem:s13+$0x10]  }
0x2e5: {  	v3 =	vld [tilespmem:s13+$0x0]  }
0x2e6: {  	v4 =	vld [tilespmem:s13+$0xFFFFFFF0]  }
0x2e7: {  	v5 =	vld [tilespmem:s13+$0xFFFFFFE0]  }
0x2e8: {  	v6 =	vld [tilespmem:s13+$0xFFFFFFC0]  }
0x2e9: {  	v7 =	vld [tilespmem:s29+$0xFFFFFFE0]  }
0x2ea: {  	v8 =	vld [tilespmem:s30+$0xFFFFFFC0]  }
0x2eb: {  	v9 =	vld [tilespmem:s29+$0xFFFFFFC0]  }
0x2ec: {  	v10 =	vld [tilespmem:s29+$0xFFFFFFD0];
	s6 =	simm.s32 $0x1;
	s21 =	smov.u32 s30  }
0x2ed: {  	v11 =	vld [tilespmem:s30+$0xFFFFFFD0];
	s20 =	smov.u32 s13;
	s5 =	smov.u32 s29;
	s14 =	simm.s32 $0x0  }
.LBB2_27:
0x2ee: {  	p0 =	sne.s32 s6, $0xF;
	v12 =	vld [tilespmem:s21+$0xFFFFFFE0]  }
0x2ef: {  	v13 =	vld [tilespmem:s20+$0xFFFFFFD0]  }
0x2f0: {  	v14 =	vld [tilespmem:s5+$0xFFFFFFF0]  }
0x2f1: {  	v15 =	vld [tilespmem:s21+$0xFFFFFFF0]  }
0x2f2: {  	v8 =	vmul.f32 v8, v9;
	v9 =	vmul.f32 v11, v10;
	v10 =	vld [tilespmem:s5+$0x0]  }
0x2f3: {  	v7 =	vmul.f32 v12, v7;
	v11 =	vld [tilespmem:s21+$0x0]  }
0x2f4: {  	v6 =	vmul.f32 v6, v8;
	v8 =	vmul.f32 v13, v9;
	v9 =	vld [tilespmem:s5+$0x10]  }
0x2f5: {  	v12 =	vld [tilespmem:s21+$0x10]  }
0x2f6: {  	v5 =	vmul.f32 v5, v7;
	v6 =	vadd.f32 v8, v6;
	v7 =	vmul.f32 v15, v14;
	v8 =	vld [tilespmem:s5+$0x20]  }
0x2f7: {  	v13 =	vld [tilespmem:s21+$0x20]  }
0x2f8: {  	v5 =	vadd.f32 v5, v6;
	v4 =	vmul.f32 v4, v7;
	v6 =	vmul.f32 v11, v10;
	v7 =	vld [tilespmem:s5+$0x30]  }
0x2f9: {  	v10 =	vld [tilespmem:s21+$0x30]  }
0x2fa: {  	v4 =	vadd.f32 v4, v5;
	v3 =	vmul.f32 v3, v6;
	v5 =	vmul.f32 v12, v9  }
0x2fb: {  	v6 =	vld [tilespmem:s20+$0x30]  }
0x2fc: {  	v3 =	vadd.f32 v3, v4;
	v2 =	vmul.f32 v2, v5;
	v4 =	vmul.f32 v13, v8;
	_ =	sdelay $0x1  }
0x2fd: {  	v2 =	vadd.f32 v2, v3;
	v1 =	vmul.f32 v1, v4;
	v3 =	vmul.f32 v10, v7  }
0x2fe: {  	v4 =	vor.u32 s14, v0;
	s14 =	smov.u32 s6  }
0x2ff: {  	v1 =	vadd.f32 v1, v2;
	v2 =	vmul.f32 v6, v3;
	_ =	sdelay $0x1  }
0x300: {  	v1 =	vadd.f32 v2, v1;
	_ =	sdelay $0x1  }
0x301: {  	s20 =	sadd.s32 $0x80, s20;
	[tilespmem:v4+s26+$0x0] =	vst.idx.msk $0xffff, v1  }
0x302: {  	v1 =	vld [tilespmem:s20+$0x20]  }
0x303: {  	v2 =	vld [tilespmem:s20+$0x10]  }
0x304: {  	v3 =	vld [tilespmem:s20+$0x0]  }
0x305: {  	v4 =	vld [tilespmem:s20+$0xFFFFFFF0]  }
0x306: {  	v5 =	vld [tilespmem:s20+$0xFFFFFFE0]  }
0x307: {  	s5 =	sadd.s32 $0x80, s5;
	v6 =	vld [tilespmem:s20+$0xFFFFFFC0]  }
.Ltmp12:
0x308: {  	s21 =	sadd.s32 $0x80, s21;
	v7 =	vld [tilespmem:s5+$0xFFFFFFE0];
	(pc) =	sbr.rel @p0 .LBB2_27-.Ltmp12, $4  }
0x309: {  	v8 =	vld [tilespmem:s21+$0xFFFFFFC0]  }
0x30a: {  	v9 =	vld [tilespmem:s5+$0xFFFFFFC0]  }
0x30b: {  	v10 =	vld [tilespmem:s5+$0xFFFFFFD0]  }
0x30c: {  	s6 =	sadd.s32 $0x1, s6;
	v11 =	vld [tilespmem:s21+$0xFFFFFFD0]  }
0x30d: {  	v12 =	vld [tilespmem:s21+$0xFFFFFFE0]  }
0x30e: {  	v13 =	vld [tilespmem:s20+$0xFFFFFFD0]  }
0x30f: {  	v14 =	vld [tilespmem:s5+$0xFFFFFFF0]  }
0x310: {  	v15 =	vld [tilespmem:s21+$0xFFFFFFF0];
	v8 =	vmul.f32 v8, v9  }
0x311: {  	v45 =	vld [tilespmem:s5+$0x0];
	v44 =	vmul.f32 v11, v10  }
0x312: {  	v46 =	vld [tilespmem:s21+$0x0];
	v6 =	vmul.f32 v6, v8  }
0x313: {  	v48 =	vld [tilespmem:s5+$0x10];
	v7 =	vmul.f32 v12, v7;
	v47 =	vmul.f32 v13, v44  }
0x314: {  	v49 =	vld [tilespmem:s21+$0x10]  }
0x315: {  	v51 =	vld [tilespmem:s5+$0x20];
	v50 =	vmul.f32 v15, v14;
	v5 =	vmul.f32 v5, v7;
	v6 =	vadd.f32 v47, v6  }
0x316: {  	v52 =	vld [tilespmem:s21+$0x20]  }
0x317: {  	v54 =	vld [tilespmem:s5+$0x30];
	v53 =	vmul.f32 v46, v45;
	v4 =	vmul.f32 v4, v50;
	v5 =	vadd.f32 v5, v6  }
0x318: {  	v55 =	vld [tilespmem:s21+$0x30]  }
0x319: {  	v56 =	vmul.f32 v49, v48;
	v3 =	vmul.f32 v3, v53;
	v4 =	vadd.f32 v4, v5  }
0x31a: {  	v57 =	vld [tilespmem:s20+$0x30]  }
0x31b: {  	v58 =	vmul.f32 v52, v51;
	v2 =	vmul.f32 v2, v56;
	v3 =	vadd.f32 v3, v4;
	_ =	sdelay $0x1  }
0x31c: {  	v1 =	vmul.f32 v1, v58;
	v2 =	vadd.f32 v2, v3;
	v3 =	vmul.f32 v55, v54  }
0x31d: {  	v59 =	vor.u32 s14, v0  }
0x31e: {  	v1 =	vadd.f32 v1, v2;
	v2 =	vmul.f32 v57, v3;
	_ =	sdelay $0x1  }
0x31f: {  	v1 =	vadd.f32 v2, v1;
	_ =	sdelay $0x1  }
0x320: {  	[tilespmem:v59+s26+$0x0] =	vst.idx.msk $0xffff, v1  }
0x321: {  	v1 =	vld [tilespmem:$0x19800]  }
0x322: {  	v2 =	vld [tilespmem:$0x19810];
	_ =	sdelay $0x1  }
0x323: {  	v3 =	vld [tilespmem:$0x19820];
	_ =	sdelay $0x1  }
0x324: {  	v4 =	vld [tilespmem:$0x19830]  }
0x325: {  	v1 =	vadd.f32 v2, v1  }
0x326: {  	v2 =	vld [tilespmem:$0x19840]  }
0x327: {  	v1 =	vadd.f32 v3, v1  }
0x328: {  	v3 =	vld [tilespmem:$0x19850]  }
0x329: {  	v1 =	vadd.f32 v4, v1  }
0x32a: {  	v60 =	vld [tilespmem:$0x19860]  }
0x32b: {  	v1 =	vadd.f32 v2, v1  }
0x32c: {  	v2 =	vld [tilespmem:$0x19870]  }
0x32d: {  	v1 =	vadd.f32 v3, v1  }
0x32e: {  	v3 =	vld [tilespmem:$0x19880]  }
0x32f: {  	v1 =	vadd.f32 v60, v1  }
0x330: {  	v61 =	vld [tilespmem:$0x19890]  }
0x331: {  	v1 =	vadd.f32 v2, v1  }
0x332: {  	v2 =	vld [tilespmem:$0x198A0]  }
0x333: {  	v1 =	vadd.f32 v3, v1  }
0x334: {  	v3 =	vld [tilespmem:$0x198B0]  }
0x335: {  	v1 =	vadd.f32 v61, v1  }
0x336: {  	v62 =	vld [tilespmem:$0x198C0]  }
0x337: {  	v1 =	vadd.f32 v2, v1  }
0x338: {  	v2 =	vld [tilespmem:$0x198D0]  }
0x339: {  	v1 =	vadd.f32 v3, v1  }
0x33a: {  	v3 =	vld [tilespmem:$0x198E0]  }
0x33b: {  	v1 =	vadd.f32 v62, v1  }
0x33c: {  	v63 =	vld [tilespmem:$0x198F0]  }
0x33d: {  	s21 =	sshll.u32 s28, $0x4;
	s28 =	sadd.s32 $0x1, s28;
	v1 =	vadd.f32 v2, v1  }
0x33e: {  	p0 =	sne.s32 s28, $0x8  }
.Ltmp13:
0x33f: {  	v1 =	vadd.f32 v3, v1;
	(pc) =	sbr.rel @p0 .LBB2_26-.Ltmp13, $4  }
0x340: {  	_ = 	snop  }
0x341: {  	v1 =	vadd.f32 v63, v1  }
0x342: {  	s5 =	sand.u32 $0x3FFFFFF0, s21  }
0x343: {  	s29 =	sadd.s32 $0x800, s29;
	s30 =	sadd.s32 $0x800, s30;
	s13 =	sadd.s32 $0x800, s13;
	[tilespmem:s5+$0x19C00] =	vst v1  }
0x344: {  	s5 =	simm.s32 $0x400  }
0x345: {  	[tilespmem:s17], [sflag:$0x2] =	stream.indirect.gather [hbm4b:s1+s16], $0x80, s5, s16, $0xb8;
	[tilespmem:$0x1A100] =	vst v63  }
0x346: {  	s20 =	simm.s32 $0xC00  }
0x347: {  	[tilespmem:s18], [sflag:$0x2] =	stream.indirect.gather [hbm4b:s2+s16], $0x80, s20, s16, $0xb8;
	[tilespmem:$0x1A100] =	vst v63  }
0x348: {  	s21 =	simm.s32 $0x1400  }
0x349: {  	[tilespmem:s19], [sflag:$0x2] =	stream.indirect.gather [hbm4b:s1+s16], $0x80, s21, s16, $0xb8;
	[tilespmem:$0x1A100] =	vst v63  }
0x34a: {  	_ =	swait.ge [sflag:s31], $0x4000  }
0x34b: {  	[sflag:s31] =	ssyncset.done $0x0  }
0x34c: {  	[sflag:s31] =	ssyncadd.s32 $0xFFFFC000  }
0x34d: {  	_ =	swait.ge [sflag:s31], $0x4000  }
0x34e: {  	[sflag:s31] =	ssyncset.done $0x0  }
0x34f: {  	[sflag:s31] =	ssyncadd.s32 $0xFFFFC000  }
0x350: {  	_ =	swait.ge [sflag:s31], $0x4000  }
0x351: {  	s28 =	simm.s32 $0x0;
	s29 =	simm.s32 $0xD840;
	[sflag:s31] =	ssyncset.done $0x0  }
0x352: {  	s30 =	simm.s32 $0x11840;
	s13 =	simm.s32 $0x15840;
	[sflag:s31] =	ssyncadd.s32 $0xFFFFC000  }
.LBB2_30:
0x353: {  	v1 =	vld [tilespmem:s13+$0x20]  }
0x354: {  	v2 =	vld [tilespmem:s13+$0x10]  }
0x355: {  	v3 =	vld [tilespmem:s13+$0x0]  }
0x356: {  	v4 =	vld [tilespmem:s13+$0xFFFFFFF0]  }
0x357: {  	v5 =	vld [tilespmem:s13+$0xFFFFFFE0]  }
0x358: {  	v6 =	vld [tilespmem:s13+$0xFFFFFFC0]  }
0x359: {  	v7 =	vld [tilespmem:s29+$0xFFFFFFE0]  }
0x35a: {  	v8 =	vld [tilespmem:s30+$0xFFFFFFC0]  }
0x35b: {  	v9 =	vld [tilespmem:s29+$0xFFFFFFC0]  }
0x35c: {  	v10 =	vld [tilespmem:s29+$0xFFFFFFD0];
	s6 =	simm.s32 $0x1;
	s21 =	smov.u32 s30  }
0x35d: {  	v11 =	vld [tilespmem:s30+$0xFFFFFFD0];
	s20 =	smov.u32 s13;
	s5 =	smov.u32 s29;
	s14 =	simm.s32 $0x0  }
.LBB2_31:
0x35e: {  	p0 =	sne.s32 s6, $0xF;
	v12 =	vld [tilespmem:s21+$0xFFFFFFE0]  }
0x35f: {  	v13 =	vld [tilespmem:s20+$0xFFFFFFD0]  }
0x360: {  	v14 =	vld [tilespmem:s5+$0xFFFFFFF0]  }
0x361: {  	v15 =	vld [tilespmem:s21+$0xFFFFFFF0]  }
0x362: {  	v8 =	vmul.f32 v8, v9;
	v9 =	vmul.f32 v11, v10;
	v10 =	vld [tilespmem:s5+$0x0]  }
0x363: {  	v7 =	vmul.f32 v12, v7;
	v11 =	vld [tilespmem:s21+$0x0]  }
0x364: {  	v6 =	vmul.f32 v6, v8;
	v8 =	vmul.f32 v13, v9;
	v9 =	vld [tilespmem:s5+$0x10]  }
0x365: {  	v12 =	vld [tilespmem:s21+$0x10]  }
0x366: {  	v5 =	vmul.f32 v5, v7;
	v6 =	vadd.f32 v8, v6;
	v7 =	vmul.f32 v15, v14;
	v8 =	vld [tilespmem:s5+$0x20]  }
0x367: {  	v13 =	vld [tilespmem:s21+$0x20]  }
0x368: {  	v5 =	vadd.f32 v5, v6;
	v4 =	vmul.f32 v4, v7;
	v6 =	vmul.f32 v11, v10;
	v7 =	vld [tilespmem:s5+$0x30]  }
0x369: {  	v10 =	vld [tilespmem:s21+$0x30]  }
0x36a: {  	v4 =	vadd.f32 v4, v5;
	v3 =	vmul.f32 v3, v6;
	v5 =	vmul.f32 v12, v9  }
0x36b: {  	v6 =	vld [tilespmem:s20+$0x30]  }
0x36c: {  	v3 =	vadd.f32 v3, v4;
	v2 =	vmul.f32 v2, v5;
	v4 =	vmul.f32 v13, v8;
	_ =	sdelay $0x1  }
0x36d: {  	v2 =	vadd.f32 v2, v3;
	v1 =	vmul.f32 v1, v4;
	v3 =	vmul.f32 v10, v7  }
0x36e: {  	v4 =	vor.u32 s14, v0;
	s14 =	smov.u32 s6  }
0x36f: {  	v1 =	vadd.f32 v1, v2;
	v2 =	vmul.f32 v6, v3;
	_ =	sdelay $0x1  }
0x370: {  	v1 =	vadd.f32 v2, v1;
	_ =	sdelay $0x1  }
0x371: {  	s20 =	sadd.s32 $0x80, s20;
	[tilespmem:v4+s26+$0x0] =	vst.idx.msk $0xffff, v1  }
0x372: {  	v1 =	vld [tilespmem:s20+$0x20]  }
0x373: {  	v2 =	vld [tilespmem:s20+$0x10]  }
0x374: {  	v3 =	vld [tilespmem:s20+$0x0]  }
0x375: {  	v4 =	vld [tilespmem:s20+$0xFFFFFFF0]  }
0x376: {  	v5 =	vld [tilespmem:s20+$0xFFFFFFE0]  }
0x377: {  	s5 =	sadd.s32 $0x80, s5;
	v6 =	vld [tilespmem:s20+$0xFFFFFFC0]  }
.Ltmp14:
0x378: {  	s21 =	sadd.s32 $0x80, s21;
	v7 =	vld [tilespmem:s5+$0xFFFFFFE0];
	(pc) =	sbr.rel @p0 .LBB2_31-.Ltmp14, $4  }
0x379: {  	v8 =	vld [tilespmem:s21+$0xFFFFFFC0]  }
0x37a: {  	v9 =	vld [tilespmem:s5+$0xFFFFFFC0]  }
0x37b: {  	v10 =	vld [tilespmem:s5+$0xFFFFFFD0]  }
0x37c: {  	s6 =	sadd.s32 $0x1, s6;
	v11 =	vld [tilespmem:s21+$0xFFFFFFD0]  }
0x37d: {  	v12 =	vld [tilespmem:s21+$0xFFFFFFE0]  }
0x37e: {  	v13 =	vld [tilespmem:s20+$0xFFFFFFD0]  }
0x37f: {  	v14 =	vld [tilespmem:s5+$0xFFFFFFF0]  }
0x380: {  	v15 =	vld [tilespmem:s21+$0xFFFFFFF0];
	v8 =	vmul.f32 v8, v9  }
0x381: {  	v45 =	vld [tilespmem:s5+$0x0];
	v44 =	vmul.f32 v11, v10  }
0x382: {  	v46 =	vld [tilespmem:s21+$0x0];
	v6 =	vmul.f32 v6, v8  }
0x383: {  	v48 =	vld [tilespmem:s5+$0x10];
	v7 =	vmul.f32 v12, v7;
	v47 =	vmul.f32 v13, v44  }
0x384: {  	v49 =	vld [tilespmem:s21+$0x10]  }
0x385: {  	v51 =	vld [tilespmem:s5+$0x20];
	v50 =	vmul.f32 v15, v14;
	v5 =	vmul.f32 v5, v7;
	v6 =	vadd.f32 v47, v6  }
0x386: {  	v52 =	vld [tilespmem:s21+$0x20]  }
0x387: {  	v54 =	vld [tilespmem:s5+$0x30];
	v53 =	vmul.f32 v46, v45;
	v4 =	vmul.f32 v4, v50;
	v5 =	vadd.f32 v5, v6  }
0x388: {  	v55 =	vld [tilespmem:s21+$0x30]  }
0x389: {  	v56 =	vmul.f32 v49, v48;
	v3 =	vmul.f32 v3, v53;
	v4 =	vadd.f32 v4, v5  }
0x38a: {  	v57 =	vld [tilespmem:s20+$0x30]  }
0x38b: {  	v58 =	vmul.f32 v52, v51;
	v2 =	vmul.f32 v2, v56;
	v3 =	vadd.f32 v3, v4;
	_ =	sdelay $0x1  }
0x38c: {  	v1 =	vmul.f32 v1, v58;
	v2 =	vadd.f32 v2, v3;
	v3 =	vmul.f32 v55, v54  }
0x38d: {  	v59 =	vor.u32 s14, v0  }
0x38e: {  	v1 =	vadd.f32 v1, v2;
	v2 =	vmul.f32 v57, v3;
	_ =	sdelay $0x1  }
0x38f: {  	v1 =	vadd.f32 v2, v1;
	_ =	sdelay $0x1  }
0x390: {  	[tilespmem:v59+s26+$0x0] =	vst.idx.msk $0xffff, v1  }
0x391: {  	v1 =	vld [tilespmem:$0x19800]  }
0x392: {  	v2 =	vld [tilespmem:$0x19810];
	_ =	sdelay $0x1  }
0x393: {  	v3 =	vld [tilespmem:$0x19820];
	_ =	sdelay $0x1  }
0x394: {  	v4 =	vld [tilespmem:$0x19830]  }
0x395: {  	v1 =	vadd.f32 v2, v1  }
0x396: {  	v2 =	vld [tilespmem:$0x19840]  }
0x397: {  	v1 =	vadd.f32 v3, v1  }
0x398: {  	v3 =	vld [tilespmem:$0x19850]  }
0x399: {  	v1 =	vadd.f32 v4, v1  }
0x39a: {  	v60 =	vld [tilespmem:$0x19860]  }
0x39b: {  	v1 =	vadd.f32 v2, v1  }
0x39c: {  	v2 =	vld [tilespmem:$0x19870]  }
0x39d: {  	v1 =	vadd.f32 v3, v1  }
0x39e: {  	v3 =	vld [tilespmem:$0x19880]  }
0x39f: {  	v1 =	vadd.f32 v60, v1  }
0x3a0: {  	v61 =	vld [tilespmem:$0x19890]  }
0x3a1: {  	v1 =	vadd.f32 v2, v1  }
0x3a2: {  	v2 =	vld [tilespmem:$0x198A0]  }
0x3a3: {  	v1 =	vadd.f32 v3, v1  }
0x3a4: {  	v3 =	vld [tilespmem:$0x198B0]  }
0x3a5: {  	v1 =	vadd.f32 v61, v1  }
0x3a6: {  	v62 =	vld [tilespmem:$0x198C0]  }
0x3a7: {  	v1 =	vadd.f32 v2, v1  }
0x3a8: {  	v2 =	vld [tilespmem:$0x198D0]  }
0x3a9: {  	v1 =	vadd.f32 v3, v1  }
0x3aa: {  	v3 =	vld [tilespmem:$0x198E0]  }
0x3ab: {  	v1 =	vadd.f32 v62, v1  }
0x3ac: {  	v63 =	vld [tilespmem:$0x198F0]  }
0x3ad: {  	s21 =	sshll.u32 s28, $0x4;
	s28 =	sadd.s32 $0x1, s28;
	v1 =	vadd.f32 v2, v1  }
0x3ae: {  	p0 =	sne.s32 s28, $0x8  }
.Ltmp15:
0x3af: {  	v1 =	vadd.f32 v3, v1;
	(pc) =	sbr.rel @p0 .LBB2_30-.Ltmp15, $4  }
0x3b0: {  	_ = 	snop  }
0x3b1: {  	v1 =	vadd.f32 v63, v1  }
0x3b2: {  	s5 =	sand.u32 $0x3FFFFFF0, s21  }
0x3b3: {  	s29 =	sadd.s32 $0x800, s29;
	s30 =	sadd.s32 $0x800, s30;
	s13 =	sadd.s32 $0x800, s13;
	[tilespmem:s5+$0x19C80] =	vst v1  }
0x3b4: {  	s5 =	simm.s32 $0x480  }
0x3b5: {  	[tilespmem:s22], [sflag:$0x3] =	stream.indirect.gather [hbm4b:s1+s16], $0x80, s5, s16, $0xb8;
	[tilespmem:$0x1A100] =	vst v63  }
0x3b6: {  	s20 =	simm.s32 $0xC80  }
0x3b7: {  	[tilespmem:s23], [sflag:$0x3] =	stream.indirect.gather [hbm4b:s2+s16], $0x80, s20, s16, $0xb8;
	[tilespmem:$0x1A100] =	vst v63  }
0x3b8: {  	s21 =	simm.s32 $0x1480  }
0x3b9: {  	[tilespmem:s24], [sflag:$0x3] =	stream.indirect.gather [hbm4b:s1+s16], $0x80, s21, s16, $0xb8;
	[tilespmem:$0x1A100] =	vst v63  }
0x3ba: {  	_ =	swait.ge [sflag:s25], $0x4000  }
0x3bb: {  	[sflag:s25] =	ssyncset.done $0x0  }
0x3bc: {  	[sflag:s25] =	ssyncadd.s32 $0xFFFFC000  }
0x3bd: {  	_ =	swait.ge [sflag:s25], $0x4000  }
0x3be: {  	[sflag:s25] =	ssyncset.done $0x0  }
0x3bf: {  	[sflag:s25] =	ssyncadd.s32 $0xFFFFC000  }
0x3c0: {  	_ =	swait.ge [sflag:s25], $0x4000  }
0x3c1: {  	s28 =	simm.s32 $0x0;
	s29 =	simm.s32 $0x1840;
	[sflag:s25] =	ssyncset.done $0x0  }
0x3c2: {  	s30 =	simm.s32 $0x5840;
	s13 =	simm.s32 $0x9840;
	[sflag:s25] =	ssyncadd.s32 $0xFFFFC000  }
.LBB2_34:
0x3c3: {  	v1 =	vld [tilespmem:s13+$0x20]  }
0x3c4: {  	v2 =	vld [tilespmem:s13+$0x10]  }
0x3c5: {  	v3 =	vld [tilespmem:s13+$0x0]  }
0x3c6: {  	v4 =	vld [tilespmem:s13+$0xFFFFFFF0]  }
0x3c7: {  	v5 =	vld [tilespmem:s13+$0xFFFFFFE0]  }
0x3c8: {  	v6 =	vld [tilespmem:s13+$0xFFFFFFC0]  }
0x3c9: {  	v7 =	vld [tilespmem:s29+$0xFFFFFFE0]  }
0x3ca: {  	v8 =	vld [tilespmem:s30+$0xFFFFFFC0]  }
0x3cb: {  	v9 =	vld [tilespmem:s29+$0xFFFFFFC0]  }
0x3cc: {  	v10 =	vld [tilespmem:s29+$0xFFFFFFD0];
	s6 =	simm.s32 $0x1;
	s21 =	smov.u32 s30  }
0x3cd: {  	v11 =	vld [tilespmem:s30+$0xFFFFFFD0];
	s20 =	smov.u32 s13;
	s5 =	smov.u32 s29;
	s14 =	simm.s32 $0x0  }
.LBB2_35:
0x3ce: {  	p0 =	sne.s32 s6, $0xF;
	v12 =	vld [tilespmem:s21+$0xFFFFFFE0]  }
0x3cf: {  	v13 =	vld [tilespmem:s20+$0xFFFFFFD0]  }
0x3d0: {  	v14 =	vld [tilespmem:s5+$0xFFFFFFF0]  }
0x3d1: {  	v15 =	vld [tilespmem:s21+$0xFFFFFFF0]  }
0x3d2: {  	v8 =	vmul.f32 v8, v9;
	v9 =	vmul.f32 v11, v10;
	v10 =	vld [tilespmem:s5+$0x0]  }
0x3d3: {  	v7 =	vmul.f32 v12, v7;
	v11 =	vld [tilespmem:s21+$0x0]  }
0x3d4: {  	v6 =	vmul.f32 v6, v8;
	v8 =	vmul.f32 v13, v9;
	v9 =	vld [tilespmem:s5+$0x10]  }
0x3d5: {  	v12 =	vld [tilespmem:s21+$0x10]  }
0x3d6: {  	v5 =	vmul.f32 v5, v7;
	v6 =	vadd.f32 v8, v6;
	v7 =	vmul.f32 v15, v14;
	v8 =	vld [tilespmem:s5+$0x20]  }
0x3d7: {  	v13 =	vld [tilespmem:s21+$0x20]  }
0x3d8: {  	v5 =	vadd.f32 v5, v6;
	v4 =	vmul.f32 v4, v7;
	v6 =	vmul.f32 v11, v10;
	v7 =	vld [tilespmem:s5+$0x30]  }
0x3d9: {  	v10 =	vld [tilespmem:s21+$0x30]  }
0x3da: {  	v4 =	vadd.f32 v4, v5;
	v3 =	vmul.f32 v3, v6;
	v5 =	vmul.f32 v12, v9  }
0x3db: {  	v6 =	vld [tilespmem:s20+$0x30]  }
0x3dc: {  	v3 =	vadd.f32 v3, v4;
	v2 =	vmul.f32 v2, v5;
	v4 =	vmul.f32 v13, v8;
	_ =	sdelay $0x1  }
0x3dd: {  	v2 =	vadd.f32 v2, v3;
	v1 =	vmul.f32 v1, v4;
	v3 =	vmul.f32 v10, v7  }
0x3de: {  	v4 =	vor.u32 s14, v0;
	s14 =	smov.u32 s6  }
0x3df: {  	v1 =	vadd.f32 v1, v2;
	v2 =	vmul.f32 v6, v3;
	_ =	sdelay $0x1  }
0x3e0: {  	v1 =	vadd.f32 v2, v1;
	_ =	sdelay $0x1  }
0x3e1: {  	s20 =	sadd.s32 $0x80, s20;
	[tilespmem:v4+s26+$0x0] =	vst.idx.msk $0xffff, v1  }
0x3e2: {  	v1 =	vld [tilespmem:s20+$0x20]  }
0x3e3: {  	v2 =	vld [tilespmem:s20+$0x10]  }
0x3e4: {  	v3 =	vld [tilespmem:s20+$0x0]  }
0x3e5: {  	v4 =	vld [tilespmem:s20+$0xFFFFFFF0]  }
0x3e6: {  	v5 =	vld [tilespmem:s20+$0xFFFFFFE0]  }
0x3e7: {  	s5 =	sadd.s32 $0x80, s5;
	v6 =	vld [tilespmem:s20+$0xFFFFFFC0]  }
.Ltmp16:
0x3e8: {  	s21 =	sadd.s32 $0x80, s21;
	v7 =	vld [tilespmem:s5+$0xFFFFFFE0];
	(pc) =	sbr.rel @p0 .LBB2_35-.Ltmp16, $4  }
0x3e9: {  	v8 =	vld [tilespmem:s21+$0xFFFFFFC0]  }
0x3ea: {  	v9 =	vld [tilespmem:s5+$0xFFFFFFC0]  }
0x3eb: {  	v10 =	vld [tilespmem:s5+$0xFFFFFFD0]  }
0x3ec: {  	s6 =	sadd.s32 $0x1, s6;
	v11 =	vld [tilespmem:s21+$0xFFFFFFD0]  }
0x3ed: {  	v12 =	vld [tilespmem:s21+$0xFFFFFFE0]  }
0x3ee: {  	v13 =	vld [tilespmem:s20+$0xFFFFFFD0]  }
0x3ef: {  	v14 =	vld [tilespmem:s5+$0xFFFFFFF0]  }
0x3f0: {  	v15 =	vld [tilespmem:s21+$0xFFFFFFF0];
	v8 =	vmul.f32 v8, v9  }
0x3f1: {  	v45 =	vld [tilespmem:s5+$0x0];
	v44 =	vmul.f32 v11, v10  }
0x3f2: {  	v46 =	vld [tilespmem:s21+$0x0];
	v6 =	vmul.f32 v6, v8  }
0x3f3: {  	v48 =	vld [tilespmem:s5+$0x10];
	v7 =	vmul.f32 v12, v7;
	v47 =	vmul.f32 v13, v44  }
0x3f4: {  	v49 =	vld [tilespmem:s21+$0x10]  }
0x3f5: {  	v51 =	vld [tilespmem:s5+$0x20];
	v50 =	vmul.f32 v15, v14;
	v5 =	vmul.f32 v5, v7;
	v6 =	vadd.f32 v47, v6  }
0x3f6: {  	v52 =	vld [tilespmem:s21+$0x20]  }
0x3f7: {  	v54 =	vld [tilespmem:s5+$0x30];
	v53 =	vmul.f32 v46, v45;
	v4 =	vmul.f32 v4, v50;
	v5 =	vadd.f32 v5, v6  }
0x3f8: {  	v55 =	vld [tilespmem:s21+$0x30]  }
0x3f9: {  	v56 =	vmul.f32 v49, v48;
	v3 =	vmul.f32 v3, v53;
	v4 =	vadd.f32 v4, v5  }
0x3fa: {  	v57 =	vld [tilespmem:s20+$0x30]  }
0x3fb: {  	v58 =	vmul.f32 v52, v51;
	v2 =	vmul.f32 v2, v56;
	v3 =	vadd.f32 v3, v4;
	_ =	sdelay $0x1  }
0x3fc: {  	v1 =	vmul.f32 v1, v58;
	v2 =	vadd.f32 v2, v3;
	v3 =	vmul.f32 v55, v54  }
0x3fd: {  	v59 =	vor.u32 s14, v0  }
0x3fe: {  	v1 =	vadd.f32 v1, v2;
	v2 =	vmul.f32 v57, v3;
	_ =	sdelay $0x1  }
0x3ff: {  	v1 =	vadd.f32 v2, v1;
	_ =	sdelay $0x1  }
0x400: {  	[tilespmem:v59+s26+$0x0] =	vst.idx.msk $0xffff, v1  }
0x401: {  	v1 =	vld [tilespmem:$0x19800]  }
0x402: {  	v2 =	vld [tilespmem:$0x19810];
	_ =	sdelay $0x1  }
0x403: {  	v3 =	vld [tilespmem:$0x19820];
	_ =	sdelay $0x1  }
0x404: {  	v4 =	vld [tilespmem:$0x19830]  }
0x405: {  	v1 =	vadd.f32 v2, v1  }
0x406: {  	v2 =	vld [tilespmem:$0x19840]  }
0x407: {  	v1 =	vadd.f32 v3, v1  }
0x408: {  	v3 =	vld [tilespmem:$0x19850]  }
0x409: {  	v1 =	vadd.f32 v4, v1  }
0x40a: {  	v60 =	vld [tilespmem:$0x19860]  }
0x40b: {  	v1 =	vadd.f32 v2, v1  }
0x40c: {  	v2 =	vld [tilespmem:$0x19870]  }
0x40d: {  	v1 =	vadd.f32 v3, v1  }
0x40e: {  	v3 =	vld [tilespmem:$0x19880]  }
0x40f: {  	v1 =	vadd.f32 v60, v1  }
0x410: {  	v61 =	vld [tilespmem:$0x19890]  }
0x411: {  	v1 =	vadd.f32 v2, v1  }
0x412: {  	v2 =	vld [tilespmem:$0x198A0]  }
0x413: {  	v1 =	vadd.f32 v3, v1  }
0x414: {  	v3 =	vld [tilespmem:$0x198B0]  }
0x415: {  	v1 =	vadd.f32 v61, v1  }
0x416: {  	v62 =	vld [tilespmem:$0x198C0]  }
0x417: {  	v1 =	vadd.f32 v2, v1  }
0x418: {  	v2 =	vld [tilespmem:$0x198D0]  }
0x419: {  	v1 =	vadd.f32 v3, v1  }
0x41a: {  	v3 =	vld [tilespmem:$0x198E0]  }
0x41b: {  	v1 =	vadd.f32 v62, v1  }
0x41c: {  	v63 =	vld [tilespmem:$0x198F0]  }
0x41d: {  	s21 =	sshll.u32 s28, $0x4;
	s28 =	sadd.s32 $0x1, s28;
	v1 =	vadd.f32 v2, v1  }
0x41e: {  	p0 =	sne.s32 s28, $0x8  }
.Ltmp17:
0x41f: {  	v1 =	vadd.f32 v3, v1;
	(pc) =	sbr.rel @p0 .LBB2_34-.Ltmp17, $4  }
0x420: {  	_ = 	snop  }
0x421: {  	v1 =	vadd.f32 v63, v1  }
0x422: {  	s5 =	sand.u32 $0x3FFFFFF0, s21  }
0x423: {  	s29 =	sadd.s32 $0x800, s29;
	s30 =	sadd.s32 $0x800, s30;
	s13 =	sadd.s32 $0x800, s13;
	[tilespmem:s5+$0x19D00] =	vst v1  }
0x424: {  	s5 =	simm.s32 $0x500  }
0x425: {  	[tilespmem:s17], [sflag:$0x2] =	stream.indirect.gather [hbm4b:s1+s16], $0x80, s5, s16, $0xb8;
	[tilespmem:$0x1A100] =	vst v63  }
0x426: {  	s20 =	simm.s32 $0xD00  }
0x427: {  	[tilespmem:s18], [sflag:$0x2] =	stream.indirect.gather [hbm4b:s2+s16], $0x80, s20, s16, $0xb8;
	[tilespmem:$0x1A100] =	vst v63  }
0x428: {  	s21 =	simm.s32 $0x1500  }
0x429: {  	[tilespmem:s19], [sflag:$0x2] =	stream.indirect.gather [hbm4b:s1+s16], $0x80, s21, s16, $0xb8;
	[tilespmem:$0x1A100] =	vst v63  }
0x42a: {  	_ =	swait.ge [sflag:s31], $0x4000  }
0x42b: {  	[sflag:s31] =	ssyncset.done $0x0  }
0x42c: {  	[sflag:s31] =	ssyncadd.s32 $0xFFFFC000  }
0x42d: {  	_ =	swait.ge [sflag:s31], $0x4000  }
0x42e: {  	[sflag:s31] =	ssyncset.done $0x0  }
0x42f: {  	[sflag:s31] =	ssyncadd.s32 $0xFFFFC000  }
0x430: {  	_ =	swait.ge [sflag:s31], $0x4000  }
0x431: {  	s28 =	simm.s32 $0x0;
	s29 =	simm.s32 $0xD840;
	[sflag:s31] =	ssyncset.done $0x0  }
0x432: {  	s30 =	simm.s32 $0x11840;
	s13 =	simm.s32 $0x15840;
	[sflag:s31] =	ssyncadd.s32 $0xFFFFC000  }
.LBB2_38:
0x433: {  	v1 =	vld [tilespmem:s13+$0x20]  }
0x434: {  	v2 =	vld [tilespmem:s13+$0x10]  }
0x435: {  	v3 =	vld [tilespmem:s13+$0x0]  }
0x436: {  	v4 =	vld [tilespmem:s13+$0xFFFFFFF0]  }
0x437: {  	v5 =	vld [tilespmem:s13+$0xFFFFFFE0]  }
0x438: {  	v6 =	vld [tilespmem:s13+$0xFFFFFFC0]  }
0x439: {  	v7 =	vld [tilespmem:s29+$0xFFFFFFE0]  }
0x43a: {  	v8 =	vld [tilespmem:s30+$0xFFFFFFC0]  }
0x43b: {  	v9 =	vld [tilespmem:s29+$0xFFFFFFC0]  }
0x43c: {  	v10 =	vld [tilespmem:s29+$0xFFFFFFD0];
	s6 =	simm.s32 $0x1;
	s21 =	smov.u32 s30  }
0x43d: {  	v11 =	vld [tilespmem:s30+$0xFFFFFFD0];
	s20 =	smov.u32 s13;
	s5 =	smov.u32 s29;
	s14 =	simm.s32 $0x0  }
.LBB2_39:
0x43e: {  	p0 =	sne.s32 s6, $0xF;
	v12 =	vld [tilespmem:s21+$0xFFFFFFE0]  }
0x43f: {  	v13 =	vld [tilespmem:s20+$0xFFFFFFD0]  }
0x440: {  	v14 =	vld [tilespmem:s5+$0xFFFFFFF0]  }
0x441: {  	v15 =	vld [tilespmem:s21+$0xFFFFFFF0]  }
0x442: {  	v8 =	vmul.f32 v8, v9;
	v9 =	vmul.f32 v11, v10;
	v10 =	vld [tilespmem:s5+$0x0]  }
0x443: {  	v7 =	vmul.f32 v12, v7;
	v11 =	vld [tilespmem:s21+$0x0]  }
0x444: {  	v6 =	vmul.f32 v6, v8;
	v8 =	vmul.f32 v13, v9;
	v9 =	vld [tilespmem:s5+$0x10]  }
0x445: {  	v12 =	vld [tilespmem:s21+$0x10]  }
0x446: {  	v5 =	vmul.f32 v5, v7;
	v6 =	vadd.f32 v8, v6;
	v7 =	vmul.f32 v15, v14;
	v8 =	vld [tilespmem:s5+$0x20]  }
0x447: {  	v13 =	vld [tilespmem:s21+$0x20]  }
0x448: {  	v5 =	vadd.f32 v5, v6;
	v4 =	vmul.f32 v4, v7;
	v6 =	vmul.f32 v11, v10;
	v7 =	vld [tilespmem:s5+$0x30]  }
0x449: {  	v10 =	vld [tilespmem:s21+$0x30]  }
0x44a: {  	v4 =	vadd.f32 v4, v5;
	v3 =	vmul.f32 v3, v6;
	v5 =	vmul.f32 v12, v9  }
0x44b: {  	v6 =	vld [tilespmem:s20+$0x30]  }
0x44c: {  	v3 =	vadd.f32 v3, v4;
	v2 =	vmul.f32 v2, v5;
	v4 =	vmul.f32 v13, v8;
	_ =	sdelay $0x1  }
0x44d: {  	v2 =	vadd.f32 v2, v3;
	v1 =	vmul.f32 v1, v4;
	v3 =	vmul.f32 v10, v7  }
0x44e: {  	v4 =	vor.u32 s14, v0;
	s14 =	smov.u32 s6  }
0x44f: {  	v1 =	vadd.f32 v1, v2;
	v2 =	vmul.f32 v6, v3;
	_ =	sdelay $0x1  }
0x450: {  	v1 =	vadd.f32 v2, v1;
	_ =	sdelay $0x1  }
0x451: {  	s20 =	sadd.s32 $0x80, s20;
	[tilespmem:v4+s26+$0x0] =	vst.idx.msk $0xffff, v1  }
0x452: {  	v1 =	vld [tilespmem:s20+$0x20]  }
0x453: {  	v2 =	vld [tilespmem:s20+$0x10]  }
0x454: {  	v3 =	vld [tilespmem:s20+$0x0]  }
0x455: {  	v4 =	vld [tilespmem:s20+$0xFFFFFFF0]  }
0x456: {  	v5 =	vld [tilespmem:s20+$0xFFFFFFE0]  }
0x457: {  	s5 =	sadd.s32 $0x80, s5;
	v6 =	vld [tilespmem:s20+$0xFFFFFFC0]  }
.Ltmp18:
0x458: {  	s21 =	sadd.s32 $0x80, s21;
	v7 =	vld [tilespmem:s5+$0xFFFFFFE0];
	(pc) =	sbr.rel @p0 .LBB2_39-.Ltmp18, $4  }
0x459: {  	v8 =	vld [tilespmem:s21+$0xFFFFFFC0]  }
0x45a: {  	v9 =	vld [tilespmem:s5+$0xFFFFFFC0]  }
0x45b: {  	v10 =	vld [tilespmem:s5+$0xFFFFFFD0]  }
0x45c: {  	s6 =	sadd.s32 $0x1, s6;
	v11 =	vld [tilespmem:s21+$0xFFFFFFD0]  }
0x45d: {  	v12 =	vld [tilespmem:s21+$0xFFFFFFE0]  }
0x45e: {  	v13 =	vld [tilespmem:s20+$0xFFFFFFD0]  }
0x45f: {  	v14 =	vld [tilespmem:s5+$0xFFFFFFF0]  }
0x460: {  	v15 =	vld [tilespmem:s21+$0xFFFFFFF0];
	v8 =	vmul.f32 v8, v9  }
0x461: {  	v45 =	vld [tilespmem:s5+$0x0];
	v44 =	vmul.f32 v11, v10  }
0x462: {  	v46 =	vld [tilespmem:s21+$0x0];
	v6 =	vmul.f32 v6, v8  }
0x463: {  	v48 =	vld [tilespmem:s5+$0x10];
	v7 =	vmul.f32 v12, v7;
	v47 =	vmul.f32 v13, v44  }
0x464: {  	v49 =	vld [tilespmem:s21+$0x10]  }
0x465: {  	v51 =	vld [tilespmem:s5+$0x20];
	v50 =	vmul.f32 v15, v14;
	v5 =	vmul.f32 v5, v7;
	v6 =	vadd.f32 v47, v6  }
0x466: {  	v52 =	vld [tilespmem:s21+$0x20]  }
0x467: {  	v54 =	vld [tilespmem:s5+$0x30];
	v53 =	vmul.f32 v46, v45;
	v4 =	vmul.f32 v4, v50;
	v5 =	vadd.f32 v5, v6  }
0x468: {  	v55 =	vld [tilespmem:s21+$0x30]  }
0x469: {  	v56 =	vmul.f32 v49, v48;
	v3 =	vmul.f32 v3, v53;
	v4 =	vadd.f32 v4, v5  }
0x46a: {  	v57 =	vld [tilespmem:s20+$0x30]  }
0x46b: {  	v58 =	vmul.f32 v52, v51;
	v2 =	vmul.f32 v2, v56;
	v3 =	vadd.f32 v3, v4;
	_ =	sdelay $0x1  }
0x46c: {  	v1 =	vmul.f32 v1, v58;
	v2 =	vadd.f32 v2, v3;
	v3 =	vmul.f32 v55, v54  }
0x46d: {  	v59 =	vor.u32 s14, v0  }
0x46e: {  	v1 =	vadd.f32 v1, v2;
	v2 =	vmul.f32 v57, v3;
	_ =	sdelay $0x1  }
0x46f: {  	v1 =	vadd.f32 v2, v1;
	_ =	sdelay $0x1  }
0x470: {  	[tilespmem:v59+s26+$0x0] =	vst.idx.msk $0xffff, v1  }
0x471: {  	v1 =	vld [tilespmem:$0x19800]  }
0x472: {  	v2 =	vld [tilespmem:$0x19810];
	_ =	sdelay $0x1  }
0x473: {  	v3 =	vld [tilespmem:$0x19820];
	_ =	sdelay $0x1  }
0x474: {  	v4 =	vld [tilespmem:$0x19830]  }
0x475: {  	v1 =	vadd.f32 v2, v1  }
0x476: {  	v2 =	vld [tilespmem:$0x19840]  }
0x477: {  	v1 =	vadd.f32 v3, v1  }
0x478: {  	v3 =	vld [tilespmem:$0x19850]  }
0x479: {  	v1 =	vadd.f32 v4, v1  }
0x47a: {  	v60 =	vld [tilespmem:$0x19860]  }
0x47b: {  	v1 =	vadd.f32 v2, v1  }
0x47c: {  	v2 =	vld [tilespmem:$0x19870]  }
0x47d: {  	v1 =	vadd.f32 v3, v1  }
0x47e: {  	v3 =	vld [tilespmem:$0x19880]  }
0x47f: {  	v1 =	vadd.f32 v60, v1  }
0x480: {  	v61 =	vld [tilespmem:$0x19890]  }
0x481: {  	v1 =	vadd.f32 v2, v1  }
0x482: {  	v2 =	vld [tilespmem:$0x198A0]  }
0x483: {  	v1 =	vadd.f32 v3, v1  }
0x484: {  	v3 =	vld [tilespmem:$0x198B0]  }
0x485: {  	v1 =	vadd.f32 v61, v1  }
0x486: {  	v62 =	vld [tilespmem:$0x198C0]  }
0x487: {  	v1 =	vadd.f32 v2, v1  }
0x488: {  	v2 =	vld [tilespmem:$0x198D0]  }
0x489: {  	v1 =	vadd.f32 v3, v1  }
0x48a: {  	v3 =	vld [tilespmem:$0x198E0]  }
0x48b: {  	v1 =	vadd.f32 v62, v1  }
0x48c: {  	v63 =	vld [tilespmem:$0x198F0]  }
0x48d: {  	s21 =	sshll.u32 s28, $0x4;
	s28 =	sadd.s32 $0x1, s28;
	v1 =	vadd.f32 v2, v1  }
0x48e: {  	p0 =	sne.s32 s28, $0x8  }
.Ltmp19:
0x48f: {  	v1 =	vadd.f32 v3, v1;
	(pc) =	sbr.rel @p0 .LBB2_38-.Ltmp19, $4  }
0x490: {  	_ = 	snop  }
0x491: {  	v1 =	vadd.f32 v63, v1  }
0x492: {  	s5 =	sand.u32 $0x3FFFFFF0, s21  }
0x493: {  	s29 =	sadd.s32 $0x800, s29;
	s30 =	sadd.s32 $0x800, s30;
	s13 =	sadd.s32 $0x800, s13;
	[tilespmem:s5+$0x19D80] =	vst v1  }
0x494: {  	s5 =	simm.s32 $0x580  }
0x495: {  	[tilespmem:s22], [sflag:$0x3] =	stream.indirect.gather [hbm4b:s1+s16], $0x80, s5, s16, $0xb8;
	[tilespmem:$0x1A100] =	vst v63  }
0x496: {  	s20 =	simm.s32 $0xD80  }
0x497: {  	[tilespmem:s23], [sflag:$0x3] =	stream.indirect.gather [hbm4b:s2+s16], $0x80, s20, s16, $0xb8;
	[tilespmem:$0x1A100] =	vst v63  }
0x498: {  	s21 =	simm.s32 $0x1580  }
0x499: {  	[tilespmem:s24], [sflag:$0x3] =	stream.indirect.gather [hbm4b:s1+s16], $0x80, s21, s16, $0xb8;
	[tilespmem:$0x1A100] =	vst v63  }
0x49a: {  	_ =	swait.ge [sflag:s25], $0x4000  }
0x49b: {  	[sflag:s25] =	ssyncset.done $0x0  }
0x49c: {  	[sflag:s25] =	ssyncadd.s32 $0xFFFFC000  }
0x49d: {  	_ =	swait.ge [sflag:s25], $0x4000  }
0x49e: {  	[sflag:s25] =	ssyncset.done $0x0  }
0x49f: {  	[sflag:s25] =	ssyncadd.s32 $0xFFFFC000  }
0x4a0: {  	_ =	swait.ge [sflag:s25], $0x4000  }
0x4a1: {  	s28 =	simm.s32 $0x0;
	s29 =	simm.s32 $0x1840;
	[sflag:s25] =	ssyncset.done $0x0  }
0x4a2: {  	s30 =	simm.s32 $0x5840;
	s13 =	simm.s32 $0x9840;
	[sflag:s25] =	ssyncadd.s32 $0xFFFFC000  }
.LBB2_42:
0x4a3: {  	v1 =	vld [tilespmem:s13+$0x20]  }
0x4a4: {  	v2 =	vld [tilespmem:s13+$0x10]  }
0x4a5: {  	v3 =	vld [tilespmem:s13+$0x0]  }
0x4a6: {  	v4 =	vld [tilespmem:s13+$0xFFFFFFF0]  }
0x4a7: {  	v5 =	vld [tilespmem:s13+$0xFFFFFFE0]  }
0x4a8: {  	v6 =	vld [tilespmem:s13+$0xFFFFFFC0]  }
0x4a9: {  	v7 =	vld [tilespmem:s29+$0xFFFFFFE0]  }
0x4aa: {  	v8 =	vld [tilespmem:s30+$0xFFFFFFC0]  }
0x4ab: {  	v9 =	vld [tilespmem:s29+$0xFFFFFFC0]  }
0x4ac: {  	v10 =	vld [tilespmem:s29+$0xFFFFFFD0];
	s6 =	simm.s32 $0x1;
	s21 =	smov.u32 s30  }
0x4ad: {  	v11 =	vld [tilespmem:s30+$0xFFFFFFD0];
	s20 =	smov.u32 s13;
	s5 =	smov.u32 s29;
	s14 =	simm.s32 $0x0  }
.LBB2_43:
0x4ae: {  	p0 =	sne.s32 s6, $0xF;
	v12 =	vld [tilespmem:s21+$0xFFFFFFE0]  }
0x4af: {  	v13 =	vld [tilespmem:s20+$0xFFFFFFD0]  }
0x4b0: {  	v14 =	vld [tilespmem:s5+$0xFFFFFFF0]  }
0x4b1: {  	v15 =	vld [tilespmem:s21+$0xFFFFFFF0]  }
0x4b2: {  	v8 =	vmul.f32 v8, v9;
	v9 =	vmul.f32 v11, v10;
	v10 =	vld [tilespmem:s5+$0x0]  }
0x4b3: {  	v7 =	vmul.f32 v12, v7;
	v11 =	vld [tilespmem:s21+$0x0]  }
0x4b4: {  	v6 =	vmul.f32 v6, v8;
	v8 =	vmul.f32 v13, v9;
	v9 =	vld [tilespmem:s5+$0x10]  }
0x4b5: {  	v12 =	vld [tilespmem:s21+$0x10]  }
0x4b6: {  	v5 =	vmul.f32 v5, v7;
	v6 =	vadd.f32 v8, v6;
	v7 =	vmul.f32 v15, v14;
	v8 =	vld [tilespmem:s5+$0x20]  }
0x4b7: {  	v13 =	vld [tilespmem:s21+$0x20]  }
0x4b8: {  	v5 =	vadd.f32 v5, v6;
	v4 =	vmul.f32 v4, v7;
	v6 =	vmul.f32 v11, v10;
	v7 =	vld [tilespmem:s5+$0x30]  }
0x4b9: {  	v10 =	vld [tilespmem:s21+$0x30]  }
0x4ba: {  	v4 =	vadd.f32 v4, v5;
	v3 =	vmul.f32 v3, v6;
	v5 =	vmul.f32 v12, v9  }
0x4bb: {  	v6 =	vld [tilespmem:s20+$0x30]  }
0x4bc: {  	v3 =	vadd.f32 v3, v4;
	v2 =	vmul.f32 v2, v5;
	v4 =	vmul.f32 v13, v8;
	_ =	sdelay $0x1  }
0x4bd: {  	v2 =	vadd.f32 v2, v3;
	v1 =	vmul.f32 v1, v4;
	v3 =	vmul.f32 v10, v7  }
0x4be: {  	v4 =	vor.u32 s14, v0;
	s14 =	smov.u32 s6  }
0x4bf: {  	v1 =	vadd.f32 v1, v2;
	v2 =	vmul.f32 v6, v3;
	_ =	sdelay $0x1  }
0x4c0: {  	v1 =	vadd.f32 v2, v1;
	_ =	sdelay $0x1  }
0x4c1: {  	s20 =	sadd.s32 $0x80, s20;
	[tilespmem:v4+s26+$0x0] =	vst.idx.msk $0xffff, v1  }
0x4c2: {  	v1 =	vld [tilespmem:s20+$0x20]  }
0x4c3: {  	v2 =	vld [tilespmem:s20+$0x10]  }
0x4c4: {  	v3 =	vld [tilespmem:s20+$0x0]  }
0x4c5: {  	v4 =	vld [tilespmem:s20+$0xFFFFFFF0]  }
0x4c6: {  	v5 =	vld [tilespmem:s20+$0xFFFFFFE0]  }
0x4c7: {  	s5 =	sadd.s32 $0x80, s5;
	v6 =	vld [tilespmem:s20+$0xFFFFFFC0]  }
.Ltmp20:
0x4c8: {  	s21 =	sadd.s32 $0x80, s21;
	v7 =	vld [tilespmem:s5+$0xFFFFFFE0];
	(pc) =	sbr.rel @p0 .LBB2_43-.Ltmp20, $4  }
0x4c9: {  	v8 =	vld [tilespmem:s21+$0xFFFFFFC0]  }
0x4ca: {  	v9 =	vld [tilespmem:s5+$0xFFFFFFC0]  }
0x4cb: {  	v10 =	vld [tilespmem:s5+$0xFFFFFFD0]  }
0x4cc: {  	s6 =	sadd.s32 $0x1, s6;
	v11 =	vld [tilespmem:s21+$0xFFFFFFD0]  }
0x4cd: {  	v12 =	vld [tilespmem:s21+$0xFFFFFFE0]  }
0x4ce: {  	v13 =	vld [tilespmem:s20+$0xFFFFFFD0]  }
0x4cf: {  	v14 =	vld [tilespmem:s5+$0xFFFFFFF0]  }
0x4d0: {  	v15 =	vld [tilespmem:s21+$0xFFFFFFF0];
	v8 =	vmul.f32 v8, v9  }
0x4d1: {  	v45 =	vld [tilespmem:s5+$0x0];
	v44 =	vmul.f32 v11, v10  }
0x4d2: {  	v46 =	vld [tilespmem:s21+$0x0];
	v6 =	vmul.f32 v6, v8  }
0x4d3: {  	v48 =	vld [tilespmem:s5+$0x10];
	v7 =	vmul.f32 v12, v7;
	v47 =	vmul.f32 v13, v44  }
0x4d4: {  	v49 =	vld [tilespmem:s21+$0x10]  }
0x4d5: {  	v51 =	vld [tilespmem:s5+$0x20];
	v50 =	vmul.f32 v15, v14;
	v5 =	vmul.f32 v5, v7;
	v6 =	vadd.f32 v47, v6  }
0x4d6: {  	v52 =	vld [tilespmem:s21+$0x20]  }
0x4d7: {  	v54 =	vld [tilespmem:s5+$0x30];
	v53 =	vmul.f32 v46, v45;
	v4 =	vmul.f32 v4, v50;
	v5 =	vadd.f32 v5, v6  }
0x4d8: {  	v55 =	vld [tilespmem:s21+$0x30]  }
0x4d9: {  	v56 =	vmul.f32 v49, v48;
	v3 =	vmul.f32 v3, v53;
	v4 =	vadd.f32 v4, v5  }
0x4da: {  	v57 =	vld [tilespmem:s20+$0x30]  }
0x4db: {  	v58 =	vmul.f32 v52, v51;
	v2 =	vmul.f32 v2, v56;
	v3 =	vadd.f32 v3, v4;
	_ =	sdelay $0x1  }
0x4dc: {  	v1 =	vmul.f32 v1, v58;
	v2 =	vadd.f32 v2, v3;
	v3 =	vmul.f32 v55, v54  }
0x4dd: {  	v59 =	vor.u32 s14, v0  }
0x4de: {  	v1 =	vadd.f32 v1, v2;
	v2 =	vmul.f32 v57, v3;
	_ =	sdelay $0x1  }
0x4df: {  	v1 =	vadd.f32 v2, v1;
	_ =	sdelay $0x1  }
0x4e0: {  	[tilespmem:v59+s26+$0x0] =	vst.idx.msk $0xffff, v1  }
0x4e1: {  	v1 =	vld [tilespmem:$0x19800]  }
0x4e2: {  	v2 =	vld [tilespmem:$0x19810];
	_ =	sdelay $0x1  }
0x4e3: {  	v3 =	vld [tilespmem:$0x19820];
	_ =	sdelay $0x1  }
0x4e4: {  	v4 =	vld [tilespmem:$0x19830]  }
0x4e5: {  	v1 =	vadd.f32 v2, v1  }
0x4e6: {  	v2 =	vld [tilespmem:$0x19840]  }
0x4e7: {  	v1 =	vadd.f32 v3, v1  }
0x4e8: {  	v3 =	vld [tilespmem:$0x19850]  }
0x4e9: {  	v1 =	vadd.f32 v4, v1  }
0x4ea: {  	v60 =	vld [tilespmem:$0x19860]  }
0x4eb: {  	v1 =	vadd.f32 v2, v1  }
0x4ec: {  	v2 =	vld [tilespmem:$0x19870]  }
0x4ed: {  	v1 =	vadd.f32 v3, v1  }
0x4ee: {  	v3 =	vld [tilespmem:$0x19880]  }
0x4ef: {  	v1 =	vadd.f32 v60, v1  }
0x4f0: {  	v61 =	vld [tilespmem:$0x19890]  }
0x4f1: {  	v1 =	vadd.f32 v2, v1  }
0x4f2: {  	v2 =	vld [tilespmem:$0x198A0]  }
0x4f3: {  	v1 =	vadd.f32 v3, v1  }
0x4f4: {  	v3 =	vld [tilespmem:$0x198B0]  }
0x4f5: {  	v1 =	vadd.f32 v61, v1  }
0x4f6: {  	v62 =	vld [tilespmem:$0x198C0]  }
0x4f7: {  	v1 =	vadd.f32 v2, v1  }
0x4f8: {  	v2 =	vld [tilespmem:$0x198D0]  }
0x4f9: {  	v1 =	vadd.f32 v3, v1  }
0x4fa: {  	v3 =	vld [tilespmem:$0x198E0]  }
0x4fb: {  	v1 =	vadd.f32 v62, v1  }
0x4fc: {  	v63 =	vld [tilespmem:$0x198F0]  }
0x4fd: {  	s21 =	sshll.u32 s28, $0x4;
	s28 =	sadd.s32 $0x1, s28;
	v1 =	vadd.f32 v2, v1  }
0x4fe: {  	p0 =	sne.s32 s28, $0x8  }
.Ltmp21:
0x4ff: {  	v1 =	vadd.f32 v3, v1;
	(pc) =	sbr.rel @p0 .LBB2_42-.Ltmp21, $4  }
0x500: {  	_ = 	snop  }
0x501: {  	v1 =	vadd.f32 v63, v1  }
0x502: {  	s5 =	sand.u32 $0x3FFFFFF0, s21  }
0x503: {  	s29 =	sadd.s32 $0x800, s29;
	s30 =	sadd.s32 $0x800, s30;
	s13 =	sadd.s32 $0x800, s13;
	[tilespmem:s5+$0x19E00] =	vst v1  }
0x504: {  	s5 =	simm.s32 $0x600  }
0x505: {  	[tilespmem:s17], [sflag:$0x2] =	stream.indirect.gather [hbm4b:s1+s16], $0x80, s5, s16, $0xb8;
	[tilespmem:$0x1A100] =	vst v63  }
0x506: {  	s20 =	simm.s32 $0xE00  }
0x507: {  	[tilespmem:s18], [sflag:$0x2] =	stream.indirect.gather [hbm4b:s2+s16], $0x80, s20, s16, $0xb8;
	[tilespmem:$0x1A100] =	vst v63  }
0x508: {  	s21 =	simm.s32 $0x1600  }
0x509: {  	[tilespmem:s19], [sflag:$0x2] =	stream.indirect.gather [hbm4b:s1+s16], $0x80, s21, s16, $0xb8;
	[tilespmem:$0x1A100] =	vst v63  }
0x50a: {  	_ =	swait.ge [sflag:s31], $0x4000  }
0x50b: {  	[sflag:s31] =	ssyncset.done $0x0  }
0x50c: {  	[sflag:s31] =	ssyncadd.s32 $0xFFFFC000  }
0x50d: {  	_ =	swait.ge [sflag:s31], $0x4000  }
0x50e: {  	[sflag:s31] =	ssyncset.done $0x0  }
0x50f: {  	[sflag:s31] =	ssyncadd.s32 $0xFFFFC000  }
0x510: {  	_ =	swait.ge [sflag:s31], $0x4000  }
0x511: {  	s28 =	simm.s32 $0x0;
	s29 =	simm.s32 $0xD840;
	[sflag:s31] =	ssyncset.done $0x0  }
0x512: {  	s30 =	simm.s32 $0x11840;
	s13 =	simm.s32 $0x15840;
	[sflag:s31] =	ssyncadd.s32 $0xFFFFC000  }
.LBB2_46:
0x513: {  	v1 =	vld [tilespmem:s13+$0x20]  }
0x514: {  	v2 =	vld [tilespmem:s13+$0x10]  }
0x515: {  	v3 =	vld [tilespmem:s13+$0x0]  }
0x516: {  	v4 =	vld [tilespmem:s13+$0xFFFFFFF0]  }
0x517: {  	v5 =	vld [tilespmem:s13+$0xFFFFFFE0]  }
0x518: {  	v6 =	vld [tilespmem:s13+$0xFFFFFFC0]  }
0x519: {  	v7 =	vld [tilespmem:s29+$0xFFFFFFE0]  }
0x51a: {  	v8 =	vld [tilespmem:s30+$0xFFFFFFC0]  }
0x51b: {  	v9 =	vld [tilespmem:s29+$0xFFFFFFC0]  }
0x51c: {  	v10 =	vld [tilespmem:s29+$0xFFFFFFD0];
	s6 =	simm.s32 $0x1;
	s21 =	smov.u32 s30  }
0x51d: {  	v11 =	vld [tilespmem:s30+$0xFFFFFFD0];
	s20 =	smov.u32 s13;
	s5 =	smov.u32 s29;
	s14 =	simm.s32 $0x0  }
.LBB2_47:
0x51e: {  	p0 =	sne.s32 s6, $0xF;
	v12 =	vld [tilespmem:s21+$0xFFFFFFE0]  }
0x51f: {  	v13 =	vld [tilespmem:s20+$0xFFFFFFD0]  }
0x520: {  	v14 =	vld [tilespmem:s5+$0xFFFFFFF0]  }
0x521: {  	v15 =	vld [tilespmem:s21+$0xFFFFFFF0]  }
0x522: {  	v8 =	vmul.f32 v8, v9;
	v9 =	vmul.f32 v11, v10;
	v10 =	vld [tilespmem:s5+$0x0]  }
0x523: {  	v7 =	vmul.f32 v12, v7;
	v11 =	vld [tilespmem:s21+$0x0]  }
0x524: {  	v6 =	vmul.f32 v6, v8;
	v8 =	vmul.f32 v13, v9;
	v9 =	vld [tilespmem:s5+$0x10]  }
0x525: {  	v12 =	vld [tilespmem:s21+$0x10]  }
0x526: {  	v5 =	vmul.f32 v5, v7;
	v6 =	vadd.f32 v8, v6;
	v7 =	vmul.f32 v15, v14;
	v8 =	vld [tilespmem:s5+$0x20]  }
0x527: {  	v13 =	vld [tilespmem:s21+$0x20]  }
0x528: {  	v5 =	vadd.f32 v5, v6;
	v4 =	vmul.f32 v4, v7;
	v6 =	vmul.f32 v11, v10;
	v7 =	vld [tilespmem:s5+$0x30]  }
0x529: {  	v10 =	vld [tilespmem:s21+$0x30]  }
0x52a: {  	v4 =	vadd.f32 v4, v5;
	v3 =	vmul.f32 v3, v6;
	v5 =	vmul.f32 v12, v9  }
0x52b: {  	v6 =	vld [tilespmem:s20+$0x30]  }
0x52c: {  	v3 =	vadd.f32 v3, v4;
	v2 =	vmul.f32 v2, v5;
	v4 =	vmul.f32 v13, v8;
	_ =	sdelay $0x1  }
0x52d: {  	v2 =	vadd.f32 v2, v3;
	v1 =	vmul.f32 v1, v4;
	v3 =	vmul.f32 v10, v7  }
0x52e: {  	v4 =	vor.u32 s14, v0;
	s14 =	smov.u32 s6  }
0x52f: {  	v1 =	vadd.f32 v1, v2;
	v2 =	vmul.f32 v6, v3;
	_ =	sdelay $0x1  }
0x530: {  	v1 =	vadd.f32 v2, v1;
	_ =	sdelay $0x1  }
0x531: {  	s20 =	sadd.s32 $0x80, s20;
	[tilespmem:v4+s26+$0x0] =	vst.idx.msk $0xffff, v1  }
0x532: {  	v1 =	vld [tilespmem:s20+$0x20]  }
0x533: {  	v2 =	vld [tilespmem:s20+$0x10]  }
0x534: {  	v3 =	vld [tilespmem:s20+$0x0]  }
0x535: {  	v4 =	vld [tilespmem:s20+$0xFFFFFFF0]  }
0x536: {  	v5 =	vld [tilespmem:s20+$0xFFFFFFE0]  }
0x537: {  	s5 =	sadd.s32 $0x80, s5;
	v6 =	vld [tilespmem:s20+$0xFFFFFFC0]  }
.Ltmp22:
0x538: {  	s21 =	sadd.s32 $0x80, s21;
	v7 =	vld [tilespmem:s5+$0xFFFFFFE0];
	(pc) =	sbr.rel @p0 .LBB2_47-.Ltmp22, $4  }
0x539: {  	v8 =	vld [tilespmem:s21+$0xFFFFFFC0]  }
0x53a: {  	v9 =	vld [tilespmem:s5+$0xFFFFFFC0]  }
0x53b: {  	v10 =	vld [tilespmem:s5+$0xFFFFFFD0]  }
0x53c: {  	s6 =	sadd.s32 $0x1, s6;
	v11 =	vld [tilespmem:s21+$0xFFFFFFD0]  }
0x53d: {  	v12 =	vld [tilespmem:s21+$0xFFFFFFE0]  }
0x53e: {  	v13 =	vld [tilespmem:s20+$0xFFFFFFD0]  }
0x53f: {  	v14 =	vld [tilespmem:s5+$0xFFFFFFF0]  }
0x540: {  	v15 =	vld [tilespmem:s21+$0xFFFFFFF0];
	v8 =	vmul.f32 v8, v9  }
0x541: {  	v45 =	vld [tilespmem:s5+$0x0];
	v44 =	vmul.f32 v11, v10  }
0x542: {  	v46 =	vld [tilespmem:s21+$0x0];
	v6 =	vmul.f32 v6, v8  }
0x543: {  	v48 =	vld [tilespmem:s5+$0x10];
	v7 =	vmul.f32 v12, v7;
	v47 =	vmul.f32 v13, v44  }
0x544: {  	v49 =	vld [tilespmem:s21+$0x10]  }
0x545: {  	v51 =	vld [tilespmem:s5+$0x20];
	v50 =	vmul.f32 v15, v14;
	v5 =	vmul.f32 v5, v7;
	v6 =	vadd.f32 v47, v6  }
0x546: {  	v52 =	vld [tilespmem:s21+$0x20]  }
0x547: {  	v54 =	vld [tilespmem:s5+$0x30];
	v53 =	vmul.f32 v46, v45;
	v4 =	vmul.f32 v4, v50;
	v5 =	vadd.f32 v5, v6  }
0x548: {  	v55 =	vld [tilespmem:s21+$0x30]  }
0x549: {  	v56 =	vmul.f32 v49, v48;
	v3 =	vmul.f32 v3, v53;
	v4 =	vadd.f32 v4, v5  }
0x54a: {  	v57 =	vld [tilespmem:s20+$0x30]  }
0x54b: {  	v58 =	vmul.f32 v52, v51;
	v2 =	vmul.f32 v2, v56;
	v3 =	vadd.f32 v3, v4;
	_ =	sdelay $0x1  }
0x54c: {  	v1 =	vmul.f32 v1, v58;
	v2 =	vadd.f32 v2, v3;
	v3 =	vmul.f32 v55, v54  }
0x54d: {  	v59 =	vor.u32 s14, v0  }
0x54e: {  	v1 =	vadd.f32 v1, v2;
	v2 =	vmul.f32 v57, v3;
	_ =	sdelay $0x1  }
0x54f: {  	v1 =	vadd.f32 v2, v1;
	_ =	sdelay $0x1  }
0x550: {  	[tilespmem:v59+s26+$0x0] =	vst.idx.msk $0xffff, v1  }
0x551: {  	v1 =	vld [tilespmem:$0x19800]  }
0x552: {  	v2 =	vld [tilespmem:$0x19810];
	_ =	sdelay $0x1  }
0x553: {  	v3 =	vld [tilespmem:$0x19820];
	_ =	sdelay $0x1  }
0x554: {  	v4 =	vld [tilespmem:$0x19830]  }
0x555: {  	v1 =	vadd.f32 v2, v1  }
0x556: {  	v2 =	vld [tilespmem:$0x19840]  }
0x557: {  	v1 =	vadd.f32 v3, v1  }
0x558: {  	v3 =	vld [tilespmem:$0x19850]  }
0x559: {  	v1 =	vadd.f32 v4, v1  }
0x55a: {  	v60 =	vld [tilespmem:$0x19860]  }
0x55b: {  	v1 =	vadd.f32 v2, v1  }
0x55c: {  	v2 =	vld [tilespmem:$0x19870]  }
0x55d: {  	v1 =	vadd.f32 v3, v1  }
0x55e: {  	v3 =	vld [tilespmem:$0x19880]  }
0x55f: {  	v1 =	vadd.f32 v60, v1  }
0x560: {  	v61 =	vld [tilespmem:$0x19890]  }
0x561: {  	v1 =	vadd.f32 v2, v1  }
0x562: {  	v2 =	vld [tilespmem:$0x198A0]  }
0x563: {  	v1 =	vadd.f32 v3, v1  }
0x564: {  	v3 =	vld [tilespmem:$0x198B0]  }
0x565: {  	v1 =	vadd.f32 v61, v1  }
0x566: {  	v62 =	vld [tilespmem:$0x198C0]  }
0x567: {  	v1 =	vadd.f32 v2, v1  }
0x568: {  	v2 =	vld [tilespmem:$0x198D0]  }
0x569: {  	v1 =	vadd.f32 v3, v1  }
0x56a: {  	v3 =	vld [tilespmem:$0x198E0]  }
0x56b: {  	v1 =	vadd.f32 v62, v1  }
0x56c: {  	v63 =	vld [tilespmem:$0x198F0]  }
0x56d: {  	s21 =	sshll.u32 s28, $0x4;
	s28 =	sadd.s32 $0x1, s28;
	v1 =	vadd.f32 v2, v1  }
0x56e: {  	p0 =	sne.s32 s28, $0x8  }
.Ltmp23:
0x56f: {  	v1 =	vadd.f32 v3, v1;
	(pc) =	sbr.rel @p0 .LBB2_46-.Ltmp23, $4  }
0x570: {  	_ = 	snop  }
0x571: {  	v1 =	vadd.f32 v63, v1  }
0x572: {  	s5 =	sand.u32 $0x3FFFFFF0, s21  }
0x573: {  	s29 =	sadd.s32 $0x800, s29;
	s30 =	sadd.s32 $0x800, s30;
	s13 =	sadd.s32 $0x800, s13;
	[tilespmem:s5+$0x19E80] =	vst v1  }
0x574: {  	s5 =	simm.s32 $0x680  }
0x575: {  	[tilespmem:s22], [sflag:$0x3] =	stream.indirect.gather [hbm4b:s1+s16], $0x80, s5, s16, $0xb8;
	[tilespmem:$0x1A100] =	vst v63  }
0x576: {  	s20 =	simm.s32 $0xE80  }
0x577: {  	[tilespmem:s23], [sflag:$0x3] =	stream.indirect.gather [hbm4b:s2+s16], $0x80, s20, s16, $0xb8;
	[tilespmem:$0x1A100] =	vst v63  }
0x578: {  	s21 =	simm.s32 $0x1680  }
0x579: {  	[tilespmem:s24], [sflag:$0x3] =	stream.indirect.gather [hbm4b:s1+s16], $0x80, s21, s16, $0xb8;
	[tilespmem:$0x1A100] =	vst v63  }
0x57a: {  	_ =	swait.ge [sflag:s25], $0x4000  }
0x57b: {  	[sflag:s25] =	ssyncset.done $0x0  }
0x57c: {  	[sflag:s25] =	ssyncadd.s32 $0xFFFFC000  }
0x57d: {  	_ =	swait.ge [sflag:s25], $0x4000  }
0x57e: {  	[sflag:s25] =	ssyncset.done $0x0  }
0x57f: {  	[sflag:s25] =	ssyncadd.s32 $0xFFFFC000  }
0x580: {  	_ =	swait.ge [sflag:s25], $0x4000  }
0x581: {  	s28 =	simm.s32 $0x0;
	s29 =	simm.s32 $0x1840;
	[sflag:s25] =	ssyncset.done $0x0  }
0x582: {  	s30 =	simm.s32 $0x5840;
	s13 =	simm.s32 $0x9840;
	[sflag:s25] =	ssyncadd.s32 $0xFFFFC000  }
.LBB2_50:
0x583: {  	v1 =	vld [tilespmem:s13+$0x20]  }
0x584: {  	v2 =	vld [tilespmem:s13+$0x10]  }
0x585: {  	v3 =	vld [tilespmem:s13+$0x0]  }
0x586: {  	v4 =	vld [tilespmem:s13+$0xFFFFFFF0]  }
0x587: {  	v5 =	vld [tilespmem:s13+$0xFFFFFFE0]  }
0x588: {  	v6 =	vld [tilespmem:s13+$0xFFFFFFC0]  }
0x589: {  	v7 =	vld [tilespmem:s29+$0xFFFFFFE0]  }
0x58a: {  	v8 =	vld [tilespmem:s30+$0xFFFFFFC0]  }
0x58b: {  	v9 =	vld [tilespmem:s29+$0xFFFFFFC0]  }
0x58c: {  	v10 =	vld [tilespmem:s29+$0xFFFFFFD0];
	s6 =	simm.s32 $0x1;
	s21 =	smov.u32 s30  }
0x58d: {  	v11 =	vld [tilespmem:s30+$0xFFFFFFD0];
	s20 =	smov.u32 s13;
	s5 =	smov.u32 s29;
	s14 =	simm.s32 $0x0  }
.LBB2_51:
0x58e: {  	p0 =	sne.s32 s6, $0xF;
	v12 =	vld [tilespmem:s21+$0xFFFFFFE0]  }
0x58f: {  	v13 =	vld [tilespmem:s20+$0xFFFFFFD0]  }
0x590: {  	v14 =	vld [tilespmem:s5+$0xFFFFFFF0]  }
0x591: {  	v15 =	vld [tilespmem:s21+$0xFFFFFFF0]  }
0x592: {  	v8 =	vmul.f32 v8, v9;
	v9 =	vmul.f32 v11, v10;
	v10 =	vld [tilespmem:s5+$0x0]  }
0x593: {  	v7 =	vmul.f32 v12, v7;
	v11 =	vld [tilespmem:s21+$0x0]  }
0x594: {  	v6 =	vmul.f32 v6, v8;
	v8 =	vmul.f32 v13, v9;
	v9 =	vld [tilespmem:s5+$0x10]  }
0x595: {  	v12 =	vld [tilespmem:s21+$0x10]  }
0x596: {  	v5 =	vmul.f32 v5, v7;
	v6 =	vadd.f32 v8, v6;
	v7 =	vmul.f32 v15, v14;
	v8 =	vld [tilespmem:s5+$0x20]  }
0x597: {  	v13 =	vld [tilespmem:s21+$0x20]  }
0x598: {  	v5 =	vadd.f32 v5, v6;
	v4 =	vmul.f32 v4, v7;
	v6 =	vmul.f32 v11, v10;
	v7 =	vld [tilespmem:s5+$0x30]  }
0x599: {  	v10 =	vld [tilespmem:s21+$0x30]  }
0x59a: {  	v4 =	vadd.f32 v4, v5;
	v3 =	vmul.f32 v3, v6;
	v5 =	vmul.f32 v12, v9  }
0x59b: {  	v6 =	vld [tilespmem:s20+$0x30]  }
0x59c: {  	v3 =	vadd.f32 v3, v4;
	v2 =	vmul.f32 v2, v5;
	v4 =	vmul.f32 v13, v8;
	_ =	sdelay $0x1  }
0x59d: {  	v2 =	vadd.f32 v2, v3;
	v1 =	vmul.f32 v1, v4;
	v3 =	vmul.f32 v10, v7  }
0x59e: {  	v4 =	vor.u32 s14, v0;
	s14 =	smov.u32 s6  }
0x59f: {  	v1 =	vadd.f32 v1, v2;
	v2 =	vmul.f32 v6, v3;
	_ =	sdelay $0x1  }
0x5a0: {  	v1 =	vadd.f32 v2, v1;
	_ =	sdelay $0x1  }
0x5a1: {  	s20 =	sadd.s32 $0x80, s20;
	[tilespmem:v4+s26+$0x0] =	vst.idx.msk $0xffff, v1  }
0x5a2: {  	v1 =	vld [tilespmem:s20+$0x20]  }
0x5a3: {  	v2 =	vld [tilespmem:s20+$0x10]  }
0x5a4: {  	v3 =	vld [tilespmem:s20+$0x0]  }
0x5a5: {  	v4 =	vld [tilespmem:s20+$0xFFFFFFF0]  }
0x5a6: {  	v5 =	vld [tilespmem:s20+$0xFFFFFFE0]  }
0x5a7: {  	s5 =	sadd.s32 $0x80, s5;
	v6 =	vld [tilespmem:s20+$0xFFFFFFC0]  }
.Ltmp24:
0x5a8: {  	s21 =	sadd.s32 $0x80, s21;
	v7 =	vld [tilespmem:s5+$0xFFFFFFE0];
	(pc) =	sbr.rel @p0 .LBB2_51-.Ltmp24, $4  }
0x5a9: {  	v8 =	vld [tilespmem:s21+$0xFFFFFFC0]  }
0x5aa: {  	v9 =	vld [tilespmem:s5+$0xFFFFFFC0]  }
0x5ab: {  	v10 =	vld [tilespmem:s5+$0xFFFFFFD0]  }
0x5ac: {  	s6 =	sadd.s32 $0x1, s6;
	v11 =	vld [tilespmem:s21+$0xFFFFFFD0]  }
0x5ad: {  	v12 =	vld [tilespmem:s21+$0xFFFFFFE0]  }
0x5ae: {  	v13 =	vld [tilespmem:s20+$0xFFFFFFD0]  }
0x5af: {  	v14 =	vld [tilespmem:s5+$0xFFFFFFF0]  }
0x5b0: {  	v15 =	vld [tilespmem:s21+$0xFFFFFFF0];
	v8 =	vmul.f32 v8, v9  }
0x5b1: {  	v45 =	vld [tilespmem:s5+$0x0];
	v44 =	vmul.f32 v11, v10  }
0x5b2: {  	v46 =	vld [tilespmem:s21+$0x0];
	v6 =	vmul.f32 v6, v8  }
0x5b3: {  	v48 =	vld [tilespmem:s5+$0x10];
	v7 =	vmul.f32 v12, v7;
	v47 =	vmul.f32 v13, v44  }
0x5b4: {  	v49 =	vld [tilespmem:s21+$0x10]  }
0x5b5: {  	v51 =	vld [tilespmem:s5+$0x20];
	v50 =	vmul.f32 v15, v14;
	v5 =	vmul.f32 v5, v7;
	v6 =	vadd.f32 v47, v6  }
0x5b6: {  	v52 =	vld [tilespmem:s21+$0x20]  }
0x5b7: {  	v54 =	vld [tilespmem:s5+$0x30];
	v53 =	vmul.f32 v46, v45;
	v4 =	vmul.f32 v4, v50;
	v5 =	vadd.f32 v5, v6  }
0x5b8: {  	v55 =	vld [tilespmem:s21+$0x30]  }
0x5b9: {  	v56 =	vmul.f32 v49, v48;
	v3 =	vmul.f32 v3, v53;
	v4 =	vadd.f32 v4, v5  }
0x5ba: {  	v57 =	vld [tilespmem:s20+$0x30]  }
0x5bb: {  	v58 =	vmul.f32 v52, v51;
	v2 =	vmul.f32 v2, v56;
	v3 =	vadd.f32 v3, v4;
	_ =	sdelay $0x1  }
0x5bc: {  	v1 =	vmul.f32 v1, v58;
	v2 =	vadd.f32 v2, v3;
	v3 =	vmul.f32 v55, v54  }
0x5bd: {  	v59 =	vor.u32 s14, v0  }
0x5be: {  	v1 =	vadd.f32 v1, v2;
	v2 =	vmul.f32 v57, v3;
	_ =	sdelay $0x1  }
0x5bf: {  	v1 =	vadd.f32 v2, v1;
	_ =	sdelay $0x1  }
0x5c0: {  	[tilespmem:v59+s26+$0x0] =	vst.idx.msk $0xffff, v1  }
0x5c1: {  	v1 =	vld [tilespmem:$0x19800]  }
0x5c2: {  	v2 =	vld [tilespmem:$0x19810];
	_ =	sdelay $0x1  }
0x5c3: {  	v3 =	vld [tilespmem:$0x19820];
	_ =	sdelay $0x1  }
0x5c4: {  	v4 =	vld [tilespmem:$0x19830]  }
0x5c5: {  	v1 =	vadd.f32 v2, v1  }
0x5c6: {  	v2 =	vld [tilespmem:$0x19840]  }
0x5c7: {  	v1 =	vadd.f32 v3, v1  }
0x5c8: {  	v3 =	vld [tilespmem:$0x19850]  }
0x5c9: {  	v1 =	vadd.f32 v4, v1  }
0x5ca: {  	v60 =	vld [tilespmem:$0x19860]  }
0x5cb: {  	v1 =	vadd.f32 v2, v1  }
0x5cc: {  	v2 =	vld [tilespmem:$0x19870]  }
0x5cd: {  	v1 =	vadd.f32 v3, v1  }
0x5ce: {  	v3 =	vld [tilespmem:$0x19880]  }
0x5cf: {  	v1 =	vadd.f32 v60, v1  }
0x5d0: {  	v61 =	vld [tilespmem:$0x19890]  }
0x5d1: {  	v1 =	vadd.f32 v2, v1  }
0x5d2: {  	v2 =	vld [tilespmem:$0x198A0]  }
0x5d3: {  	v1 =	vadd.f32 v3, v1  }
0x5d4: {  	v3 =	vld [tilespmem:$0x198B0]  }
0x5d5: {  	v1 =	vadd.f32 v61, v1  }
0x5d6: {  	v62 =	vld [tilespmem:$0x198C0]  }
0x5d7: {  	v1 =	vadd.f32 v2, v1  }
0x5d8: {  	v2 =	vld [tilespmem:$0x198D0]  }
0x5d9: {  	v1 =	vadd.f32 v3, v1  }
0x5da: {  	v3 =	vld [tilespmem:$0x198E0]  }
0x5db: {  	v1 =	vadd.f32 v62, v1  }
0x5dc: {  	v63 =	vld [tilespmem:$0x198F0]  }
0x5dd: {  	s21 =	sshll.u32 s28, $0x4;
	s28 =	sadd.s32 $0x1, s28;
	v1 =	vadd.f32 v2, v1  }
0x5de: {  	p0 =	sne.s32 s28, $0x8  }
.Ltmp25:
0x5df: {  	v1 =	vadd.f32 v3, v1;
	(pc) =	sbr.rel @p0 .LBB2_50-.Ltmp25, $4  }
0x5e0: {  	_ = 	snop  }
0x5e1: {  	v1 =	vadd.f32 v63, v1  }
0x5e2: {  	s5 =	sand.u32 $0x3FFFFFF0, s21  }
0x5e3: {  	s29 =	sadd.s32 $0x800, s29;
	s30 =	sadd.s32 $0x800, s30;
	s13 =	sadd.s32 $0x800, s13;
	[tilespmem:s5+$0x19F00] =	vst v1  }
0x5e4: {  	s5 =	simm.s32 $0x700  }
0x5e5: {  	[tilespmem:s17], [sflag:$0x2] =	stream.indirect.gather [hbm4b:s1+s16], $0x80, s5, s16, $0xb8;
	[tilespmem:$0x1A100] =	vst v63  }
0x5e6: {  	s20 =	simm.s32 $0xF00  }
0x5e7: {  	[tilespmem:s18], [sflag:$0x2] =	stream.indirect.gather [hbm4b:s2+s16], $0x80, s20, s16, $0xb8;
	[tilespmem:$0x1A100] =	vst v63  }
0x5e8: {  	s21 =	simm.s32 $0x1700  }
0x5e9: {  	[tilespmem:s19], [sflag:$0x2] =	stream.indirect.gather [hbm4b:s1+s16], $0x80, s21, s16, $0xb8;
	[tilespmem:$0x1A100] =	vst v63  }
0x5ea: {  	_ =	swait.ge [sflag:s31], $0x4000  }
0x5eb: {  	[sflag:s31] =	ssyncset.done $0x0  }
0x5ec: {  	[sflag:s31] =	ssyncadd.s32 $0xFFFFC000  }
0x5ed: {  	_ =	swait.ge [sflag:s31], $0x4000  }
0x5ee: {  	[sflag:s31] =	ssyncset.done $0x0  }
0x5ef: {  	[sflag:s31] =	ssyncadd.s32 $0xFFFFC000  }
0x5f0: {  	_ =	swait.ge [sflag:s31], $0x4000  }
0x5f1: {  	s28 =	simm.s32 $0x0;
	s29 =	simm.s32 $0xD840;
	[sflag:s31] =	ssyncset.done $0x0  }
0x5f2: {  	s30 =	simm.s32 $0x11840;
	s13 =	simm.s32 $0x15840;
	[sflag:s31] =	ssyncadd.s32 $0xFFFFC000  }
.LBB2_54:
0x5f3: {  	v1 =	vld [tilespmem:s13+$0x20]  }
0x5f4: {  	v2 =	vld [tilespmem:s13+$0x10]  }
0x5f5: {  	v3 =	vld [tilespmem:s13+$0x0]  }
0x5f6: {  	v4 =	vld [tilespmem:s13+$0xFFFFFFF0]  }
0x5f7: {  	v5 =	vld [tilespmem:s13+$0xFFFFFFE0]  }
0x5f8: {  	v6 =	vld [tilespmem:s13+$0xFFFFFFC0]  }
0x5f9: {  	v7 =	vld [tilespmem:s29+$0xFFFFFFE0]  }
0x5fa: {  	v8 =	vld [tilespmem:s30+$0xFFFFFFC0]  }
0x5fb: {  	v9 =	vld [tilespmem:s29+$0xFFFFFFC0]  }
0x5fc: {  	v10 =	vld [tilespmem:s29+$0xFFFFFFD0];
	s6 =	simm.s32 $0x1;
	s21 =	smov.u32 s30  }
0x5fd: {  	v11 =	vld [tilespmem:s30+$0xFFFFFFD0];
	s20 =	smov.u32 s13;
	s5 =	smov.u32 s29;
	s14 =	simm.s32 $0x0  }
.LBB2_55:
0x5fe: {  	p0 =	sne.s32 s6, $0xF;
	v12 =	vld [tilespmem:s21+$0xFFFFFFE0]  }
0x5ff: {  	v13 =	vld [tilespmem:s20+$0xFFFFFFD0]  }
0x600: {  	v14 =	vld [tilespmem:s5+$0xFFFFFFF0]  }
0x601: {  	v15 =	vld [tilespmem:s21+$0xFFFFFFF0]  }
0x602: {  	v8 =	vmul.f32 v8, v9;
	v9 =	vmul.f32 v11, v10;
	v10 =	vld [tilespmem:s5+$0x0]  }
0x603: {  	v7 =	vmul.f32 v12, v7;
	v11 =	vld [tilespmem:s21+$0x0]  }
0x604: {  	v6 =	vmul.f32 v6, v8;
	v8 =	vmul.f32 v13, v9;
	v9 =	vld [tilespmem:s5+$0x10]  }
0x605: {  	v12 =	vld [tilespmem:s21+$0x10]  }
0x606: {  	v5 =	vmul.f32 v5, v7;
	v6 =	vadd.f32 v8, v6;
	v7 =	vmul.f32 v15, v14;
	v8 =	vld [tilespmem:s5+$0x20]  }
0x607: {  	v13 =	vld [tilespmem:s21+$0x20]  }
0x608: {  	v5 =	vadd.f32 v5, v6;
	v4 =	vmul.f32 v4, v7;
	v6 =	vmul.f32 v11, v10;
	v7 =	vld [tilespmem:s5+$0x30]  }
0x609: {  	v10 =	vld [tilespmem:s21+$0x30]  }
0x60a: {  	v4 =	vadd.f32 v4, v5;
	v3 =	vmul.f32 v3, v6;
	v5 =	vmul.f32 v12, v9  }
0x60b: {  	v6 =	vld [tilespmem:s20+$0x30]  }
0x60c: {  	v3 =	vadd.f32 v3, v4;
	v2 =	vmul.f32 v2, v5;
	v4 =	vmul.f32 v13, v8;
	_ =	sdelay $0x1  }
0x60d: {  	v2 =	vadd.f32 v2, v3;
	v1 =	vmul.f32 v1, v4;
	v3 =	vmul.f32 v10, v7  }
0x60e: {  	v4 =	vor.u32 s14, v0;
	s14 =	smov.u32 s6  }
0x60f: {  	v1 =	vadd.f32 v1, v2;
	v2 =	vmul.f32 v6, v3;
	_ =	sdelay $0x1  }
0x610: {  	v1 =	vadd.f32 v2, v1;
	_ =	sdelay $0x1  }
0x611: {  	s20 =	sadd.s32 $0x80, s20;
	[tilespmem:v4+s26+$0x0] =	vst.idx.msk $0xffff, v1  }
0x612: {  	v1 =	vld [tilespmem:s20+$0x20]  }
0x613: {  	v2 =	vld [tilespmem:s20+$0x10]  }
0x614: {  	v3 =	vld [tilespmem:s20+$0x0]  }
0x615: {  	v4 =	vld [tilespmem:s20+$0xFFFFFFF0]  }
0x616: {  	v5 =	vld [tilespmem:s20+$0xFFFFFFE0]  }
0x617: {  	s5 =	sadd.s32 $0x80, s5;
	v6 =	vld [tilespmem:s20+$0xFFFFFFC0]  }
.Ltmp26:
0x618: {  	s21 =	sadd.s32 $0x80, s21;
	v7 =	vld [tilespmem:s5+$0xFFFFFFE0];
	(pc) =	sbr.rel @p0 .LBB2_55-.Ltmp26, $4  }
0x619: {  	v8 =	vld [tilespmem:s21+$0xFFFFFFC0]  }
0x61a: {  	v9 =	vld [tilespmem:s5+$0xFFFFFFC0]  }
0x61b: {  	v10 =	vld [tilespmem:s5+$0xFFFFFFD0]  }
0x61c: {  	s6 =	sadd.s32 $0x1, s6;
	v11 =	vld [tilespmem:s21+$0xFFFFFFD0]  }
0x61d: {  	v12 =	vld [tilespmem:s21+$0xFFFFFFE0]  }
0x61e: {  	v13 =	vld [tilespmem:s20+$0xFFFFFFD0]  }
0x61f: {  	v14 =	vld [tilespmem:s5+$0xFFFFFFF0]  }
0x620: {  	v15 =	vld [tilespmem:s21+$0xFFFFFFF0];
	v8 =	vmul.f32 v8, v9  }
0x621: {  	v45 =	vld [tilespmem:s5+$0x0];
	v44 =	vmul.f32 v11, v10  }
0x622: {  	v46 =	vld [tilespmem:s21+$0x0];
	v6 =	vmul.f32 v6, v8  }
0x623: {  	v48 =	vld [tilespmem:s5+$0x10];
	v7 =	vmul.f32 v12, v7;
	v47 =	vmul.f32 v13, v44  }
0x624: {  	v49 =	vld [tilespmem:s21+$0x10]  }
0x625: {  	v51 =	vld [tilespmem:s5+$0x20];
	v50 =	vmul.f32 v15, v14;
	v5 =	vmul.f32 v5, v7;
	v6 =	vadd.f32 v47, v6  }
0x626: {  	v52 =	vld [tilespmem:s21+$0x20]  }
0x627: {  	v54 =	vld [tilespmem:s5+$0x30];
	v53 =	vmul.f32 v46, v45;
	v4 =	vmul.f32 v4, v50;
	v5 =	vadd.f32 v5, v6  }
0x628: {  	v55 =	vld [tilespmem:s21+$0x30]  }
0x629: {  	v56 =	vmul.f32 v49, v48;
	v3 =	vmul.f32 v3, v53;
	v4 =	vadd.f32 v4, v5  }
0x62a: {  	v57 =	vld [tilespmem:s20+$0x30]  }
0x62b: {  	v58 =	vmul.f32 v52, v51;
	v2 =	vmul.f32 v2, v56;
	v3 =	vadd.f32 v3, v4;
	_ =	sdelay $0x1  }
0x62c: {  	v1 =	vmul.f32 v1, v58;
	v2 =	vadd.f32 v2, v3;
	v3 =	vmul.f32 v55, v54  }
0x62d: {  	v59 =	vor.u32 s14, v0  }
0x62e: {  	v1 =	vadd.f32 v1, v2;
	v2 =	vmul.f32 v57, v3;
	_ =	sdelay $0x1  }
0x62f: {  	v1 =	vadd.f32 v2, v1;
	_ =	sdelay $0x1  }
0x630: {  	[tilespmem:v59+s26+$0x0] =	vst.idx.msk $0xffff, v1  }
0x631: {  	v1 =	vld [tilespmem:$0x19800]  }
0x632: {  	v2 =	vld [tilespmem:$0x19810];
	_ =	sdelay $0x1  }
0x633: {  	v3 =	vld [tilespmem:$0x19820];
	_ =	sdelay $0x1  }
0x634: {  	v4 =	vld [tilespmem:$0x19830]  }
0x635: {  	v1 =	vadd.f32 v2, v1  }
0x636: {  	v2 =	vld [tilespmem:$0x19840]  }
0x637: {  	v1 =	vadd.f32 v3, v1  }
0x638: {  	v3 =	vld [tilespmem:$0x19850]  }
0x639: {  	v1 =	vadd.f32 v4, v1  }
0x63a: {  	v60 =	vld [tilespmem:$0x19860]  }
0x63b: {  	v1 =	vadd.f32 v2, v1  }
0x63c: {  	v2 =	vld [tilespmem:$0x19870]  }
0x63d: {  	v1 =	vadd.f32 v3, v1  }
0x63e: {  	v3 =	vld [tilespmem:$0x19880]  }
0x63f: {  	v1 =	vadd.f32 v60, v1  }
0x640: {  	v61 =	vld [tilespmem:$0x19890]  }
0x641: {  	v1 =	vadd.f32 v2, v1  }
0x642: {  	v2 =	vld [tilespmem:$0x198A0]  }
0x643: {  	v1 =	vadd.f32 v3, v1  }
0x644: {  	v3 =	vld [tilespmem:$0x198B0]  }
0x645: {  	v1 =	vadd.f32 v61, v1  }
0x646: {  	v62 =	vld [tilespmem:$0x198C0]  }
0x647: {  	v1 =	vadd.f32 v2, v1  }
0x648: {  	v2 =	vld [tilespmem:$0x198D0]  }
0x649: {  	v1 =	vadd.f32 v3, v1  }
0x64a: {  	v3 =	vld [tilespmem:$0x198E0]  }
0x64b: {  	v1 =	vadd.f32 v62, v1  }
0x64c: {  	v63 =	vld [tilespmem:$0x198F0]  }
0x64d: {  	s21 =	sshll.u32 s28, $0x4;
	s28 =	sadd.s32 $0x1, s28;
	v1 =	vadd.f32 v2, v1  }
0x64e: {  	p0 =	sne.s32 s28, $0x8  }
.Ltmp27:
0x64f: {  	v1 =	vadd.f32 v3, v1;
	(pc) =	sbr.rel @p0 .LBB2_54-.Ltmp27, $4  }
0x650: {  	_ = 	snop  }
0x651: {  	v1 =	vadd.f32 v63, v1  }
0x652: {  	s5 =	sand.u32 $0x3FFFFFF0, s21  }
0x653: {  	s29 =	sadd.s32 $0x800, s29;
	s30 =	sadd.s32 $0x800, s30;
	s13 =	sadd.s32 $0x800, s13;
	[tilespmem:s5+$0x19F80] =	vst v1  }
0x654: {  	s5 =	simm.s32 $0x780  }
0x655: {  	[tilespmem:s22], [sflag:$0x3] =	stream.indirect.gather [hbm4b:s1+s16], $0x80, s5, s16, $0xb8;
	[tilespmem:$0x1A100] =	vst v63  }
0x656: {  	s20 =	simm.s32 $0xF80  }
0x657: {  	[tilespmem:s23], [sflag:$0x3] =	stream.indirect.gather [hbm4b:s2+s16], $0x80, s20, s16, $0xb8;
	[tilespmem:$0x1A100] =	vst v63  }
0x658: {  	s21 =	simm.s32 $0x1780  }
0x659: {  	[tilespmem:s24], [sflag:$0x3] =	stream.indirect.gather [hbm4b:s1+s16], $0x80, s21, s16, $0xb8;
	[tilespmem:$0x1A100] =	vst v63  }
0x65a: {  	_ =	swait.ge [sflag:s25], $0x4000  }
0x65b: {  	[sflag:s25] =	ssyncset.done $0x0  }
0x65c: {  	[sflag:s25] =	ssyncadd.s32 $0xFFFFC000  }
0x65d: {  	_ =	swait.ge [sflag:s25], $0x4000  }
0x65e: {  	[sflag:s25] =	ssyncset.done $0x0  }
0x65f: {  	[sflag:s25] =	ssyncadd.s32 $0xFFFFC000  }
0x660: {  	_ =	swait.ge [sflag:s25], $0x4000  }
0x661: {  	s28 =	simm.s32 $0x0;
	s29 =	simm.s32 $0x1840;
	[sflag:s25] =	ssyncset.done $0x0  }
0x662: {  	s30 =	simm.s32 $0x5840;
	s13 =	simm.s32 $0x9840;
	[sflag:s25] =	ssyncadd.s32 $0xFFFFC000  }
.LBB2_58:
0x663: {  	v1 =	vld [tilespmem:s13+$0x20]  }
0x664: {  	v2 =	vld [tilespmem:s13+$0x10]  }
0x665: {  	v3 =	vld [tilespmem:s13+$0x0]  }
0x666: {  	v4 =	vld [tilespmem:s13+$0xFFFFFFF0]  }
0x667: {  	v5 =	vld [tilespmem:s13+$0xFFFFFFE0]  }
0x668: {  	v6 =	vld [tilespmem:s13+$0xFFFFFFC0]  }
0x669: {  	v7 =	vld [tilespmem:s29+$0xFFFFFFE0]  }
0x66a: {  	v8 =	vld [tilespmem:s30+$0xFFFFFFC0]  }
0x66b: {  	v9 =	vld [tilespmem:s29+$0xFFFFFFC0]  }
0x66c: {  	v10 =	vld [tilespmem:s29+$0xFFFFFFD0];
	s6 =	simm.s32 $0x1;
	s21 =	smov.u32 s30  }
0x66d: {  	v11 =	vld [tilespmem:s30+$0xFFFFFFD0];
	s20 =	smov.u32 s13;
	s5 =	smov.u32 s29;
	s14 =	simm.s32 $0x0  }
.LBB2_59:
0x66e: {  	p0 =	sne.s32 s6, $0xF;
	v12 =	vld [tilespmem:s21+$0xFFFFFFE0]  }
0x66f: {  	v13 =	vld [tilespmem:s20+$0xFFFFFFD0]  }
0x670: {  	v14 =	vld [tilespmem:s5+$0xFFFFFFF0]  }
0x671: {  	v15 =	vld [tilespmem:s21+$0xFFFFFFF0]  }
0x672: {  	v8 =	vmul.f32 v8, v9;
	v9 =	vmul.f32 v11, v10;
	v10 =	vld [tilespmem:s5+$0x0]  }
0x673: {  	v7 =	vmul.f32 v12, v7;
	v11 =	vld [tilespmem:s21+$0x0]  }
0x674: {  	v6 =	vmul.f32 v6, v8;
	v8 =	vmul.f32 v13, v9;
	v9 =	vld [tilespmem:s5+$0x10]  }
0x675: {  	v12 =	vld [tilespmem:s21+$0x10]  }
0x676: {  	v5 =	vmul.f32 v5, v7;
	v6 =	vadd.f32 v8, v6;
	v7 =	vmul.f32 v15, v14;
	v8 =	vld [tilespmem:s5+$0x20]  }
0x677: {  	v13 =	vld [tilespmem:s21+$0x20]  }
0x678: {  	v5 =	vadd.f32 v5, v6;
	v4 =	vmul.f32 v4, v7;
	v6 =	vmul.f32 v11, v10;
	v7 =	vld [tilespmem:s5+$0x30]  }
0x679: {  	v10 =	vld [tilespmem:s21+$0x30]  }
0x67a: {  	v4 =	vadd.f32 v4, v5;
	v3 =	vmul.f32 v3, v6;
	v5 =	vmul.f32 v12, v9  }
0x67b: {  	v6 =	vld [tilespmem:s20+$0x30]  }
0x67c: {  	v3 =	vadd.f32 v3, v4;
	v2 =	vmul.f32 v2, v5;
	v4 =	vmul.f32 v13, v8;
	_ =	sdelay $0x1  }
0x67d: {  	v2 =	vadd.f32 v2, v3;
	v1 =	vmul.f32 v1, v4;
	v3 =	vmul.f32 v10, v7  }
0x67e: {  	v4 =	vor.u32 s14, v0;
	s14 =	smov.u32 s6  }
0x67f: {  	v1 =	vadd.f32 v1, v2;
	v2 =	vmul.f32 v6, v3;
	_ =	sdelay $0x1  }
0x680: {  	v1 =	vadd.f32 v2, v1;
	_ =	sdelay $0x1  }
0x681: {  	s20 =	sadd.s32 $0x80, s20;
	[tilespmem:v4+s26+$0x0] =	vst.idx.msk $0xffff, v1  }
0x682: {  	v1 =	vld [tilespmem:s20+$0x20]  }
0x683: {  	v2 =	vld [tilespmem:s20+$0x10]  }
0x684: {  	v3 =	vld [tilespmem:s20+$0x0]  }
0x685: {  	v4 =	vld [tilespmem:s20+$0xFFFFFFF0]  }
0x686: {  	v5 =	vld [tilespmem:s20+$0xFFFFFFE0]  }
0x687: {  	s5 =	sadd.s32 $0x80, s5;
	v6 =	vld [tilespmem:s20+$0xFFFFFFC0]  }
.Ltmp28:
0x688: {  	s21 =	sadd.s32 $0x80, s21;
	v7 =	vld [tilespmem:s5+$0xFFFFFFE0];
	(pc) =	sbr.rel @p0 .LBB2_59-.Ltmp28, $4  }
0x689: {  	v8 =	vld [tilespmem:s21+$0xFFFFFFC0]  }
0x68a: {  	v9 =	vld [tilespmem:s5+$0xFFFFFFC0]  }
0x68b: {  	v10 =	vld [tilespmem:s5+$0xFFFFFFD0]  }
0x68c: {  	s6 =	sadd.s32 $0x1, s6;
	v11 =	vld [tilespmem:s21+$0xFFFFFFD0]  }
0x68d: {  	v12 =	vld [tilespmem:s21+$0xFFFFFFE0]  }
0x68e: {  	v13 =	vld [tilespmem:s20+$0xFFFFFFD0]  }
0x68f: {  	v14 =	vld [tilespmem:s5+$0xFFFFFFF0]  }
0x690: {  	v15 =	vld [tilespmem:s21+$0xFFFFFFF0];
	v8 =	vmul.f32 v8, v9  }
0x691: {  	v45 =	vld [tilespmem:s5+$0x0];
	v44 =	vmul.f32 v11, v10  }
0x692: {  	v46 =	vld [tilespmem:s21+$0x0];
	v6 =	vmul.f32 v6, v8  }
0x693: {  	v48 =	vld [tilespmem:s5+$0x10];
	v7 =	vmul.f32 v12, v7;
	v47 =	vmul.f32 v13, v44  }
0x694: {  	v49 =	vld [tilespmem:s21+$0x10]  }
0x695: {  	v51 =	vld [tilespmem:s5+$0x20];
	v50 =	vmul.f32 v15, v14;
	v5 =	vmul.f32 v5, v7;
	v6 =	vadd.f32 v47, v6  }
0x696: {  	v52 =	vld [tilespmem:s21+$0x20]  }
0x697: {  	v54 =	vld [tilespmem:s5+$0x30];
	v53 =	vmul.f32 v46, v45;
	v4 =	vmul.f32 v4, v50;
	v5 =	vadd.f32 v5, v6  }
0x698: {  	v55 =	vld [tilespmem:s21+$0x30]  }
0x699: {  	v56 =	vmul.f32 v49, v48;
	v3 =	vmul.f32 v3, v53;
	v4 =	vadd.f32 v4, v5  }
0x69a: {  	v57 =	vld [tilespmem:s20+$0x30]  }
0x69b: {  	v58 =	vmul.f32 v52, v51;
	v2 =	vmul.f32 v2, v56;
	v3 =	vadd.f32 v3, v4;
	_ =	sdelay $0x1  }
0x69c: {  	v1 =	vmul.f32 v1, v58;
	v2 =	vadd.f32 v2, v3;
	v3 =	vmul.f32 v55, v54  }
0x69d: {  	v59 =	vor.u32 s14, v0  }
0x69e: {  	v1 =	vadd.f32 v1, v2;
	v2 =	vmul.f32 v57, v3;
	_ =	sdelay $0x1  }
0x69f: {  	v1 =	vadd.f32 v2, v1;
	_ =	sdelay $0x1  }
0x6a0: {  	[tilespmem:v59+s26+$0x0] =	vst.idx.msk $0xffff, v1  }
0x6a1: {  	v1 =	vld [tilespmem:$0x19800]  }
0x6a2: {  	v2 =	vld [tilespmem:$0x19810];
	_ =	sdelay $0x1  }
0x6a3: {  	v3 =	vld [tilespmem:$0x19820];
	_ =	sdelay $0x1  }
0x6a4: {  	v4 =	vld [tilespmem:$0x19830]  }
0x6a5: {  	v1 =	vadd.f32 v2, v1  }
0x6a6: {  	v2 =	vld [tilespmem:$0x19840]  }
0x6a7: {  	v1 =	vadd.f32 v3, v1  }
0x6a8: {  	v3 =	vld [tilespmem:$0x19850]  }
0x6a9: {  	v1 =	vadd.f32 v4, v1  }
0x6aa: {  	v60 =	vld [tilespmem:$0x19860]  }
0x6ab: {  	v1 =	vadd.f32 v2, v1  }
0x6ac: {  	v2 =	vld [tilespmem:$0x19870]  }
0x6ad: {  	v1 =	vadd.f32 v3, v1  }
0x6ae: {  	v3 =	vld [tilespmem:$0x19880]  }
0x6af: {  	v1 =	vadd.f32 v60, v1  }
0x6b0: {  	v61 =	vld [tilespmem:$0x19890]  }
0x6b1: {  	v1 =	vadd.f32 v2, v1  }
0x6b2: {  	v2 =	vld [tilespmem:$0x198A0]  }
0x6b3: {  	v1 =	vadd.f32 v3, v1  }
0x6b4: {  	v3 =	vld [tilespmem:$0x198B0]  }
0x6b5: {  	v1 =	vadd.f32 v61, v1  }
0x6b6: {  	v62 =	vld [tilespmem:$0x198C0]  }
0x6b7: {  	v1 =	vadd.f32 v2, v1  }
0x6b8: {  	v2 =	vld [tilespmem:$0x198D0]  }
0x6b9: {  	v1 =	vadd.f32 v3, v1  }
0x6ba: {  	v3 =	vld [tilespmem:$0x198E0]  }
0x6bb: {  	v1 =	vadd.f32 v62, v1  }
0x6bc: {  	v63 =	vld [tilespmem:$0x198F0]  }
0x6bd: {  	s21 =	sshll.u32 s28, $0x4;
	s28 =	sadd.s32 $0x1, s28;
	v1 =	vadd.f32 v2, v1  }
0x6be: {  	p0 =	sne.s32 s28, $0x8  }
.Ltmp29:
0x6bf: {  	v1 =	vadd.f32 v3, v1;
	(pc) =	sbr.rel @p0 .LBB2_58-.Ltmp29, $4  }
0x6c0: {  	_ = 	snop  }
0x6c1: {  	v1 =	vadd.f32 v63, v1  }
0x6c2: {  	s5 =	sand.u32 $0x3FFFFFF0, s21  }
0x6c3: {  	s29 =	sadd.s32 $0x800, s29;
	s30 =	sadd.s32 $0x800, s30;
	s13 =	sadd.s32 $0x800, s13;
	[tilespmem:s5+$0x1A000] =	vst v1  }
0x6c4: {  	_ =	swait.ge [sflag:s31], $0x4000  }
0x6c5: {  	[sflag:s31] =	ssyncset.done $0x0  }
0x6c6: {  	[sflag:s31] =	ssyncadd.s32 $0xFFFFC000  }
0x6c7: {  	_ =	swait.ge [sflag:s31], $0x4000  }
0x6c8: {  	[sflag:s31] =	ssyncset.done $0x0  }
0x6c9: {  	[sflag:s31] =	ssyncadd.s32 $0xFFFFC000  }
0x6ca: {  	_ =	swait.ge [sflag:s31], $0x4000  }
0x6cb: {  	s28 =	simm.s32 $0x0;
	s29 =	simm.s32 $0xD840;
	[sflag:s31] =	ssyncset.done $0x0  }
0x6cc: {  	s30 =	simm.s32 $0x11840;
	s13 =	simm.s32 $0x15840;
	[sflag:s31] =	ssyncadd.s32 $0xFFFFC000  }
.LBB2_62:
0x6cd: {  	v1 =	vld [tilespmem:s13+$0x20]  }
0x6ce: {  	v2 =	vld [tilespmem:s13+$0x10]  }
0x6cf: {  	v3 =	vld [tilespmem:s13+$0x0]  }
0x6d0: {  	v4 =	vld [tilespmem:s13+$0xFFFFFFF0]  }
0x6d1: {  	v5 =	vld [tilespmem:s13+$0xFFFFFFE0]  }
0x6d2: {  	v6 =	vld [tilespmem:s13+$0xFFFFFFC0]  }
0x6d3: {  	v7 =	vld [tilespmem:s29+$0xFFFFFFE0]  }
0x6d4: {  	v8 =	vld [tilespmem:s30+$0xFFFFFFC0]  }
0x6d5: {  	v9 =	vld [tilespmem:s29+$0xFFFFFFC0]  }
0x6d6: {  	v10 =	vld [tilespmem:s29+$0xFFFFFFD0];
	s6 =	simm.s32 $0x1;
	s21 =	smov.u32 s30  }
0x6d7: {  	v11 =	vld [tilespmem:s30+$0xFFFFFFD0];
	s20 =	smov.u32 s13;
	s5 =	smov.u32 s29;
	s14 =	simm.s32 $0x0  }
.LBB2_63:
0x6d8: {  	p0 =	sne.s32 s6, $0xF;
	v12 =	vld [tilespmem:s21+$0xFFFFFFE0]  }
0x6d9: {  	v13 =	vld [tilespmem:s20+$0xFFFFFFD0]  }
0x6da: {  	v14 =	vld [tilespmem:s5+$0xFFFFFFF0]  }
0x6db: {  	v15 =	vld [tilespmem:s21+$0xFFFFFFF0]  }
0x6dc: {  	v8 =	vmul.f32 v8, v9;
	v9 =	vmul.f32 v11, v10;
	v10 =	vld [tilespmem:s5+$0x0]  }
0x6dd: {  	v7 =	vmul.f32 v12, v7;
	v11 =	vld [tilespmem:s21+$0x0]  }
0x6de: {  	v6 =	vmul.f32 v6, v8;
	v8 =	vmul.f32 v13, v9;
	v9 =	vld [tilespmem:s5+$0x10]  }
0x6df: {  	v12 =	vld [tilespmem:s21+$0x10]  }
0x6e0: {  	v5 =	vmul.f32 v5, v7;
	v6 =	vadd.f32 v8, v6;
	v7 =	vmul.f32 v15, v14;
	v8 =	vld [tilespmem:s5+$0x20]  }
0x6e1: {  	v13 =	vld [tilespmem:s21+$0x20]  }
0x6e2: {  	v5 =	vadd.f32 v5, v6;
	v4 =	vmul.f32 v4, v7;
	v6 =	vmul.f32 v11, v10;
	v7 =	vld [tilespmem:s5+$0x30]  }
0x6e3: {  	v10 =	vld [tilespmem:s21+$0x30]  }
0x6e4: {  	v4 =	vadd.f32 v4, v5;
	v3 =	vmul.f32 v3, v6;
	v5 =	vmul.f32 v12, v9  }
0x6e5: {  	v6 =	vld [tilespmem:s20+$0x30]  }
0x6e6: {  	v3 =	vadd.f32 v3, v4;
	v2 =	vmul.f32 v2, v5;
	v4 =	vmul.f32 v13, v8;
	_ =	sdelay $0x1  }
0x6e7: {  	v2 =	vadd.f32 v2, v3;
	v1 =	vmul.f32 v1, v4;
	v3 =	vmul.f32 v10, v7  }
0x6e8: {  	v4 =	vor.u32 s14, v0;
	s14 =	smov.u32 s6  }
0x6e9: {  	v1 =	vadd.f32 v1, v2;
	v2 =	vmul.f32 v6, v3;
	_ =	sdelay $0x1  }
0x6ea: {  	v1 =	vadd.f32 v2, v1;
	_ =	sdelay $0x1  }
0x6eb: {  	s20 =	sadd.s32 $0x80, s20;
	[tilespmem:v4+s26+$0x0] =	vst.idx.msk $0xffff, v1  }
0x6ec: {  	v1 =	vld [tilespmem:s20+$0x20]  }
0x6ed: {  	v2 =	vld [tilespmem:s20+$0x10]  }
0x6ee: {  	v3 =	vld [tilespmem:s20+$0x0]  }
0x6ef: {  	v4 =	vld [tilespmem:s20+$0xFFFFFFF0]  }
0x6f0: {  	v5 =	vld [tilespmem:s20+$0xFFFFFFE0]  }
0x6f1: {  	s5 =	sadd.s32 $0x80, s5;
	v6 =	vld [tilespmem:s20+$0xFFFFFFC0]  }
.Ltmp30:
0x6f2: {  	s21 =	sadd.s32 $0x80, s21;
	v7 =	vld [tilespmem:s5+$0xFFFFFFE0];
	(pc) =	sbr.rel @p0 .LBB2_63-.Ltmp30, $4  }
0x6f3: {  	v8 =	vld [tilespmem:s21+$0xFFFFFFC0]  }
0x6f4: {  	v9 =	vld [tilespmem:s5+$0xFFFFFFC0]  }
0x6f5: {  	v10 =	vld [tilespmem:s5+$0xFFFFFFD0]  }
0x6f6: {  	s6 =	sadd.s32 $0x1, s6;
	v11 =	vld [tilespmem:s21+$0xFFFFFFD0]  }
0x6f7: {  	v12 =	vld [tilespmem:s21+$0xFFFFFFE0]  }
0x6f8: {  	v13 =	vld [tilespmem:s20+$0xFFFFFFD0]  }
0x6f9: {  	v14 =	vld [tilespmem:s5+$0xFFFFFFF0]  }
0x6fa: {  	v15 =	vld [tilespmem:s21+$0xFFFFFFF0];
	v8 =	vmul.f32 v8, v9  }
0x6fb: {  	v45 =	vld [tilespmem:s5+$0x0];
	v44 =	vmul.f32 v11, v10  }
0x6fc: {  	v46 =	vld [tilespmem:s21+$0x0];
	v6 =	vmul.f32 v6, v8  }
0x6fd: {  	v48 =	vld [tilespmem:s5+$0x10];
	v7 =	vmul.f32 v12, v7;
	v47 =	vmul.f32 v13, v44  }
0x6fe: {  	v49 =	vld [tilespmem:s21+$0x10]  }
0x6ff: {  	v51 =	vld [tilespmem:s5+$0x20];
	v50 =	vmul.f32 v15, v14;
	v5 =	vmul.f32 v5, v7;
	v6 =	vadd.f32 v47, v6  }
0x700: {  	v52 =	vld [tilespmem:s21+$0x20]  }
0x701: {  	v54 =	vld [tilespmem:s5+$0x30];
	v53 =	vmul.f32 v46, v45;
	v4 =	vmul.f32 v4, v50;
	v5 =	vadd.f32 v5, v6  }
0x702: {  	v55 =	vld [tilespmem:s21+$0x30]  }
0x703: {  	v56 =	vmul.f32 v49, v48;
	v3 =	vmul.f32 v3, v53;
	v4 =	vadd.f32 v4, v5  }
0x704: {  	v57 =	vld [tilespmem:s20+$0x30]  }
0x705: {  	v58 =	vmul.f32 v52, v51;
	v2 =	vmul.f32 v2, v56;
	v3 =	vadd.f32 v3, v4;
	_ =	sdelay $0x1  }
0x706: {  	v1 =	vmul.f32 v1, v58;
	v2 =	vadd.f32 v2, v3;
	v3 =	vmul.f32 v55, v54  }
0x707: {  	v59 =	vor.u32 s14, v0  }
0x708: {  	v1 =	vadd.f32 v1, v2;
	v2 =	vmul.f32 v57, v3;
	_ =	sdelay $0x1  }
0x709: {  	v1 =	vadd.f32 v2, v1;
	_ =	sdelay $0x1  }
0x70a: {  	[tilespmem:v59+s26+$0x0] =	vst.idx.msk $0xffff, v1  }
0x70b: {  	v1 =	vld [tilespmem:$0x19800]  }
0x70c: {  	v2 =	vld [tilespmem:$0x19810];
	_ =	sdelay $0x1  }
0x70d: {  	v3 =	vld [tilespmem:$0x19820];
	_ =	sdelay $0x1  }
0x70e: {  	v4 =	vld [tilespmem:$0x19830]  }
0x70f: {  	v1 =	vadd.f32 v2, v1  }
0x710: {  	v2 =	vld [tilespmem:$0x19840]  }
0x711: {  	v1 =	vadd.f32 v3, v1  }
0x712: {  	v3 =	vld [tilespmem:$0x19850]  }
0x713: {  	v1 =	vadd.f32 v4, v1  }
0x714: {  	v60 =	vld [tilespmem:$0x19860]  }
0x715: {  	v1 =	vadd.f32 v2, v1  }
0x716: {  	v2 =	vld [tilespmem:$0x19870]  }
0x717: {  	v1 =	vadd.f32 v3, v1  }
0x718: {  	v3 =	vld [tilespmem:$0x19880]  }
0x719: {  	v1 =	vadd.f32 v60, v1  }
0x71a: {  	v61 =	vld [tilespmem:$0x19890]  }
0x71b: {  	v1 =	vadd.f32 v2, v1  }
0x71c: {  	v2 =	vld [tilespmem:$0x198A0]  }
0x71d: {  	v1 =	vadd.f32 v3, v1  }
0x71e: {  	v3 =	vld [tilespmem:$0x198B0]  }
0x71f: {  	v1 =	vadd.f32 v61, v1  }
0x720: {  	v62 =	vld [tilespmem:$0x198C0]  }
0x721: {  	v1 =	vadd.f32 v2, v1  }
0x722: {  	v2 =	vld [tilespmem:$0x198D0]  }
0x723: {  	v1 =	vadd.f32 v3, v1  }
0x724: {  	v3 =	vld [tilespmem:$0x198E0]  }
0x725: {  	v1 =	vadd.f32 v62, v1  }
0x726: {  	v63 =	vld [tilespmem:$0x198F0]  }
0x727: {  	s21 =	sshll.u32 s28, $0x4;
	s28 =	sadd.s32 $0x1, s28;
	v1 =	vadd.f32 v2, v1  }
0x728: {  	p0 =	sne.s32 s28, $0x8  }
.Ltmp31:
0x729: {  	v1 =	vadd.f32 v3, v1;
	(pc) =	sbr.rel @p0 .LBB2_62-.Ltmp31, $4  }
0x72a: {  	_ = 	snop  }
0x72b: {  	v1 =	vadd.f32 v63, v1  }
0x72c: {  	s5 =	sand.u32 $0x3FFFFFF0, s21  }
0x72d: {  	s29 =	sadd.s32 $0x800, s29;
	s30 =	sadd.s32 $0x800, s30;
	s13 =	sadd.s32 $0x800, s13;
	[tilespmem:s5+$0x1A080] =	vst v1  }
0x72e: {  	s3 =	sadd.s32 $0x1, s3  }
0x72f: {  	p0 =	sne.s32 s3, s12  }
.Ltmp32:
0x730: {  	s5 =	simm.s32 $0x19900;
	(pc) =	sbr.rel @p0 .LBB2_1-.Ltmp32, $4  }
0x731: {  	[hbm4b:s11+s4] =	stream.linear.scatter [tilespmem:s5], [sflag:$0x4], $0x800, $0x38;
	[tilespmem:$0x1A100] =	vst v63  }
0x732: {  	_ =	swait.ge [sflag:s0], $0x800  }
0x733: {  	[sflag:s0] =	ssyncset.done $0x0  }
0x734: {  	[sflag:s0] =	ssyncadd.s32 $0xFFFFF800  }
0x735: {  	_ =	sfence.sel $0x180000  }
0x736: {  	[bflag:$0x0] =	sbarrier.arrive $0xFFFF  }
0x737: {  	_ =	strace $0x90000047  }
0x738: {  	s0 =	stileid.u32;
	[bflag:$0x2] =	sbarrier.arrive $0xFFFF  }
0x739: {  	p0 =	sne.s32 s0, $0x0;
	s0 =	rddreg [dreg:$0x4]  }
0x73a: {  	s0 =	sadd.s32 @!p0 $0x100000, s0  }
0x73b: {  	[sflag:s0] =	ssyncadd.tile.s32 @!p0 $0x1;
	_ =	shalt  }
.Lfunc_end2:
_tile_overlayer_lowered:
.L_overlay_start_2:
0x73c: {  	(tag) =	ssettag $0x2  }
0x73d: {  	s0 =	rddreg [dreg:$0x0];
	s2 =	stileid.u32  }
0x73e: {  	s1 =	rddreg [dreg:$0x1];
	p0 =	sne.s32 s2, $0x0  }
0x73f: {  	s3 =	rddreg [dreg:$0x2];
	[bflag:$0x3] =	sbarrier.arrive $0xFFFF;
	s2 =	simm.s32 @!p0 $0x1C04  }
0x740: {  	[timem:s3], [sflag:s2] =	dma.local @!p0 [hbm:s0], s1  }
0x741: {  	s0 =	simm.s32 @!p0 $0x4  }
0x742: {  	_ =	swait.ge @!p0 [sflag:s0], s1  }
0x743: {  	s1 =	ssub.s32 @!p0 $0x0, s1;
	[sflag:s0] =	ssyncset.done @!p0 $0x0  }
0x744: {  	[sflag:s0] =	ssyncadd.s32 @!p0 s1  }
0x745: {  	[bflag:$0x3] =	sbarrier.arrive $0xFFFF  }
0x746: {  	_ =	shalt  }

</sc_bundles>
